<compile_context>
chip_gen: v7x
topology: tpu7x:2x2x1
jax: 0.10.2.dev20260603
libtpu: 0.0.44.dev20260713+nightly
codegen_flags: <defaults>
</compile_context>

<pallas_src>
import functools

import jax
import jax.numpy as jnp
from jax import lax
from jax.experimental import pallas as pl
from jax.experimental.pallas import tpu as pltpu
from jax.experimental.pallas import tpu_sc as plsc

N = 10000
E = 160000
D = 256
H = 128
NT = 16
CH = 128
NCHP = 80
PH = 16
ZPT = 624
REM = N - NT * ZPT

_mesh = plsc.VectorSubcoreMesh(core_axis_name="c", subcore_axis_name="s")


@functools.partial(
    pl.kernel,
    mesh=_mesh,
    out_type=jax.ShapeDtypeStruct((2 * N, H), jnp.float32),
    scratch_types=[
        pltpu.VMEM_SHARED((N, H), jnp.float32),
        pltpu.VMEM((PH, CH), jnp.int32),
        pltpu.VMEM((PH, CH), jnp.int32),
        pltpu.VMEM((PH, CH), jnp.float32),
        pltpu.VMEM((CH, H), jnp.float32),
        pltpu.VMEM((CH, H), jnp.float32),
        pltpu.SemaphoreType.DMA,
        pltpu.SemaphoreType.DMA,
        pltpu.SemaphoreType.DMA,
        pltpu.SemaphoreType.DMA,
    ],
)
def _sc_propagate(h_hbm, src_hbm, dst_hbm, w_hbm, o_stack,
                  acc, src_t, dst_t, w_t, gba, gbb,
                  sem_ga, sem_gb, sem_sa, sem_sb):
    c = lax.axis_index("c")
    s = lax.axis_index("s")
    half = c * N

    zv = jnp.zeros((16,), jnp.float32)

    def _zrow(j, carry):
        for k in range(H // 16):
            gba[j, pl.ds(k * 16, 16)] = zv
        return carry

    def _fire_gather(i, gbuf, sem):
        pltpu.async_copy(h_hbm.at[src_t.at[i]], gbuf, sem)

    def _wait_gather(gbuf, sem):
        pltpu.make_async_copy(h_hbm.at[pl.ds(0, CH)], gbuf, sem).wait()

    def _scale(i, gbuf):
        def _grp(q, inner):
            wvec = w_t[i, pl.ds(q * 16, 16)]

            def _one(j, inner2):
                wspl = wvec.at[jnp.full((16,), j, jnp.int32)].get(
                    mode="promise_in_bounds")
                r = q * 16 + j
                for k in range(H // 16):
                    sl = pl.ds(16 * k, 16)
                    gbuf[r, sl] = gbuf[r, sl] * wspl
                return inner2

            return lax.fori_loop(0, 16, _one, inner)

        lax.fori_loop(0, CH // 16, _grp, 0)

    def _fire_scatter(sbuf, dbuf, sem):
        pltpu.async_copy(sbuf, acc.at[dbuf], sem, add=True)

    def _wait_scatter(sbuf, sem):
        pltpu.make_async_copy(sbuf, acc.at[pl.ds(0, CH)], sem).wait()

    lax.fori_loop(0, CH, _zrow, 0)
    for q in range(ZPT // CH):
        pltpu.sync_copy(gba, acc.at[pl.ds(s * ZPT + q * CH, CH)])
    pltpu.sync_copy(gba.at[pl.ds(0, ZPT - (ZPT // CH) * CH)],
                    acc.at[pl.ds(s * ZPT + (ZPT // CH) * CH,
                                 ZPT - (ZPT // CH) * CH)])

    @pl.when(s == 0)
    def _():
        pltpu.sync_copy(gba.at[pl.ds(0, REM)], acc.at[pl.ds(NT * ZPT, REM)])

    plsc.subcore_barrier()

    hv = jnp.full((16,), half, jnp.int32)

    def _adj(j, carry):
        for q in range(CH // 16):
            sl = pl.ds(q * 16, 16)
            src_t[j, sl] = src_t[j, sl] + hv
        return carry

    def _pair(p, carry):
        i = 2 * p
        _wait_gather(gba, sem_ga)
        _scale(i, gba)
        _fire_scatter(gba, dst_t.at[i], sem_sa)
        _wait_gather(gbb, sem_gb)
        _scale(i + 1, gbb)
        _fire_scatter(gbb, dst_t.at[i + 1], sem_sb)
        _wait_scatter(gba, sem_sa)
        _fire_gather(jnp.minimum(i + 2, PH - 1), gba, sem_ga)
        _wait_scatter(gbb, sem_sb)
        _fire_gather(jnp.minimum(i + 3, PH - 1), gbb, sem_gb)
        return carry

    def _phase(ph, carry):
        pltpu.sync_copy(src_hbm.at[s, pl.ds(ph * PH, PH)], src_t)
        pltpu.sync_copy(dst_hbm.at[s, pl.ds(ph * PH, PH)], dst_t)
        pltpu.sync_copy(w_hbm.at[s, pl.ds(ph * PH, PH)], w_t)
        lax.fori_loop(0, PH, _adj, 0)
        _fire_gather(0, gba, sem_ga)
        _fire_gather(1, gbb, sem_gb)
        lax.fori_loop(0, PH // 2, _pair, 0)
        _wait_gather(gba, sem_ga)
        _wait_gather(gbb, sem_gb)
        return carry

    lax.fori_loop(0, NCHP // PH, _phase, 0)

    plsc.subcore_barrier()

    for q in range(ZPT // CH):
        pltpu.sync_copy(acc.at[pl.ds(s * ZPT + q * CH, CH)],
                        o_stack.at[pl.ds(half + s * ZPT + q * CH, CH)])
    pltpu.sync_copy(acc.at[pl.ds(s * ZPT + (ZPT // CH) * CH,
                                 ZPT - (ZPT // CH) * CH)],
                    o_stack.at[pl.ds(half + s * ZPT + (ZPT // CH) * CH,
                                     ZPT - (ZPT // CH) * CH)])

    @pl.when(s == 0)
    def _():
        pltpu.sync_copy(acc.at[pl.ds(NT * ZPT, REM)],
                        o_stack.at[pl.ds(half + NT * ZPT, REM)])


BR = 2000
G = N // BR

_f32 = jnp.float32
_sds = jax.ShapeDtypeStruct


def _mm_first_body(x_ref, w_ref, b_ref, o_ref):
    o_ref[...] = (jnp.dot(x_ref[...], w_ref[...], preferred_element_type=_f32)
                  + b_ref[...])


def _mm_mid_body(lo_ref, hi_ref, w_ref, b_ref, o_ref):
    x = jnp.maximum(jnp.concatenate([lo_ref[...], hi_ref[...]], axis=1), 0.0)
    o_ref[...] = jnp.dot(x, w_ref[...], preferred_element_type=_f32) + b_ref[...]


def _proj_body(lo_ref, hi_ref, p1_ref, bp1_ref, p2_ref, bp2_ref, z_ref, h_ref):
    hcat = jnp.concatenate([lo_ref[...], hi_ref[...]], axis=1)
    h_ref[...] = hcat
    t = jnp.maximum(
        jnp.dot(hcat, p1_ref[...], preferred_element_type=_f32) + bp1_ref[...],
        0.0)
    z_ref[...] = jnp.dot(t, p2_ref[...], preferred_element_type=_f32) + bp2_ref[...]


_x_spec = pl.BlockSpec((BR, D), lambda i, j: (i, 0))
_whalf_spec = pl.BlockSpec((D, H), lambda i, j: (0, j))
_bhalf_spec = pl.BlockSpec((1, H), lambda i, j: (0, j))
_stack_out_spec = pl.BlockSpec((BR, H), lambda i, j: (j * G + i, 0))
_lo_spec = pl.BlockSpec((BR, H), lambda i, j: (i, 0))
_hi_spec = pl.BlockSpec((BR, H), lambda i, j: (G + i, 0))
_stack_sds = _sds((2 * N, H), _f32)


def _mm_first(x, W, b):
    return pl.pallas_call(
        _mm_first_body, grid=(G, 2),
        in_specs=[_x_spec, _whalf_spec, _bhalf_spec],
        out_specs=_stack_out_spec,
        out_shape=_stack_sds,
    )(x, W, b.reshape(1, D))


def _mm_mid(g, W, b):
    return pl.pallas_call(
        _mm_mid_body, grid=(G, 2),
        in_specs=[_lo_spec, _hi_spec, _whalf_spec, _bhalf_spec],
        out_specs=_stack_out_spec,
        out_shape=_stack_sds,
    )(g, g, W, b.reshape(1, D))


def _proj(g, P1, bp1, P2, bp2):
    row_spec = pl.BlockSpec((BR, D), lambda i: (i, 0))
    lo = pl.BlockSpec((BR, H), lambda i: (i, 0))
    hi = pl.BlockSpec((BR, H), lambda i: (G + i, 0))
    w_spec = pl.BlockSpec((D, D), lambda i: (0, 0))
    b_spec = pl.BlockSpec((1, D), lambda i: (0, 0))
    return pl.pallas_call(
        _proj_body, grid=(G,),
        in_specs=[lo, hi, w_spec, b_spec, w_spec, b_spec],
        out_specs=[row_spec, row_spec],
        out_shape=[_sds((N, D), _f32), _sds((N, D), _f32)],
    )(g, g, P1, bp1.reshape(1, D), P2, bp2.reshape(1, D))


def kernel(x, edge_index, edge_weight, W1, b1, W2, b2, W3, b3, P1, bp1, P2, bp2):
    pad = (0, NT * NCHP * CH - E)
    src = jnp.pad(edge_index[0].astype(jnp.int32), pad).reshape(NT, NCHP, CH)
    dst = jnp.pad(edge_index[1].astype(jnp.int32), pad).reshape(NT, NCHP, CH)
    w = jnp.pad(edge_weight.astype(jnp.float32), pad).reshape(NT, NCHP, CH)

    h = _mm_first(x, W1, b1)
    g = _sc_propagate(h, src, dst, w)
    h = _mm_mid(g, W2, b2)
    g = _sc_propagate(h, src, dst, w)
    h = _mm_mid(g, W3, b3)
    g = _sc_propagate(h, src, dst, w)
    z, hout = _proj(g, P1, bp1, P2, bp2)
    return (z, hout)

# --- scband reference (transcript-rebuilt; emitter-appended) ---
"""Pipeline reference for scband-graph-encoder-2774548873593 (READ-ONLY COPY).

The authoritative reference and input builder live on the scoring server;
editing this copy changes nothing except your own understanding.
"""

import jax, jax.numpy as jnp
import numpy as np

N = 10000
E = 160000
D_IN = 256
D_HID = 256
D_EMB = 256
D_PROJ = 256


def setup_inputs(seed: int = 0) -> dict:
    key = jax.random.key(seed)
    ks = jax.random.split(key, 16)
    s_in = 1.0 / np.sqrt(D_IN)
    s_hid = 1.0 / np.sqrt(D_HID)
    s_emb = 1.0 / np.sqrt(D_EMB)
    s_proj = 1.0 / np.sqrt(D_PROJ)
    return {
        "x": jax.random.normal(ks[0], (N, D_IN), jnp.float32),
        "edge_index": jax.random.randint(ks[1], (2, E), 0, N),
        "edge_weight": jax.random.uniform(ks[2], (E,), jnp.float32),
        "W1": jax.random.normal(ks[3], (D_IN, D_HID), jnp.float32) * s_in,
        "b1": jnp.zeros((D_HID,), jnp.float32),
        "W2": jax.random.normal(ks[4], (D_HID, D_HID), jnp.float32) * s_hid,
        "b2": jnp.zeros((D_HID,), jnp.float32),
        "W3": jax.random.normal(ks[5], (D_HID, D_EMB), jnp.float32) * s_hid,
        "b3": jnp.zeros((D_EMB,), jnp.float32),
        "P1": jax.random.normal(ks[6], (D_EMB, D_PROJ), jnp.float32) * s_emb,
        "bp1": jnp.zeros((D_PROJ,), jnp.float32),
        "P2": jax.random.normal(ks[7], (D_PROJ, D_PROJ), jnp.float32) * s_proj,
        "bp2": jnp.zeros((D_PROJ,), jnp.float32),
    }


def _gcn_layer(h, W, b, src, dst, w):
    # GCNConv_dgl: linear, then u_mul_e message (h_src * edge_weight), sum-reduce to dst
    h = h @ W + b
    m = jnp.take(h, src, axis=0) * w[:, None]
    return jax.ops.segment_sum(m, dst, num_segments=N)


def reference(x, edge_index, edge_weight, W1, b1, W2, b2, W3, b3, P1, bp1, P2, bp2):
    src = edge_index[0]
    dst = edge_index[1]
    h = _gcn_layer(x, W1, b1, src, dst, edge_weight)
    h = jax.nn.relu(h)  # dropout is identity in eval mode
    h = _gcn_layer(h, W2, b2, src, dst, edge_weight)
    h = jax.nn.relu(h)
    h = _gcn_layer(h, W3, b3, src, dst, edge_weight)
    z = jax.nn.relu(h @ P1 + bp1) @ P2 + bp2
    return (z, h)

if __name__ == "__main__":
    import jax
    _d = setup_inputs()
    print(jax.jit(kernel)(*tuple(_d.values())))

</pallas_src>

<mosaic_0001>
#map = affine_map<(d0, d1) -> (0, 0)>
#map1 = affine_map<(d0, d1) -> (0, 0, 0)>
module attributes {stable_mosaic.version = 14 : i64} {
  func.func @_sc_propagate(%arg0: i32, %arg1: i32, %arg2: memref<20000x128xf32, #tpu.memory_space<hbm>>, %arg3: memref<16x80x128xi32, #tpu.memory_space<hbm>>, %arg4: memref<16x80x128xi32, #tpu.memory_space<hbm>>, %arg5: memref<16x80x128xf32, #tpu.memory_space<hbm>>, %arg6: memref<20000x128xf32, #tpu.memory_space<hbm>>, %arg7: memref<10000x128xf32, #tpu.memory_space<vmem_shared>>, %arg8: memref<16x128xi32, #tpu.memory_space<vmem>>, %arg9: memref<16x128xi32, #tpu.memory_space<vmem>>, %arg10: memref<16x128xf32, #tpu.memory_space<vmem>>, %arg11: memref<128x128xf32, #tpu.memory_space<vmem>>, %arg12: memref<128x128xf32, #tpu.memory_space<vmem>>, %arg13: memref<!tpu.dma_semaphore, #tpu.memory_space<semaphore_mem>>, %arg14: memref<!tpu.dma_semaphore, #tpu.memory_space<semaphore_mem>>, %arg15: memref<!tpu.dma_semaphore, #tpu.memory_space<semaphore_mem>>, %arg16: memref<!tpu.dma_semaphore, #tpu.memory_space<semaphore_mem>>) attributes {dimension_semantics = [#tpu.dimension_semantics<core_parallel>, #tpu.dimension_semantics<subcore_parallel>], iteration_bounds = array<i64: 2, 16>, scalar_prefetch = 0 : i64, scratch_operands = 10 : i64, tpu.core_type = #tpu.core_type<sc_vector_subcore>, window_params = [{transform_indices = #map}, {transform_indices = #map1}, {transform_indices = #map1}, {transform_indices = #map1}, {transform_indices = #map}]} {
    %mul3A = arith.constant 10000 : i32
    %mul3A_0 = arith.muli %arg0, %mul3A : i32
    %broadcast_in_dim3A = arith.constant 0.000000e+00 : f32
    %broadcast_in_dim3A_1 = vector.broadcast %broadcast_in_dim3A : f32 to vector<16xf32>
    %scan3A = arith.constant 0 : i32
    %scan3A_2 = arith.constant 0 : i32
    %scan3A_3 = arith.constant 128 : i32
    %scan3A_4 = arith.addi %scan3A_2, %scan3A_3 : i32
    %scan3A_5 = arith.constant 1 : i32
    scf.for %scan3A_86 = %scan3A_2 to %scan3A_4 step %scan3A_5  : i32 {
      %swap3A = arith.index_cast %scan3A_86 : i32 to index
      %swap3A_87 = arith.constant 0 : index
      %swap3A_88 = tpu.vector_load %arg11[%swap3A, %swap3A_87] {strides = array<i32>} : memref<128x128xf32, #tpu.memory_space<vmem>>, vector<1x16xf32>,
      %swap3A_89 = vector.shape_cast %swap3A_88 : vector<1x16xf32> to vector<16xf32>
      %swap3A_90 = vector.shape_cast %broadcast_in_dim3A_1 : vector<16xf32> to vector<1x16xf32>
      tpu.vector_store %arg11[%swap3A, %swap3A_87], %swap3A_90 {strides = array<i32>} : memref<128x128xf32, #tpu.memory_space<vmem>>, vector<1x16xf32>,
      %swap3A_91 = arith.index_cast %scan3A_86 : i32 to index
      %swap3A_92 = arith.constant 16 : index
      %swap3A_93 = tpu.vector_load %arg11[%swap3A_91, %swap3A_92] {strides = array<i32>} : memref<128x128xf32, #tpu.memory_space<vmem>>, vector<1x16xf32>,
      %swap3A_94 = vector.shape_cast %swap3A_93 : vector<1x16xf32> to vector<16xf32>
      %swap3A_95 = vector.shape_cast %broadcast_in_dim3A_1 : vector<16xf32> to vector<1x16xf32>
      tpu.vector_store %arg11[%swap3A_91, %swap3A_92], %swap3A_95 {strides = array<i32>} : memref<128x128xf32, #tpu.memory_space<vmem>>, vector<1x16xf32>,
      %swap3A_96 = arith.index_cast %scan3A_86 : i32 to index
      %swap3A_97 = arith.constant 32 : index
      %swap3A_98 = tpu.vector_load %arg11[%swap3A_96, %swap3A_97] {strides = array<i32>} : memref<128x128xf32, #tpu.memory_space<vmem>>, vector<1x16xf32>,
      %swap3A_99 = vector.shape_cast %swap3A_98 : vector<1x16xf32> to vector<16xf32>
      %swap3A_100 = vector.shape_cast %broadcast_in_dim3A_1 : vector<16xf32> to vector<1x16xf32>
      tpu.vector_store %arg11[%swap3A_96, %swap3A_97], %swap3A_100 {strides = array<i32>} : memref<128x128xf32, #tpu.memory_space<vmem>>, vector<1x16xf32>,
      %swap3A_101 = arith.index_cast %scan3A_86 : i32 to index
      %swap3A_102 = arith.constant 48 : index
      %swap3A_103 = tpu.vector_load %arg11[%swap3A_101, %swap3A_102] {strides = array<i32>} : memref<128x128xf32, #tpu.memory_space<vmem>>, vector<1x16xf32>,
      %swap3A_104 = vector.shape_cast %swap3A_103 : vector<1x16xf32> to vector<16xf32>
      %swap3A_105 = vector.shape_cast %broadcast_in_dim3A_1 : vector<16xf32> to vector<1x16xf32>
      tpu.vector_store %arg11[%swap3A_101, %swap3A_102], %swap3A_105 {strides = array<i32>} : memref<128x128xf32, #tpu.memory_space<vmem>>, vector<1x16xf32>,
      %swap3A_106 = arith.index_cast %scan3A_86 : i32 to index
      %swap3A_107 = arith.constant 64 : index
      %swap3A_108 = tpu.vector_load %arg11[%swap3A_106, %swap3A_107] {strides = array<i32>} : memref<128x128xf32, #tpu.memory_space<vmem>>, vector<1x16xf32>,
      %swap3A_109 = vector.shape_cast %swap3A_108 : vector<1x16xf32> to vector<16xf32>
      %swap3A_110 = vector.shape_cast %broadcast_in_dim3A_1 : vector<16xf32> to vector<1x16xf32>
      tpu.vector_store %arg11[%swap3A_106, %swap3A_107], %swap3A_110 {strides = array<i32>} : memref<128x128xf32, #tpu.memory_space<vmem>>, vector<1x16xf32>,
      %swap3A_111 = arith.index_cast %scan3A_86 : i32 to index
      %swap3A_112 = arith.constant 80 : index
      %swap3A_113 = tpu.vector_load %arg11[%swap3A_111, %swap3A_112] {strides = array<i32>} : memref<128x128xf32, #tpu.memory_space<vmem>>, vector<1x16xf32>,
      %swap3A_114 = vector.shape_cast %swap3A_113 : vector<1x16xf32> to vector<16xf32>
      %swap3A_115 = vector.shape_cast %broadcast_in_dim3A_1 : vector<16xf32> to vector<1x16xf32>
      tpu.vector_store %arg11[%swap3A_111, %swap3A_112], %swap3A_115 {strides = array<i32>} : memref<128x128xf32, #tpu.memory_space<vmem>>, vector<1x16xf32>,
      %swap3A_116 = arith.index_cast %scan3A_86 : i32 to index
      %swap3A_117 = arith.constant 96 : index
      %swap3A_118 = tpu.vector_load %arg11[%swap3A_116, %swap3A_117] {strides = array<i32>} : memref<128x128xf32, #tpu.memory_space<vmem>>, vector<1x16xf32>,
      %swap3A_119 = vector.shape_cast %swap3A_118 : vector<1x16xf32> to vector<16xf32>
      %swap3A_120 = vector.shape_cast %broadcast_in_dim3A_1 : vector<16xf32> to vector<1x16xf32>
      tpu.vector_store %arg11[%swap3A_116, %swap3A_117], %swap3A_120 {strides = array<i32>} : memref<128x128xf32, #tpu.memory_space<vmem>>, vector<1x16xf32>,
      %swap3A_121 = arith.index_cast %scan3A_86 : i32 to index
      %swap3A_122 = arith.constant 112 : index
      %swap3A_123 = tpu.vector_load %arg11[%swap3A_121, %swap3A_122] {strides = array<i32>} : memref<128x128xf32, #tpu.memory_space<vmem>>, vector<1x16xf32>,
      %swap3A_124 = vector.shape_cast %swap3A_123 : vector<1x16xf32> to vector<16xf32>
      %swap3A_125 = vector.shape_cast %broadcast_in_dim3A_1 : vector<16xf32> to vector<1x16xf32>
      tpu.vector_store %arg11[%swap3A_121, %swap3A_122], %swap3A_125 {strides = array<i32>} : memref<128x128xf32, #tpu.memory_space<vmem>>, vector<1x16xf32>,
    }
    %scan3A_6 = arith.constant 128 : i32
    %mul3A_7 = arith.constant 624 : i32
    %mul3A_8 = arith.muli %arg1, %mul3A_7 : i32
    %add3A = arith.constant 0 : i32
    %add3A_9 = arith.addi %mul3A_8, %add3A : i32
    "tpu.region"() ({
      %run_scoped3A = tpu.sem_alloc : memref<!tpu.dma_semaphore, #tpu.memory_space<semaphore_mem>>
      %dma_start3A = arith.constant 0 : i32
      %dma_start3A_86 = tpu.memref_slice %arg7[%add3A_9, %dma_start3A] : memref<10000x128xf32, #tpu.memory_space<vmem_shared>> -> memref<128x128xf32, #tpu.memory_space<vmem_shared>>
      %dma_start3A_87 = arith.constant 0 : i32
      %dma_start3A_88 = tpu.memref_slice %arg7[%add3A_9, %dma_start3A_87] : memref<10000x128xf32, #tpu.memory_space<vmem_shared>> -> memref<128x128xf32, #tpu.memory_space<vmem_shared>>
      tpu.enqueue_dma source(%arg11 : memref<128x128xf32, #tpu.memory_space<vmem>>) target(%dma_start3A_88 : memref<128x128xf32, #tpu.memory_space<vmem_shared>>) target_semaphore(%run_scoped3A : memref<!tpu.dma_semaphore, #tpu.memory_space<semaphore_mem>>)
      %dma_wait3A = arith.constant 0 : i32
      %dma_wait3A_89 = tpu.memref_slice %arg7[%add3A_9, %dma_wait3A] : memref<10000x128xf32, #tpu.memory_space<vmem_shared>> -> memref<128x128xf32, #tpu.memory_space<vmem_shared>>
      %dma_wait3A_90 = arith.constant 0 : i32
      %dma_wait3A_91 = tpu.memref_slice %arg7[%add3A_9, %dma_wait3A_90] : memref<10000x128xf32, #tpu.memory_space<vmem_shared>> -> memref<128x128xf32, #tpu.memory_space<vmem_shared>>
      tpu.wait_dma2 semaphore(%run_scoped3A : memref<!tpu.dma_semaphore, #tpu.memory_space<semaphore_mem>>) src(%arg11 : memref<128x128xf32, #tpu.memory_space<vmem>>) dst(%dma_wait3A_91 : memref<128x128xf32, #tpu.memory_space<vmem_shared>>)
      tpu.yield
    }) : () -> ()
    %mul3A_10 = arith.constant 624 : i32
    %mul3A_11 = arith.muli %arg1, %mul3A_10 : i32
    %add3A_12 = arith.constant 128 : i32
    %add3A_13 = arith.addi %mul3A_11, %add3A_12 : i32
    "tpu.region"() ({
      %run_scoped3A = tpu.sem_alloc : memref<!tpu.dma_semaphore, #tpu.memory_space<semaphore_mem>>
      %dma_start3A = arith.constant 0 : i32
      %dma_start3A_86 = tpu.memref_slice %arg7[%add3A_13, %dma_start3A] : memref<10000x128xf32, #tpu.memory_space<vmem_shared>> -> memref<128x128xf32, #tpu.memory_space<vmem_shared>>
      %dma_start3A_87 = arith.constant 0 : i32
      %dma_start3A_88 = tpu.memref_slice %arg7[%add3A_13, %dma_start3A_87] : memref<10000x128xf32, #tpu.memory_space<vmem_shared>> -> memref<128x128xf32, #tpu.memory_space<vmem_shared>>
      tpu.enqueue_dma source(%arg11 : memref<128x128xf32, #tpu.memory_space<vmem>>) target(%dma_start3A_88 : memref<128x128xf32, #tpu.memory_space<vmem_shared>>) target_semaphore(%run_scoped3A : memref<!tpu.dma_semaphore, #tpu.memory_space<semaphore_mem>>)
      %dma_wait3A = arith.constant 0 : i32
      %dma_wait3A_89 = tpu.memref_slice %arg7[%add3A_13, %dma_wait3A] : memref<10000x128xf32, #tpu.memory_space<vmem_shared>> -> memref<128x128xf32, #tpu.memory_space<vmem_shared>>
      %dma_wait3A_90 = arith.constant 0 : i32
      %dma_wait3A_91 = tpu.memref_slice %arg7[%add3A_13, %dma_wait3A_90] : memref<10000x128xf32, #tpu.memory_space<vmem_shared>> -> memref<128x128xf32, #tpu.memory_space<vmem_shared>>
      tpu.wait_dma2 semaphore(%run_scoped3A : memref<!tpu.dma_semaphore, #tpu.memory_space<semaphore_mem>>) src(%arg11 : memref<128x128xf32, #tpu.memory_space<vmem>>) dst(%dma_wait3A_91 : memref<128x128xf32, #tpu.memory_space<vmem_shared>>)
      tpu.yield
    }) : () -> ()
    %mul3A_14 = arith.constant 624 : i32
    %mul3A_15 = arith.muli %arg1, %mul3A_14 : i32
    %add3A_16 = arith.constant 256 : i32
    %add3A_17 = arith.addi %mul3A_15, %add3A_16 : i32
    "tpu.region"() ({
      %run_scoped3A = tpu.sem_alloc : memref<!tpu.dma_semaphore, #tpu.memory_space<semaphore_mem>>
      %dma_start3A = arith.constant 0 : i32
      %dma_start3A_86 = tpu.memref_slice %arg7[%add3A_17, %dma_start3A] : memref<10000x128xf32, #tpu.memory_space<vmem_shared>> -> memref<128x128xf32, #tpu.memory_space<vmem_shared>>
      %dma_start3A_87 = arith.constant 0 : i32
      %dma_start3A_88 = tpu.memref_slice %arg7[%add3A_17, %dma_start3A_87] : memref<10000x128xf32, #tpu.memory_space<vmem_shared>> -> memref<128x128xf32, #tpu.memory_space<vmem_shared>>
      tpu.enqueue_dma source(%arg11 : memref<128x128xf32, #tpu.memory_space<vmem>>) target(%dma_start3A_88 : memref<128x128xf32, #tpu.memory_space<vmem_shared>>) target_semaphore(%run_scoped3A : memref<!tpu.dma_semaphore, #tpu.memory_space<semaphore_mem>>)
      %dma_wait3A = arith.constant 0 : i32
      %dma_wait3A_89 = tpu.memref_slice %arg7[%add3A_17, %dma_wait3A] : memref<10000x128xf32, #tpu.memory_space<vmem_shared>> -> memref<128x128xf32, #tpu.memory_space<vmem_shared>>
      %dma_wait3A_90 = arith.constant 0 : i32
      %dma_wait3A_91 = tpu.memref_slice %arg7[%add3A_17, %dma_wait3A_90] : memref<10000x128xf32, #tpu.memory_space<vmem_shared>> -> memref<128x128xf32, #tpu.memory_space<vmem_shared>>
      tpu.wait_dma2 semaphore(%run_scoped3A : memref<!tpu.dma_semaphore, #tpu.memory_space<semaphore_mem>>) src(%arg11 : memref<128x128xf32, #tpu.memory_space<vmem>>) dst(%dma_wait3A_91 : memref<128x128xf32, #tpu.memory_space<vmem_shared>>)
      tpu.yield
    }) : () -> ()
    %mul3A_18 = arith.constant 624 : i32
    %mul3A_19 = arith.muli %arg1, %mul3A_18 : i32
    %add3A_20 = arith.constant 384 : i32
    %add3A_21 = arith.addi %mul3A_19, %add3A_20 : i32
    "tpu.region"() ({
      %run_scoped3A = tpu.sem_alloc : memref<!tpu.dma_semaphore, #tpu.memory_space<semaphore_mem>>
      %dma_start3A = arith.constant 0 : i32
      %dma_start3A_86 = tpu.memref_slice %arg7[%add3A_21, %dma_start3A] : memref<10000x128xf32, #tpu.memory_space<vmem_shared>> -> memref<128x128xf32, #tpu.memory_space<vmem_shared>>
      %dma_start3A_87 = arith.constant 0 : i32
      %dma_start3A_88 = tpu.memref_slice %arg7[%add3A_21, %dma_start3A_87] : memref<10000x128xf32, #tpu.memory_space<vmem_shared>> -> memref<128x128xf32, #tpu.memory_space<vmem_shared>>
      tpu.enqueue_dma source(%arg11 : memref<128x128xf32, #tpu.memory_space<vmem>>) target(%dma_start3A_88 : memref<128x128xf32, #tpu.memory_space<vmem_shared>>) target_semaphore(%run_scoped3A : memref<!tpu.dma_semaphore, #tpu.memory_space<semaphore_mem>>)
      %dma_wait3A = arith.constant 0 : i32
      %dma_wait3A_89 = tpu.memref_slice %arg7[%add3A_21, %dma_wait3A] : memref<10000x128xf32, #tpu.memory_space<vmem_shared>> -> memref<128x128xf32, #tpu.memory_space<vmem_shared>>
      %dma_wait3A_90 = arith.constant 0 : i32
      %dma_wait3A_91 = tpu.memref_slice %arg7[%add3A_21, %dma_wait3A_90] : memref<10000x128xf32, #tpu.memory_space<vmem_shared>> -> memref<128x128xf32, #tpu.memory_space<vmem_shared>>
      tpu.wait_dma2 semaphore(%run_scoped3A : memref<!tpu.dma_semaphore, #tpu.memory_space<semaphore_mem>>) src(%arg11 : memref<128x128xf32, #tpu.memory_space<vmem>>) dst(%dma_wait3A_91 : memref<128x128xf32, #tpu.memory_space<vmem_shared>>)
      tpu.yield
    }) : () -> ()
    %mul3A_22 = arith.constant 624 : i32
    %mul3A_23 = arith.muli %arg1, %mul3A_22 : i32
    %add3A_24 = arith.constant 512 : i32
    %add3A_25 = arith.addi %mul3A_23, %add3A_24 : i32
    "tpu.region"() ({
      %run_scoped3A = tpu.sem_alloc : memref<!tpu.dma_semaphore, #tpu.memory_space<semaphore_mem>>
      %dma_start3A = arith.constant 0 : i32
      %dma_start3A_86 = arith.constant 0 : i32
      %dma_start3A_87 = tpu.memref_slice %arg11[%dma_start3A, %dma_start3A_86] : memref<128x128xf32, #tpu.memory_space<vmem>> -> memref<112x128xf32, #tpu.memory_space<vmem>>
      %dma_start3A_88 = arith.constant 0 : i32
      %dma_start3A_89 = tpu.memref_slice %arg7[%add3A_25, %dma_start3A_88] : memref<10000x128xf32, #tpu.memory_space<vmem_shared>> -> memref<112x128xf32, #tpu.memory_space<vmem_shared>>
      %dma_start3A_90 = arith.constant 0 : i32
      %dma_start3A_91 = tpu.memref_slice %arg7[%add3A_25, %dma_start3A_90] : memref<10000x128xf32, #tpu.memory_space<vmem_shared>> -> memref<112x128xf32, #tpu.memory_space<vmem_shared>>
      %dma_start3A_92 = arith.constant 0 : i32
      %dma_start3A_93 = arith.constant 0 : i32
      %dma_start3A_94 = tpu.memref_slice %arg11[%dma_start3A_92, %dma_start3A_93] : memref<128x128xf32, #tpu.memory_space<vmem>> -> memref<112x128xf32, #tpu.memory_space<vmem>>
      tpu.enqueue_dma source(%dma_start3A_94 : memref<112x128xf32, #tpu.memory_space<vmem>>) target(%dma_start3A_91 : memref<112x128xf32, #tpu.memory_space<vmem_shared>>) target_semaphore(%run_scoped3A : memref<!tpu.dma_semaphore, #tpu.memory_space<semaphore_mem>>)
      %dma_wait3A = arith.constant 0 : i32
      %dma_wait3A_95 = arith.constant 0 : i32
      %dma_wait3A_96 = tpu.memref_slice %arg11[%dma_wait3A, %dma_wait3A_95] : memref<128x128xf32, #tpu.memory_space<vmem>> -> memref<112x128xf32, #tpu.memory_space<vmem>>
      %dma_wait3A_97 = arith.constant 0 : i32
      %dma_wait3A_98 = tpu.memref_slice %arg7[%add3A_25, %dma_wait3A_97] : memref<10000x128xf32, #tpu.memory_space<vmem_shared>> -> memref<112x128xf32, #tpu.memory_space<vmem_shared>>
      %dma_wait3A_99 = arith.constant 0 : i32
      %dma_wait3A_100 = tpu.memref_slice %arg7[%add3A_25, %dma_wait3A_99] : memref<10000x128xf32, #tpu.memory_space<vmem_shared>> -> memref<112x128xf32, #tpu.memory_space<vmem_shared>>
      %dma_wait3A_101 = arith.constant 0 : i32
      %dma_wait3A_102 = arith.constant 0 : i32
      %dma_wait3A_103 = tpu.memref_slice %arg11[%dma_wait3A_101, %dma_wait3A_102] : memref<128x128xf32, #tpu.memory_space<vmem>> -> memref<112x128xf32, #tpu.memory_space<vmem>>
      tpu.wait_dma2 semaphore(%run_scoped3A : memref<!tpu.dma_semaphore, #tpu.memory_space<semaphore_mem>>) src(%dma_wait3A_103 : memref<112x128xf32, #tpu.memory_space<vmem>>) dst(%dma_wait3A_100 : memref<112x128xf32, #tpu.memory_space<vmem_shared>>)
      tpu.yield
    }) : () -> ()
    %eq3A = arith.constant 0 : i32
    %eq3A_26 = arith.cmpi eq, %arg1, %eq3A : i32
    %convert_element_type3A = arith.extui %eq3A_26 : i1 to i32
    %cond3A = arith.constant 0 : i32
    %cond3A_27 = arith.cmpi ne, %convert_element_type3A, %cond3A : i32
    scf.if %cond3A_27 {
      "tpu.region"() ({
        %run_scoped3A = tpu.sem_alloc : memref<!tpu.dma_semaphore, #tpu.memory_space<semaphore_mem>>
        %dma_start3A = arith.constant 0 : i32
        %dma_start3A_86 = arith.constant 0 : i32
        %dma_start3A_87 = tpu.memref_slice %arg11[%dma_start3A, %dma_start3A_86] : memref<128x128xf32, #tpu.memory_space<vmem>> -> memref<16x128xf32, #tpu.memory_space<vmem>>
        %dma_start3A_88 = arith.constant 9984 : i32
        %dma_start3A_89 = arith.constant 0 : i32
        %dma_start3A_90 = tpu.memref_slice %arg7[%dma_start3A_88, %dma_start3A_89] : memref<10000x128xf32, #tpu.memory_space<vmem_shared>> -> memref<16x128xf32, #tpu.memory_space<vmem_shared>>
        %dma_start3A_91 = arith.constant 9984 : i32
        %dma_start3A_92 = arith.constant 0 : i32
        %dma_start3A_93 = tpu.memref_slice %arg7[%dma_start3A_91, %dma_start3A_92] : memref<10000x128xf32, #tpu.memory_space<vmem_shared>> -> memref<16x128xf32, #tpu.memory_space<vmem_shared>>
        %dma_start3A_94 = arith.constant 0 : i32
        %dma_start3A_95 = arith.constant 0 : i32
        %dma_start3A_96 = tpu.memref_slice %arg11[%dma_start3A_94, %dma_start3A_95] : memref<128x128xf32, #tpu.memory_space<vmem>> -> memref<16x128xf32, #tpu.memory_space<vmem>>
        tpu.enqueue_dma source(%dma_start3A_96 : memref<16x128xf32, #tpu.memory_space<vmem>>) target(%dma_start3A_93 : memref<16x128xf32, #tpu.memory_space<vmem_shared>>) target_semaphore(%run_scoped3A : memref<!tpu.dma_semaphore, #tpu.memory_space<semaphore_mem>>)
        %dma_wait3A = arith.constant 0 : i32
        %dma_wait3A_97 = arith.constant 0 : i32
        %dma_wait3A_98 = tpu.memref_slice %arg11[%dma_wait3A, %dma_wait3A_97] : memref<128x128xf32, #tpu.memory_space<vmem>> -> memref<16x128xf32, #tpu.memory_space<vmem>>
        %dma_wait3A_99 = arith.constant 9984 : i32
        %dma_wait3A_100 = arith.constant 0 : i32
        %dma_wait3A_101 = tpu.memref_slice %arg7[%dma_wait3A_99, %dma_wait3A_100] : memref<10000x128xf32, #tpu.memory_space<vmem_shared>> -> memref<16x128xf32, #tpu.memory_space<vmem_shared>>
        %dma_wait3A_102 = arith.constant 9984 : i32
        %dma_wait3A_103 = arith.constant 0 : i32
        %dma_wait3A_104 = tpu.memref_slice %arg7[%dma_wait3A_102, %dma_wait3A_103] : memref<10000x128xf32, #tpu.memory_space<vmem_shared>> -> memref<16x128xf32, #tpu.memory_space<vmem_shared>>
        %dma_wait3A_105 = arith.constant 0 : i32
        %dma_wait3A_106 = arith.constant 0 : i32
        %dma_wait3A_107 = tpu.memref_slice %arg11[%dma_wait3A_105, %dma_wait3A_106] : memref<128x128xf32, #tpu.memory_space<vmem>> -> memref<16x128xf32, #tpu.memory_space<vmem>>
        tpu.wait_dma2 semaphore(%run_scoped3A : memref<!tpu.dma_semaphore, #tpu.memory_space<semaphore_mem>>) src(%dma_wait3A_107 : memref<16x128xf32, #tpu.memory_space<vmem>>) dst(%dma_wait3A_104 : memref<16x128xf32, #tpu.memory_space<vmem_shared>>)
        tpu.yield
      }) : () -> ()
    } else {
    }
    %barrier3A = arith.constant 0 : index
    tpu.barrier barrier_id(%barrier3A)
    %broadcast_in_dim3A_28 = vector.broadcast %mul3A_0 : i32 to vector<16xi32>
    %scan3A_29 = arith.constant 0 : i32
    %scan3A_30 = arith.constant 0 : i32
    %scan3A_31 = arith.constant 5 : i32
    %scan3A_32 = arith.addi %scan3A_30, %scan3A_31 : i32
    %scan3A_33 = arith.constant 1 : i32
    scf.for %scan3A_86 = %scan3A_30 to %scan3A_32 step %scan3A_33  : i32 {
      %mul3A_87 = arith.constant 16 : i32
      %mul3A_88 = arith.muli %scan3A_86, %mul3A_87 : i32
      "tpu.region"() ({
        %run_scoped3A = tpu.sem_alloc : memref<!tpu.dma_semaphore, #tpu.memory_space<semaphore_mem>>
        %dma_start3A_129 = arith.constant 0 : i32
        %dma_start3A_130 = tpu.memref_slice %arg3[%arg1, %mul3A_88, %dma_start3A_129] : memref<16x80x128xi32, #tpu.memory_space<hbm>> -> memref<1x16x128xi32, #tpu.memory_space<hbm>>
        %dma_start3A_131 = tpu.memref_squeeze %dma_start3A_130 : memref<1x16x128xi32, #tpu.memory_space<hbm>> -> memref<16x128xi32, #tpu.memory_space<hbm>>
        %dma_start3A_132 = arith.constant 0 : i32
        %dma_start3A_133 = tpu.memref_slice %arg3[%arg1, %mul3A_88, %dma_start3A_132] : memref<16x80x128xi32, #tpu.memory_space<hbm>> -> memref<1x16x128xi32, #tpu.memory_space<hbm>>
        %dma_start3A_134 = tpu.memref_squeeze %dma_start3A_133 : memref<1x16x128xi32, #tpu.memory_space<hbm>> -> memref<16x128xi32, #tpu.memory_space<hbm>>
        tpu.enqueue_dma source(%dma_start3A_134 : memref<16x128xi32, #tpu.memory_space<hbm>>) target(%arg8 : memref<16x128xi32, #tpu.memory_space<vmem>>) target_semaphore(%run_scoped3A : memref<!tpu.dma_semaphore, #tpu.memory_space<semaphore_mem>>)
        %dma_wait3A_135 = arith.constant 0 : i32
        %dma_wait3A_136 = tpu.memref_slice %arg3[%arg1, %mul3A_88, %dma_wait3A_135] : memref<16x80x128xi32, #tpu.memory_space<hbm>> -> memref<1x16x128xi32, #tpu.memory_space<hbm>>
        %dma_wait3A_137 = tpu.memref_squeeze %dma_wait3A_136 : memref<1x16x128xi32, #tpu.memory_space<hbm>> -> memref<16x128xi32, #tpu.memory_space<hbm>>
        %dma_wait3A_138 = arith.constant 0 : i32
        %dma_wait3A_139 = tpu.memref_slice %arg3[%arg1, %mul3A_88, %dma_wait3A_138] : memref<16x80x128xi32, #tpu.memory_space<hbm>> -> memref<1x16x128xi32, #tpu.memory_space<hbm>>
        %dma_wait3A_140 = tpu.memref_squeeze %dma_wait3A_139 : memref<1x16x128xi32, #tpu.memory_space<hbm>> -> memref<16x128xi32, #tpu.memory_space<hbm>>
        tpu.wait_dma2 semaphore(%run_scoped3A : memref<!tpu.dma_semaphore, #tpu.memory_space<semaphore_mem>>) src(%dma_wait3A_140 : memref<16x128xi32, #tpu.memory_space<hbm>>) dst(%arg8 : memref<16x128xi32, #tpu.memory_space<vmem>>)
        tpu.yield
      }) : () -> ()
      %mul3A_89 = arith.constant 16 : i32
      %mul3A_90 = arith.muli %scan3A_86, %mul3A_89 : i32
      "tpu.region"() ({
        %run_scoped3A = tpu.sem_alloc : memref<!tpu.dma_semaphore, #tpu.memory_space<semaphore_mem>>
        %dma_start3A_129 = arith.constant 0 : i32
        %dma_start3A_130 = tpu.memref_slice %arg4[%arg1, %mul3A_90, %dma_start3A_129] : memref<16x80x128xi32, #tpu.memory_space<hbm>> -> memref<1x16x128xi32, #tpu.memory_space<hbm>>
        %dma_start3A_131 = tpu.memref_squeeze %dma_start3A_130 : memref<1x16x128xi32, #tpu.memory_space<hbm>> -> memref<16x128xi32, #tpu.memory_space<hbm>>
        %dma_start3A_132 = arith.constant 0 : i32
        %dma_start3A_133 = tpu.memref_slice %arg4[%arg1, %mul3A_90, %dma_start3A_132] : memref<16x80x128xi32, #tpu.memory_space<hbm>> -> memref<1x16x128xi32, #tpu.memory_space<hbm>>
        %dma_start3A_134 = tpu.memref_squeeze %dma_start3A_133 : memref<1x16x128xi32, #tpu.memory_space<hbm>> -> memref<16x128xi32, #tpu.memory_space<hbm>>
        tpu.enqueue_dma source(%dma_start3A_134 : memref<16x128xi32, #tpu.memory_space<hbm>>) target(%arg9 : memref<16x128xi32, #tpu.memory_space<vmem>>) target_semaphore(%run_scoped3A : memref<!tpu.dma_semaphore, #tpu.memory_space<semaphore_mem>>)
        %dma_wait3A_135 = arith.constant 0 : i32
        %dma_wait3A_136 = tpu.memref_slice %arg4[%arg1, %mul3A_90, %dma_wait3A_135] : memref<16x80x128xi32, #tpu.memory_space<hbm>> -> memref<1x16x128xi32, #tpu.memory_space<hbm>>
        %dma_wait3A_137 = tpu.memref_squeeze %dma_wait3A_136 : memref<1x16x128xi32, #tpu.memory_space<hbm>> -> memref<16x128xi32, #tpu.memory_space<hbm>>
        %dma_wait3A_138 = arith.constant 0 : i32
        %dma_wait3A_139 = tpu.memref_slice %arg4[%arg1, %mul3A_90, %dma_wait3A_138] : memref<16x80x128xi32, #tpu.memory_space<hbm>> -> memref<1x16x128xi32, #tpu.memory_space<hbm>>
        %dma_wait3A_140 = tpu.memref_squeeze %dma_wait3A_139 : memref<1x16x128xi32, #tpu.memory_space<hbm>> -> memref<16x128xi32, #tpu.memory_space<hbm>>
        tpu.wait_dma2 semaphore(%run_scoped3A : memref<!tpu.dma_semaphore, #tpu.memory_space<semaphore_mem>>) src(%dma_wait3A_140 : memref<16x128xi32, #tpu.memory_space<hbm>>) dst(%arg9 : memref<16x128xi32, #tpu.memory_space<vmem>>)
        tpu.yield
      }) : () -> ()
      %mul3A_91 = arith.constant 16 : i32
      %mul3A_92 = arith.muli %scan3A_86, %mul3A_91 : i32
      "tpu.region"() ({
        %run_scoped3A = tpu.sem_alloc : memref<!tpu.dma_semaphore, #tpu.memory_space<semaphore_mem>>
        %dma_start3A_129 = arith.constant 0 : i32
        %dma_start3A_130 = tpu.memref_slice %arg5[%arg1, %mul3A_92, %dma_start3A_129] : memref<16x80x128xf32, #tpu.memory_space<hbm>> -> memref<1x16x128xf32, #tpu.memory_space<hbm>>
        %dma_start3A_131 = tpu.memref_squeeze %dma_start3A_130 : memref<1x16x128xf32, #tpu.memory_space<hbm>> -> memref<16x128xf32, #tpu.memory_space<hbm>>
        %dma_start3A_132 = arith.constant 0 : i32
        %dma_start3A_133 = tpu.memref_slice %arg5[%arg1, %mul3A_92, %dma_start3A_132] : memref<16x80x128xf32, #tpu.memory_space<hbm>> -> memref<1x16x128xf32, #tpu.memory_space<hbm>>
        %dma_start3A_134 = tpu.memref_squeeze %dma_start3A_133 : memref<1x16x128xf32, #tpu.memory_space<hbm>> -> memref<16x128xf32, #tpu.memory_space<hbm>>
        tpu.enqueue_dma source(%dma_start3A_134 : memref<16x128xf32, #tpu.memory_space<hbm>>) target(%arg10 : memref<16x128xf32, #tpu.memory_space<vmem>>) target_semaphore(%run_scoped3A : memref<!tpu.dma_semaphore, #tpu.memory_space<semaphore_mem>>)
        %dma_wait3A_135 = arith.constant 0 : i32
        %dma_wait3A_136 = tpu.memref_slice %arg5[%arg1, %mul3A_92, %dma_wait3A_135] : memref<16x80x128xf32, #tpu.memory_space<hbm>> -> memref<1x16x128xf32, #tpu.memory_space<hbm>>
        %dma_wait3A_137 = tpu.memref_squeeze %dma_wait3A_136 : memref<1x16x128xf32, #tpu.memory_space<hbm>> -> memref<16x128xf32, #tpu.memory_space<hbm>>
        %dma_wait3A_138 = arith.constant 0 : i32
        %dma_wait3A_139 = tpu.memref_slice %arg5[%arg1, %mul3A_92, %dma_wait3A_138] : memref<16x80x128xf32, #tpu.memory_space<hbm>> -> memref<1x16x128xf32, #tpu.memory_space<hbm>>
        %dma_wait3A_140 = tpu.memref_squeeze %dma_wait3A_139 : memref<1x16x128xf32, #tpu.memory_space<hbm>> -> memref<16x128xf32, #tpu.memory_space<hbm>>
        tpu.wait_dma2 semaphore(%run_scoped3A : memref<!tpu.dma_semaphore, #tpu.memory_space<semaphore_mem>>) src(%dma_wait3A_140 : memref<16x128xf32, #tpu.memory_space<hbm>>) dst(%arg10 : memref<16x128xf32, #tpu.memory_space<vmem>>)
        tpu.yield
      }) : () -> ()
      %scan3A_93 = arith.constant 0 : i32
      %scan3A_94 = arith.constant 0 : i32
      %scan3A_95 = arith.constant 16 : i32
      %scan3A_96 = arith.addi %scan3A_94, %scan3A_95 : i32
      %scan3A_97 = arith.constant 1 : i32
      scf.for %scan3A_129 = %scan3A_94 to %scan3A_96 step %scan3A_97  : i32 {
        %get3A = arith.index_cast %scan3A_129 : i32 to index
        %get3A_130 = arith.constant 0 : index
        %get3A_131 = tpu.vector_load %arg8[%get3A, %get3A_130] {strides = array<i32>} : memref<16x128xi32, #tpu.memory_space<vmem>>, vector<1x16xi32>,
        %get3A_132 = vector.shape_cast %get3A_131 : vector<1x16xi32> to vector<16xi32>
        %add3A_133 = arith.addi %get3A_132, %broadcast_in_dim3A_28 : vector<16xi32>
        %swap3A = arith.index_cast %scan3A_129 : i32 to index
        %swap3A_134 = arith.constant 0 : index
        %swap3A_135 = tpu.vector_load %arg8[%swap3A, %swap3A_134] {strides = array<i32>} : memref<16x128xi32, #tpu.memory_space<vmem>>, vector<1x16xi32>,
        %swap3A_136 = vector.shape_cast %swap3A_135 : vector<1x16xi32> to vector<16xi32>
        %swap3A_137 = vector.shape_cast %add3A_133 : vector<16xi32> to vector<1x16xi32>
        tpu.vector_store %arg8[%swap3A, %swap3A_134], %swap3A_137 {strides = array<i32>} : memref<16x128xi32, #tpu.memory_space<vmem>>, vector<1x16xi32>,
        %get3A_138 = arith.index_cast %scan3A_129 : i32 to index
        %get3A_139 = arith.constant 16 : index
        %get3A_140 = tpu.vector_load %arg8[%get3A_138, %get3A_139] {strides = array<i32>} : memref<16x128xi32, #tpu.memory_space<vmem>>, vector<1x16xi32>,
        %get3A_141 = vector.shape_cast %get3A_140 : vector<1x16xi32> to vector<16xi32>
        %add3A_142 = arith.addi %get3A_141, %broadcast_in_dim3A_28 : vector<16xi32>
        %swap3A_143 = arith.index_cast %scan3A_129 : i32 to index
        %swap3A_144 = arith.constant 16 : index
        %swap3A_145 = tpu.vector_load %arg8[%swap3A_143, %swap3A_144] {strides = array<i32>} : memref<16x128xi32, #tpu.memory_space<vmem>>, vector<1x16xi32>,
        %swap3A_146 = vector.shape_cast %swap3A_145 : vector<1x16xi32> to vector<16xi32>
        %swap3A_147 = vector.shape_cast %add3A_142 : vector<16xi32> to vector<1x16xi32>
        tpu.vector_store %arg8[%swap3A_143, %swap3A_144], %swap3A_147 {strides = array<i32>} : memref<16x128xi32, #tpu.memory_space<vmem>>, vector<1x16xi32>,
        %get3A_148 = arith.index_cast %scan3A_129 : i32 to index
        %get3A_149 = arith.constant 32 : index
        %get3A_150 = tpu.vector_load %arg8[%get3A_148, %get3A_149] {strides = array<i32>} : memref<16x128xi32, #tpu.memory_space<vmem>>, vector<1x16xi32>,
        %get3A_151 = vector.shape_cast %get3A_150 : vector<1x16xi32> to vector<16xi32>
        %add3A_152 = arith.addi %get3A_151, %broadcast_in_dim3A_28 : vector<16xi32>
        %swap3A_153 = arith.index_cast %scan3A_129 : i32 to index
        %swap3A_154 = arith.constant 32 : index
        %swap3A_155 = tpu.vector_load %arg8[%swap3A_153, %swap3A_154] {strides = array<i32>} : memref<16x128xi32, #tpu.memory_space<vmem>>, vector<1x16xi32>,
        %swap3A_156 = vector.shape_cast %swap3A_155 : vector<1x16xi32> to vector<16xi32>
        %swap3A_157 = vector.shape_cast %add3A_152 : vector<16xi32> to vector<1x16xi32>
        tpu.vector_store %arg8[%swap3A_153, %swap3A_154], %swap3A_157 {strides = array<i32>} : memref<16x128xi32, #tpu.memory_space<vmem>>, vector<1x16xi32>,
        %get3A_158 = arith.index_cast %scan3A_129 : i32 to index
        %get3A_159 = arith.constant 48 : index
        %get3A_160 = tpu.vector_load %arg8[%get3A_158, %get3A_159] {strides = array<i32>} : memref<16x128xi32, #tpu.memory_space<vmem>>, vector<1x16xi32>,
        %get3A_161 = vector.shape_cast %get3A_160 : vector<1x16xi32> to vector<16xi32>
        %add3A_162 = arith.addi %get3A_161, %broadcast_in_dim3A_28 : vector<16xi32>
        %swap3A_163 = arith.index_cast %scan3A_129 : i32 to index
        %swap3A_164 = arith.constant 48 : index
        %swap3A_165 = tpu.vector_load %arg8[%swap3A_163, %swap3A_164] {strides = array<i32>} : memref<16x128xi32, #tpu.memory_space<vmem>>, vector<1x16xi32>,
        %swap3A_166 = vector.shape_cast %swap3A_165 : vector<1x16xi32> to vector<16xi32>
        %swap3A_167 = vector.shape_cast %add3A_162 : vector<16xi32> to vector<1x16xi32>
        tpu.vector_store %arg8[%swap3A_163, %swap3A_164], %swap3A_167 {strides = array<i32>} : memref<16x128xi32, #tpu.memory_space<vmem>>, vector<1x16xi32>,
        %get3A_168 = arith.index_cast %scan3A_129 : i32 to index
        %get3A_169 = arith.constant 64 : index
        %get3A_170 = tpu.vector_load %arg8[%get3A_168, %get3A_169] {strides = array<i32>} : memref<16x128xi32, #tpu.memory_space<vmem>>, vector<1x16xi32>,
        %get3A_171 = vector.shape_cast %get3A_170 : vector<1x16xi32> to vector<16xi32>
        %add3A_172 = arith.addi %get3A_171, %broadcast_in_dim3A_28 : vector<16xi32>
        %swap3A_173 = arith.index_cast %scan3A_129 : i32 to index
        %swap3A_174 = arith.constant 64 : index
        %swap3A_175 = tpu.vector_load %arg8[%swap3A_173, %swap3A_174] {strides = array<i32>} : memref<16x128xi32, #tpu.memory_space<vmem>>, vector<1x16xi32>,
        %swap3A_176 = vector.shape_cast %swap3A_175 : vector<1x16xi32> to vector<16xi32>
        %swap3A_177 = vector.shape_cast %add3A_172 : vector<16xi32> to vector<1x16xi32>
        tpu.vector_store %arg8[%swap3A_173, %swap3A_174], %swap3A_177 {strides = array<i32>} : memref<16x128xi32, #tpu.memory_space<vmem>>, vector<1x16xi32>,
        %get3A_178 = arith.index_cast %scan3A_129 : i32 to index
        %get3A_179 = arith.constant 80 : index
        %get3A_180 = tpu.vector_load %arg8[%get3A_178, %get3A_179] {strides = array<i32>} : memref<16x128xi32, #tpu.memory_space<vmem>>, vector<1x16xi32>,
        %get3A_181 = vector.shape_cast %get3A_180 : vector<1x16xi32> to vector<16xi32>
        %add3A_182 = arith.addi %get3A_181, %broadcast_in_dim3A_28 : vector<16xi32>
        %swap3A_183 = arith.index_cast %scan3A_129 : i32 to index
        %swap3A_184 = arith.constant 80 : index
        %swap3A_185 = tpu.vector_load %arg8[%swap3A_183, %swap3A_184] {strides = array<i32>} : memref<16x128xi32, #tpu.memory_space<vmem>>, vector<1x16xi32>,
        %swap3A_186 = vector.shape_cast %swap3A_185 : vector<1x16xi32> to vector<16xi32>
        %swap3A_187 = vector.shape_cast %add3A_182 : vector<16xi32> to vector<1x16xi32>
        tpu.vector_store %arg8[%swap3A_183, %swap3A_184], %swap3A_187 {strides = array<i32>} : memref<16x128xi32, #tpu.memory_space<vmem>>, vector<1x16xi32>,
        %get3A_188 = arith.index_cast %scan3A_129 : i32 to index
        %get3A_189 = arith.constant 96 : index
        %get3A_190 = tpu.vector_load %arg8[%get3A_188, %get3A_189] {strides = array<i32>} : memref<16x128xi32, #tpu.memory_space<vmem>>, vector<1x16xi32>,
        %get3A_191 = vector.shape_cast %get3A_190 : vector<1x16xi32> to vector<16xi32>
        %add3A_192 = arith.addi %get3A_191, %broadcast_in_dim3A_28 : vector<16xi32>
        %swap3A_193 = arith.index_cast %scan3A_129 : i32 to index
        %swap3A_194 = arith.constant 96 : index
        %swap3A_195 = tpu.vector_load %arg8[%swap3A_193, %swap3A_194] {strides = array<i32>} : memref<16x128xi32, #tpu.memory_space<vmem>>, vector<1x16xi32>,
        %swap3A_196 = vector.shape_cast %swap3A_195 : vector<1x16xi32> to vector<16xi32>
        %swap3A_197 = vector.shape_cast %add3A_192 : vector<16xi32> to vector<1x16xi32>
        tpu.vector_store %arg8[%swap3A_193, %swap3A_194], %swap3A_197 {strides = array<i32>} : memref<16x128xi32, #tpu.memory_space<vmem>>, vector<1x16xi32>,
        %get3A_198 = arith.index_cast %scan3A_129 : i32 to index
        %get3A_199 = arith.constant 112 : index
        %get3A_200 = tpu.vector_load %arg8[%get3A_198, %get3A_199] {strides = array<i32>} : memref<16x128xi32, #tpu.memory_space<vmem>>, vector<1x16xi32>,
        %get3A_201 = vector.shape_cast %get3A_200 : vector<1x16xi32> to vector<16xi32>
        %add3A_202 = arith.addi %get3A_201, %broadcast_in_dim3A_28 : vector<16xi32>
        %swap3A_203 = arith.index_cast %scan3A_129 : i32 to index
        %swap3A_204 = arith.constant 112 : index
        %swap3A_205 = tpu.vector_load %arg8[%swap3A_203, %swap3A_204] {strides = array<i32>} : memref<16x128xi32, #tpu.memory_space<vmem>>, vector<1x16xi32>,
        %swap3A_206 = vector.shape_cast %swap3A_205 : vector<1x16xi32> to vector<16xi32>
        %swap3A_207 = vector.shape_cast %add3A_202 : vector<16xi32> to vector<1x16xi32>
        tpu.vector_store %arg8[%swap3A_203, %swap3A_204], %swap3A_207 {strides = array<i32>} : memref<16x128xi32, #tpu.memory_space<vmem>>, vector<1x16xi32>,
      }
      %scan3A_98 = arith.constant 16 : i32
      %dma_start3A = arith.constant 0 : i32
      %dma_start3A_99 = arith.constant 0 : i32
      %dma_start3A_100 = tpu.memref_slice %arg8[%dma_start3A, %dma_start3A_99] : memref<16x128xi32, #tpu.memory_space<vmem>> -> memref<1x128xi32, #tpu.memory_space<vmem>>
      %dma_start3A_101 = tpu.memref_squeeze %dma_start3A_100 : memref<1x128xi32, #tpu.memory_space<vmem>> -> memref<128xi32, #tpu.memory_space<vmem>>
      %dma_start3A_102 = arith.constant 0 : i32
      %dma_start3A_103 = arith.constant 0 : i32
      %dma_start3A_104 = tpu.memref_slice %arg2[%dma_start3A_102, %dma_start3A_103] : memref<20000x128xf32, #tpu.memory_space<hbm>> -> memref<20000x128xf32, #tpu.memory_space<hbm>>
      tpu.enqueue_indirect_dma source(%dma_start3A_104 : memref<20000x128xf32, #tpu.memory_space<hbm>>) target(%arg11 : memref<128x128xf32, #tpu.memory_space<vmem>>) offsets(%dma_start3A_101 : memref<128xi32, #tpu.memory_space<vmem>>) semaphore(%arg13 : memref<!tpu.dma_semaphore, #tpu.memory_space<semaphore_mem>>)
      %dma_start3A_105 = arith.constant 1 : i32
      %dma_start3A_106 = arith.constant 0 : i32
      %dma_start3A_107 = tpu.memref_slice %arg8[%dma_start3A_105, %dma_start3A_106] : memref<16x128xi32, #tpu.memory_space<vmem>> -> memref<1x128xi32, #tpu.memory_space<vmem>>
      %dma_start3A_108 = tpu.memref_squeeze %dma_start3A_107 : memref<1x128xi32, #tpu.memory_space<vmem>> -> memref<128xi32, #tpu.memory_space<vmem>>
      %dma_start3A_109 = arith.constant 0 : i32
      %dma_start3A_110 = arith.constant 0 : i32
      %dma_start3A_111 = tpu.memref_slice %arg2[%dma_start3A_109, %dma_start3A_110] : memref<20000x128xf32, #tpu.memory_space<hbm>> -> memref<20000x128xf32, #tpu.memory_space<hbm>>
      tpu.enqueue_indirect_dma source(%dma_start3A_111 : memref<20000x128xf32, #tpu.memory_space<hbm>>) target(%arg12 : memref<128x128xf32, #tpu.memory_space<vmem>>) offsets(%dma_start3A_108 : memref<128xi32, #tpu.memory_space<vmem>>) semaphore(%arg14 : memref<!tpu.dma_semaphore, #tpu.memory_space<semaphore_mem>>)
      %scan3A_112 = arith.constant 0 : i32
      %scan3A_113 = arith.constant 0 : i32
      %scan3A_114 = arith.constant 8 : i32
      %scan3A_115 = arith.addi %scan3A_113, %scan3A_114 : i32
      %scan3A_116 = arith.constant 1 : i32
      scf.for %scan3A_129 = %scan3A_113 to %scan3A_115 step %scan3A_116  : i32 {
        %mul3A_130 = arith.constant 2 : i32
        %mul3A_131 = arith.muli %mul3A_130, %scan3A_129 : i32
        %dma_wait3A_132 = arith.constant 0 : i32
        %dma_wait3A_133 = arith.constant 0 : i32
        %dma_wait3A_134 = tpu.memref_slice %arg2[%dma_wait3A_132, %dma_wait3A_133] : memref<20000x128xf32, #tpu.memory_space<hbm>> -> memref<128x128xf32, #tpu.memory_space<hbm>>
        %dma_wait3A_135 = arith.constant 0 : i32
        %dma_wait3A_136 = arith.constant 0 : i32
        %dma_wait3A_137 = tpu.memref_slice %arg2[%dma_wait3A_135, %dma_wait3A_136] : memref<20000x128xf32, #tpu.memory_space<hbm>> -> memref<128x128xf32, #tpu.memory_space<hbm>>
        tpu.wait_dma2 semaphore(%arg13 : memref<!tpu.dma_semaphore, #tpu.memory_space<semaphore_mem>>) src(%dma_wait3A_137 : memref<128x128xf32, #tpu.memory_space<hbm>>) dst(%arg11 : memref<128x128xf32, #tpu.memory_space<vmem>>)
        %scan3A_138 = arith.constant 0 : i32
        %scan3A_139 = arith.constant 0 : i32
        %scan3A_140 = arith.constant 8 : i32
        %scan3A_141 = arith.addi %scan3A_139, %scan3A_140 : i32
        %scan3A_142 = arith.constant 1 : i32
        scf.for %scan3A_203 = %scan3A_139 to %scan3A_141 step %scan3A_142  : i32 {
          %mul3A_204 = arith.constant 16 : i32
          %mul3A_205 = arith.muli %scan3A_203, %mul3A_204 : i32
          %get3A = arith.index_cast %mul3A_131 : i32 to index
          %get3A_206 = arith.index_cast %mul3A_205 : i32 to index
          %get3A_207 = tpu.vector_load %arg10[%get3A, %get3A_206] {strides = array<i32>} : memref<16x128xf32, #tpu.memory_space<vmem>>, vector<1x16xf32>,
          %get3A_208 = vector.shape_cast %get3A_207 : vector<1x16xf32> to vector<16xf32>
          %scan3A_209 = arith.constant 0 : i32
          %scan3A_210 = arith.constant 16 : i32
          %scan3A_211 = arith.addi %scan3A_209, %scan3A_210 : i32
          %scan3A_212 = arith.constant 1 : i32
          scf.for %scan3A_214 = %scan3A_209 to %scan3A_211 step %scan3A_212  : i32 {
            %broadcast_in_dim3A_215 = vector.broadcast %scan3A_214 : i32 to vector<16xi32>
            %lt3A = arith.constant 0 : i32
            %lt3A_216 = vector.broadcast %lt3A : i32 to vector<16xi32>
            %lt3A_217 = arith.cmpi slt, %broadcast_in_dim3A_215, %lt3A_216 : vector<16xi32>
            %add3A_218 = arith.constant 16 : i32
            %add3A_219 = vector.broadcast %add3A_218 : i32 to vector<16xi32>
            %add3A_220 = arith.addi %broadcast_in_dim3A_215, %add3A_219 : vector<16xi32>
            %select_n3A = arith.select %lt3A_217, %add3A_220, %broadcast_in_dim3A_215 : vector<16xi1>, vector<16xi32>
            %broadcast_in_dim3A_221 = vector.shape_cast %select_n3A : vector<16xi32> to vector<16x1xi32>
            %gather3A = vector.shape_cast %broadcast_in_dim3A_221 : vector<16x1xi32> to vector<16xi32>
            %gather3A_222 = tpu.dynamic_gather %get3A_208[%gather3A] in [0] : vector<16xf32>, vector<16xi32> -> vector<16xf32>
            %mul3A_223 = arith.constant 16 : i32
            %mul3A_224 = arith.muli %scan3A_203, %mul3A_223 : i32
            %add3A_225 = arith.addi %mul3A_224, %scan3A_214 : i32
            %get3A_226 = arith.index_cast %add3A_225 : i32 to index
            %get3A_227 = arith.constant 0 : index
            %get3A_228 = tpu.vector_load %arg11[%get3A_226, %get3A_227] {strides = array<i32>} : memref<128x128xf32, #tpu.memory_space<vmem>>, vector<1x16xf32>,
            %get3A_229 = vector.shape_cast %get3A_228 : vector<1x16xf32> to vector<16xf32>
            %mul3A_230 = arith.mulf %get3A_229, %gather3A_222 : vector<16xf32>
            %swap3A = arith.index_cast %add3A_225 : i32 to index
            %swap3A_231 = arith.constant 0 : index
            %swap3A_232 = tpu.vector_load %arg11[%swap3A, %swap3A_231] {strides = array<i32>} : memref<128x128xf32, #tpu.memory_space<vmem>>, vector<1x16xf32>,
            %swap3A_233 = vector.shape_cast %swap3A_232 : vector<1x16xf32> to vector<16xf32>
            %swap3A_234 = vector.shape_cast %mul3A_230 : vector<16xf32> to vector<1x16xf32>
            tpu.vector_store %arg11[%swap3A, %swap3A_231], %swap3A_234 {strides = array<i32>} : memref<128x128xf32, #tpu.memory_space<vmem>>, vector<1x16xf32>,
            %get3A_235 = arith.index_cast %add3A_225 : i32 to index
            %get3A_236 = arith.constant 16 : index
            %get3A_237 = tpu.vector_load %arg11[%get3A_235, %get3A_236] {strides = array<i32>} : memref<128x128xf32, #tpu.memory_space<vmem>>, vector<1x16xf32>,
            %get3A_238 = vector.shape_cast %get3A_237 : vector<1x16xf32> to vector<16xf32>
            %mul3A_239 = arith.mulf %get3A_238, %gather3A_222 : vector<16xf32>
            %swap3A_240 = arith.index_cast %add3A_225 : i32 to index
            %swap3A_241 = arith.constant 16 : index
            %swap3A_242 = tpu.vector_load %arg11[%swap3A_240, %swap3A_241] {strides = array<i32>} : memref<128x128xf32, #tpu.memory_space<vmem>>, vector<1x16xf32>,
            %swap3A_243 = vector.shape_cast %swap3A_242 : vector<1x16xf32> to vector<16xf32>
            %swap3A_244 = vector.shape_cast %mul3A_239 : vector<16xf32> to vector<1x16xf32>
            tpu.vector_store %arg11[%swap3A_240, %swap3A_241], %swap3A_244 {strides = array<i32>} : memref<128x128xf32, #tpu.memory_space<vmem>>, vector<1x16xf32>,
            %get3A_245 = arith.index_cast %add3A_225 : i32 to index
            %get3A_246 = arith.constant 32 : index
            %get3A_247 = tpu.vector_load %arg11[%get3A_245, %get3A_246] {strides = array<i32>} : memref<128x128xf32, #tpu.memory_space<vmem>>, vector<1x16xf32>,
            %get3A_248 = vector.shape_cast %get3A_247 : vector<1x16xf32> to vector<16xf32>
            %mul3A_249 = arith.mulf %get3A_248, %gather3A_222 : vector<16xf32>
            %swap3A_250 = arith.index_cast %add3A_225 : i32 to index
            %swap3A_251 = arith.constant 32 : index
            %swap3A_252 = tpu.vector_load %arg11[%swap3A_250, %swap3A_251] {strides = array<i32>} : memref<128x128xf32, #tpu.memory_space<vmem>>, vector<1x16xf32>,
            %swap3A_253 = vector.shape_cast %swap3A_252 : vector<1x16xf32> to vector<16xf32>
            %swap3A_254 = vector.shape_cast %mul3A_249 : vector<16xf32> to vector<1x16xf32>
            tpu.vector_store %arg11[%swap3A_250, %swap3A_251], %swap3A_254 {strides = array<i32>} : memref<128x128xf32, #tpu.memory_space<vmem>>, vector<1x16xf32>,
            %get3A_255 = arith.index_cast %add3A_225 : i32 to index
            %get3A_256 = arith.constant 48 : index
            %get3A_257 = tpu.vector_load %arg11[%get3A_255, %get3A_256] {strides = array<i32>} : memref<128x128xf32, #tpu.memory_space<vmem>>, vector<1x16xf32>,
            %get3A_258 = vector.shape_cast %get3A_257 : vector<1x16xf32> to vector<16xf32>
            %mul3A_259 = arith.mulf %get3A_258, %gather3A_222 : vector<16xf32>
            %swap3A_260 = arith.index_cast %add3A_225 : i32 to index
            %swap3A_261 = arith.constant 48 : index
            %swap3A_262 = tpu.vector_load %arg11[%swap3A_260, %swap3A_261] {strides = array<i32>} : memref<128x128xf32, #tpu.memory_space<vmem>>, vector<1x16xf32>,
            %swap3A_263 = vector.shape_cast %swap3A_262 : vector<1x16xf32> to vector<16xf32>
            %swap3A_264 = vector.shape_cast %mul3A_259 : vector<16xf32> to vector<1x16xf32>
            tpu.vector_store %arg11[%swap3A_260, %swap3A_261], %swap3A_264 {strides = array<i32>} : memref<128x128xf32, #tpu.memory_space<vmem>>, vector<1x16xf32>,
            %get3A_265 = arith.index_cast %add3A_225 : i32 to index
            %get3A_266 = arith.constant 64 : index
            %get3A_267 = tpu.vector_load %arg11[%get3A_265, %get3A_266] {strides = array<i32>} : memref<128x128xf32, #tpu.memory_space<vmem>>, vector<1x16xf32>,
            %get3A_268 = vector.shape_cast %get3A_267 : vector<1x16xf32> to vector<16xf32>
            %mul3A_269 = arith.mulf %get3A_268, %gather3A_222 : vector<16xf32>
            %swap3A_270 = arith.index_cast %add3A_225 : i32 to index
            %swap3A_271 = arith.constant 64 : index
            %swap3A_272 = tpu.vector_load %arg11[%swap3A_270, %swap3A_271] {strides = array<i32>} : memref<128x128xf32, #tpu.memory_space<vmem>>, vector<1x16xf32>,
            %swap3A_273 = vector.shape_cast %swap3A_272 : vector<1x16xf32> to vector<16xf32>
            %swap3A_274 = vector.shape_cast %mul3A_269 : vector<16xf32> to vector<1x16xf32>
            tpu.vector_store %arg11[%swap3A_270, %swap3A_271], %swap3A_274 {strides = array<i32>} : memref<128x128xf32, #tpu.memory_space<vmem>>, vector<1x16xf32>,
            %get3A_275 = arith.index_cast %add3A_225 : i32 to index
            %get3A_276 = arith.constant 80 : index
            %get3A_277 = tpu.vector_load %arg11[%get3A_275, %get3A_276] {strides = array<i32>} : memref<128x128xf32, #tpu.memory_space<vmem>>, vector<1x16xf32>,
            %get3A_278 = vector.shape_cast %get3A_277 : vector<1x16xf32> to vector<16xf32>
            %mul3A_279 = arith.mulf %get3A_278, %gather3A_222 : vector<16xf32>
            %swap3A_280 = arith.index_cast %add3A_225 : i32 to index
            %swap3A_281 = arith.constant 80 : index
            %swap3A_282 = tpu.vector_load %arg11[%swap3A_280, %swap3A_281] {strides = array<i32>} : memref<128x128xf32, #tpu.memory_space<vmem>>, vector<1x16xf32>,
            %swap3A_283 = vector.shape_cast %swap3A_282 : vector<1x16xf32> to vector<16xf32>
            %swap3A_284 = vector.shape_cast %mul3A_279 : vector<16xf32> to vector<1x16xf32>
            tpu.vector_store %arg11[%swap3A_280, %swap3A_281], %swap3A_284 {strides = array<i32>} : memref<128x128xf32, #tpu.memory_space<vmem>>, vector<1x16xf32>,
            %get3A_285 = arith.index_cast %add3A_225 : i32 to index
            %get3A_286 = arith.constant 96 : index
            %get3A_287 = tpu.vector_load %arg11[%get3A_285, %get3A_286] {strides = array<i32>} : memref<128x128xf32, #tpu.memory_space<vmem>>, vector<1x16xf32>,
            %get3A_288 = vector.shape_cast %get3A_287 : vector<1x16xf32> to vector<16xf32>
            %mul3A_289 = arith.mulf %get3A_288, %gather3A_222 : vector<16xf32>
            %swap3A_290 = arith.index_cast %add3A_225 : i32 to index
            %swap3A_291 = arith.constant 96 : index
            %swap3A_292 = tpu.vector_load %arg11[%swap3A_290, %swap3A_291] {strides = array<i32>} : memref<128x128xf32, #tpu.memory_space<vmem>>, vector<1x16xf32>,
            %swap3A_293 = vector.shape_cast %swap3A_292 : vector<1x16xf32> to vector<16xf32>
            %swap3A_294 = vector.shape_cast %mul3A_289 : vector<16xf32> to vector<1x16xf32>
            tpu.vector_store %arg11[%swap3A_290, %swap3A_291], %swap3A_294 {strides = array<i32>} : memref<128x128xf32, #tpu.memory_space<vmem>>, vector<1x16xf32>,
            %get3A_295 = arith.index_cast %add3A_225 : i32 to index
            %get3A_296 = arith.constant 112 : index
            %get3A_297 = tpu.vector_load %arg11[%get3A_295, %get3A_296] {strides = array<i32>} : memref<128x128xf32, #tpu.memory_space<vmem>>, vector<1x16xf32>,
            %get3A_298 = vector.shape_cast %get3A_297 : vector<1x16xf32> to vector<16xf32>
            %mul3A_299 = arith.mulf %get3A_298, %gather3A_222 : vector<16xf32>
            %swap3A_300 = arith.index_cast %add3A_225 : i32 to index
            %swap3A_301 = arith.constant 112 : index
            %swap3A_302 = tpu.vector_load %arg11[%swap3A_300, %swap3A_301] {strides = array<i32>} : memref<128x128xf32, #tpu.memory_space<vmem>>, vector<1x16xf32>,
            %swap3A_303 = vector.shape_cast %swap3A_302 : vector<1x16xf32> to vector<16xf32>
            %swap3A_304 = vector.shape_cast %mul3A_299 : vector<16xf32> to vector<1x16xf32>
            tpu.vector_store %arg11[%swap3A_300, %swap3A_301], %swap3A_304 {strides = array<i32>} : memref<128x128xf32, #tpu.memory_space<vmem>>, vector<1x16xf32>,
          }
          %scan3A_213 = arith.constant 16 : i32
        }
        %scan3A_143 = arith.constant 8 : i32
        %dma_start3A_144 = arith.constant 0 : i32
        %dma_start3A_145 = tpu.memref_slice %arg9[%mul3A_131, %dma_start3A_144] : memref<16x128xi32, #tpu.memory_space<vmem>> -> memref<1x128xi32, #tpu.memory_space<vmem>>
        %dma_start3A_146 = tpu.memref_squeeze %dma_start3A_145 : memref<1x128xi32, #tpu.memory_space<vmem>> -> memref<128xi32, #tpu.memory_space<vmem>>
        %dma_start3A_147 = arith.constant 0 : i32
        %dma_start3A_148 = arith.constant 0 : i32
        %dma_start3A_149 = tpu.memref_slice %arg7[%dma_start3A_147, %dma_start3A_148] : memref<10000x128xf32, #tpu.memory_space<vmem_shared>> -> memref<10000x128xf32, #tpu.memory_space<vmem_shared>>
        tpu.enqueue_indirect_dma source(%arg11 : memref<128x128xf32, #tpu.memory_space<vmem>>) target(%dma_start3A_149 : memref<10000x128xf32, #tpu.memory_space<vmem_shared>>) offsets(%dma_start3A_146 : memref<128xi32, #tpu.memory_space<vmem>>) semaphore(%arg15 : memref<!tpu.dma_semaphore, #tpu.memory_space<semaphore_mem>>) {add = true}
        %dma_wait3A_150 = arith.constant 0 : i32
        %dma_wait3A_151 = arith.constant 0 : i32
        %dma_wait3A_152 = tpu.memref_slice %arg2[%dma_wait3A_150, %dma_wait3A_151] : memref<20000x128xf32, #tpu.memory_space<hbm>> -> memref<128x128xf32, #tpu.memory_space<hbm>>
        %dma_wait3A_153 = arith.constant 0 : i32
        %dma_wait3A_154 = arith.constant 0 : i32
        %dma_wait3A_155 = tpu.memref_slice %arg2[%dma_wait3A_153, %dma_wait3A_154] : memref<20000x128xf32, #tpu.memory_space<hbm>> -> memref<128x128xf32, #tpu.memory_space<hbm>>
        tpu.wait_dma2 semaphore(%arg14 : memref<!tpu.dma_semaphore, #tpu.memory_space<semaphore_mem>>) src(%dma_wait3A_155 : memref<128x128xf32, #tpu.memory_space<hbm>>) dst(%arg12 : memref<128x128xf32, #tpu.memory_space<vmem>>)
        %add3A_156 = arith.constant 1 : i32
        %add3A_157 = arith.addi %mul3A_131, %add3A_156 : i32
        %scan3A_158 = arith.constant 0 : i32
        %scan3A_159 = arith.constant 0 : i32
        %scan3A_160 = arith.constant 8 : i32
        %scan3A_161 = arith.addi %scan3A_159, %scan3A_160 : i32
        %scan3A_162 = arith.constant 1 : i32
        scf.for %scan3A_203 = %scan3A_159 to %scan3A_161 step %scan3A_162  : i32 {
          %mul3A_204 = arith.constant 16 : i32
          %mul3A_205 = arith.muli %scan3A_203, %mul3A_204 : i32
          %get3A = arith.index_cast %add3A_157 : i32 to index
          %get3A_206 = arith.index_cast %mul3A_205 : i32 to index
          %get3A_207 = tpu.vector_load %arg10[%get3A, %get3A_206] {strides = array<i32>} : memref<16x128xf32, #tpu.memory_space<vmem>>, vector<1x16xf32>,
          %get3A_208 = vector.shape_cast %get3A_207 : vector<1x16xf32> to vector<16xf32>
          %scan3A_209 = arith.constant 0 : i32
          %scan3A_210 = arith.constant 16 : i32
          %scan3A_211 = arith.addi %scan3A_209, %scan3A_210 : i32
          %scan3A_212 = arith.constant 1 : i32
          scf.for %scan3A_214 = %scan3A_209 to %scan3A_211 step %scan3A_212  : i32 {
            %broadcast_in_dim3A_215 = vector.broadcast %scan3A_214 : i32 to vector<16xi32>
            %lt3A = arith.constant 0 : i32
            %lt3A_216 = vector.broadcast %lt3A : i32 to vector<16xi32>
            %lt3A_217 = arith.cmpi slt, %broadcast_in_dim3A_215, %lt3A_216 : vector<16xi32>
            %add3A_218 = arith.constant 16 : i32
            %add3A_219 = vector.broadcast %add3A_218 : i32 to vector<16xi32>
            %add3A_220 = arith.addi %broadcast_in_dim3A_215, %add3A_219 : vector<16xi32>
            %select_n3A = arith.select %lt3A_217, %add3A_220, %broadcast_in_dim3A_215 : vector<16xi1>, vector<16xi32>
            %broadcast_in_dim3A_221 = vector.shape_cast %select_n3A : vector<16xi32> to vector<16x1xi32>
            %gather3A = vector.shape_cast %broadcast_in_dim3A_221 : vector<16x1xi32> to vector<16xi32>
            %gather3A_222 = tpu.dynamic_gather %get3A_208[%gather3A] in [0] : vector<16xf32>, vector<16xi32> -> vector<16xf32>
            %mul3A_223 = arith.constant 16 : i32
            %mul3A_224 = arith.muli %scan3A_203, %mul3A_223 : i32
            %add3A_225 = arith.addi %mul3A_224, %scan3A_214 : i32
            %get3A_226 = arith.index_cast %add3A_225 : i32 to index
            %get3A_227 = arith.constant 0 : index
            %get3A_228 = tpu.vector_load %arg12[%get3A_226, %get3A_227] {strides = array<i32>} : memref<128x128xf32, #tpu.memory_space<vmem>>, vector<1x16xf32>,
            %get3A_229 = vector.shape_cast %get3A_228 : vector<1x16xf32> to vector<16xf32>
            %mul3A_230 = arith.mulf %get3A_229, %gather3A_222 : vector<16xf32>
            %swap3A = arith.index_cast %add3A_225 : i32 to index
            %swap3A_231 = arith.constant 0 : index
            %swap3A_232 = tpu.vector_load %arg12[%swap3A, %swap3A_231] {strides = array<i32>} : memref<128x128xf32, #tpu.memory_space<vmem>>, vector<1x16xf32>,
            %swap3A_233 = vector.shape_cast %swap3A_232 : vector<1x16xf32> to vector<16xf32>
            %swap3A_234 = vector.shape_cast %mul3A_230 : vector<16xf32> to vector<1x16xf32>
            tpu.vector_store %arg12[%swap3A, %swap3A_231], %swap3A_234 {strides = array<i32>} : memref<128x128xf32, #tpu.memory_space<vmem>>, vector<1x16xf32>,
            %get3A_235 = arith.index_cast %add3A_225 : i32 to index
            %get3A_236 = arith.constant 16 : index
            %get3A_237 = tpu.vector_load %arg12[%get3A_235, %get3A_236] {strides = array<i32>} : memref<128x128xf32, #tpu.memory_space<vmem>>, vector<1x16xf32>,
            %get3A_238 = vector.shape_cast %get3A_237 : vector<1x16xf32> to vector<16xf32>
            %mul3A_239 = arith.mulf %get3A_238, %gather3A_222 : vector<16xf32>
            %swap3A_240 = arith.index_cast %add3A_225 : i32 to index
            %swap3A_241 = arith.constant 16 : index
            %swap3A_242 = tpu.vector_load %arg12[%swap3A_240, %swap3A_241] {strides = array<i32>} : memref<128x128xf32, #tpu.memory_space<vmem>>, vector<1x16xf32>,
            %swap3A_243 = vector.shape_cast %swap3A_242 : vector<1x16xf32> to vector<16xf32>
            %swap3A_244 = vector.shape_cast %mul3A_239 : vector<16xf32> to vector<1x16xf32>
            tpu.vector_store %arg12[%swap3A_240, %swap3A_241], %swap3A_244 {strides = array<i32>} : memref<128x128xf32, #tpu.memory_space<vmem>>, vector<1x16xf32>,
            %get3A_245 = arith.index_cast %add3A_225 : i32 to index
            %get3A_246 = arith.constant 32 : index
            %get3A_247 = tpu.vector_load %arg12[%get3A_245, %get3A_246] {strides = array<i32>} : memref<128x128xf32, #tpu.memory_space<vmem>>, vector<1x16xf32>,
            %get3A_248 = vector.shape_cast %get3A_247 : vector<1x16xf32> to vector<16xf32>
            %mul3A_249 = arith.mulf %get3A_248, %gather3A_222 : vector<16xf32>
            %swap3A_250 = arith.index_cast %add3A_225 : i32 to index
            %swap3A_251 = arith.constant 32 : index
            %swap3A_252 = tpu.vector_load %arg12[%swap3A_250, %swap3A_251] {strides = array<i32>} : memref<128x128xf32, #tpu.memory_space<vmem>>, vector<1x16xf32>,
            %swap3A_253 = vector.shape_cast %swap3A_252 : vector<1x16xf32> to vector<16xf32>
            %swap3A_254 = vector.shape_cast %mul3A_249 : vector<16xf32> to vector<1x16xf32>
            tpu.vector_store %arg12[%swap3A_250, %swap3A_251], %swap3A_254 {strides = array<i32>} : memref<128x128xf32, #tpu.memory_space<vmem>>, vector<1x16xf32>,
            %get3A_255 = arith.index_cast %add3A_225 : i32 to index
            %get3A_256 = arith.constant 48 : index
            %get3A_257 = tpu.vector_load %arg12[%get3A_255, %get3A_256] {strides = array<i32>} : memref<128x128xf32, #tpu.memory_space<vmem>>, vector<1x16xf32>,
            %get3A_258 = vector.shape_cast %get3A_257 : vector<1x16xf32> to vector<16xf32>
            %mul3A_259 = arith.mulf %get3A_258, %gather3A_222 : vector<16xf32>
            %swap3A_260 = arith.index_cast %add3A_225 : i32 to index
            %swap3A_261 = arith.constant 48 : index
            %swap3A_262 = tpu.vector_load %arg12[%swap3A_260, %swap3A_261] {strides = array<i32>} : memref<128x128xf32, #tpu.memory_space<vmem>>, vector<1x16xf32>,
            %swap3A_263 = vector.shape_cast %swap3A_262 : vector<1x16xf32> to vector<16xf32>
            %swap3A_264 = vector.shape_cast %mul3A_259 : vector<16xf32> to vector<1x16xf32>
            tpu.vector_store %arg12[%swap3A_260, %swap3A_261], %swap3A_264 {strides = array<i32>} : memref<128x128xf32, #tpu.memory_space<vmem>>, vector<1x16xf32>,
            %get3A_265 = arith.index_cast %add3A_225 : i32 to index
            %get3A_266 = arith.constant 64 : index
            %get3A_267 = tpu.vector_load %arg12[%get3A_265, %get3A_266] {strides = array<i32>} : memref<128x128xf32, #tpu.memory_space<vmem>>, vector<1x16xf32>,
            %get3A_268 = vector.shape_cast %get3A_267 : vector<1x16xf32> to vector<16xf32>
            %mul3A_269 = arith.mulf %get3A_268, %gather3A_222 : vector<16xf32>
            %swap3A_270 = arith.index_cast %add3A_225 : i32 to index
            %swap3A_271 = arith.constant 64 : index
            %swap3A_272 = tpu.vector_load %arg12[%swap3A_270, %swap3A_271] {strides = array<i32>} : memref<128x128xf32, #tpu.memory_space<vmem>>, vector<1x16xf32>,
            %swap3A_273 = vector.shape_cast %swap3A_272 : vector<1x16xf32> to vector<16xf32>
            %swap3A_274 = vector.shape_cast %mul3A_269 : vector<16xf32> to vector<1x16xf32>
            tpu.vector_store %arg12[%swap3A_270, %swap3A_271], %swap3A_274 {strides = array<i32>} : memref<128x128xf32, #tpu.memory_space<vmem>>, vector<1x16xf32>,
            %get3A_275 = arith.index_cast %add3A_225 : i32 to index
            %get3A_276 = arith.constant 80 : index
            %get3A_277 = tpu.vector_load %arg12[%get3A_275, %get3A_276] {strides = array<i32>} : memref<128x128xf32, #tpu.memory_space<vmem>>, vector<1x16xf32>,
            %get3A_278 = vector.shape_cast %get3A_277 : vector<1x16xf32> to vector<16xf32>
            %mul3A_279 = arith.mulf %get3A_278, %gather3A_222 : vector<16xf32>
            %swap3A_280 = arith.index_cast %add3A_225 : i32 to index
            %swap3A_281 = arith.constant 80 : index
            %swap3A_282 = tpu.vector_load %arg12[%swap3A_280, %swap3A_281] {strides = array<i32>} : memref<128x128xf32, #tpu.memory_space<vmem>>, vector<1x16xf32>,
            %swap3A_283 = vector.shape_cast %swap3A_282 : vector<1x16xf32> to vector<16xf32>
            %swap3A_284 = vector.shape_cast %mul3A_279 : vector<16xf32> to vector<1x16xf32>
            tpu.vector_store %arg12[%swap3A_280, %swap3A_281], %swap3A_284 {strides = array<i32>} : memref<128x128xf32, #tpu.memory_space<vmem>>, vector<1x16xf32>,
            %get3A_285 = arith.index_cast %add3A_225 : i32 to index
            %get3A_286 = arith.constant 96 : index
            %get3A_287 = tpu.vector_load %arg12[%get3A_285, %get3A_286] {strides = array<i32>} : memref<128x128xf32, #tpu.memory_space<vmem>>, vector<1x16xf32>,
            %get3A_288 = vector.shape_cast %get3A_287 : vector<1x16xf32> to vector<16xf32>
            %mul3A_289 = arith.mulf %get3A_288, %gather3A_222 : vector<16xf32>
            %swap3A_290 = arith.index_cast %add3A_225 : i32 to index
            %swap3A_291 = arith.constant 96 : index
            %swap3A_292 = tpu.vector_load %arg12[%swap3A_290, %swap3A_291] {strides = array<i32>} : memref<128x128xf32, #tpu.memory_space<vmem>>, vector<1x16xf32>,
            %swap3A_293 = vector.shape_cast %swap3A_292 : vector<1x16xf32> to vector<16xf32>
            %swap3A_294 = vector.shape_cast %mul3A_289 : vector<16xf32> to vector<1x16xf32>
            tpu.vector_store %arg12[%swap3A_290, %swap3A_291], %swap3A_294 {strides = array<i32>} : memref<128x128xf32, #tpu.memory_space<vmem>>, vector<1x16xf32>,
            %get3A_295 = arith.index_cast %add3A_225 : i32 to index
            %get3A_296 = arith.constant 112 : index
            %get3A_297 = tpu.vector_load %arg12[%get3A_295, %get3A_296] {strides = array<i32>} : memref<128x128xf32, #tpu.memory_space<vmem>>, vector<1x16xf32>,
            %get3A_298 = vector.shape_cast %get3A_297 : vector<1x16xf32> to vector<16xf32>
            %mul3A_299 = arith.mulf %get3A_298, %gather3A_222 : vector<16xf32>
            %swap3A_300 = arith.index_cast %add3A_225 : i32 to index
            %swap3A_301 = arith.constant 112 : index
            %swap3A_302 = tpu.vector_load %arg12[%swap3A_300, %swap3A_301] {strides = array<i32>} : memref<128x128xf32, #tpu.memory_space<vmem>>, vector<1x16xf32>,
            %swap3A_303 = vector.shape_cast %swap3A_302 : vector<1x16xf32> to vector<16xf32>
            %swap3A_304 = vector.shape_cast %mul3A_299 : vector<16xf32> to vector<1x16xf32>
            tpu.vector_store %arg12[%swap3A_300, %swap3A_301], %swap3A_304 {strides = array<i32>} : memref<128x128xf32, #tpu.memory_space<vmem>>, vector<1x16xf32>,
          }
          %scan3A_213 = arith.constant 16 : i32
        }
        %scan3A_163 = arith.constant 8 : i32
        %add3A_164 = arith.constant 1 : i32
        %add3A_165 = arith.addi %mul3A_131, %add3A_164 : i32
        %dma_start3A_166 = arith.constant 0 : i32
        %dma_start3A_167 = tpu.memref_slice %arg9[%add3A_165, %dma_start3A_166] : memref<16x128xi32, #tpu.memory_space<vmem>> -> memref<1x128xi32, #tpu.memory_space<vmem>>
        %dma_start3A_168 = tpu.memref_squeeze %dma_start3A_167 : memref<1x128xi32, #tpu.memory_space<vmem>> -> memref<128xi32, #tpu.memory_space<vmem>>
        %dma_start3A_169 = arith.constant 0 : i32
        %dma_start3A_170 = arith.constant 0 : i32
        %dma_start3A_171 = tpu.memref_slice %arg7[%dma_start3A_169, %dma_start3A_170] : memref<10000x128xf32, #tpu.memory_space<vmem_shared>> -> memref<10000x128xf32, #tpu.memory_space<vmem_shared>>
        tpu.enqueue_indirect_dma source(%arg12 : memref<128x128xf32, #tpu.memory_space<vmem>>) target(%dma_start3A_171 : memref<10000x128xf32, #tpu.memory_space<vmem_shared>>) offsets(%dma_start3A_168 : memref<128xi32, #tpu.memory_space<vmem>>) semaphore(%arg16 : memref<!tpu.dma_semaphore, #tpu.memory_space<semaphore_mem>>) {add = true}
        %dma_wait3A_172 = arith.constant 0 : i32
        %dma_wait3A_173 = arith.constant 0 : i32
        %dma_wait3A_174 = tpu.memref_slice %arg7[%dma_wait3A_172, %dma_wait3A_173] : memref<10000x128xf32, #tpu.memory_space<vmem_shared>> -> memref<128x128xf32, #tpu.memory_space<vmem_shared>>
        %dma_wait3A_175 = arith.constant 0 : i32
        %dma_wait3A_176 = arith.constant 0 : i32
        %dma_wait3A_177 = tpu.memref_slice %arg7[%dma_wait3A_175, %dma_wait3A_176] : memref<10000x128xf32, #tpu.memory_space<vmem_shared>> -> memref<128x128xf32, #tpu.memory_space<vmem_shared>>
        tpu.wait_dma2 semaphore(%arg15 : memref<!tpu.dma_semaphore, #tpu.memory_space<semaphore_mem>>) src(%arg11 : memref<128x128xf32, #tpu.memory_space<vmem>>) dst(%dma_wait3A_177 : memref<128x128xf32, #tpu.memory_space<vmem_shared>>)
        %add3A_178 = arith.constant 2 : i32
        %add3A_179 = arith.addi %mul3A_131, %add3A_178 : i32
        %min3A = arith.constant 15 : i32
        %min3A_180 = arith.minsi %add3A_179, %min3A : i32
        %dma_start3A_181 = arith.constant 0 : i32
        %dma_start3A_182 = tpu.memref_slice %arg8[%min3A_180, %dma_start3A_181] : memref<16x128xi32, #tpu.memory_space<vmem>> -> memref<1x128xi32, #tpu.memory_space<vmem>>
        %dma_start3A_183 = tpu.memref_squeeze %dma_start3A_182 : memref<1x128xi32, #tpu.memory_space<vmem>> -> memref<128xi32, #tpu.memory_space<vmem>>
        %dma_start3A_184 = arith.constant 0 : i32
        %dma_start3A_185 = arith.constant 0 : i32
        %dma_start3A_186 = tpu.memref_slice %arg2[%dma_start3A_184, %dma_start3A_185] : memref<20000x128xf32, #tpu.memory_space<hbm>> -> memref<20000x128xf32, #tpu.memory_space<hbm>>
        tpu.enqueue_indirect_dma source(%dma_start3A_186 : memref<20000x128xf32, #tpu.memory_space<hbm>>) target(%arg11 : memref<128x128xf32, #tpu.memory_space<vmem>>) offsets(%dma_start3A_183 : memref<128xi32, #tpu.memory_space<vmem>>) semaphore(%arg13 : memref<!tpu.dma_semaphore, #tpu.memory_space<semaphore_mem>>)
        %dma_wait3A_187 = arith.constant 0 : i32
        %dma_wait3A_188 = arith.constant 0 : i32
        %dma_wait3A_189 = tpu.memref_slice %arg7[%dma_wait3A_187, %dma_wait3A_188] : memref<10000x128xf32, #tpu.memory_space<vmem_shared>> -> memref<128x128xf32, #tpu.memory_space<vmem_shared>>
        %dma_wait3A_190 = arith.constant 0 : i32
        %dma_wait3A_191 = arith.constant 0 : i32
        %dma_wait3A_192 = tpu.memref_slice %arg7[%dma_wait3A_190, %dma_wait3A_191] : memref<10000x128xf32, #tpu.memory_space<vmem_shared>> -> memref<128x128xf32, #tpu.memory_space<vmem_shared>>
        tpu.wait_dma2 semaphore(%arg16 : memref<!tpu.dma_semaphore, #tpu.memory_space<semaphore_mem>>) src(%arg12 : memref<128x128xf32, #tpu.memory_space<vmem>>) dst(%dma_wait3A_192 : memref<128x128xf32, #tpu.memory_space<vmem_shared>>)
        %add3A_193 = arith.constant 3 : i32
        %add3A_194 = arith.addi %mul3A_131, %add3A_193 : i32
        %min3A_195 = arith.constant 15 : i32
        %min3A_196 = arith.minsi %add3A_194, %min3A_195 : i32
        %dma_start3A_197 = arith.constant 0 : i32
        %dma_start3A_198 = tpu.memref_slice %arg8[%min3A_196, %dma_start3A_197] : memref<16x128xi32, #tpu.memory_space<vmem>> -> memref<1x128xi32, #tpu.memory_space<vmem>>
        %dma_start3A_199 = tpu.memref_squeeze %dma_start3A_198 : memref<1x128xi32, #tpu.memory_space<vmem>> -> memref<128xi32, #tpu.memory_space<vmem>>
        %dma_start3A_200 = arith.constant 0 : i32
        %dma_start3A_201 = arith.constant 0 : i32
        %dma_start3A_202 = tpu.memref_slice %arg2[%dma_start3A_200, %dma_start3A_201] : memref<20000x128xf32, #tpu.memory_space<hbm>> -> memref<20000x128xf32, #tpu.memory_space<hbm>>
        tpu.enqueue_indirect_dma source(%dma_start3A_202 : memref<20000x128xf32, #tpu.memory_space<hbm>>) target(%arg12 : memref<128x128xf32, #tpu.memory_space<vmem>>) offsets(%dma_start3A_199 : memref<128xi32, #tpu.memory_space<vmem>>) semaphore(%arg14 : memref<!tpu.dma_semaphore, #tpu.memory_space<semaphore_mem>>)
      }
      %scan3A_117 = arith.constant 8 : i32
      %dma_wait3A = arith.constant 0 : i32
      %dma_wait3A_118 = arith.constant 0 : i32
      %dma_wait3A_119 = tpu.memref_slice %arg2[%dma_wait3A, %dma_wait3A_118] : memref<20000x128xf32, #tpu.memory_space<hbm>> -> memref<128x128xf32, #tpu.memory_space<hbm>>
      %dma_wait3A_120 = arith.constant 0 : i32
      %dma_wait3A_121 = arith.constant 0 : i32
      %dma_wait3A_122 = tpu.memref_slice %arg2[%dma_wait3A_120, %dma_wait3A_121] : memref<20000x128xf32, #tpu.memory_space<hbm>> -> memref<128x128xf32, #tpu.memory_space<hbm>>
      tpu.wait_dma2 semaphore(%arg13 : memref<!tpu.dma_semaphore, #tpu.memory_space<semaphore_mem>>) src(%dma_wait3A_122 : memref<128x128xf32, #tpu.memory_space<hbm>>) dst(%arg11 : memref<128x128xf32, #tpu.memory_space<vmem>>)
      %dma_wait3A_123 = arith.constant 0 : i32
      %dma_wait3A_124 = arith.constant 0 : i32
      %dma_wait3A_125 = tpu.memref_slice %arg2[%dma_wait3A_123, %dma_wait3A_124] : memref<20000x128xf32, #tpu.memory_space<hbm>> -> memref<128x128xf32, #tpu.memory_space<hbm>>
      %dma_wait3A_126 = arith.constant 0 : i32
      %dma_wait3A_127 = arith.constant 0 : i32
      %dma_wait3A_128 = tpu.memref_slice %arg2[%dma_wait3A_126, %dma_wait3A_127] : memref<20000x128xf32, #tpu.memory_space<hbm>> -> memref<128x128xf32, #tpu.memory_space<hbm>>
      tpu.wait_dma2 semaphore(%arg14 : memref<!tpu.dma_semaphore, #tpu.memory_space<semaphore_mem>>) src(%dma_wait3A_128 : memref<128x128xf32, #tpu.memory_space<hbm>>) dst(%arg12 : memref<128x128xf32, #tpu.memory_space<vmem>>)
    }
    %scan3A_34 = arith.constant 5 : i32
    %barrier3A_35 = arith.constant 0 : index
    tpu.barrier barrier_id(%barrier3A_35)
    %mul3A_36 = arith.constant 624 : i32
    %mul3A_37 = arith.muli %arg1, %mul3A_36 : i32
    %add3A_38 = arith.constant 0 : i32
    %add3A_39 = arith.addi %mul3A_37, %add3A_38 : i32
    %mul3A_40 = arith.constant 624 : i32
    %mul3A_41 = arith.muli %arg1, %mul3A_40 : i32
    %add3A_42 = arith.addi %mul3A_0, %mul3A_41 : i32
    %add3A_43 = arith.constant 0 : i32
    %add3A_44 = arith.addi %add3A_42, %add3A_43 : i32
    "tpu.region"() ({
      %run_scoped3A = tpu.sem_alloc : memref<!tpu.dma_semaphore, #tpu.memory_space<semaphore_mem>>
      %dma_start3A = arith.constant 0 : i32
      %dma_start3A_86 = tpu.memref_slice %arg6[%add3A_44, %dma_start3A] : memref<20000x128xf32, #tpu.memory_space<hbm>> -> memref<128x128xf32, #tpu.memory_space<hbm>>
      %dma_start3A_87 = arith.constant 0 : i32
      %dma_start3A_88 = tpu.memref_slice %arg7[%add3A_39, %dma_start3A_87] : memref<10000x128xf32, #tpu.memory_space<vmem_shared>> -> memref<128x128xf32, #tpu.memory_space<vmem_shared>>
      tpu.enqueue_dma source(%dma_start3A_88 : memref<128x128xf32, #tpu.memory_space<vmem_shared>>) target(%dma_start3A_86 : memref<128x128xf32, #tpu.memory_space<hbm>>) target_semaphore(%run_scoped3A : memref<!tpu.dma_semaphore, #tpu.memory_space<semaphore_mem>>)
      %dma_wait3A = arith.constant 0 : i32
      %dma_wait3A_89 = tpu.memref_slice %arg6[%add3A_44, %dma_wait3A] : memref<20000x128xf32, #tpu.memory_space<hbm>> -> memref<128x128xf32, #tpu.memory_space<hbm>>
      %dma_wait3A_90 = arith.constant 0 : i32
      %dma_wait3A_91 = tpu.memref_slice %arg7[%add3A_39, %dma_wait3A_90] : memref<10000x128xf32, #tpu.memory_space<vmem_shared>> -> memref<128x128xf32, #tpu.memory_space<vmem_shared>>
      tpu.wait_dma2 semaphore(%run_scoped3A : memref<!tpu.dma_semaphore, #tpu.memory_space<semaphore_mem>>) src(%dma_wait3A_91 : memref<128x128xf32, #tpu.memory_space<vmem_shared>>) dst(%dma_wait3A_89 : memref<128x128xf32, #tpu.memory_space<hbm>>)
      tpu.yield
    }) : () -> ()
    %mul3A_45 = arith.constant 624 : i32
    %mul3A_46 = arith.muli %arg1, %mul3A_45 : i32
    %add3A_47 = arith.constant 128 : i32
    %add3A_48 = arith.addi %mul3A_46, %add3A_47 : i32
    %mul3A_49 = arith.constant 624 : i32
    %mul3A_50 = arith.muli %arg1, %mul3A_49 : i32
    %add3A_51 = arith.addi %mul3A_0, %mul3A_50 : i32
    %add3A_52 = arith.constant 128 : i32
    %add3A_53 = arith.addi %add3A_51, %add3A_52 : i32
    "tpu.region"() ({
      %run_scoped3A = tpu.sem_alloc : memref<!tpu.dma_semaphore, #tpu.memory_space<semaphore_mem>>
      %dma_start3A = arith.constant 0 : i32
      %dma_start3A_86 = tpu.memref_slice %arg6[%add3A_53, %dma_start3A] : memref<20000x128xf32, #tpu.memory_space<hbm>> -> memref<128x128xf32, #tpu.memory_space<hbm>>
      %dma_start3A_87 = arith.constant 0 : i32
      %dma_start3A_88 = tpu.memref_slice %arg7[%add3A_48, %dma_start3A_87] : memref<10000x128xf32, #tpu.memory_space<vmem_shared>> -> memref<128x128xf32, #tpu.memory_space<vmem_shared>>
      tpu.enqueue_dma source(%dma_start3A_88 : memref<128x128xf32, #tpu.memory_space<vmem_shared>>) target(%dma_start3A_86 : memref<128x128xf32, #tpu.memory_space<hbm>>) target_semaphore(%run_scoped3A : memref<!tpu.dma_semaphore, #tpu.memory_space<semaphore_mem>>)
      %dma_wait3A = arith.constant 0 : i32
      %dma_wait3A_89 = tpu.memref_slice %arg6[%add3A_53, %dma_wait3A] : memref<20000x128xf32, #tpu.memory_space<hbm>> -> memref<128x128xf32, #tpu.memory_space<hbm>>
      %dma_wait3A_90 = arith.constant 0 : i32
      %dma_wait3A_91 = tpu.memref_slice %arg7[%add3A_48, %dma_wait3A_90] : memref<10000x128xf32, #tpu.memory_space<vmem_shared>> -> memref<128x128xf32, #tpu.memory_space<vmem_shared>>
      tpu.wait_dma2 semaphore(%run_scoped3A : memref<!tpu.dma_semaphore, #tpu.memory_space<semaphore_mem>>) src(%dma_wait3A_91 : memref<128x128xf32, #tpu.memory_space<vmem_shared>>) dst(%dma_wait3A_89 : memref<128x128xf32, #tpu.memory_space<hbm>>)
      tpu.yield
    }) : () -> ()
    %mul3A_54 = arith.constant 624 : i32
    %mul3A_55 = arith.muli %arg1, %mul3A_54 : i32
    %add3A_56 = arith.constant 256 : i32
    %add3A_57 = arith.addi %mul3A_55, %add3A_56 : i32
    %mul3A_58 = arith.constant 624 : i32
    %mul3A_59 = arith.muli %arg1, %mul3A_58 : i32
    %add3A_60 = arith.addi %mul3A_0, %mul3A_59 : i32
    %add3A_61 = arith.constant 256 : i32
    %add3A_62 = arith.addi %add3A_60, %add3A_61 : i32
    "tpu.region"() ({
      %run_scoped3A = tpu.sem_alloc : memref<!tpu.dma_semaphore, #tpu.memory_space<semaphore_mem>>
      %dma_start3A = arith.constant 0 : i32
      %dma_start3A_86 = tpu.memref_slice %arg6[%add3A_62, %dma_start3A] : memref<20000x128xf32, #tpu.memory_space<hbm>> -> memref<128x128xf32, #tpu.memory_space<hbm>>
      %dma_start3A_87 = arith.constant 0 : i32
      %dma_start3A_88 = tpu.memref_slice %arg7[%add3A_57, %dma_start3A_87] : memref<10000x128xf32, #tpu.memory_space<vmem_shared>> -> memref<128x128xf32, #tpu.memory_space<vmem_shared>>
      tpu.enqueue_dma source(%dma_start3A_88 : memref<128x128xf32, #tpu.memory_space<vmem_shared>>) target(%dma_start3A_86 : memref<128x128xf32, #tpu.memory_space<hbm>>) target_semaphore(%run_scoped3A : memref<!tpu.dma_semaphore, #tpu.memory_space<semaphore_mem>>)
      %dma_wait3A = arith.constant 0 : i32
      %dma_wait3A_89 = tpu.memref_slice %arg6[%add3A_62, %dma_wait3A] : memref<20000x128xf32, #tpu.memory_space<hbm>> -> memref<128x128xf32, #tpu.memory_space<hbm>>
      %dma_wait3A_90 = arith.constant 0 : i32
      %dma_wait3A_91 = tpu.memref_slice %arg7[%add3A_57, %dma_wait3A_90] : memref<10000x128xf32, #tpu.memory_space<vmem_shared>> -> memref<128x128xf32, #tpu.memory_space<vmem_shared>>
      tpu.wait_dma2 semaphore(%run_scoped3A : memref<!tpu.dma_semaphore, #tpu.memory_space<semaphore_mem>>) src(%dma_wait3A_91 : memref<128x128xf32, #tpu.memory_space<vmem_shared>>) dst(%dma_wait3A_89 : memref<128x128xf32, #tpu.memory_space<hbm>>)
      tpu.yield
    }) : () -> ()
    %mul3A_63 = arith.constant 624 : i32
    %mul3A_64 = arith.muli %arg1, %mul3A_63 : i32
    %add3A_65 = arith.constant 384 : i32
    %add3A_66 = arith.addi %mul3A_64, %add3A_65 : i32
    %mul3A_67 = arith.constant 624 : i32
    %mul3A_68 = arith.muli %arg1, %mul3A_67 : i32
    %add3A_69 = arith.addi %mul3A_0, %mul3A_68 : i32
    %add3A_70 = arith.constant 384 : i32
    %add3A_71 = arith.addi %add3A_69, %add3A_70 : i32
    "tpu.region"() ({
      %run_scoped3A = tpu.sem_alloc : memref<!tpu.dma_semaphore, #tpu.memory_space<semaphore_mem>>
      %dma_start3A = arith.constant 0 : i32
      %dma_start3A_86 = tpu.memref_slice %arg6[%add3A_71, %dma_start3A] : memref<20000x128xf32, #tpu.memory_space<hbm>> -> memref<128x128xf32, #tpu.memory_space<hbm>>
      %dma_start3A_87 = arith.constant 0 : i32
      %dma_start3A_88 = tpu.memref_slice %arg7[%add3A_66, %dma_start3A_87] : memref<10000x128xf32, #tpu.memory_space<vmem_shared>> -> memref<128x128xf32, #tpu.memory_space<vmem_shared>>
      tpu.enqueue_dma source(%dma_start3A_88 : memref<128x128xf32, #tpu.memory_space<vmem_shared>>) target(%dma_start3A_86 : memref<128x128xf32, #tpu.memory_space<hbm>>) target_semaphore(%run_scoped3A : memref<!tpu.dma_semaphore, #tpu.memory_space<semaphore_mem>>)
      %dma_wait3A = arith.constant 0 : i32
      %dma_wait3A_89 = tpu.memref_slice %arg6[%add3A_71, %dma_wait3A] : memref<20000x128xf32, #tpu.memory_space<hbm>> -> memref<128x128xf32, #tpu.memory_space<hbm>>
      %dma_wait3A_90 = arith.constant 0 : i32
      %dma_wait3A_91 = tpu.memref_slice %arg7[%add3A_66, %dma_wait3A_90] : memref<10000x128xf32, #tpu.memory_space<vmem_shared>> -> memref<128x128xf32, #tpu.memory_space<vmem_shared>>
      tpu.wait_dma2 semaphore(%run_scoped3A : memref<!tpu.dma_semaphore, #tpu.memory_space<semaphore_mem>>) src(%dma_wait3A_91 : memref<128x128xf32, #tpu.memory_space<vmem_shared>>) dst(%dma_wait3A_89 : memref<128x128xf32, #tpu.memory_space<hbm>>)
      tpu.yield
    }) : () -> ()
    %mul3A_72 = arith.constant 624 : i32
    %mul3A_73 = arith.muli %arg1, %mul3A_72 : i32
    %add3A_74 = arith.constant 512 : i32
    %add3A_75 = arith.addi %mul3A_73, %add3A_74 : i32
    %mul3A_76 = arith.constant 624 : i32
    %mul3A_77 = arith.muli %arg1, %mul3A_76 : i32
    %add3A_78 = arith.addi %mul3A_0, %mul3A_77 : i32
    %add3A_79 = arith.constant 512 : i32
    %add3A_80 = arith.addi %add3A_78, %add3A_79 : i32
    "tpu.region"() ({
      %run_scoped3A = tpu.sem_alloc : memref<!tpu.dma_semaphore, #tpu.memory_space<semaphore_mem>>
      %dma_start3A = arith.constant 0 : i32
      %dma_start3A_86 = tpu.memref_slice %arg6[%add3A_80, %dma_start3A] : memref<20000x128xf32, #tpu.memory_space<hbm>> -> memref<112x128xf32, #tpu.memory_space<hbm>>
      %dma_start3A_87 = arith.constant 0 : i32
      %dma_start3A_88 = tpu.memref_slice %arg7[%add3A_75, %dma_start3A_87] : memref<10000x128xf32, #tpu.memory_space<vmem_shared>> -> memref<112x128xf32, #tpu.memory_space<vmem_shared>>
      tpu.enqueue_dma source(%dma_start3A_88 : memref<112x128xf32, #tpu.memory_space<vmem_shared>>) target(%dma_start3A_86 : memref<112x128xf32, #tpu.memory_space<hbm>>) target_semaphore(%run_scoped3A : memref<!tpu.dma_semaphore, #tpu.memory_space<semaphore_mem>>)
      %dma_wait3A = arith.constant 0 : i32
      %dma_wait3A_89 = tpu.memref_slice %arg6[%add3A_80, %dma_wait3A] : memref<20000x128xf32, #tpu.memory_space<hbm>> -> memref<112x128xf32, #tpu.memory_space<hbm>>
      %dma_wait3A_90 = arith.constant 0 : i32
      %dma_wait3A_91 = tpu.memref_slice %arg7[%add3A_75, %dma_wait3A_90] : memref<10000x128xf32, #tpu.memory_space<vmem_shared>> -> memref<112x128xf32, #tpu.memory_space<vmem_shared>>
      tpu.wait_dma2 semaphore(%run_scoped3A : memref<!tpu.dma_semaphore, #tpu.memory_space<semaphore_mem>>) src(%dma_wait3A_91 : memref<112x128xf32, #tpu.memory_space<vmem_shared>>) dst(%dma_wait3A_89 : memref<112x128xf32, #tpu.memory_space<hbm>>)
      tpu.yield
    }) : () -> ()
    %eq3A_81 = arith.constant 0 : i32
    %eq3A_82 = arith.cmpi eq, %arg1, %eq3A_81 : i32
    %convert_element_type3A_83 = arith.extui %eq3A_82 : i1 to i32
    %cond3A_84 = arith.constant 0 : i32
    %cond3A_85 = arith.cmpi ne, %convert_element_type3A_83, %cond3A_84 : i32
    scf.if %cond3A_85 {
      %add3A_86 = arith.constant 9984 : i32
      %add3A_87 = arith.addi %mul3A_0, %add3A_86 : i32
      "tpu.region"() ({
        %run_scoped3A = tpu.sem_alloc : memref<!tpu.dma_semaphore, #tpu.memory_space<semaphore_mem>>
        %dma_start3A = arith.constant 0 : i32
        %dma_start3A_88 = tpu.memref_slice %arg6[%add3A_87, %dma_start3A] : memref<20000x128xf32, #tpu.memory_space<hbm>> -> memref<16x128xf32, #tpu.memory_space<hbm>>
        %dma_start3A_89 = arith.constant 9984 : i32
        %dma_start3A_90 = arith.constant 0 : i32
        %dma_start3A_91 = tpu.memref_slice %arg7[%dma_start3A_89, %dma_start3A_90] : memref<10000x128xf32, #tpu.memory_space<vmem_shared>> -> memref<16x128xf32, #tpu.memory_space<vmem_shared>>
        tpu.enqueue_dma source(%dma_start3A_91 : memref<16x128xf32, #tpu.memory_space<vmem_shared>>) target(%dma_start3A_88 : memref<16x128xf32, #tpu.memory_space<hbm>>) target_semaphore(%run_scoped3A : memref<!tpu.dma_semaphore, #tpu.memory_space<semaphore_mem>>)
        %dma_wait3A = arith.constant 0 : i32
        %dma_wait3A_92 = tpu.memref_slice %arg6[%add3A_87, %dma_wait3A] : memref<20000x128xf32, #tpu.memory_space<hbm>> -> memref<16x128xf32, #tpu.memory_space<hbm>>
        %dma_wait3A_93 = arith.constant 9984 : i32
        %dma_wait3A_94 = arith.constant 0 : i32
        %dma_wait3A_95 = tpu.memref_slice %arg7[%dma_wait3A_93, %dma_wait3A_94] : memref<10000x128xf32, #tpu.memory_space<vmem_shared>> -> memref<16x128xf32, #tpu.memory_space<vmem_shared>>
        tpu.wait_dma2 semaphore(%run_scoped3A : memref<!tpu.dma_semaphore, #tpu.memory_space<semaphore_mem>>) src(%dma_wait3A_95 : memref<16x128xf32, #tpu.memory_space<vmem_shared>>) dst(%dma_wait3A_92 : memref<16x128xf32, #tpu.memory_space<hbm>>)
        tpu.yield
      }) : () -> ()
    } else {
    }
    return
  }
}

#map = affine_map<(d0, d1) -> (0, 0)>
#map1 = affine_map<(d0, d1) -> (0, 0, 0)>
module attributes {stable_mosaic.version = 14 : i64} {
  func.func @_sc_propagate(%arg0: i32, %arg1: i32, %arg2: memref<20000x128xf32, #tpu.memory_space<hbm>>, %arg3: memref<16x80x128xi32, #tpu.memory_space<hbm>>, %arg4: memref<16x80x128xi32, #tpu.memory_space<hbm>>, %arg5: memref<16x80x128xf32, #tpu.memory_space<hbm>>, %arg6: memref<20000x128xf32, #tpu.memory_space<hbm>>, %arg7: memref<10000x128xf32, #tpu.memory_space<vmem_shared>>, %arg8: memref<16x128xi32, #tpu.memory_space<vmem>>, %arg9: memref<16x128xi32, #tpu.memory_space<vmem>>, %arg10: memref<16x128xf32, #tpu.memory_space<vmem>>, %arg11: memref<128x128xf32, #tpu.memory_space<vmem>>, %arg12: memref<128x128xf32, #tpu.memory_space<vmem>>, %arg13: memref<!tpu.dma_semaphore, #tpu.memory_space<semaphore_mem>>, %arg14: memref<!tpu.dma_semaphore, #tpu.memory_space<semaphore_mem>>, %arg15: memref<!tpu.dma_semaphore, #tpu.memory_space<semaphore_mem>>, %arg16: memref<!tpu.dma_semaphore, #tpu.memory_space<semaphore_mem>>) attributes {dimension_semantics = [#tpu.dimension_semantics<core_parallel>, #tpu.dimension_semantics<subcore_parallel>], iteration_bounds = array<i64: 2, 16>, scalar_prefetch = 0 : i64, scratch_operands = 10 : i64, tpu.core_type = #tpu.core_type<sc_vector_subcore>, window_params = [{transform_indices = #map}, {transform_indices = #map1}, {transform_indices = #map1}, {transform_indices = #map1}, {transform_indices = #map}]} {
    %mul3A = arith.constant 10000 : i32
    %mul3A_0 = arith.muli %arg0, %mul3A : i32
    %broadcast_in_dim3A = arith.constant 0.000000e+00 : f32
    %broadcast_in_dim3A_1 = vector.broadcast %broadcast_in_dim3A : f32 to vector<16xf32>
    %scan3A = arith.constant 0 : i32
    %scan3A_2 = arith.constant 0 : i32
    %scan3A_3 = arith.constant 128 : i32
    %scan3A_4 = arith.addi %scan3A_2, %scan3A_3 : i32
    %scan3A_5 = arith.constant 1 : i32
    scf.for %scan3A_86 = %scan3A_2 to %scan3A_4 step %scan3A_5  : i32 {
      %swap3A = arith.index_cast %scan3A_86 : i32 to index
      %swap3A_87 = arith.constant 0 : index
      %swap3A_88 = tpu.vector_load %arg11[%swap3A, %swap3A_87] {strides = array<i32>} : memref<128x128xf32, #tpu.memory_space<vmem>>, vector<1x16xf32>,
      %swap3A_89 = vector.shape_cast %swap3A_88 : vector<1x16xf32> to vector<16xf32>
      %swap3A_90 = vector.shape_cast %broadcast_in_dim3A_1 : vector<16xf32> to vector<1x16xf32>
      tpu.vector_store %arg11[%swap3A, %swap3A_87], %swap3A_90 {strides = array<i32>} : memref<128x128xf32, #tpu.memory_space<vmem>>, vector<1x16xf32>,
      %swap3A_91 = arith.index_cast %scan3A_86 : i32 to index
      %swap3A_92 = arith.constant 16 : index
      %swap3A_93 = tpu.vector_load %arg11[%swap3A_91, %swap3A_92] {strides = array<i32>} : memref<128x128xf32, #tpu.memory_space<vmem>>, vector<1x16xf32>,
      %swap3A_94 = vector.shape_cast %swap3A_93 : vector<1x16xf32> to vector<16xf32>
      %swap3A_95 = vector.shape_cast %broadcast_in_dim3A_1 : vector<16xf32> to vector<1x16xf32>
      tpu.vector_store %arg11[%swap3A_91, %swap3A_92], %swap3A_95 {strides = array<i32>} : memref<128x128xf32, #tpu.memory_space<vmem>>, vector<1x16xf32>,
      %swap3A_96 = arith.index_cast %scan3A_86 : i32 to index
      %swap3A_97 = arith.constant 32 : index
      %swap3A_98 = tpu.vector_load %arg11[%swap3A_96, %swap3A_97] {strides = array<i32>} : memref<128x128xf32, #tpu.memory_space<vmem>>, vector<1x16xf32>,
      %swap3A_99 = vector.shape_cast %swap3A_98 : vector<1x16xf32> to vector<16xf32>
      %swap3A_100 = vector.shape_cast %broadcast_in_dim3A_1 : vector<16xf32> to vector<1x16xf32>
      tpu.vector_store %arg11[%swap3A_96, %swap3A_97], %swap3A_100 {strides = array<i32>} : memref<128x128xf32, #tpu.memory_space<vmem>>, vector<1x16xf32>,
      %swap3A_101 = arith.index_cast %scan3A_86 : i32 to index
      %swap3A_102 = arith.constant 48 : index
      %swap3A_103 = tpu.vector_load %arg11[%swap3A_101, %swap3A_102] {strides = array<i32>} : memref<128x128xf32, #tpu.memory_space<vmem>>, vector<1x16xf32>,
      %swap3A_104 = vector.shape_cast %swap3A_103 : vector<1x16xf32> to vector<16xf32>
      %swap3A_105 = vector.shape_cast %broadcast_in_dim3A_1 : vector<16xf32> to vector<1x16xf32>
      tpu.vector_store %arg11[%swap3A_101, %swap3A_102], %swap3A_105 {strides = array<i32>} : memref<128x128xf32, #tpu.memory_space<vmem>>, vector<1x16xf32>,
      %swap3A_106 = arith.index_cast %scan3A_86 : i32 to index
      %swap3A_107 = arith.constant 64 : index
      %swap3A_108 = tpu.vector_load %arg11[%swap3A_106, %swap3A_107] {strides = array<i32>} : memref<128x128xf32, #tpu.memory_space<vmem>>, vector<1x16xf32>,
      %swap3A_109 = vector.shape_cast %swap3A_108 : vector<1x16xf32> to vector<16xf32>
      %swap3A_110 = vector.shape_cast %broadcast_in_dim3A_1 : vector<16xf32> to vector<1x16xf32>
      tpu.vector_store %arg11[%swap3A_106, %swap3A_107], %swap3A_110 {strides = array<i32>} : memref<128x128xf32, #tpu.memory_space<vmem>>, vector<1x16xf32>,
      %swap3A_111 = arith.index_cast %scan3A_86 : i32 to index
      %swap3A_112 = arith.constant 80 : index
      %swap3A_113 = tpu.vector_load %arg11[%swap3A_111, %swap3A_112] {strides = array<i32>} : memref<128x128xf32, #tpu.memory_space<vmem>>, vector<1x16xf32>,
      %swap3A_114 = vector.shape_cast %swap3A_113 : vector<1x16xf32> to vector<16xf32>
      %swap3A_115 = vector.shape_cast %broadcast_in_dim3A_1 : vector<16xf32> to vector<1x16xf32>
      tpu.vector_store %arg11[%swap3A_111, %swap3A_112], %swap3A_115 {strides = array<i32>} : memref<128x128xf32, #tpu.memory_space<vmem>>, vector<1x16xf32>,
      %swap3A_116 = arith.index_cast %scan3A_86 : i32 to index
      %swap3A_117 = arith.constant 96 : index
      %swap3A_118 = tpu.vector_load %arg11[%swap3A_116, %swap3A_117] {strides = array<i32>} : memref<128x128xf32, #tpu.memory_space<vmem>>, vector<1x16xf32>,
      %swap3A_119 = vector.shape_cast %swap3A_118 : vector<1x16xf32> to vector<16xf32>
      %swap3A_120 = vector.shape_cast %broadcast_in_dim3A_1 : vector<16xf32> to vector<1x16xf32>
      tpu.vector_store %arg11[%swap3A_116, %swap3A_117], %swap3A_120 {strides = array<i32>} : memref<128x128xf32, #tpu.memory_space<vmem>>, vector<1x16xf32>,
      %swap3A_121 = arith.index_cast %scan3A_86 : i32 to index
      %swap3A_122 = arith.constant 112 : index
      %swap3A_123 = tpu.vector_load %arg11[%swap3A_121, %swap3A_122] {strides = array<i32>} : memref<128x128xf32, #tpu.memory_space<vmem>>, vector<1x16xf32>,
      %swap3A_124 = vector.shape_cast %swap3A_123 : vector<1x16xf32> to vector<16xf32>
      %swap3A_125 = vector.shape_cast %broadcast_in_dim3A_1 : vector<16xf32> to vector<1x16xf32>
      tpu.vector_store %arg11[%swap3A_121, %swap3A_122], %swap3A_125 {strides = array<i32>} : memref<128x128xf32, #tpu.memory_space<vmem>>, vector<1x16xf32>,
    }
    %scan3A_6 = arith.constant 128 : i32
    %mul3A_7 = arith.constant 624 : i32
    %mul3A_8 = arith.muli %arg1, %mul3A_7 : i32
    %add3A = arith.constant 0 : i32
    %add3A_9 = arith.addi %mul3A_8, %add3A : i32
    "tpu.region"() ({
      %run_scoped3A = tpu.sem_alloc : memref<!tpu.dma_semaphore, #tpu.memory_space<semaphore_mem>>
      %dma_start3A = arith.constant 0 : i32
      %dma_start3A_86 = tpu.memref_slice %arg7[%add3A_9, %dma_start3A] : memref<10000x128xf32, #tpu.memory_space<vmem_shared>> -> memref<128x128xf32, #tpu.memory_space<vmem_shared>>
      %dma_start3A_87 = arith.constant 0 : i32
      %dma_start3A_88 = tpu.memref_slice %arg7[%add3A_9, %dma_start3A_87] : memref<10000x128xf32, #tpu.memory_space<vmem_shared>> -> memref<128x128xf32, #tpu.memory_space<vmem_shared>>
      tpu.enqueue_dma source(%arg11 : memref<128x128xf32, #tpu.memory_space<vmem>>) target(%dma_start3A_88 : memref<128x128xf32, #tpu.memory_space<vmem_shared>>) target_semaphore(%run_scoped3A : memref<!tpu.dma_semaphore, #tpu.memory_space<semaphore_mem>>)
      %dma_wait3A = arith.constant 0 : i32
      %dma_wait3A_89 = tpu.memref_slice %arg7[%add3A_9, %dma_wait3A] : memref<10000x128xf32, #tpu.memory_space<vmem_shared>> -> memref<128x128xf32, #tpu.memory_space<vmem_shared>>
      %dma_wait3A_90 = arith.constant 0 : i32
      %dma_wait3A_91 = tpu.memref_slice %arg7[%add3A_9, %dma_wait3A_90] : memref<10000x128xf32, #tpu.memory_space<vmem_shared>> -> memref<128x128xf32, #tpu.memory_space<vmem_shared>>
      tpu.wait_dma2 semaphore(%run_scoped3A : memref<!tpu.dma_semaphore, #tpu.memory_space<semaphore_mem>>) src(%arg11 : memref<128x128xf32, #tpu.memory_space<vmem>>) dst(%dma_wait3A_91 : memref<128x128xf32, #tpu.memory_space<vmem_shared>>)
      tpu.yield
    }) : () -> ()
    %mul3A_10 = arith.constant 624 : i32
    %mul3A_11 = arith.muli %arg1, %mul3A_10 : i32
    %add3A_12 = arith.constant 128 : i32
    %add3A_13 = arith.addi %mul3A_11, %add3A_12 : i32
    "tpu.region"() ({
      %run_scoped3A = tpu.sem_alloc : memref<!tpu.dma_semaphore, #tpu.memory_space<semaphore_mem>>
      %dma_start3A = arith.constant 0 : i32
      %dma_start3A_86 = tpu.memref_slice %arg7[%add3A_13, %dma_start3A] : memref<10000x128xf32, #tpu.memory_space<vmem_shared>> -> memref<128x128xf32, #tpu.memory_space<vmem_shared>>
      %dma_start3A_87 = arith.constant 0 : i32
      %dma_start3A_88 = tpu.memref_slice %arg7[%add3A_13, %dma_start3A_87] : memref<10000x128xf32, #tpu.memory_space<vmem_shared>> -> memref<128x128xf32, #tpu.memory_space<vmem_shared>>
      tpu.enqueue_dma source(%arg11 : memref<128x128xf32, #tpu.memory_space<vmem>>) target(%dma_start3A_88 : memref<128x128xf32, #tpu.memory_space<vmem_shared>>) target_semaphore(%run_scoped3A : memref<!tpu.dma_semaphore, #tpu.memory_space<semaphore_mem>>)
      %dma_wait3A = arith.constant 0 : i32
      %dma_wait3A_89 = tpu.memref_slice %arg7[%add3A_13, %dma_wait3A] : memref<10000x128xf32, #tpu.memory_space<vmem_shared>> -> memref<128x128xf32, #tpu.memory_space<vmem_shared>>
      %dma_wait3A_90 = arith.constant 0 : i32
      %dma_wait3A_91 = tpu.memref_slice %arg7[%add3A_13, %dma_wait3A_90] : memref<10000x128xf32, #tpu.memory_space<vmem_shared>> -> memref<128x128xf32, #tpu.memory_space<vmem_shared>>
      tpu.wait_dma2 semaphore(%run_scoped3A : memref<!tpu.dma_semaphore, #tpu.memory_space<semaphore_mem>>) src(%arg11 : memref<128x128xf32, #tpu.memory_space<vmem>>) dst(%dma_wait3A_91 : memref<128x128xf32, #tpu.memory_space<vmem_shared>>)
      tpu.yield
    }) : () -> ()
    %mul3A_14 = arith.constant 624 : i32
    %mul3A_15 = arith.muli %arg1, %mul3A_14 : i32
    %add3A_16 = arith.constant 256 : i32
    %add3A_17 = arith.addi %mul3A_15, %add3A_16 : i32
    "tpu.region"() ({
      %run_scoped3A = tpu.sem_alloc : memref<!tpu.dma_semaphore, #tpu.memory_space<semaphore_mem>>
      %dma_start3A = arith.constant 0 : i32
      %dma_start3A_86 = tpu.memref_slice %arg7[%add3A_17, %dma_start3A] : memref<10000x128xf32, #tpu.memory_space<vmem_shared>> -> memref<128x128xf32, #tpu.memory_space<vmem_shared>>
      %dma_start3A_87 = arith.constant 0 : i32
      %dma_start3A_88 = tpu.memref_slice %arg7[%add3A_17, %dma_start3A_87] : memref<10000x128xf32, #tpu.memory_space<vmem_shared>> -> memref<128x128xf32, #tpu.memory_space<vmem_shared>>
      tpu.enqueue_dma source(%arg11 : memref<128x128xf32, #tpu.memory_space<vmem>>) target(%dma_start3A_88 : memref<128x128xf32, #tpu.memory_space<vmem_shared>>) target_semaphore(%run_scoped3A : memref<!tpu.dma_semaphore, #tpu.memory_space<semaphore_mem>>)
      %dma_wait3A = arith.constant 0 : i32
      %dma_wait3A_89 = tpu.memref_slice %arg7[%add3A_17, %dma_wait3A] : memref<10000x128xf32, #tpu.memory_space<vmem_shared>> -> memref<128x128xf32, #tpu.memory_space<vmem_shared>>
      %dma_wait3A_90 = arith.constant 0 : i32
      %dma_wait3A_91 = tpu.memref_slice %arg7[%add3A_17, %dma_wait3A_90] : memref<10000x128xf32, #tpu.memory_space<vmem_shared>> -> memref<128x128xf32, #tpu.memory_space<vmem_shared>>
      tpu.wait_dma2 semaphore(%run_scoped3A : memref<!tpu.dma_semaphore, #tpu.memory_space<semaphore_mem>>) src(%arg11 : memref<128x128xf32, #tpu.memory_space<vmem>>) dst(%dma_wait3A_91 : memref<128x128xf32, #tpu.memory_space<vmem_shared>>)
      tpu.yield
    }) : () -> ()
    %mul3A_18 = arith.constant 624 : i32
    %mul3A_19 = arith.muli %arg1, %mul3A_18 : i32
    %add3A_20 = arith.constant 384 : i32
    %add3A_21 = arith.addi %mul3A_19, %add3A_20 : i32
    "tpu.region"() ({
      %run_scoped3A = tpu.sem_alloc : memref<!tpu.dma_semaphore, #tpu.memory_space<semaphore_mem>>
      %dma_start3A = arith.constant 0 : i32
      %dma_start3A_86 = tpu.memref_slice %arg7[%add3A_21, %dma_start3A] : memref<10000x128xf32, #tpu.memory_space<vmem_shared>> -> memref<128x128xf32, #tpu.memory_space<vmem_shared>>
      %dma_start3A_87 = arith.constant 0 : i32
      %dma_start3A_88 = tpu.memref_slice %arg7[%add3A_21, %dma_start3A_87] : memref<10000x128xf32, #tpu.memory_space<vmem_shared>> -> memref<128x128xf32, #tpu.memory_space<vmem_shared>>
      tpu.enqueue_dma source(%arg11 : memref<128x128xf32, #tpu.memory_space<vmem>>) target(%dma_start3A_88 : memref<128x128xf32, #tpu.memory_space<vmem_shared>>) target_semaphore(%run_scoped3A : memref<!tpu.dma_semaphore, #tpu.memory_space<semaphore_mem>>)
      %dma_wait3A = arith.constant 0 : i32
      %dma_wait3A_89 = tpu.memref_slice %arg7[%add3A_21, %dma_wait3A] : memref<10000x128xf32, #tpu.memory_space<vmem_shared>> -> memref<128x128xf32, #tpu.memory_space<vmem_shared>>
      %dma_wait3A_90 = arith.constant 0 : i32
      %dma_wait3A_91 = tpu.memref_slice %arg7[%add3A_21, %dma_wait3A_90] : memref<10000x128xf32, #tpu.memory_space<vmem_shared>> -> memref<128x128xf32, #tpu.memory_space<vmem_shared>>
      tpu.wait_dma2 semaphore(%run_scoped3A : memref<!tpu.dma_semaphore, #tpu.memory_space<semaphore_mem>>) src(%arg11 : memref<128x128xf32, #tpu.memory_space<vmem>>) dst(%dma_wait3A_91 : memref<128x128xf32, #tpu.memory_space<vmem_shared>>)
      tpu.yield
    }) : () -> ()
    %mul3A_22 = arith.constant 624 : i32
    %mul3A_23 = arith.muli %arg1, %mul3A_22 : i32
    %add3A_24 = arith.constant 512 : i32
    %add3A_25 = arith.addi %mul3A_23, %add3A_24 : i32
    "tpu.region"() ({
      %run_scoped3A = tpu.sem_alloc : memref<!tpu.dma_semaphore, #tpu.memory_space<semaphore_mem>>
      %dma_start3A = arith.constant 0 : i32
      %dma_start3A_86 = arith.constant 0 : i32
      %dma_start3A_87 = tpu.memref_slice %arg11[%dma_start3A, %dma_start3A_86] : memref<128x128xf32, #tpu.memory_space<vmem>> -> memref<112x128xf32, #tpu.memory_space<vmem>>
      %dma_start3A_88 = arith.constant 0 : i32
      %dma_start3A_89 = tpu.memref_slice %arg7[%add3A_25, %dma_start3A_88] : memref<10000x128xf32, #tpu.memory_space<vmem_shared>> -> memref<112x128xf32, #tpu.memory_space<vmem_shared>>
      %dma_start3A_90 = arith.constant 0 : i32
      %dma_start3A_91 = tpu.memref_slice %arg7[%add3A_25, %dma_start3A_90] : memref<10000x128xf32, #tpu.memory_space<vmem_shared>> -> memref<112x128xf32, #tpu.memory_space<vmem_shared>>
      %dma_start3A_92 = arith.constant 0 : i32
      %dma_start3A_93 = arith.constant 0 : i32
      %dma_start3A_94 = tpu.memref_slice %arg11[%dma_start3A_92, %dma_start3A_93] : memref<128x128xf32, #tpu.memory_space<vmem>> -> memref<112x128xf32, #tpu.memory_space<vmem>>
      tpu.enqueue_dma source(%dma_start3A_94 : memref<112x128xf32, #tpu.memory_space<vmem>>) target(%dma_start3A_91 : memref<112x128xf32, #tpu.memory_space<vmem_shared>>) target_semaphore(%run_scoped3A : memref<!tpu.dma_semaphore, #tpu.memory_space<semaphore_mem>>)
      %dma_wait3A = arith.constant 0 : i32
      %dma_wait3A_95 = arith.constant 0 : i32
      %dma_wait3A_96 = tpu.memref_slice %arg11[%dma_wait3A, %dma_wait3A_95] : memref<128x128xf32, #tpu.memory_space<vmem>> -> memref<112x128xf32, #tpu.memory_space<vmem>>
      %dma_wait3A_97 = arith.constant 0 : i32
      %dma_wait3A_98 = tpu.memref_slice %arg7[%add3A_25, %dma_wait3A_97] : memref<10000x128xf32, #tpu.memory_space<vmem_shared>> -> memref<112x128xf32, #tpu.memory_space<vmem_shared>>
      %dma_wait3A_99 = arith.constant 0 : i32
      %dma_wait3A_100 = tpu.memref_slice %arg7[%add3A_25, %dma_wait3A_99] : memref<10000x128xf32, #tpu.memory_space<vmem_shared>> -> memref<112x128xf32, #tpu.memory_space<vmem_shared>>
      %dma_wait3A_101 = arith.constant 0 : i32
      %dma_wait3A_102 = arith.constant 0 : i32
      %dma_wait3A_103 = tpu.memref_slice %arg11[%dma_wait3A_101, %dma_wait3A_102] : memref<128x128xf32, #tpu.memory_space<vmem>> -> memref<112x128xf32, #tpu.memory_space<vmem>>
      tpu.wait_dma2 semaphore(%run_scoped3A : memref<!tpu.dma_semaphore, #tpu.memory_space<semaphore_mem>>) src(%dma_wait3A_103 : memref<112x128xf32, #tpu.memory_space<vmem>>) dst(%dma_wait3A_100 : memref<112x128xf32, #tpu.memory_space<vmem_shared>>)
      tpu.yield
    }) : () -> ()
    %eq3A = arith.constant 0 : i32
    %eq3A_26 = arith.cmpi eq, %arg1, %eq3A : i32
    %convert_element_type3A = arith.extui %eq3A_26 : i1 to i32
    %cond3A = arith.constant 0 : i32
    %cond3A_27 = arith.cmpi ne, %convert_element_type3A, %cond3A : i32
    scf.if %cond3A_27 {
      "tpu.region"() ({
        %run_scoped3A = tpu.sem_alloc : memref<!tpu.dma_semaphore, #tpu.memory_space<semaphore_mem>>
        %dma_start3A = arith.constant 0 : i32
        %dma_start3A_86 = arith.constant 0 : i32
        %dma_start3A_87 = tpu.memref_slice %arg11[%dma_start3A, %dma_start3A_86] : memref<128x128xf32, #tpu.memory_space<vmem>> -> memref<16x128xf32, #tpu.memory_space<vmem>>
        %dma_start3A_88 = arith.constant 9984 : i32
        %dma_start3A_89 = arith.constant 0 : i32
        %dma_start3A_90 = tpu.memref_slice %arg7[%dma_start3A_88, %dma_start3A_89] : memref<10000x128xf32, #tpu.memory_space<vmem_shared>> -> memref<16x128xf32, #tpu.memory_space<vmem_shared>>
        %dma_start3A_91 = arith.constant 9984 : i32
        %dma_start3A_92 = arith.constant 0 : i32
        %dma_start3A_93 = tpu.memref_slice %arg7[%dma_start3A_91, %dma_start3A_92] : memref<10000x128xf32, #tpu.memory_space<vmem_shared>> -> memref<16x128xf32, #tpu.memory_space<vmem_shared>>
        %dma_start3A_94 = arith.constant 0 : i32
        %dma_start3A_95 = arith.constant 0 : i32
        %dma_start3A_96 = tpu.memref_slice %arg11[%dma_start3A_94, %dma_start3A_95] : memref<128x128xf32, #tpu.memory_space<vmem>> -> memref<16x128xf32, #tpu.memory_space<vmem>>
        tpu.enqueue_dma source(%dma_start3A_96 : memref<16x128xf32, #tpu.memory_space<vmem>>) target(%dma_start3A_93 : memref<16x128xf32, #tpu.memory_space<vmem_shared>>) target_semaphore(%run_scoped3A : memref<!tpu.dma_semaphore, #tpu.memory_space<semaphore_mem>>)
        %dma_wait3A = arith.constant 0 : i32
        %dma_wait3A_97 = arith.constant 0 : i32
        %dma_wait3A_98 = tpu.memref_slice %arg11[%dma_wait3A, %dma_wait3A_97] : memref<128x128xf32, #tpu.memory_space<vmem>> -> memref<16x128xf32, #tpu.memory_space<vmem>>
        %dma_wait3A_99 = arith.constant 9984 : i32
        %dma_wait3A_100 = arith.constant 0 : i32
        %dma_wait3A_101 = tpu.memref_slice %arg7[%dma_wait3A_99, %dma_wait3A_100] : memref<10000x128xf32, #tpu.memory_space<vmem_shared>> -> memref<16x128xf32, #tpu.memory_space<vmem_shared>>
        %dma_wait3A_102 = arith.constant 9984 : i32
        %dma_wait3A_103 = arith.constant 0 : i32
        %dma_wait3A_104 = tpu.memref_slice %arg7[%dma_wait3A_102, %dma_wait3A_103] : memref<10000x128xf32, #tpu.memory_space<vmem_shared>> -> memref<16x128xf32, #tpu.memory_space<vmem_shared>>
        %dma_wait3A_105 = arith.constant 0 : i32
        %dma_wait3A_106 = arith.constant 0 : i32
        %dma_wait3A_107 = tpu.memref_slice %arg11[%dma_wait3A_105, %dma_wait3A_106] : memref<128x128xf32, #tpu.memory_space<vmem>> -> memref<16x128xf32, #tpu.memory_space<vmem>>
        tpu.wait_dma2 semaphore(%run_scoped3A : memref<!tpu.dma_semaphore, #tpu.memory_space<semaphore_mem>>) src(%dma_wait3A_107 : memref<16x128xf32, #tpu.memory_space<vmem>>) dst(%dma_wait3A_104 : memref<16x128xf32, #tpu.memory_space<vmem_shared>>)
        tpu.yield
      }) : () -> ()
    } else {
    }
    %barrier3A = arith.constant 0 : index
    tpu.barrier barrier_id(%barrier3A)
    %broadcast_in_dim3A_28 = vector.broadcast %mul3A_0 : i32 to vector<16xi32>
    %scan3A_29 = arith.constant 0 : i32
    %scan3A_30 = arith.constant 0 : i32
    %scan3A_31 = arith.constant 5 : i32
    %scan3A_32 = arith.addi %scan3A_30, %scan3A_31 : i32
    %scan3A_33 = arith.constant 1 : i32
    scf.for %scan3A_86 = %scan3A_30 to %scan3A_32 step %scan3A_33  : i32 {
      %mul3A_87 = arith.constant 16 : i32
      %mul3A_88 = arith.muli %scan3A_86, %mul3A_87 : i32
      "tpu.region"() ({
        %run_scoped3A = tpu.sem_alloc : memref<!tpu.dma_semaphore, #tpu.memory_space<semaphore_mem>>
        %dma_start3A_129 = arith.constant 0 : i32
        %dma_start3A_130 = tpu.memref_slice %arg3[%arg1, %mul3A_88, %dma_start3A_129] : memref<16x80x128xi32, #tpu.memory_space<hbm>> -> memref<1x16x128xi32, #tpu.memory_space<hbm>>
        %dma_start3A_131 = tpu.memref_squeeze %dma_start3A_130 : memref<1x16x128xi32, #tpu.memory_space<hbm>> -> memref<16x128xi32, #tpu.memory_space<hbm>>
        %dma_start3A_132 = arith.constant 0 : i32
        %dma_start3A_133 = tpu.memref_slice %arg3[%arg1, %mul3A_88, %dma_start3A_132] : memref<16x80x128xi32, #tpu.memory_space<hbm>> -> memref<1x16x128xi32, #tpu.memory_space<hbm>>
        %dma_start3A_134 = tpu.memref_squeeze %dma_start3A_133 : memref<1x16x128xi32, #tpu.memory_space<hbm>> -> memref<16x128xi32, #tpu.memory_space<hbm>>
        tpu.enqueue_dma source(%dma_start3A_134 : memref<16x128xi32, #tpu.memory_space<hbm>>) target(%arg8 : memref<16x128xi32, #tpu.memory_space<vmem>>) target_semaphore(%run_scoped3A : memref<!tpu.dma_semaphore, #tpu.memory_space<semaphore_mem>>)
        %dma_wait3A_135 = arith.constant 0 : i32
        %dma_wait3A_136 = tpu.memref_slice %arg3[%arg1, %mul3A_88, %dma_wait3A_135] : memref<16x80x128xi32, #tpu.memory_space<hbm>> -> memref<1x16x128xi32, #tpu.memory_space<hbm>>
        %dma_wait3A_137 = tpu.memref_squeeze %dma_wait3A_136 : memref<1x16x128xi32, #tpu.memory_space<hbm>> -> memref<16x128xi32, #tpu.memory_space<hbm>>
        %dma_wait3A_138 = arith.constant 0 : i32
        %dma_wait3A_139 = tpu.memref_slice %arg3[%arg1, %mul3A_88, %dma_wait3A_138] : memref<16x80x128xi32, #tpu.memory_space<hbm>> -> memref<1x16x128xi32, #tpu.memory_space<hbm>>
        %dma_wait3A_140 = tpu.memref_squeeze %dma_wait3A_139 : memref<1x16x128xi32, #tpu.memory_space<hbm>> -> memref<16x128xi32, #tpu.memory_space<hbm>>
        tpu.wait_dma2 semaphore(%run_scoped3A : memref<!tpu.dma_semaphore, #tpu.memory_space<semaphore_mem>>) src(%dma_wait3A_140 : memref<16x128xi32, #tpu.memory_space<hbm>>) dst(%arg8 : memref<16x128xi32, #tpu.memory_space<vmem>>)
        tpu.yield
      }) : () -> ()
      %mul3A_89 = arith.constant 16 : i32
      %mul3A_90 = arith.muli %scan3A_86, %mul3A_89 : i32
      "tpu.region"() ({
        %run_scoped3A = tpu.sem_alloc : memref<!tpu.dma_semaphore, #tpu.memory_space<semaphore_mem>>
        %dma_start3A_129 = arith.constant 0 : i32
        %dma_start3A_130 = tpu.memref_slice %arg4[%arg1, %mul3A_90, %dma_start3A_129] : memref<16x80x128xi32, #tpu.memory_space<hbm>> -> memref<1x16x128xi32, #tpu.memory_space<hbm>>
        %dma_start3A_131 = tpu.memref_squeeze %dma_start3A_130 : memref<1x16x128xi32, #tpu.memory_space<hbm>> -> memref<16x128xi32, #tpu.memory_space<hbm>>
        %dma_start3A_132 = arith.constant 0 : i32
        %dma_start3A_133 = tpu.memref_slice %arg4[%arg1, %mul3A_90, %dma_start3A_132] : memref<16x80x128xi32, #tpu.memory_space<hbm>> -> memref<1x16x128xi32, #tpu.memory_space<hbm>>
        %dma_start3A_134 = tpu.memref_squeeze %dma_start3A_133 : memref<1x16x128xi32, #tpu.memory_space<hbm>> -> memref<16x128xi32, #tpu.memory_space<hbm>>
        tpu.enqueue_dma source(%dma_start3A_134 : memref<16x128xi32, #tpu.memory_space<hbm>>) target(%arg9 : memref<16x128xi32, #tpu.memory_space<vmem>>) target_semaphore(%run_scoped3A : memref<!tpu.dma_semaphore, #tpu.memory_space<semaphore_mem>>)
        %dma_wait3A_135 = arith.constant 0 : i32
        %dma_wait3A_136 = tpu.memref_slice %arg4[%arg1, %mul3A_90, %dma_wait3A_135] : memref<16x80x128xi32, #tpu.memory_space<hbm>> -> memref<1x16x128xi32, #tpu.memory_space<hbm>>
        %dma_wait3A_137 = tpu.memref_squeeze %dma_wait3A_136 : memref<1x16x128xi32, #tpu.memory_space<hbm>> -> memref<16x128xi32, #tpu.memory_space<hbm>>
        %dma_wait3A_138 = arith.constant 0 : i32
        %dma_wait3A_139 = tpu.memref_slice %arg4[%arg1, %mul3A_90, %dma_wait3A_138] : memref<16x80x128xi32, #tpu.memory_space<hbm>> -> memref<1x16x128xi32, #tpu.memory_space<hbm>>
        %dma_wait3A_140 = tpu.memref_squeeze %dma_wait3A_139 : memref<1x16x128xi32, #tpu.memory_space<hbm>> -> memref<16x128xi32, #tpu.memory_space<hbm>>
        tpu.wait_dma2 semaphore(%run_scoped3A : memref<!tpu.dma_semaphore, #tpu.memory_space<semaphore_mem>>) src(%dma_wait3A_140 : memref<16x128xi32, #tpu.memory_space<hbm>>) dst(%arg9 : memref<16x128xi32, #tpu.memory_space<vmem>>)
        tpu.yield
      }) : () -> ()
      %mul3A_91 = arith.constant 16 : i32
      %mul3A_92 = arith.muli %scan3A_86, %mul3A_91 : i32
      "tpu.region"() ({
        %run_scoped3A = tpu.sem_alloc : memref<!tpu.dma_semaphore, #tpu.memory_space<semaphore_mem>>
        %dma_start3A_129 = arith.constant 0 : i32
        %dma_start3A_130 = tpu.memref_slice %arg5[%arg1, %mul3A_92, %dma_start3A_129] : memref<16x80x128xf32, #tpu.memory_space<hbm>> -> memref<1x16x128xf32, #tpu.memory_space<hbm>>
        %dma_start3A_131 = tpu.memref_squeeze %dma_start3A_130 : memref<1x16x128xf32, #tpu.memory_space<hbm>> -> memref<16x128xf32, #tpu.memory_space<hbm>>
        %dma_start3A_132 = arith.constant 0 : i32
        %dma_start3A_133 = tpu.memref_slice %arg5[%arg1, %mul3A_92, %dma_start3A_132] : memref<16x80x128xf32, #tpu.memory_space<hbm>> -> memref<1x16x128xf32, #tpu.memory_space<hbm>>
        %dma_start3A_134 = tpu.memref_squeeze %dma_start3A_133 : memref<1x16x128xf32, #tpu.memory_space<hbm>> -> memref<16x128xf32, #tpu.memory_space<hbm>>
        tpu.enqueue_dma source(%dma_start3A_134 : memref<16x128xf32, #tpu.memory_space<hbm>>) target(%arg10 : memref<16x128xf32, #tpu.memory_space<vmem>>) target_semaphore(%run_scoped3A : memref<!tpu.dma_semaphore, #tpu.memory_space<semaphore_mem>>)
        %dma_wait3A_135 = arith.constant 0 : i32
        %dma_wait3A_136 = tpu.memref_slice %arg5[%arg1, %mul3A_92, %dma_wait3A_135] : memref<16x80x128xf32, #tpu.memory_space<hbm>> -> memref<1x16x128xf32, #tpu.memory_space<hbm>>
        %dma_wait3A_137 = tpu.memref_squeeze %dma_wait3A_136 : memref<1x16x128xf32, #tpu.memory_space<hbm>> -> memref<16x128xf32, #tpu.memory_space<hbm>>
        %dma_wait3A_138 = arith.constant 0 : i32
        %dma_wait3A_139 = tpu.memref_slice %arg5[%arg1, %mul3A_92, %dma_wait3A_138] : memref<16x80x128xf32, #tpu.memory_space<hbm>> -> memref<1x16x128xf32, #tpu.memory_space<hbm>>
        %dma_wait3A_140 = tpu.memref_squeeze %dma_wait3A_139 : memref<1x16x128xf32, #tpu.memory_space<hbm>> -> memref<16x128xf32, #tpu.memory_space<hbm>>
        tpu.wait_dma2 semaphore(%run_scoped3A : memref<!tpu.dma_semaphore, #tpu.memory_space<semaphore_mem>>) src(%dma_wait3A_140 : memref<16x128xf32, #tpu.memory_space<hbm>>) dst(%arg10 : memref<16x128xf32, #tpu.memory_space<vmem>>)
        tpu.yield
      }) : () -> ()
      %scan3A_93 = arith.constant 0 : i32
      %scan3A_94 = arith.constant 0 : i32
      %scan3A_95 = arith.constant 16 : i32
      %scan3A_96 = arith.addi %scan3A_94, %scan3A_95 : i32
      %scan3A_97 = arith.constant 1 : i32
      scf.for %scan3A_129 = %scan3A_94 to %scan3A_96 step %scan3A_97  : i32 {
        %get3A = arith.index_cast %scan3A_129 : i32 to index
        %get3A_130 = arith.constant 0 : index
        %get3A_131 = tpu.vector_load %arg8[%get3A, %get3A_130] {strides = array<i32>} : memref<16x128xi32, #tpu.memory_space<vmem>>, vector<1x16xi32>,
        %get3A_132 = vector.shape_cast %get3A_131 : vector<1x16xi32> to vector<16xi32>
        %add3A_133 = arith.addi %get3A_132, %broadcast_in_dim3A_28 : vector<16xi32>
        %swap3A = arith.index_cast %scan3A_129 : i32 to index
        %swap3A_134 = arith.constant 0 : index
        %swap3A_135 = tpu.vector_load %arg8[%swap3A, %swap3A_134] {strides = array<i32>} : memref<16x128xi32, #tpu.memory_space<vmem>>, vector<1x16xi32>,
        %swap3A_136 = vector.shape_cast %swap3A_135 : vector<1x16xi32> to vector<16xi32>
        %swap3A_137 = vector.shape_cast %add3A_133 : vector<16xi32> to vector<1x16xi32>
        tpu.vector_store %arg8[%swap3A, %swap3A_134], %swap3A_137 {strides = array<i32>} : memref<16x128xi32, #tpu.memory_space<vmem>>, vector<1x16xi32>,
        %get3A_138 = arith.index_cast %scan3A_129 : i32 to index
        %get3A_139 = arith.constant 16 : index
        %get3A_140 = tpu.vector_load %arg8[%get3A_138, %get3A_139] {strides = array<i32>} : memref<16x128xi32, #tpu.memory_space<vmem>>, vector<1x16xi32>,
        %get3A_141 = vector.shape_cast %get3A_140 : vector<1x16xi32> to vector<16xi32>
        %add3A_142 = arith.addi %get3A_141, %broadcast_in_dim3A_28 : vector<16xi32>
        %swap3A_143 = arith.index_cast %scan3A_129 : i32 to index
        %swap3A_144 = arith.constant 16 : index
        %swap3A_145 = tpu.vector_load %arg8[%swap3A_143, %swap3A_144] {strides = array<i32>} : memref<16x128xi32, #tpu.memory_space<vmem>>, vector<1x16xi32>,
        %swap3A_146 = vector.shape_cast %swap3A_145 : vector<1x16xi32> to vector<16xi32>
        %swap3A_147 = vector.shape_cast %add3A_142 : vector<16xi32> to vector<1x16xi32>
        tpu.vector_store %arg8[%swap3A_143, %swap3A_144], %swap3A_147 {strides = array<i32>} : memref<16x128xi32, #tpu.memory_space<vmem>>, vector<1x16xi32>,
        %get3A_148 = arith.index_cast %scan3A_129 : i32 to index
        %get3A_149 = arith.constant 32 : index
        %get3A_150 = tpu.vector_load %arg8[%get3A_148, %get3A_149] {strides = array<i32>} : memref<16x128xi32, #tpu.memory_space<vmem>>, vector<1x16xi32>,
        %get3A_151 = vector.shape_cast %get3A_150 : vector<1x16xi32> to vector<16xi32>
        %add3A_152 = arith.addi %get3A_151, %broadcast_in_dim3A_28 : vector<16xi32>
        %swap3A_153 = arith.index_cast %scan3A_129 : i32 to index
        %swap3A_154 = arith.constant 32 : index
        %swap3A_155 = tpu.vector_load %arg8[%swap3A_153, %swap3A_154] {strides = array<i32>} : memref<16x128xi32, #tpu.memory_space<vmem>>, vector<1x16xi32>,
        %swap3A_156 = vector.shape_cast %swap3A_155 : vector<1x16xi32> to vector<16xi32>
        %swap3A_157 = vector.shape_cast %add3A_152 : vector<16xi32> to vector<1x16xi32>
        tpu.vector_store %arg8[%swap3A_153, %swap3A_154], %swap3A_157 {strides = array<i32>} : memref<16x128xi32, #tpu.memory_space<vmem>>, vector<1x16xi32>,
        %get3A_158 = arith.index_cast %scan3A_129 : i32 to index
        %get3A_159 = arith.constant 48 : index
        %get3A_160 = tpu.vector_load %arg8[%get3A_158, %get3A_159] {strides = array<i32>} : memref<16x128xi32, #tpu.memory_space<vmem>>, vector<1x16xi32>,
        %get3A_161 = vector.shape_cast %get3A_160 : vector<1x16xi32> to vector<16xi32>
        %add3A_162 = arith.addi %get3A_161, %broadcast_in_dim3A_28 : vector<16xi32>
        %swap3A_163 = arith.index_cast %scan3A_129 : i32 to index
        %swap3A_164 = arith.constant 48 : index
        %swap3A_165 = tpu.vector_load %arg8[%swap3A_163, %swap3A_164] {strides = array<i32>} : memref<16x128xi32, #tpu.memory_space<vmem>>, vector<1x16xi32>,
        %swap3A_166 = vector.shape_cast %swap3A_165 : vector<1x16xi32> to vector<16xi32>
        %swap3A_167 = vector.shape_cast %add3A_162 : vector<16xi32> to vector<1x16xi32>
        tpu.vector_store %arg8[%swap3A_163, %swap3A_164], %swap3A_167 {strides = array<i32>} : memref<16x128xi32, #tpu.memory_space<vmem>>, vector<1x16xi32>,
        %get3A_168 = arith.index_cast %scan3A_129 : i32 to index
        %get3A_169 = arith.constant 64 : index
        %get3A_170 = tpu.vector_load %arg8[%get3A_168, %get3A_169] {strides = array<i32>} : memref<16x128xi32, #tpu.memory_space<vmem>>, vector<1x16xi32>,
        %get3A_171 = vector.shape_cast %get3A_170 : vector<1x16xi32> to vector<16xi32>
        %add3A_172 = arith.addi %get3A_171, %broadcast_in_dim3A_28 : vector<16xi32>
        %swap3A_173 = arith.index_cast %scan3A_129 : i32 to index
        %swap3A_174 = arith.constant 64 : index
        %swap3A_175 = tpu.vector_load %arg8[%swap3A_173, %swap3A_174] {strides = array<i32>} : memref<16x128xi32, #tpu.memory_space<vmem>>, vector<1x16xi32>,
        %swap3A_176 = vector.shape_cast %swap3A_175 : vector<1x16xi32> to vector<16xi32>
        %swap3A_177 = vector.shape_cast %add3A_172 : vector<16xi32> to vector<1x16xi32>
        tpu.vector_store %arg8[%swap3A_173, %swap3A_174], %swap3A_177 {strides = array<i32>} : memref<16x128xi32, #tpu.memory_space<vmem>>, vector<1x16xi32>,
        %get3A_178 = arith.index_cast %scan3A_129 : i32 to index
        %get3A_179 = arith.constant 80 : index
        %get3A_180 = tpu.vector_load %arg8[%get3A_178, %get3A_179] {strides = array<i32>} : memref<16x128xi32, #tpu.memory_space<vmem>>, vector<1x16xi32>,
        %get3A_181 = vector.shape_cast %get3A_180 : vector<1x16xi32> to vector<16xi32>
        %add3A_182 = arith.addi %get3A_181, %broadcast_in_dim3A_28 : vector<16xi32>
        %swap3A_183 = arith.index_cast %scan3A_129 : i32 to index
        %swap3A_184 = arith.constant 80 : index
        %swap3A_185 = tpu.vector_load %arg8[%swap3A_183, %swap3A_184] {strides = array<i32>} : memref<16x128xi32, #tpu.memory_space<vmem>>, vector<1x16xi32>,
        %swap3A_186 = vector.shape_cast %swap3A_185 : vector<1x16xi32> to vector<16xi32>
        %swap3A_187 = vector.shape_cast %add3A_182 : vector<16xi32> to vector<1x16xi32>
        tpu.vector_store %arg8[%swap3A_183, %swap3A_184], %swap3A_187 {strides = array<i32>} : memref<16x128xi32, #tpu.memory_space<vmem>>, vector<1x16xi32>,
        %get3A_188 = arith.index_cast %scan3A_129 : i32 to index
        %get3A_189 = arith.constant 96 : index
        %get3A_190 = tpu.vector_load %arg8[%get3A_188, %get3A_189] {strides = array<i32>} : memref<16x128xi32, #tpu.memory_space<vmem>>, vector<1x16xi32>,
        %get3A_191 = vector.shape_cast %get3A_190 : vector<1x16xi32> to vector<16xi32>
        %add3A_192 = arith.addi %get3A_191, %broadcast_in_dim3A_28 : vector<16xi32>
        %swap3A_193 = arith.index_cast %scan3A_129 : i32 to index
        %swap3A_194 = arith.constant 96 : index
        %swap3A_195 = tpu.vector_load %arg8[%swap3A_193, %swap3A_194] {strides = array<i32>} : memref<16x128xi32, #tpu.memory_space<vmem>>, vector<1x16xi32>,
        %swap3A_196 = vector.shape_cast %swap3A_195 : vector<1x16xi32> to vector<16xi32>
        %swap3A_197 = vector.shape_cast %add3A_192 : vector<16xi32> to vector<1x16xi32>
        tpu.vector_store %arg8[%swap3A_193, %swap3A_194], %swap3A_197 {strides = array<i32>} : memref<16x128xi32, #tpu.memory_space<vmem>>, vector<1x16xi32>,
        %get3A_198 = arith.index_cast %scan3A_129 : i32 to index
        %get3A_199 = arith.constant 112 : index
        %get3A_200 = tpu.vector_load %arg8[%get3A_198, %get3A_199] {strides = array<i32>} : memref<16x128xi32, #tpu.memory_space<vmem>>, vector<1x16xi32>,
        %get3A_201 = vector.shape_cast %get3A_200 : vector<1x16xi32> to vector<16xi32>
        %add3A_202 = arith.addi %get3A_201, %broadcast_in_dim3A_28 : vector<16xi32>
        %swap3A_203 = arith.index_cast %scan3A_129 : i32 to index
        %swap3A_204 = arith.constant 112 : index
        %swap3A_205 = tpu.vector_load %arg8[%swap3A_203, %swap3A_204] {strides = array<i32>} : memref<16x128xi32, #tpu.memory_space<vmem>>, vector<1x16xi32>,
        %swap3A_206 = vector.shape_cast %swap3A_205 : vector<1x16xi32> to vector<16xi32>
        %swap3A_207 = vector.shape_cast %add3A_202 : vector<16xi32> to vector<1x16xi32>
        tpu.vector_store %arg8[%swap3A_203, %swap3A_204], %swap3A_207 {strides = array<i32>} : memref<16x128xi32, #tpu.memory_space<vmem>>, vector<1x16xi32>,
      }
      %scan3A_98 = arith.constant 16 : i32
      %dma_start3A = arith.constant 0 : i32
      %dma_start3A_99 = arith.constant 0 : i32
      %dma_start3A_100 = tpu.memref_slice %arg8[%dma_start3A, %dma_start3A_99] : memref<16x128xi32, #tpu.memory_space<vmem>> -> memref<1x128xi32, #tpu.memory_space<vmem>>
      %dma_start3A_101 = tpu.memref_squeeze %dma_start3A_100 : memref<1x128xi32, #tpu.memory_space<vmem>> -> memref<128xi32, #tpu.memory_space<vmem>>
      %dma_start3A_102 = arith.constant 0 : i32
      %dma_start3A_103 = arith.constant 0 : i32
      %dma_start3A_104 = tpu.memref_slice %arg2[%dma_start3A_102, %dma_start3A_103] : memref<20000x128xf32, #tpu.memory_space<hbm>> -> memref<20000x128xf32, #tpu.memory_space<hbm>>
      tpu.enqueue_indirect_dma source(%dma_start3A_104 : memref<20000x128xf32, #tpu.memory_space<hbm>>) target(%arg11 : memref<128x128xf32, #tpu.memory_space<vmem>>) offsets(%dma_start3A_101 : memref<128xi32, #tpu.memory_space<vmem>>) semaphore(%arg13 : memref<!tpu.dma_semaphore, #tpu.memory_space<semaphore_mem>>)
      %dma_start3A_105 = arith.constant 1 : i32
      %dma_start3A_106 = arith.constant 0 : i32
      %dma_start3A_107 = tpu.memref_slice %arg8[%dma_start3A_105, %dma_start3A_106] : memref<16x128xi32, #tpu.memory_space<vmem>> -> memref<1x128xi32, #tpu.memory_space<vmem>>
      %dma_start3A_108 = tpu.memref_squeeze %dma_start3A_107 : memref<1x128xi32, #tpu.memory_space<vmem>> -> memref<128xi32, #tpu.memory_space<vmem>>
      %dma_start3A_109 = arith.constant 0 : i32
      %dma_start3A_110 = arith.constant 0 : i32
      %dma_start3A_111 = tpu.memref_slice %arg2[%dma_start3A_109, %dma_start3A_110] : memref<20000x128xf32, #tpu.memory_space<hbm>> -> memref<20000x128xf32, #tpu.memory_space<hbm>>
      tpu.enqueue_indirect_dma source(%dma_start3A_111 : memref<20000x128xf32, #tpu.memory_space<hbm>>) target(%arg12 : memref<128x128xf32, #tpu.memory_space<vmem>>) offsets(%dma_start3A_108 : memref<128xi32, #tpu.memory_space<vmem>>) semaphore(%arg14 : memref<!tpu.dma_semaphore, #tpu.memory_space<semaphore_mem>>)
      %scan3A_112 = arith.constant 0 : i32
      %scan3A_113 = arith.constant 0 : i32
      %scan3A_114 = arith.constant 8 : i32
      %scan3A_115 = arith.addi %scan3A_113, %scan3A_114 : i32
      %scan3A_116 = arith.constant 1 : i32
      scf.for %scan3A_129 = %scan3A_113 to %scan3A_115 step %scan3A_116  : i32 {
        %mul3A_130 = arith.constant 2 : i32
        %mul3A_131 = arith.muli %mul3A_130, %scan3A_129 : i32
        %dma_wait3A_132 = arith.constant 0 : i32
        %dma_wait3A_133 = arith.constant 0 : i32
        %dma_wait3A_134 = tpu.memref_slice %arg2[%dma_wait3A_132, %dma_wait3A_133] : memref<20000x128xf32, #tpu.memory_space<hbm>> -> memref<128x128xf32, #tpu.memory_space<hbm>>
        %dma_wait3A_135 = arith.constant 0 : i32
        %dma_wait3A_136 = arith.constant 0 : i32
        %dma_wait3A_137 = tpu.memref_slice %arg2[%dma_wait3A_135, %dma_wait3A_136] : memref<20000x128xf32, #tpu.memory_space<hbm>> -> memref<128x128xf32, #tpu.memory_space<hbm>>
        tpu.wait_dma2 semaphore(%arg13 : memref<!tpu.dma_semaphore, #tpu.memory_space<semaphore_mem>>) src(%dma_wait3A_137 : memref<128x128xf32, #tpu.memory_space<hbm>>) dst(%arg11 : memref<128x128xf32, #tpu.memory_space<vmem>>)
        %scan3A_138 = arith.constant 0 : i32
        %scan3A_139 = arith.constant 0 : i32
        %scan3A_140 = arith.constant 8 : i32
        %scan3A_141 = arith.addi %scan3A_139, %scan3A_140 : i32
        %scan3A_142 = arith.constant 1 : i32
        scf.for %scan3A_203 = %scan3A_139 to %scan3A_141 step %scan3A_142  : i32 {
          %mul3A_204 = arith.constant 16 : i32
          %mul3A_205 = arith.muli %scan3A_203, %mul3A_204 : i32
          %get3A = arith.index_cast %mul3A_131 : i32 to index
          %get3A_206 = arith.index_cast %mul3A_205 : i32 to index
          %get3A_207 = tpu.vector_load %arg10[%get3A, %get3A_206] {strides = array<i32>} : memref<16x128xf32, #tpu.memory_space<vmem>>, vector<1x16xf32>,
          %get3A_208 = vector.shape_cast %get3A_207 : vector<1x16xf32> to vector<16xf32>
          %scan3A_209 = arith.constant 0 : i32
          %scan3A_210 = arith.constant 16 : i32
          %scan3A_211 = arith.addi %scan3A_209, %scan3A_210 : i32
          %scan3A_212 = arith.constant 1 : i32
          scf.for %scan3A_214 = %scan3A_209 to %scan3A_211 step %scan3A_212  : i32 {
            %broadcast_in_dim3A_215 = vector.broadcast %scan3A_214 : i32 to vector<16xi32>
            %lt3A = arith.constant 0 : i32
            %lt3A_216 = vector.broadcast %lt3A : i32 to vector<16xi32>
            %lt3A_217 = arith.cmpi slt, %broadcast_in_dim3A_215, %lt3A_216 : vector<16xi32>
            %add3A_218 = arith.constant 16 : i32
            %add3A_219 = vector.broadcast %add3A_218 : i32 to vector<16xi32>
            %add3A_220 = arith.addi %broadcast_in_dim3A_215, %add3A_219 : vector<16xi32>
            %select_n3A = arith.select %lt3A_217, %add3A_220, %broadcast_in_dim3A_215 : vector<16xi1>, vector<16xi32>
            %broadcast_in_dim3A_221 = vector.shape_cast %select_n3A : vector<16xi32> to vector<16x1xi32>
            %gather3A = vector.shape_cast %broadcast_in_dim3A_221 : vector<16x1xi32> to vector<16xi32>
            %gather3A_222 = tpu.dynamic_gather %get3A_208[%gather3A] in [0] : vector<16xf32>, vector<16xi32> -> vector<16xf32>
            %mul3A_223 = arith.constant 16 : i32
            %mul3A_224 = arith.muli %scan3A_203, %mul3A_223 : i32
            %add3A_225 = arith.addi %mul3A_224, %scan3A_214 : i32
            %get3A_226 = arith.index_cast %add3A_225 : i32 to index
            %get3A_227 = arith.constant 0 : index
            %get3A_228 = tpu.vector_load %arg11[%get3A_226, %get3A_227] {strides = array<i32>} : memref<128x128xf32, #tpu.memory_space<vmem>>, vector<1x16xf32>,
            %get3A_229 = vector.shape_cast %get3A_228 : vector<1x16xf32> to vector<16xf32>
            %mul3A_230 = arith.mulf %get3A_229, %gather3A_222 : vector<16xf32>
            %swap3A = arith.index_cast %add3A_225 : i32 to index
            %swap3A_231 = arith.constant 0 : index
            %swap3A_232 = tpu.vector_load %arg11[%swap3A, %swap3A_231] {strides = array<i32>} : memref<128x128xf32, #tpu.memory_space<vmem>>, vector<1x16xf32>,
            %swap3A_233 = vector.shape_cast %swap3A_232 : vector<1x16xf32> to vector<16xf32>
            %swap3A_234 = vector.shape_cast %mul3A_230 : vector<16xf32> to vector<1x16xf32>
            tpu.vector_store %arg11[%swap3A, %swap3A_231], %swap3A_234 {strides = array<i32>} : memref<128x128xf32, #tpu.memory_space<vmem>>, vector<1x16xf32>,
            %get3A_235 = arith.index_cast %add3A_225 : i32 to index
            %get3A_236 = arith.constant 16 : index
            %get3A_237 = tpu.vector_load %arg11[%get3A_235, %get3A_236] {strides = array<i32>} : memref<128x128xf32, #tpu.memory_space<vmem>>, vector<1x16xf32>,
            %get3A_238 = vector.shape_cast %get3A_237 : vector<1x16xf32> to vector<16xf32>
            %mul3A_239 = arith.mulf %get3A_238, %gather3A_222 : vector<16xf32>
            %swap3A_240 = arith.index_cast %add3A_225 : i32 to index
            %swap3A_241 = arith.constant 16 : index
            %swap3A_242 = tpu.vector_load %arg11[%swap3A_240, %swap3A_241] {strides = array<i32>} : memref<128x128xf32, #tpu.memory_space<vmem>>, vector<1x16xf32>,
            %swap3A_243 = vector.shape_cast %swap3A_242 : vector<1x16xf32> to vector<16xf32>
            %swap3A_244 = vector.shape_cast %mul3A_239 : vector<16xf32> to vector<1x16xf32>
            tpu.vector_store %arg11[%swap3A_240, %swap3A_241], %swap3A_244 {strides = array<i32>} : memref<128x128xf32, #tpu.memory_space<vmem>>, vector<1x16xf32>,
            %get3A_245 = arith.index_cast %add3A_225 : i32 to index
            %get3A_246 = arith.constant 32 : index
            %get3A_247 = tpu.vector_load %arg11[%get3A_245, %get3A_246] {strides = array<i32>} : memref<128x128xf32, #tpu.memory_space<vmem>>, vector<1x16xf32>,
            %get3A_248 = vector.shape_cast %get3A_247 : vector<1x16xf32> to vector<16xf32>
            %mul3A_249 = arith.mulf %get3A_248, %gather3A_222 : vector<16xf32>
            %swap3A_250 = arith.index_cast %add3A_225 : i32 to index
            %swap3A_251 = arith.constant 32 : index
            %swap3A_252 = tpu.vector_load %arg11[%swap3A_250, %swap3A_251] {strides = array<i32>} : memref<128x128xf32, #tpu.memory_space<vmem>>, vector<1x16xf32>,
            %swap3A_253 = vector.shape_cast %swap3A_252 : vector<1x16xf32> to vector<16xf32>
            %swap3A_254 = vector.shape_cast %mul3A_249 : vector<16xf32> to vector<1x16xf32>
            tpu.vector_store %arg11[%swap3A_250, %swap3A_251], %swap3A_254 {strides = array<i32>} : memref<128x128xf32, #tpu.memory_space<vmem>>, vector<1x16xf32>,
            %get3A_255 = arith.index_cast %add3A_225 : i32 to index
            %get3A_256 = arith.constant 48 : index
            %get3A_257 = tpu.vector_load %arg11[%get3A_255, %get3A_256] {strides = array<i32>} : memref<128x128xf32, #tpu.memory_space<vmem>>, vector<1x16xf32>,
            %get3A_258 = vector.shape_cast %get3A_257 : vector<1x16xf32> to vector<16xf32>
            %mul3A_259 = arith.mulf %get3A_258, %gather3A_222 : vector<16xf32>
            %swap3A_260 = arith.index_cast %add3A_225 : i32 to index
            %swap3A_261 = arith.constant 48 : index
            %swap3A_262 = tpu.vector_load %arg11[%swap3A_260, %swap3A_261] {strides = array<i32>} : memref<128x128xf32, #tpu.memory_space<vmem>>, vector<1x16xf32>,
            %swap3A_263 = vector.shape_cast %swap3A_262 : vector<1x16xf32> to vector<16xf32>
            %swap3A_264 = vector.shape_cast %mul3A_259 : vector<16xf32> to vector<1x16xf32>
            tpu.vector_store %arg11[%swap3A_260, %swap3A_261], %swap3A_264 {strides = array<i32>} : memref<128x128xf32, #tpu.memory_space<vmem>>, vector<1x16xf32>,
            %get3A_265 = arith.index_cast %add3A_225 : i32 to index
            %get3A_266 = arith.constant 64 : index
            %get3A_267 = tpu.vector_load %arg11[%get3A_265, %get3A_266] {strides = array<i32>} : memref<128x128xf32, #tpu.memory_space<vmem>>, vector<1x16xf32>,
            %get3A_268 = vector.shape_cast %get3A_267 : vector<1x16xf32> to vector<16xf32>
            %mul3A_269 = arith.mulf %get3A_268, %gather3A_222 : vector<16xf32>
            %swap3A_270 = arith.index_cast %add3A_225 : i32 to index
            %swap3A_271 = arith.constant 64 : index
            %swap3A_272 = tpu.vector_load %arg11[%swap3A_270, %swap3A_271] {strides = array<i32>} : memref<128x128xf32, #tpu.memory_space<vmem>>, vector<1x16xf32>,
            %swap3A_273 = vector.shape_cast %swap3A_272 : vector<1x16xf32> to vector<16xf32>
            %swap3A_274 = vector.shape_cast %mul3A_269 : vector<16xf32> to vector<1x16xf32>
            tpu.vector_store %arg11[%swap3A_270, %swap3A_271], %swap3A_274 {strides = array<i32>} : memref<128x128xf32, #tpu.memory_space<vmem>>, vector<1x16xf32>,
            %get3A_275 = arith.index_cast %add3A_225 : i32 to index
            %get3A_276 = arith.constant 80 : index
            %get3A_277 = tpu.vector_load %arg11[%get3A_275, %get3A_276] {strides = array<i32>} : memref<128x128xf32, #tpu.memory_space<vmem>>, vector<1x16xf32>,
            %get3A_278 = vector.shape_cast %get3A_277 : vector<1x16xf32> to vector<16xf32>
            %mul3A_279 = arith.mulf %get3A_278, %gather3A_222 : vector<16xf32>
            %swap3A_280 = arith.index_cast %add3A_225 : i32 to index
            %swap3A_281 = arith.constant 80 : index
            %swap3A_282 = tpu.vector_load %arg11[%swap3A_280, %swap3A_281] {strides = array<i32>} : memref<128x128xf32, #tpu.memory_space<vmem>>, vector<1x16xf32>,
            %swap3A_283 = vector.shape_cast %swap3A_282 : vector<1x16xf32> to vector<16xf32>
            %swap3A_284 = vector.shape_cast %mul3A_279 : vector<16xf32> to vector<1x16xf32>
            tpu.vector_store %arg11[%swap3A_280, %swap3A_281], %swap3A_284 {strides = array<i32>} : memref<128x128xf32, #tpu.memory_space<vmem>>, vector<1x16xf32>,
            %get3A_285 = arith.index_cast %add3A_225 : i32 to index
            %get3A_286 = arith.constant 96 : index
            %get3A_287 = tpu.vector_load %arg11[%get3A_285, %get3A_286] {strides = array<i32>} : memref<128x128xf32, #tpu.memory_space<vmem>>, vector<1x16xf32>,
            %get3A_288 = vector.shape_cast %get3A_287 : vector<1x16xf32> to vector<16xf32>
            %mul3A_289 = arith.mulf %get3A_288, %gather3A_222 : vector<16xf32>
            %swap3A_290 = arith.index_cast %add3A_225 : i32 to index
            %swap3A_291 = arith.constant 96 : index
            %swap3A_292 = tpu.vector_load %arg11[%swap3A_290, %swap3A_291] {strides = array<i32>} : memref<128x128xf32, #tpu.memory_space<vmem>>, vector<1x16xf32>,
            %swap3A_293 = vector.shape_cast %swap3A_292 : vector<1x16xf32> to vector<16xf32>
            %swap3A_294 = vector.shape_cast %mul3A_289 : vector<16xf32> to vector<1x16xf32>
            tpu.vector_store %arg11[%swap3A_290, %swap3A_291], %swap3A_294 {strides = array<i32>} : memref<128x128xf32, #tpu.memory_space<vmem>>, vector<1x16xf32>,
            %get3A_295 = arith.index_cast %add3A_225 : i32 to index
            %get3A_296 = arith.constant 112 : index
            %get3A_297 = tpu.vector_load %arg11[%get3A_295, %get3A_296] {strides = array<i32>} : memref<128x128xf32, #tpu.memory_space<vmem>>, vector<1x16xf32>,
            %get3A_298 = vector.shape_cast %get3A_297 : vector<1x16xf32> to vector<16xf32>
            %mul3A_299 = arith.mulf %get3A_298, %gather3A_222 : vector<16xf32>
            %swap3A_300 = arith.index_cast %add3A_225 : i32 to index
            %swap3A_301 = arith.constant 112 : index
            %swap3A_302 = tpu.vector_load %arg11[%swap3A_300, %swap3A_301] {strides = array<i32>} : memref<128x128xf32, #tpu.memory_space<vmem>>, vector<1x16xf32>,
            %swap3A_303 = vector.shape_cast %swap3A_302 : vector<1x16xf32> to vector<16xf32>
            %swap3A_304 = vector.shape_cast %mul3A_299 : vector<16xf32> to vector<1x16xf32>
            tpu.vector_store %arg11[%swap3A_300, %swap3A_301], %swap3A_304 {strides = array<i32>} : memref<128x128xf32, #tpu.memory_space<vmem>>, vector<1x16xf32>,
          }
          %scan3A_213 = arith.constant 16 : i32
        }
        %scan3A_143 = arith.constant 8 : i32
        %dma_start3A_144 = arith.constant 0 : i32
        %dma_start3A_145 = tpu.memref_slice %arg9[%mul3A_131, %dma_start3A_144] : memref<16x128xi32, #tpu.memory_space<vmem>> -> memref<1x128xi32, #tpu.memory_space<vmem>>
        %dma_start3A_146 = tpu.memref_squeeze %dma_start3A_145 : memref<1x128xi32, #tpu.memory_space<vmem>> -> memref<128xi32, #tpu.memory_space<vmem>>
        %dma_start3A_147 = arith.constant 0 : i32
        %dma_start3A_148 = arith.constant 0 : i32
        %dma_start3A_149 = tpu.memref_slice %arg7[%dma_start3A_147, %dma_start3A_148] : memref<10000x128xf32, #tpu.memory_space<vmem_shared>> -> memref<10000x128xf32, #tpu.memory_space<vmem_shared>>
        tpu.enqueue_indirect_dma source(%arg11 : memref<128x128xf32, #tpu.memory_space<vmem>>) target(%dma_start3A_149 : memref<10000x128xf32, #tpu.memory_space<vmem_shared>>) offsets(%dma_start3A_146 : memref<128xi32, #tpu.memory_space<vmem>>) semaphore(%arg15 : memref<!tpu.dma_semaphore, #tpu.memory_space<semaphore_mem>>) {add = true}
        %dma_wait3A_150 = arith.constant 0 : i32
        %dma_wait3A_151 = arith.constant 0 : i32
        %dma_wait3A_152 = tpu.memref_slice %arg2[%dma_wait3A_150, %dma_wait3A_151] : memref<20000x128xf32, #tpu.memory_space<hbm>> -> memref<128x128xf32, #tpu.memory_space<hbm>>
        %dma_wait3A_153 = arith.constant 0 : i32
        %dma_wait3A_154 = arith.constant 0 : i32
        %dma_wait3A_155 = tpu.memref_slice %arg2[%dma_wait3A_153, %dma_wait3A_154] : memref<20000x128xf32, #tpu.memory_space<hbm>> -> memref<128x128xf32, #tpu.memory_space<hbm>>
        tpu.wait_dma2 semaphore(%arg14 : memref<!tpu.dma_semaphore, #tpu.memory_space<semaphore_mem>>) src(%dma_wait3A_155 : memref<128x128xf32, #tpu.memory_space<hbm>>) dst(%arg12 : memref<128x128xf32, #tpu.memory_space<vmem>>)
        %add3A_156 = arith.constant 1 : i32
        %add3A_157 = arith.addi %mul3A_131, %add3A_156 : i32
        %scan3A_158 = arith.constant 0 : i32
        %scan3A_159 = arith.constant 0 : i32
        %scan3A_160 = arith.constant 8 : i32
        %scan3A_161 = arith.addi %scan3A_159, %scan3A_160 : i32
        %scan3A_162 = arith.constant 1 : i32
        scf.for %scan3A_203 = %scan3A_159 to %scan3A_161 step %scan3A_162  : i32 {
          %mul3A_204 = arith.constant 16 : i32
          %mul3A_205 = arith.muli %scan3A_203, %mul3A_204 : i32
          %get3A = arith.index_cast %add3A_157 : i32 to index
          %get3A_206 = arith.index_cast %mul3A_205 : i32 to index
          %get3A_207 = tpu.vector_load %arg10[%get3A, %get3A_206] {strides = array<i32>} : memref<16x128xf32, #tpu.memory_space<vmem>>, vector<1x16xf32>,
          %get3A_208 = vector.shape_cast %get3A_207 : vector<1x16xf32> to vector<16xf32>
          %scan3A_209 = arith.constant 0 : i32
          %scan3A_210 = arith.constant 16 : i32
          %scan3A_211 = arith.addi %scan3A_209, %scan3A_210 : i32
          %scan3A_212 = arith.constant 1 : i32
          scf.for %scan3A_214 = %scan3A_209 to %scan3A_211 step %scan3A_212  : i32 {
            %broadcast_in_dim3A_215 = vector.broadcast %scan3A_214 : i32 to vector<16xi32>
            %lt3A = arith.constant 0 : i32
            %lt3A_216 = vector.broadcast %lt3A : i32 to vector<16xi32>
            %lt3A_217 = arith.cmpi slt, %broadcast_in_dim3A_215, %lt3A_216 : vector<16xi32>
            %add3A_218 = arith.constant 16 : i32
            %add3A_219 = vector.broadcast %add3A_218 : i32 to vector<16xi32>
            %add3A_220 = arith.addi %broadcast_in_dim3A_215, %add3A_219 : vector<16xi32>
            %select_n3A = arith.select %lt3A_217, %add3A_220, %broadcast_in_dim3A_215 : vector<16xi1>, vector<16xi32>
            %broadcast_in_dim3A_221 = vector.shape_cast %select_n3A : vector<16xi32> to vector<16x1xi32>
            %gather3A = vector.shape_cast %broadcast_in_dim3A_221 : vector<16x1xi32> to vector<16xi32>
            %gather3A_222 = tpu.dynamic_gather %get3A_208[%gather3A] in [0] : vector<16xf32>, vector<16xi32> -> vector<16xf32>
            %mul3A_223 = arith.constant 16 : i32
            %mul3A_224 = arith.muli %scan3A_203, %mul3A_223 : i32
            %add3A_225 = arith.addi %mul3A_224, %scan3A_214 : i32
            %get3A_226 = arith.index_cast %add3A_225 : i32 to index
            %get3A_227 = arith.constant 0 : index
            %get3A_228 = tpu.vector_load %arg12[%get3A_226, %get3A_227] {strides = array<i32>} : memref<128x128xf32, #tpu.memory_space<vmem>>, vector<1x16xf32>,
            %get3A_229 = vector.shape_cast %get3A_228 : vector<1x16xf32> to vector<16xf32>
            %mul3A_230 = arith.mulf %get3A_229, %gather3A_222 : vector<16xf32>
            %swap3A = arith.index_cast %add3A_225 : i32 to index
            %swap3A_231 = arith.constant 0 : index
            %swap3A_232 = tpu.vector_load %arg12[%swap3A, %swap3A_231] {strides = array<i32>} : memref<128x128xf32, #tpu.memory_space<vmem>>, vector<1x16xf32>,
            %swap3A_233 = vector.shape_cast %swap3A_232 : vector<1x16xf32> to vector<16xf32>
            %swap3A_234 = vector.shape_cast %mul3A_230 : vector<16xf32> to vector<1x16xf32>
            tpu.vector_store %arg12[%swap3A, %swap3A_231], %swap3A_234 {strides = array<i32>} : memref<128x128xf32, #tpu.memory_space<vmem>>, vector<1x16xf32>,
            %get3A_235 = arith.index_cast %add3A_225 : i32 to index
            %get3A_236 = arith.constant 16 : index
            %get3A_237 = tpu.vector_load %arg12[%get3A_235, %get3A_236] {strides = array<i32>} : memref<128x128xf32, #tpu.memory_space<vmem>>, vector<1x16xf32>,
            %get3A_238 = vector.shape_cast %get3A_237 : vector<1x16xf32> to vector<16xf32>
            %mul3A_239 = arith.mulf %get3A_238, %gather3A_222 : vector<16xf32>
            %swap3A_240 = arith.index_cast %add3A_225 : i32 to index
            %swap3A_241 = arith.constant 16 : index
            %swap3A_242 = tpu.vector_load %arg12[%swap3A_240, %swap3A_241] {strides = array<i32>} : memref<128x128xf32, #tpu.memory_space<vmem>>, vector<1x16xf32>,
            %swap3A_243 = vector.shape_cast %swap3A_242 : vector<1x16xf32> to vector<16xf32>
            %swap3A_244 = vector.shape_cast %mul3A_239 : vector<16xf32> to vector<1x16xf32>
            tpu.vector_store %arg12[%swap3A_240, %swap3A_241], %swap3A_244 {strides = array<i32>} : memref<128x128xf32, #tpu.memory_space<vmem>>, vector<1x16xf32>,
            %get3A_245 = arith.index_cast %add3A_225 : i32 to index
            %get3A_246 = arith.constant 32 : index
            %get3A_247 = tpu.vector_load %arg12[%get3A_245, %get3A_246] {strides = array<i32>} : memref<128x128xf32, #tpu.memory_space<vmem>>, vector<1x16xf32>,
            %get3A_248 = vector.shape_cast %get3A_247 : vector<1x16xf32> to vector<16xf32>
            %mul3A_249 = arith.mulf %get3A_248, %gather3A_222 : vector<16xf32>
            %swap3A_250 = arith.index_cast %add3A_225 : i32 to index
            %swap3A_251 = arith.constant 32 : index
            %swap3A_252 = tpu.vector_load %arg12[%swap3A_250, %swap3A_251] {strides = array<i32>} : memref<128x128xf32, #tpu.memory_space<vmem>>, vector<1x16xf32>,
            %swap3A_253 = vector.shape_cast %swap3A_252 : vector<1x16xf32> to vector<16xf32>
            %swap3A_254 = vector.shape_cast %mul3A_249 : vector<16xf32> to vector<1x16xf32>
            tpu.vector_store %arg12[%swap3A_250, %swap3A_251], %swap3A_254 {strides = array<i32>} : memref<128x128xf32, #tpu.memory_space<vmem>>, vector<1x16xf32>,
            %get3A_255 = arith.index_cast %add3A_225 : i32 to index
            %get3A_256 = arith.constant 48 : index
            %get3A_257 = tpu.vector_load %arg12[%get3A_255, %get3A_256] {strides = array<i32>} : memref<128x128xf32, #tpu.memory_space<vmem>>, vector<1x16xf32>,
            %get3A_258 = vector.shape_cast %get3A_257 : vector<1x16xf32> to vector<16xf32>
            %mul3A_259 = arith.mulf %get3A_258, %gather3A_222 : vector<16xf32>
            %swap3A_260 = arith.index_cast %add3A_225 : i32 to index
            %swap3A_261 = arith.constant 48 : index
            %swap3A_262 = tpu.vector_load %arg12[%swap3A_260, %swap3A_261] {strides = array<i32>} : memref<128x128xf32, #tpu.memory_space<vmem>>, vector<1x16xf32>,
            %swap3A_263 = vector.shape_cast %swap3A_262 : vector<1x16xf32> to vector<16xf32>
            %swap3A_264 = vector.shape_cast %mul3A_259 : vector<16xf32> to vector<1x16xf32>
            tpu.vector_store %arg12[%swap3A_260, %swap3A_261], %swap3A_264 {strides = array<i32>} : memref<128x128xf32, #tpu.memory_space<vmem>>, vector<1x16xf32>,
            %get3A_265 = arith.index_cast %add3A_225 : i32 to index
            %get3A_266 = arith.constant 64 : index
            %get3A_267 = tpu.vector_load %arg12[%get3A_265, %get3A_266] {strides = array<i32>} : memref<128x128xf32, #tpu.memory_space<vmem>>, vector<1x16xf32>,
            %get3A_268 = vector.shape_cast %get3A_267 : vector<1x16xf32> to vector<16xf32>
            %mul3A_269 = arith.mulf %get3A_268, %gather3A_222 : vector<16xf32>
            %swap3A_270 = arith.index_cast %add3A_225 : i32 to index
            %swap3A_271 = arith.constant 64 : index
            %swap3A_272 = tpu.vector_load %arg12[%swap3A_270, %swap3A_271] {strides = array<i32>} : memref<128x128xf32, #tpu.memory_space<vmem>>, vector<1x16xf32>,
            %swap3A_273 = vector.shape_cast %swap3A_272 : vector<1x16xf32> to vector<16xf32>
            %swap3A_274 = vector.shape_cast %mul3A_269 : vector<16xf32> to vector<1x16xf32>
            tpu.vector_store %arg12[%swap3A_270, %swap3A_271], %swap3A_274 {strides = array<i32>} : memref<128x128xf32, #tpu.memory_space<vmem>>, vector<1x16xf32>,
            %get3A_275 = arith.index_cast %add3A_225 : i32 to index
            %get3A_276 = arith.constant 80 : index
            %get3A_277 = tpu.vector_load %arg12[%get3A_275, %get3A_276] {strides = array<i32>} : memref<128x128xf32, #tpu.memory_space<vmem>>, vector<1x16xf32>,
            %get3A_278 = vector.shape_cast %get3A_277 : vector<1x16xf32> to vector<16xf32>
            %mul3A_279 = arith.mulf %get3A_278, %gather3A_222 : vector<16xf32>
            %swap3A_280 = arith.index_cast %add3A_225 : i32 to index
            %swap3A_281 = arith.constant 80 : index
            %swap3A_282 = tpu.vector_load %arg12[%swap3A_280, %swap3A_281] {strides = array<i32>} : memref<128x128xf32, #tpu.memory_space<vmem>>, vector<1x16xf32>,
            %swap3A_283 = vector.shape_cast %swap3A_282 : vector<1x16xf32> to vector<16xf32>
            %swap3A_284 = vector.shape_cast %mul3A_279 : vector<16xf32> to vector<1x16xf32>
            tpu.vector_store %arg12[%swap3A_280, %swap3A_281], %swap3A_284 {strides = array<i32>} : memref<128x128xf32, #tpu.memory_space<vmem>>, vector<1x16xf32>,
            %get3A_285 = arith.index_cast %add3A_225 : i32 to index
            %get3A_286 = arith.constant 96 : index
            %get3A_287 = tpu.vector_load %arg12[%get3A_285, %get3A_286] {strides = array<i32>} : memref<128x128xf32, #tpu.memory_space<vmem>>, vector<1x16xf32>,
            %get3A_288 = vector.shape_cast %get3A_287 : vector<1x16xf32> to vector<16xf32>
            %mul3A_289 = arith.mulf %get3A_288, %gather3A_222 : vector<16xf32>
            %swap3A_290 = arith.index_cast %add3A_225 : i32 to index
            %swap3A_291 = arith.constant 96 : index
            %swap3A_292 = tpu.vector_load %arg12[%swap3A_290, %swap3A_291] {strides = array<i32>} : memref<128x128xf32, #tpu.memory_space<vmem>>, vector<1x16xf32>,
            %swap3A_293 = vector.shape_cast %swap3A_292 : vector<1x16xf32> to vector<16xf32>
            %swap3A_294 = vector.shape_cast %mul3A_289 : vector<16xf32> to vector<1x16xf32>
            tpu.vector_store %arg12[%swap3A_290, %swap3A_291], %swap3A_294 {strides = array<i32>} : memref<128x128xf32, #tpu.memory_space<vmem>>, vector<1x16xf32>,
            %get3A_295 = arith.index_cast %add3A_225 : i32 to index
            %get3A_296 = arith.constant 112 : index
            %get3A_297 = tpu.vector_load %arg12[%get3A_295, %get3A_296] {strides = array<i32>} : memref<128x128xf32, #tpu.memory_space<vmem>>, vector<1x16xf32>,
            %get3A_298 = vector.shape_cast %get3A_297 : vector<1x16xf32> to vector<16xf32>
            %mul3A_299 = arith.mulf %get3A_298, %gather3A_222 : vector<16xf32>
            %swap3A_300 = arith.index_cast %add3A_225 : i32 to index
            %swap3A_301 = arith.constant 112 : index
            %swap3A_302 = tpu.vector_load %arg12[%swap3A_300, %swap3A_301] {strides = array<i32>} : memref<128x128xf32, #tpu.memory_space<vmem>>, vector<1x16xf32>,
            %swap3A_303 = vector.shape_cast %swap3A_302 : vector<1x16xf32> to vector<16xf32>
            %swap3A_304 = vector.shape_cast %mul3A_299 : vector<16xf32> to vector<1x16xf32>
            tpu.vector_store %arg12[%swap3A_300, %swap3A_301], %swap3A_304 {strides = array<i32>} : memref<128x128xf32, #tpu.memory_space<vmem>>, vector<1x16xf32>,
          }
          %scan3A_213 = arith.constant 16 : i32
        }
        %scan3A_163 = arith.constant 8 : i32
        %add3A_164 = arith.constant 1 : i32
        %add3A_165 = arith.addi %mul3A_131, %add3A_164 : i32
        %dma_start3A_166 = arith.constant 0 : i32
        %dma_start3A_167 = tpu.memref_slice %arg9[%add3A_165, %dma_start3A_166] : memref<16x128xi32, #tpu.memory_space<vmem>> -> memref<1x128xi32, #tpu.memory_space<vmem>>
        %dma_start3A_168 = tpu.memref_squeeze %dma_start3A_167 : memref<1x128xi32, #tpu.memory_space<vmem>> -> memref<128xi32, #tpu.memory_space<vmem>>
        %dma_start3A_169 = arith.constant 0 : i32
        %dma_start3A_170 = arith.constant 0 : i32
        %dma_start3A_171 = tpu.memref_slice %arg7[%dma_start3A_169, %dma_start3A_170] : memref<10000x128xf32, #tpu.memory_space<vmem_shared>> -> memref<10000x128xf32, #tpu.memory_space<vmem_shared>>
        tpu.enqueue_indirect_dma source(%arg12 : memref<128x128xf32, #tpu.memory_space<vmem>>) target(%dma_start3A_171 : memref<10000x128xf32, #tpu.memory_space<vmem_shared>>) offsets(%dma_start3A_168 : memref<128xi32, #tpu.memory_space<vmem>>) semaphore(%arg16 : memref<!tpu.dma_semaphore, #tpu.memory_space<semaphore_mem>>) {add = true}
        %dma_wait3A_172 = arith.constant 0 : i32
        %dma_wait3A_173 = arith.constant 0 : i32
        %dma_wait3A_174 = tpu.memref_slice %arg7[%dma_wait3A_172, %dma_wait3A_173] : memref<10000x128xf32, #tpu.memory_space<vmem_shared>> -> memref<128x128xf32, #tpu.memory_space<vmem_shared>>
        %dma_wait3A_175 = arith.constant 0 : i32
        %dma_wait3A_176 = arith.constant 0 : i32
        %dma_wait3A_177 = tpu.memref_slice %arg7[%dma_wait3A_175, %dma_wait3A_176] : memref<10000x128xf32, #tpu.memory_space<vmem_shared>> -> memref<128x128xf32, #tpu.memory_space<vmem_shared>>
        tpu.wait_dma2 semaphore(%arg15 : memref<!tpu.dma_semaphore, #tpu.memory_space<semaphore_mem>>) src(%arg11 : memref<128x128xf32, #tpu.memory_space<vmem>>) dst(%dma_wait3A_177 : memref<128x128xf32, #tpu.memory_space<vmem_shared>>)
        %add3A_178 = arith.constant 2 : i32
        %add3A_179 = arith.addi %mul3A_131, %add3A_178 : i32
        %min3A = arith.constant 15 : i32
        %min3A_180 = arith.minsi %add3A_179, %min3A : i32
        %dma_start3A_181 = arith.constant 0 : i32
        %dma_start3A_182 = tpu.memref_slice %arg8[%min3A_180, %dma_start3A_181] : memref<16x128xi32, #tpu.memory_space<vmem>> -> memref<1x128xi32, #tpu.memory_space<vmem>>
        %dma_start3A_183 = tpu.memref_squeeze %dma_start3A_182 : memref<1x128xi32, #tpu.memory_space<vmem>> -> memref<128xi32, #tpu.memory_space<vmem>>
        %dma_start3A_184 = arith.constant 0 : i32
        %dma_start3A_185 = arith.constant 0 : i32
        %dma_start3A_186 = tpu.memref_slice %arg2[%dma_start3A_184, %dma_start3A_185] : memref<20000x128xf32, #tpu.memory_space<hbm>> -> memref<20000x128xf32, #tpu.memory_space<hbm>>
        tpu.enqueue_indirect_dma source(%dma_start3A_186 : memref<20000x128xf32, #tpu.memory_space<hbm>>) target(%arg11 : memref<128x128xf32, #tpu.memory_space<vmem>>) offsets(%dma_start3A_183 : memref<128xi32, #tpu.memory_space<vmem>>) semaphore(%arg13 : memref<!tpu.dma_semaphore, #tpu.memory_space<semaphore_mem>>)
        %dma_wait3A_187 = arith.constant 0 : i32
        %dma_wait3A_188 = arith.constant 0 : i32
        %dma_wait3A_189 = tpu.memref_slice %arg7[%dma_wait3A_187, %dma_wait3A_188] : memref<10000x128xf32, #tpu.memory_space<vmem_shared>> -> memref<128x128xf32, #tpu.memory_space<vmem_shared>>
        %dma_wait3A_190 = arith.constant 0 : i32
        %dma_wait3A_191 = arith.constant 0 : i32
        %dma_wait3A_192 = tpu.memref_slice %arg7[%dma_wait3A_190, %dma_wait3A_191] : memref<10000x128xf32, #tpu.memory_space<vmem_shared>> -> memref<128x128xf32, #tpu.memory_space<vmem_shared>>
        tpu.wait_dma2 semaphore(%arg16 : memref<!tpu.dma_semaphore, #tpu.memory_space<semaphore_mem>>) src(%arg12 : memref<128x128xf32, #tpu.memory_space<vmem>>) dst(%dma_wait3A_192 : memref<128x128xf32, #tpu.memory_space<vmem_shared>>)
        %add3A_193 = arith.constant 3 : i32
        %add3A_194 = arith.addi %mul3A_131, %add3A_193 : i32
        %min3A_195 = arith.constant 15 : i32
        %min3A_196 = arith.minsi %add3A_194, %min3A_195 : i32
        %dma_start3A_197 = arith.constant 0 : i32
        %dma_start3A_198 = tpu.memref_slice %arg8[%min3A_196, %dma_start3A_197] : memref<16x128xi32, #tpu.memory_space<vmem>> -> memref<1x128xi32, #tpu.memory_space<vmem>>
        %dma_start3A_199 = tpu.memref_squeeze %dma_start3A_198 : memref<1x128xi32, #tpu.memory_space<vmem>> -> memref<128xi32, #tpu.memory_space<vmem>>
        %dma_start3A_200 = arith.constant 0 : i32
        %dma_start3A_201 = arith.constant 0 : i32
        %dma_start3A_202 = tpu.memref_slice %arg2[%dma_start3A_200, %dma_start3A_201] : memref<20000x128xf32, #tpu.memory_space<hbm>> -> memref<20000x128xf32, #tpu.memory_space<hbm>>
        tpu.enqueue_indirect_dma source(%dma_start3A_202 : memref<20000x128xf32, #tpu.memory_space<hbm>>) target(%arg12 : memref<128x128xf32, #tpu.memory_space<vmem>>) offsets(%dma_start3A_199 : memref<128xi32, #tpu.memory_space<vmem>>) semaphore(%arg14 : memref<!tpu.dma_semaphore, #tpu.memory_space<semaphore_mem>>)
      }
      %scan3A_117 = arith.constant 8 : i32
      %dma_wait3A = arith.constant 0 : i32
      %dma_wait3A_118 = arith.constant 0 : i32
      %dma_wait3A_119 = tpu.memref_slice %arg2[%dma_wait3A, %dma_wait3A_118] : memref<20000x128xf32, #tpu.memory_space<hbm>> -> memref<128x128xf32, #tpu.memory_space<hbm>>
      %dma_wait3A_120 = arith.constant 0 : i32
      %dma_wait3A_121 = arith.constant 0 : i32
      %dma_wait3A_122 = tpu.memref_slice %arg2[%dma_wait3A_120, %dma_wait3A_121] : memref<20000x128xf32, #tpu.memory_space<hbm>> -> memref<128x128xf32, #tpu.memory_space<hbm>>
      tpu.wait_dma2 semaphore(%arg13 : memref<!tpu.dma_semaphore, #tpu.memory_space<semaphore_mem>>) src(%dma_wait3A_122 : memref<128x128xf32, #tpu.memory_space<hbm>>) dst(%arg11 : memref<128x128xf32, #tpu.memory_space<vmem>>)
      %dma_wait3A_123 = arith.constant 0 : i32
      %dma_wait3A_124 = arith.constant 0 : i32
      %dma_wait3A_125 = tpu.memref_slice %arg2[%dma_wait3A_123, %dma_wait3A_124] : memref<20000x128xf32, #tpu.memory_space<hbm>> -> memref<128x128xf32, #tpu.memory_space<hbm>>
      %dma_wait3A_126 = arith.constant 0 : i32
      %dma_wait3A_127 = arith.constant 0 : i32
      %dma_wait3A_128 = tpu.memref_slice %arg2[%dma_wait3A_126, %dma_wait3A_127] : memref<20000x128xf32, #tpu.memory_space<hbm>> -> memref<128x128xf32, #tpu.memory_space<hbm>>
      tpu.wait_dma2 semaphore(%arg14 : memref<!tpu.dma_semaphore, #tpu.memory_space<semaphore_mem>>) src(%dma_wait3A_128 : memref<128x128xf32, #tpu.memory_space<hbm>>) dst(%arg12 : memref<128x128xf32, #tpu.memory_space<vmem>>)
    }
    %scan3A_34 = arith.constant 5 : i32
    %barrier3A_35 = arith.constant 0 : index
    tpu.barrier barrier_id(%barrier3A_35)
    %mul3A_36 = arith.constant 624 : i32
    %mul3A_37 = arith.muli %arg1, %mul3A_36 : i32
    %add3A_38 = arith.constant 0 : i32
    %add3A_39 = arith.addi %mul3A_37, %add3A_38 : i32
    %mul3A_40 = arith.constant 624 : i32
    %mul3A_41 = arith.muli %arg1, %mul3A_40 : i32
    %add3A_42 = arith.addi %mul3A_0, %mul3A_41 : i32
    %add3A_43 = arith.constant 0 : i32
    %add3A_44 = arith.addi %add3A_42, %add3A_43 : i32
    "tpu.region"() ({
      %run_scoped3A = tpu.sem_alloc : memref<!tpu.dma_semaphore, #tpu.memory_space<semaphore_mem>>
      %dma_start3A = arith.constant 0 : i32
      %dma_start3A_86 = tpu.memref_slice %arg6[%add3A_44, %dma_start3A] : memref<20000x128xf32, #tpu.memory_space<hbm>> -> memref<128x128xf32, #tpu.memory_space<hbm>>
      %dma_start3A_87 = arith.constant 0 : i32
      %dma_start3A_88 = tpu.memref_slice %arg7[%add3A_39, %dma_start3A_87] : memref<10000x128xf32, #tpu.memory_space<vmem_shared>> -> memref<128x128xf32, #tpu.memory_space<vmem_shared>>
      tpu.enqueue_dma source(%dma_start3A_88 : memref<128x128xf32, #tpu.memory_space<vmem_shared>>) target(%dma_start3A_86 : memref<128x128xf32, #tpu.memory_space<hbm>>) target_semaphore(%run_scoped3A : memref<!tpu.dma_semaphore, #tpu.memory_space<semaphore_mem>>)
      %dma_wait3A = arith.constant 0 : i32
      %dma_wait3A_89 = tpu.memref_slice %arg6[%add3A_44, %dma_wait3A] : memref<20000x128xf32, #tpu.memory_space<hbm>> -> memref<128x128xf32, #tpu.memory_space<hbm>>
      %dma_wait3A_90 = arith.constant 0 : i32
      %dma_wait3A_91 = tpu.memref_slice %arg7[%add3A_39, %dma_wait3A_90] : memref<10000x128xf32, #tpu.memory_space<vmem_shared>> -> memref<128x128xf32, #tpu.memory_space<vmem_shared>>
      tpu.wait_dma2 semaphore(%run_scoped3A : memref<!tpu.dma_semaphore, #tpu.memory_space<semaphore_mem>>) src(%dma_wait3A_91 : memref<128x128xf32, #tpu.memory_space<vmem_shared>>) dst(%dma_wait3A_89 : memref<128x128xf32, #tpu.memory_space<hbm>>)
      tpu.yield
    }) : () -> ()
    %mul3A_45 = arith.constant 624 : i32
    %mul3A_46 = arith.muli %arg1, %mul3A_45 : i32
    %add3A_47 = arith.constant 128 : i32
    %add3A_48 = arith.addi %mul3A_46, %add3A_47 : i32
    %mul3A_49 = arith.constant 624 : i32
    %mul3A_50 = arith.muli %arg1, %mul3A_49 : i32
    %add3A_51 = arith.addi %mul3A_0, %mul3A_50 : i32
    %add3A_52 = arith.constant 128 : i32
    %add3A_53 = arith.addi %add3A_51, %add3A_52 : i32
    "tpu.region"() ({
      %run_scoped3A = tpu.sem_alloc : memref<!tpu.dma_semaphore, #tpu.memory_space<semaphore_mem>>
      %dma_start3A = arith.constant 0 : i32
      %dma_start3A_86 = tpu.memref_slice %arg6[%add3A_53, %dma_start3A] : memref<20000x128xf32, #tpu.memory_space<hbm>> -> memref<128x128xf32, #tpu.memory_space<hbm>>
      %dma_start3A_87 = arith.constant 0 : i32
      %dma_start3A_88 = tpu.memref_slice %arg7[%add3A_48, %dma_start3A_87] : memref<10000x128xf32, #tpu.memory_space<vmem_shared>> -> memref<128x128xf32, #tpu.memory_space<vmem_shared>>
      tpu.enqueue_dma source(%dma_start3A_88 : memref<128x128xf32, #tpu.memory_space<vmem_shared>>) target(%dma_start3A_86 : memref<128x128xf32, #tpu.memory_space<hbm>>) target_semaphore(%run_scoped3A : memref<!tpu.dma_semaphore, #tpu.memory_space<semaphore_mem>>)
      %dma_wait3A = arith.constant 0 : i32
      %dma_wait3A_89 = tpu.memref_slice %arg6[%add3A_53, %dma_wait3A] : memref<20000x128xf32, #tpu.memory_space<hbm>> -> memref<128x128xf32, #tpu.memory_space<hbm>>
      %dma_wait3A_90 = arith.constant 0 : i32
      %dma_wait3A_91 = tpu.memref_slice %arg7[%add3A_48, %dma_wait3A_90] : memref<10000x128xf32, #tpu.memory_space<vmem_shared>> -> memref<128x128xf32, #tpu.memory_space<vmem_shared>>
      tpu.wait_dma2 semaphore(%run_scoped3A : memref<!tpu.dma_semaphore, #tpu.memory_space<semaphore_mem>>) src(%dma_wait3A_91 : memref<128x128xf32, #tpu.memory_space<vmem_shared>>) dst(%dma_wait3A_89 : memref<128x128xf32, #tpu.memory_space<hbm>>)
      tpu.yield
    }) : () -> ()
    %mul3A_54 = arith.constant 624 : i32
    %mul3A_55 = arith.muli %arg1, %mul3A_54 : i32
    %add3A_56 = arith.constant 256 : i32
    %add3A_57 = arith.addi %mul3A_55, %add3A_56 : i32
    %mul3A_58 = arith.constant 624 : i32
    %mul3A_59 = arith.muli %arg1, %mul3A_58 : i32
    %add3A_60 = arith.addi %mul3A_0, %mul3A_59 : i32
    %add3A_61 = arith.constant 256 : i32
    %add3A_62 = arith.addi %add3A_60, %add3A_61 : i32
    "tpu.region"() ({
      %run_scoped3A = tpu.sem_alloc : memref<!tpu.dma_semaphore, #tpu.memory_space<semaphore_mem>>
      %dma_start3A = arith.constant 0 : i32
      %dma_start3A_86 = tpu.memref_slice %arg6[%add3A_62, %dma_start3A] : memref<20000x128xf32, #tpu.memory_space<hbm>> -> memref<128x128xf32, #tpu.memory_space<hbm>>
      %dma_start3A_87 = arith.constant 0 : i32
      %dma_start3A_88 = tpu.memref_slice %arg7[%add3A_57, %dma_start3A_87] : memref<10000x128xf32, #tpu.memory_space<vmem_shared>> -> memref<128x128xf32, #tpu.memory_space<vmem_shared>>
      tpu.enqueue_dma source(%dma_start3A_88 : memref<128x128xf32, #tpu.memory_space<vmem_shared>>) target(%dma_start3A_86 : memref<128x128xf32, #tpu.memory_space<hbm>>) target_semaphore(%run_scoped3A : memref<!tpu.dma_semaphore, #tpu.memory_space<semaphore_mem>>)
      %dma_wait3A = arith.constant 0 : i32
      %dma_wait3A_89 = tpu.memref_slice %arg6[%add3A_62, %dma_wait3A] : memref<20000x128xf32, #tpu.memory_space<hbm>> -> memref<128x128xf32, #tpu.memory_space<hbm>>
      %dma_wait3A_90 = arith.constant 0 : i32
      %dma_wait3A_91 = tpu.memref_slice %arg7[%add3A_57, %dma_wait3A_90] : memref<10000x128xf32, #tpu.memory_space<vmem_shared>> -> memref<128x128xf32, #tpu.memory_space<vmem_shared>>
      tpu.wait_dma2 semaphore(%run_scoped3A : memref<!tpu.dma_semaphore, #tpu.memory_space<semaphore_mem>>) src(%dma_wait3A_91 : memref<128x128xf32, #tpu.memory_space<vmem_shared>>) dst(%dma_wait3A_89 : memref<128x128xf32, #tpu.memory_space<hbm>>)
      tpu.yield
    }) : () -> ()
    %mul3A_63 = arith.constant 624 : i32
    %mul3A_64 = arith.muli %arg1, %mul3A_63 : i32
    %add3A_65 = arith.constant 384 : i32
    %add3A_66 = arith.addi %mul3A_64, %add3A_65 : i32
    %mul3A_67 = arith.constant 624 : i32
    %mul3A_68 = arith.muli %arg1, %mul3A_67 : i32
    %add3A_69 = arith.addi %mul3A_0, %mul3A_68 : i32
    %add3A_70 = arith.constant 384 : i32
    %add3A_71 = arith.addi %add3A_69, %add3A_70 : i32
    "tpu.region"() ({
      %run_scoped3A = tpu.sem_alloc : memref<!tpu.dma_semaphore, #tpu.memory_space<semaphore_mem>>
      %dma_start3A = arith.constant 0 : i32
      %dma_start3A_86 = tpu.memref_slice %arg6[%add3A_71, %dma_start3A] : memref<20000x128xf32, #tpu.memory_space<hbm>> -> memref<128x128xf32, #tpu.memory_space<hbm>>
      %dma_start3A_87 = arith.constant 0 : i32
      %dma_start3A_88 = tpu.memref_slice %arg7[%add3A_66, %dma_start3A_87] : memref<10000x128xf32, #tpu.memory_space<vmem_shared>> -> memref<128x128xf32, #tpu.memory_space<vmem_shared>>
      tpu.enqueue_dma source(%dma_start3A_88 : memref<128x128xf32, #tpu.memory_space<vmem_shared>>) target(%dma_start3A_86 : memref<128x128xf32, #tpu.memory_space<hbm>>) target_semaphore(%run_scoped3A : memref<!tpu.dma_semaphore, #tpu.memory_space<semaphore_mem>>)
      %dma_wait3A = arith.constant 0 : i32
      %dma_wait3A_89 = tpu.memref_slice %arg6[%add3A_71, %dma_wait3A] : memref<20000x128xf32, #tpu.memory_space<hbm>> -> memref<128x128xf32, #tpu.memory_space<hbm>>
      %dma_wait3A_90 = arith.constant 0 : i32
      %dma_wait3A_91 = tpu.memref_slice %arg7[%add3A_66, %dma_wait3A_90] : memref<10000x128xf32, #tpu.memory_space<vmem_shared>> -> memref<128x128xf32, #tpu.memory_space<vmem_shared>>
      tpu.wait_dma2 semaphore(%run_scoped3A : memref<!tpu.dma_semaphore, #tpu.memory_space<semaphore_mem>>) src(%dma_wait3A_91 : memref<128x128xf32, #tpu.memory_space<vmem_shared>>) dst(%dma_wait3A_89 : memref<128x128xf32, #tpu.memory_space<hbm>>)
      tpu.yield
    }) : () -> ()
    %mul3A_72 = arith.constant 624 : i32
    %mul3A_73 = arith.muli %arg1, %mul3A_72 : i32
    %add3A_74 = arith.constant 512 : i32
    %add3A_75 = arith.addi %mul3A_73, %add3A_74 : i32
    %mul3A_76 = arith.constant 624 : i32
    %mul3A_77 = arith.muli %arg1, %mul3A_76 : i32
    %add3A_78 = arith.addi %mul3A_0, %mul3A_77 : i32
    %add3A_79 = arith.constant 512 : i32
    %add3A_80 = arith.addi %add3A_78, %add3A_79 : i32
    "tpu.region"() ({
      %run_scoped3A = tpu.sem_alloc : memref<!tpu.dma_semaphore, #tpu.memory_space<semaphore_mem>>
      %dma_start3A = arith.constant 0 : i32
      %dma_start3A_86 = tpu.memref_slice %arg6[%add3A_80, %dma_start3A] : memref<20000x128xf32, #tpu.memory_space<hbm>> -> memref<112x128xf32, #tpu.memory_space<hbm>>
      %dma_start3A_87 = arith.constant 0 : i32
      %dma_start3A_88 = tpu.memref_slice %arg7[%add3A_75, %dma_start3A_87] : memref<10000x128xf32, #tpu.memory_space<vmem_shared>> -> memref<112x128xf32, #tpu.memory_space<vmem_shared>>
      tpu.enqueue_dma source(%dma_start3A_88 : memref<112x128xf32, #tpu.memory_space<vmem_shared>>) target(%dma_start3A_86 : memref<112x128xf32, #tpu.memory_space<hbm>>) target_semaphore(%run_scoped3A : memref<!tpu.dma_semaphore, #tpu.memory_space<semaphore_mem>>)
      %dma_wait3A = arith.constant 0 : i32
      %dma_wait3A_89 = tpu.memref_slice %arg6[%add3A_80, %dma_wait3A] : memref<20000x128xf32, #tpu.memory_space<hbm>> -> memref<112x128xf32, #tpu.memory_space<hbm>>
      %dma_wait3A_90 = arith.constant 0 : i32
      %dma_wait3A_91 = tpu.memref_slice %arg7[%add3A_75, %dma_wait3A_90] : memref<10000x128xf32, #tpu.memory_space<vmem_shared>> -> memref<112x128xf32, #tpu.memory_space<vmem_shared>>
      tpu.wait_dma2 semaphore(%run_scoped3A : memref<!tpu.dma_semaphore, #tpu.memory_space<semaphore_mem>>) src(%dma_wait3A_91 : memref<112x128xf32, #tpu.memory_space<vmem_shared>>) dst(%dma_wait3A_89 : memref<112x128xf32, #tpu.memory_space<hbm>>)
      tpu.yield
    }) : () -> ()
    %eq3A_81 = arith.constant 0 : i32
    %eq3A_82 = arith.cmpi eq, %arg1, %eq3A_81 : i32
    %convert_element_type3A_83 = arith.extui %eq3A_82 : i1 to i32
    %cond3A_84 = arith.constant 0 : i32
    %cond3A_85 = arith.cmpi ne, %convert_element_type3A_83, %cond3A_84 : i32
    scf.if %cond3A_85 {
      %add3A_86 = arith.constant 9984 : i32
      %add3A_87 = arith.addi %mul3A_0, %add3A_86 : i32
      "tpu.region"() ({
        %run_scoped3A = tpu.sem_alloc : memref<!tpu.dma_semaphore, #tpu.memory_space<semaphore_mem>>
        %dma_start3A = arith.constant 0 : i32
        %dma_start3A_88 = tpu.memref_slice %arg6[%add3A_87, %dma_start3A] : memref<20000x128xf32, #tpu.memory_space<hbm>> -> memref<16x128xf32, #tpu.memory_space<hbm>>
        %dma_start3A_89 = arith.constant 9984 : i32
        %dma_start3A_90 = arith.constant 0 : i32
        %dma_start3A_91 = tpu.memref_slice %arg7[%dma_start3A_89, %dma_start3A_90] : memref<10000x128xf32, #tpu.memory_space<vmem_shared>> -> memref<16x128xf32, #tpu.memory_space<vmem_shared>>
        tpu.enqueue_dma source(%dma_start3A_91 : memref<16x128xf32, #tpu.memory_space<vmem_shared>>) target(%dma_start3A_88 : memref<16x128xf32, #tpu.memory_space<hbm>>) target_semaphore(%run_scoped3A : memref<!tpu.dma_semaphore, #tpu.memory_space<semaphore_mem>>)
        %dma_wait3A = arith.constant 0 : i32
        %dma_wait3A_92 = tpu.memref_slice %arg6[%add3A_87, %dma_wait3A] : memref<20000x128xf32, #tpu.memory_space<hbm>> -> memref<16x128xf32, #tpu.memory_space<hbm>>
        %dma_wait3A_93 = arith.constant 9984 : i32
        %dma_wait3A_94 = arith.constant 0 : i32
        %dma_wait3A_95 = tpu.memref_slice %arg7[%dma_wait3A_93, %dma_wait3A_94] : memref<10000x128xf32, #tpu.memory_space<vmem_shared>> -> memref<16x128xf32, #tpu.memory_space<vmem_shared>>
        tpu.wait_dma2 semaphore(%run_scoped3A : memref<!tpu.dma_semaphore, #tpu.memory_space<semaphore_mem>>) src(%dma_wait3A_95 : memref<16x128xf32, #tpu.memory_space<vmem_shared>>) dst(%dma_wait3A_92 : memref<16x128xf32, #tpu.memory_space<hbm>>)
        tpu.yield
      }) : () -> ()
    } else {
    }
    return
  }
}

#map = affine_map<(d0, d1) -> (0, 0)>
#map1 = affine_map<(d0, d1) -> (0, 0, 0)>
module attributes {stable_mosaic.version = 14 : i64} {
  func.func @_sc_propagate(%arg0: i32, %arg1: i32, %arg2: memref<20000x128xf32, #tpu.memory_space<hbm>>, %arg3: memref<16x80x128xi32, #tpu.memory_space<hbm>>, %arg4: memref<16x80x128xi32, #tpu.memory_space<hbm>>, %arg5: memref<16x80x128xf32, #tpu.memory_space<hbm>>, %arg6: memref<20000x128xf32, #tpu.memory_space<hbm>>, %arg7: memref<10000x128xf32, #tpu.memory_space<vmem_shared>>, %arg8: memref<16x128xi32, #tpu.memory_space<vmem>>, %arg9: memref<16x128xi32, #tpu.memory_space<vmem>>, %arg10: memref<16x128xf32, #tpu.memory_space<vmem>>, %arg11: memref<128x128xf32, #tpu.memory_space<vmem>>, %arg12: memref<128x128xf32, #tpu.memory_space<vmem>>, %arg13: memref<!tpu.dma_semaphore, #tpu.memory_space<semaphore_mem>>, %arg14: memref<!tpu.dma_semaphore, #tpu.memory_space<semaphore_mem>>, %arg15: memref<!tpu.dma_semaphore, #tpu.memory_space<semaphore_mem>>, %arg16: memref<!tpu.dma_semaphore, #tpu.memory_space<semaphore_mem>>) attributes {dimension_semantics = [#tpu.dimension_semantics<core_parallel>, #tpu.dimension_semantics<subcore_parallel>], iteration_bounds = array<i64: 2, 16>, scalar_prefetch = 0 : i64, scratch_operands = 10 : i64, tpu.core_type = #tpu.core_type<sc_vector_subcore>, window_params = [{transform_indices = #map}, {transform_indices = #map1}, {transform_indices = #map1}, {transform_indices = #map1}, {transform_indices = #map}]} {
    %mul3A = arith.constant 10000 : i32
    %mul3A_0 = arith.muli %arg0, %mul3A : i32
    %broadcast_in_dim3A = arith.constant 0.000000e+00 : f32
    %broadcast_in_dim3A_1 = vector.broadcast %broadcast_in_dim3A : f32 to vector<16xf32>
    %scan3A = arith.constant 0 : i32
    %scan3A_2 = arith.constant 0 : i32
    %scan3A_3 = arith.constant 128 : i32
    %scan3A_4 = arith.addi %scan3A_2, %scan3A_3 : i32
    %scan3A_5 = arith.constant 1 : i32
    scf.for %scan3A_86 = %scan3A_2 to %scan3A_4 step %scan3A_5  : i32 {
      %swap3A = arith.index_cast %scan3A_86 : i32 to index
      %swap3A_87 = arith.constant 0 : index
      %swap3A_88 = tpu.vector_load %arg11[%swap3A, %swap3A_87] {strides = array<i32>} : memref<128x128xf32, #tpu.memory_space<vmem>>, vector<1x16xf32>,
      %swap3A_89 = vector.shape_cast %swap3A_88 : vector<1x16xf32> to vector<16xf32>
      %swap3A_90 = vector.shape_cast %broadcast_in_dim3A_1 : vector<16xf32> to vector<1x16xf32>
      tpu.vector_store %arg11[%swap3A, %swap3A_87], %swap3A_90 {strides = array<i32>} : memref<128x128xf32, #tpu.memory_space<vmem>>, vector<1x16xf32>,
      %swap3A_91 = arith.index_cast %scan3A_86 : i32 to index
      %swap3A_92 = arith.constant 16 : index
      %swap3A_93 = tpu.vector_load %arg11[%swap3A_91, %swap3A_92] {strides = array<i32>} : memref<128x128xf32, #tpu.memory_space<vmem>>, vector<1x16xf32>,
      %swap3A_94 = vector.shape_cast %swap3A_93 : vector<1x16xf32> to vector<16xf32>
      %swap3A_95 = vector.shape_cast %broadcast_in_dim3A_1 : vector<16xf32> to vector<1x16xf32>
      tpu.vector_store %arg11[%swap3A_91, %swap3A_92], %swap3A_95 {strides = array<i32>} : memref<128x128xf32, #tpu.memory_space<vmem>>, vector<1x16xf32>,
      %swap3A_96 = arith.index_cast %scan3A_86 : i32 to index
      %swap3A_97 = arith.constant 32 : index
      %swap3A_98 = tpu.vector_load %arg11[%swap3A_96, %swap3A_97] {strides = array<i32>} : memref<128x128xf32, #tpu.memory_space<vmem>>, vector<1x16xf32>,
      %swap3A_99 = vector.shape_cast %swap3A_98 : vector<1x16xf32> to vector<16xf32>
      %swap3A_100 = vector.shape_cast %broadcast_in_dim3A_1 : vector<16xf32> to vector<1x16xf32>
      tpu.vector_store %arg11[%swap3A_96, %swap3A_97], %swap3A_100 {strides = array<i32>} : memref<128x128xf32, #tpu.memory_space<vmem>>, vector<1x16xf32>,
      %swap3A_101 = arith.index_cast %scan3A_86 : i32 to index
      %swap3A_102 = arith.constant 48 : index
      %swap3A_103 = tpu.vector_load %arg11[%swap3A_101, %swap3A_102] {strides = array<i32>} : memref<128x128xf32, #tpu.memory_space<vmem>>, vector<1x16xf32>,
      %swap3A_104 = vector.shape_cast %swap3A_103 : vector<1x16xf32> to vector<16xf32>
      %swap3A_105 = vector.shape_cast %broadcast_in_dim3A_1 : vector<16xf32> to vector<1x16xf32>
      tpu.vector_store %arg11[%swap3A_101, %swap3A_102], %swap3A_105 {strides = array<i32>} : memref<128x128xf32, #tpu.memory_space<vmem>>, vector<1x16xf32>,
      %swap3A_106 = arith.index_cast %scan3A_86 : i32 to index
      %swap3A_107 = arith.constant 64 : index
      %swap3A_108 = tpu.vector_load %arg11[%swap3A_106, %swap3A_107] {strides = array<i32>} : memref<128x128xf32, #tpu.memory_space<vmem>>, vector<1x16xf32>,
      %swap3A_109 = vector.shape_cast %swap3A_108 : vector<1x16xf32> to vector<16xf32>
      %swap3A_110 = vector.shape_cast %broadcast_in_dim3A_1 : vector<16xf32> to vector<1x16xf32>
      tpu.vector_store %arg11[%swap3A_106, %swap3A_107], %swap3A_110 {strides = array<i32>} : memref<128x128xf32, #tpu.memory_space<vmem>>, vector<1x16xf32>,
      %swap3A_111 = arith.index_cast %scan3A_86 : i32 to index
      %swap3A_112 = arith.constant 80 : index
      %swap3A_113 = tpu.vector_load %arg11[%swap3A_111, %swap3A_112] {strides = array<i32>} : memref<128x128xf32, #tpu.memory_space<vmem>>, vector<1x16xf32>,
      %swap3A_114 = vector.shape_cast %swap3A_113 : vector<1x16xf32> to vector<16xf32>
      %swap3A_115 = vector.shape_cast %broadcast_in_dim3A_1 : vector<16xf32> to vector<1x16xf32>
      tpu.vector_store %arg11[%swap3A_111, %swap3A_112], %swap3A_115 {strides = array<i32>} : memref<128x128xf32, #tpu.memory_space<vmem>>, vector<1x16xf32>,
      %swap3A_116 = arith.index_cast %scan3A_86 : i32 to index
      %swap3A_117 = arith.constant 96 : index
      %swap3A_118 = tpu.vector_load %arg11[%swap3A_116, %swap3A_117] {strides = array<i32>} : memref<128x128xf32, #tpu.memory_space<vmem>>, vector<1x16xf32>,
      %swap3A_119 = vector.shape_cast %swap3A_118 : vector<1x16xf32> to vector<16xf32>
      %swap3A_120 = vector.shape_cast %broadcast_in_dim3A_1 : vector<16xf32> to vector<1x16xf32>
      tpu.vector_store %arg11[%swap3A_116, %swap3A_117], %swap3A_120 {strides = array<i32>} : memref<128x128xf32, #tpu.memory_space<vmem>>, vector<1x16xf32>,
      %swap3A_121 = arith.index_cast %scan3A_86 : i32 to index
      %swap3A_122 = arith.constant 112 : index
      %swap3A_123 = tpu.vector_load %arg11[%swap3A_121, %swap3A_122] {strides = array<i32>} : memref<128x128xf32, #tpu.memory_space<vmem>>, vector<1x16xf32>,
      %swap3A_124 = vector.shape_cast %swap3A_123 : vector<1x16xf32> to vector<16xf32>
      %swap3A_125 = vector.shape_cast %broadcast_in_dim3A_1 : vector<16xf32> to vector<1x16xf32>
      tpu.vector_store %arg11[%swap3A_121, %swap3A_122], %swap3A_125 {strides = array<i32>} : memref<128x128xf32, #tpu.memory_space<vmem>>, vector<1x16xf32>,
    }
    %scan3A_6 = arith.constant 128 : i32
    %mul3A_7 = arith.constant 624 : i32
    %mul3A_8 = arith.muli %arg1, %mul3A_7 : i32
    %add3A = arith.constant 0 : i32
    %add3A_9 = arith.addi %mul3A_8, %add3A : i32
    "tpu.region"() ({
      %run_scoped3A = tpu.sem_alloc : memref<!tpu.dma_semaphore, #tpu.memory_space<semaphore_mem>>
      %dma_start3A = arith.constant 0 : i32
      %dma_start3A_86 = tpu.memref_slice %arg7[%add3A_9, %dma_start3A] : memref<10000x128xf32, #tpu.memory_space<vmem_shared>> -> memref<128x128xf32, #tpu.memory_space<vmem_shared>>
      %dma_start3A_87 = arith.constant 0 : i32
      %dma_start3A_88 = tpu.memref_slice %arg7[%add3A_9, %dma_start3A_87] : memref<10000x128xf32, #tpu.memory_space<vmem_shared>> -> memref<128x128xf32, #tpu.memory_space<vmem_shared>>
      tpu.enqueue_dma source(%arg11 : memref<128x128xf32, #tpu.memory_space<vmem>>) target(%dma_start3A_88 : memref<128x128xf32, #tpu.memory_space<vmem_shared>>) target_semaphore(%run_scoped3A : memref<!tpu.dma_semaphore, #tpu.memory_space<semaphore_mem>>)
      %dma_wait3A = arith.constant 0 : i32
      %dma_wait3A_89 = tpu.memref_slice %arg7[%add3A_9, %dma_wait3A] : memref<10000x128xf32, #tpu.memory_space<vmem_shared>> -> memref<128x128xf32, #tpu.memory_space<vmem_shared>>
      %dma_wait3A_90 = arith.constant 0 : i32
      %dma_wait3A_91 = tpu.memref_slice %arg7[%add3A_9, %dma_wait3A_90] : memref<10000x128xf32, #tpu.memory_space<vmem_shared>> -> memref<128x128xf32, #tpu.memory_space<vmem_shared>>
      tpu.wait_dma2 semaphore(%run_scoped3A : memref<!tpu.dma_semaphore, #tpu.memory_space<semaphore_mem>>) src(%arg11 : memref<128x128xf32, #tpu.memory_space<vmem>>) dst(%dma_wait3A_91 : memref<128x128xf32, #tpu.memory_space<vmem_shared>>)
      tpu.yield
    }) : () -> ()
    %mul3A_10 = arith.constant 624 : i32
    %mul3A_11 = arith.muli %arg1, %mul3A_10 : i32
    %add3A_12 = arith.constant 128 : i32
    %add3A_13 = arith.addi %mul3A_11, %add3A_12 : i32
    "tpu.region"() ({
      %run_scoped3A = tpu.sem_alloc : memref<!tpu.dma_semaphore, #tpu.memory_space<semaphore_mem>>
      %dma_start3A = arith.constant 0 : i32
      %dma_start3A_86 = tpu.memref_slice %arg7[%add3A_13, %dma_start3A] : memref<10000x128xf32, #tpu.memory_space<vmem_shared>> -> memref<128x128xf32, #tpu.memory_space<vmem_shared>>
      %dma_start3A_87 = arith.constant 0 : i32
      %dma_start3A_88 = tpu.memref_slice %arg7[%add3A_13, %dma_start3A_87] : memref<10000x128xf32, #tpu.memory_space<vmem_shared>> -> memref<128x128xf32, #tpu.memory_space<vmem_shared>>
      tpu.enqueue_dma source(%arg11 : memref<128x128xf32, #tpu.memory_space<vmem>>) target(%dma_start3A_88 : memref<128x128xf32, #tpu.memory_space<vmem_shared>>) target_semaphore(%run_scoped3A : memref<!tpu.dma_semaphore, #tpu.memory_space<semaphore_mem>>)
      %dma_wait3A = arith.constant 0 : i32
      %dma_wait3A_89 = tpu.memref_slice %arg7[%add3A_13, %dma_wait3A] : memref<10000x128xf32, #tpu.memory_space<vmem_shared>> -> memref<128x128xf32, #tpu.memory_space<vmem_shared>>
      %dma_wait3A_90 = arith.constant 0 : i32
      %dma_wait3A_91 = tpu.memref_slice %arg7[%add3A_13, %dma_wait3A_90] : memref<10000x128xf32, #tpu.memory_space<vmem_shared>> -> memref<128x128xf32, #tpu.memory_space<vmem_shared>>
      tpu.wait_dma2 semaphore(%run_scoped3A : memref<!tpu.dma_semaphore, #tpu.memory_space<semaphore_mem>>) src(%arg11 : memref<128x128xf32, #tpu.memory_space<vmem>>) dst(%dma_wait3A_91 : memref<128x128xf32, #tpu.memory_space<vmem_shared>>)
      tpu.yield
    }) : () -> ()
    %mul3A_14 = arith.constant 624 : i32
    %mul3A_15 = arith.muli %arg1, %mul3A_14 : i32
    %add3A_16 = arith.constant 256 : i32
    %add3A_17 = arith.addi %mul3A_15, %add3A_16 : i32
    "tpu.region"() ({
      %run_scoped3A = tpu.sem_alloc : memref<!tpu.dma_semaphore, #tpu.memory_space<semaphore_mem>>
      %dma_start3A = arith.constant 0 : i32
      %dma_start3A_86 = tpu.memref_slice %arg7[%add3A_17, %dma_start3A] : memref<10000x128xf32, #tpu.memory_space<vmem_shared>> -> memref<128x128xf32, #tpu.memory_space<vmem_shared>>
      %dma_start3A_87 = arith.constant 0 : i32
      %dma_start3A_88 = tpu.memref_slice %arg7[%add3A_17, %dma_start3A_87] : memref<10000x128xf32, #tpu.memory_space<vmem_shared>> -> memref<128x128xf32, #tpu.memory_space<vmem_shared>>
      tpu.enqueue_dma source(%arg11 : memref<128x128xf32, #tpu.memory_space<vmem>>) target(%dma_start3A_88 : memref<128x128xf32, #tpu.memory_space<vmem_shared>>) target_semaphore(%run_scoped3A : memref<!tpu.dma_semaphore, #tpu.memory_space<semaphore_mem>>)
      %dma_wait3A = arith.constant 0 : i32
      %dma_wait3A_89 = tpu.memref_slice %arg7[%add3A_17, %dma_wait3A] : memref<10000x128xf32, #tpu.memory_space<vmem_shared>> -> memref<128x128xf32, #tpu.memory_space<vmem_shared>>
      %dma_wait3A_90 = arith.constant 0 : i32
      %dma_wait3A_91 = tpu.memref_slice %arg7[%add3A_17, %dma_wait3A_90] : memref<10000x128xf32, #tpu.memory_space<vmem_shared>> -> memref<128x128xf32, #tpu.memory_space<vmem_shared>>
      tpu.wait_dma2 semaphore(%run_scoped3A : memref<!tpu.dma_semaphore, #tpu.memory_space<semaphore_mem>>) src(%arg11 : memref<128x128xf32, #tpu.memory_space<vmem>>) dst(%dma_wait3A_91 : memref<128x128xf32, #tpu.memory_space<vmem_shared>>)
      tpu.yield
    }) : () -> ()
    %mul3A_18 = arith.constant 624 : i32
    %mul3A_19 = arith.muli %arg1, %mul3A_18 : i32
    %add3A_20 = arith.constant 384 : i32
    %add3A_21 = arith.addi %mul3A_19, %add3A_20 : i32
    "tpu.region"() ({
      %run_scoped3A = tpu.sem_alloc : memref<!tpu.dma_semaphore, #tpu.memory_space<semaphore_mem>>
      %dma_start3A = arith.constant 0 : i32
      %dma_start3A_86 = tpu.memref_slice %arg7[%add3A_21, %dma_start3A] : memref<10000x128xf32, #tpu.memory_space<vmem_shared>> -> memref<128x128xf32, #tpu.memory_space<vmem_shared>>
      %dma_start3A_87 = arith.constant 0 : i32
      %dma_start3A_88 = tpu.memref_slice %arg7[%add3A_21, %dma_start3A_87] : memref<10000x128xf32, #tpu.memory_space<vmem_shared>> -> memref<128x128xf32, #tpu.memory_space<vmem_shared>>
      tpu.enqueue_dma source(%arg11 : memref<128x128xf32, #tpu.memory_space<vmem>>) target(%dma_start3A_88 : memref<128x128xf32, #tpu.memory_space<vmem_shared>>) target_semaphore(%run_scoped3A : memref<!tpu.dma_semaphore, #tpu.memory_space<semaphore_mem>>)
      %dma_wait3A = arith.constant 0 : i32
      %dma_wait3A_89 = tpu.memref_slice %arg7[%add3A_21, %dma_wait3A] : memref<10000x128xf32, #tpu.memory_space<vmem_shared>> -> memref<128x128xf32, #tpu.memory_space<vmem_shared>>
      %dma_wait3A_90 = arith.constant 0 : i32
      %dma_wait3A_91 = tpu.memref_slice %arg7[%add3A_21, %dma_wait3A_90] : memref<10000x128xf32, #tpu.memory_space<vmem_shared>> -> memref<128x128xf32, #tpu.memory_space<vmem_shared>>
      tpu.wait_dma2 semaphore(%run_scoped3A : memref<!tpu.dma_semaphore, #tpu.memory_space<semaphore_mem>>) src(%arg11 : memref<128x128xf32, #tpu.memory_space<vmem>>) dst(%dma_wait3A_91 : memref<128x128xf32, #tpu.memory_space<vmem_shared>>)
      tpu.yield
    }) : () -> ()
    %mul3A_22 = arith.constant 624 : i32
    %mul3A_23 = arith.muli %arg1, %mul3A_22 : i32
    %add3A_24 = arith.constant 512 : i32
    %add3A_25 = arith.addi %mul3A_23, %add3A_24 : i32
    "tpu.region"() ({
      %run_scoped3A = tpu.sem_alloc : memref<!tpu.dma_semaphore, #tpu.memory_space<semaphore_mem>>
      %dma_start3A = arith.constant 0 : i32
      %dma_start3A_86 = arith.constant 0 : i32
      %dma_start3A_87 = tpu.memref_slice %arg11[%dma_start3A, %dma_start3A_86] : memref<128x128xf32, #tpu.memory_space<vmem>> -> memref<112x128xf32, #tpu.memory_space<vmem>>
      %dma_start3A_88 = arith.constant 0 : i32
      %dma_start3A_89 = tpu.memref_slice %arg7[%add3A_25, %dma_start3A_88] : memref<10000x128xf32, #tpu.memory_space<vmem_shared>> -> memref<112x128xf32, #tpu.memory_space<vmem_shared>>
      %dma_start3A_90 = arith.constant 0 : i32
      %dma_start3A_91 = tpu.memref_slice %arg7[%add3A_25, %dma_start3A_90] : memref<10000x128xf32, #tpu.memory_space<vmem_shared>> -> memref<112x128xf32, #tpu.memory_space<vmem_shared>>
      %dma_start3A_92 = arith.constant 0 : i32
      %dma_start3A_93 = arith.constant 0 : i32
      %dma_start3A_94 = tpu.memref_slice %arg11[%dma_start3A_92, %dma_start3A_93] : memref<128x128xf32, #tpu.memory_space<vmem>> -> memref<112x128xf32, #tpu.memory_space<vmem>>
      tpu.enqueue_dma source(%dma_start3A_94 : memref<112x128xf32, #tpu.memory_space<vmem>>) target(%dma_start3A_91 : memref<112x128xf32, #tpu.memory_space<vmem_shared>>) target_semaphore(%run_scoped3A : memref<!tpu.dma_semaphore, #tpu.memory_space<semaphore_mem>>)
      %dma_wait3A = arith.constant 0 : i32
      %dma_wait3A_95 = arith.constant 0 : i32
      %dma_wait3A_96 = tpu.memref_slice %arg11[%dma_wait3A, %dma_wait3A_95] : memref<128x128xf32, #tpu.memory_space<vmem>> -> memref<112x128xf32, #tpu.memory_space<vmem>>
      %dma_wait3A_97 = arith.constant 0 : i32
      %dma_wait3A_98 = tpu.memref_slice %arg7[%add3A_25, %dma_wait3A_97] : memref<10000x128xf32, #tpu.memory_space<vmem_shared>> -> memref<112x128xf32, #tpu.memory_space<vmem_shared>>
      %dma_wait3A_99 = arith.constant 0 : i32
      %dma_wait3A_100 = tpu.memref_slice %arg7[%add3A_25, %dma_wait3A_99] : memref<10000x128xf32, #tpu.memory_space<vmem_shared>> -> memref<112x128xf32, #tpu.memory_space<vmem_shared>>
      %dma_wait3A_101 = arith.constant 0 : i32
      %dma_wait3A_102 = arith.constant 0 : i32
      %dma_wait3A_103 = tpu.memref_slice %arg11[%dma_wait3A_101, %dma_wait3A_102] : memref<128x128xf32, #tpu.memory_space<vmem>> -> memref<112x128xf32, #tpu.memory_space<vmem>>
      tpu.wait_dma2 semaphore(%run_scoped3A : memref<!tpu.dma_semaphore, #tpu.memory_space<semaphore_mem>>) src(%dma_wait3A_103 : memref<112x128xf32, #tpu.memory_space<vmem>>) dst(%dma_wait3A_100 : memref<112x128xf32, #tpu.memory_space<vmem_shared>>)
      tpu.yield
    }) : () -> ()
    %eq3A = arith.constant 0 : i32
    %eq3A_26 = arith.cmpi eq, %arg1, %eq3A : i32
    %convert_element_type3A = arith.extui %eq3A_26 : i1 to i32
    %cond3A = arith.constant 0 : i32
    %cond3A_27 = arith.cmpi ne, %convert_element_type3A, %cond3A : i32
    scf.if %cond3A_27 {
      "tpu.region"() ({
        %run_scoped3A = tpu.sem_alloc : memref<!tpu.dma_semaphore, #tpu.memory_space<semaphore_mem>>
        %dma_start3A = arith.constant 0 : i32
        %dma_start3A_86 = arith.constant 0 : i32
        %dma_start3A_87 = tpu.memref_slice %arg11[%dma_start3A, %dma_start3A_86] : memref<128x128xf32, #tpu.memory_space<vmem>> -> memref<16x128xf32, #tpu.memory_space<vmem>>
        %dma_start3A_88 = arith.constant 9984 : i32
        %dma_start3A_89 = arith.constant 0 : i32
        %dma_start3A_90 = tpu.memref_slice %arg7[%dma_start3A_88, %dma_start3A_89] : memref<10000x128xf32, #tpu.memory_space<vmem_shared>> -> memref<16x128xf32, #tpu.memory_space<vmem_shared>>
        %dma_start3A_91 = arith.constant 9984 : i32
        %dma_start3A_92 = arith.constant 0 : i32
        %dma_start3A_93 = tpu.memref_slice %arg7[%dma_start3A_91, %dma_start3A_92] : memref<10000x128xf32, #tpu.memory_space<vmem_shared>> -> memref<16x128xf32, #tpu.memory_space<vmem_shared>>
        %dma_start3A_94 = arith.constant 0 : i32
        %dma_start3A_95 = arith.constant 0 : i32
        %dma_start3A_96 = tpu.memref_slice %arg11[%dma_start3A_94, %dma_start3A_95] : memref<128x128xf32, #tpu.memory_space<vmem>> -> memref<16x128xf32, #tpu.memory_space<vmem>>
        tpu.enqueue_dma source(%dma_start3A_96 : memref<16x128xf32, #tpu.memory_space<vmem>>) target(%dma_start3A_93 : memref<16x128xf32, #tpu.memory_space<vmem_shared>>) target_semaphore(%run_scoped3A : memref<!tpu.dma_semaphore, #tpu.memory_space<semaphore_mem>>)
        %dma_wait3A = arith.constant 0 : i32
        %dma_wait3A_97 = arith.constant 0 : i32
        %dma_wait3A_98 = tpu.memref_slice %arg11[%dma_wait3A, %dma_wait3A_97] : memref<128x128xf32, #tpu.memory_space<vmem>> -> memref<16x128xf32, #tpu.memory_space<vmem>>
        %dma_wait3A_99 = arith.constant 9984 : i32
        %dma_wait3A_100 = arith.constant 0 : i32
        %dma_wait3A_101 = tpu.memref_slice %arg7[%dma_wait3A_99, %dma_wait3A_100] : memref<10000x128xf32, #tpu.memory_space<vmem_shared>> -> memref<16x128xf32, #tpu.memory_space<vmem_shared>>
        %dma_wait3A_102 = arith.constant 9984 : i32
        %dma_wait3A_103 = arith.constant 0 : i32
        %dma_wait3A_104 = tpu.memref_slice %arg7[%dma_wait3A_102, %dma_wait3A_103] : memref<10000x128xf32, #tpu.memory_space<vmem_shared>> -> memref<16x128xf32, #tpu.memory_space<vmem_shared>>
        %dma_wait3A_105 = arith.constant 0 : i32
        %dma_wait3A_106 = arith.constant 0 : i32
        %dma_wait3A_107 = tpu.memref_slice %arg11[%dma_wait3A_105, %dma_wait3A_106] : memref<128x128xf32, #tpu.memory_space<vmem>> -> memref<16x128xf32, #tpu.memory_space<vmem>>
        tpu.wait_dma2 semaphore(%run_scoped3A : memref<!tpu.dma_semaphore, #tpu.memory_space<semaphore_mem>>) src(%dma_wait3A_107 : memref<16x128xf32, #tpu.memory_space<vmem>>) dst(%dma_wait3A_104 : memref<16x128xf32, #tpu.memory_space<vmem_shared>>)
        tpu.yield
      }) : () -> ()
    } else {
    }
    %barrier3A = arith.constant 0 : index
    tpu.barrier barrier_id(%barrier3A)
    %broadcast_in_dim3A_28 = vector.broadcast %mul3A_0 : i32 to vector<16xi32>
    %scan3A_29 = arith.constant 0 : i32
    %scan3A_30 = arith.constant 0 : i32
    %scan3A_31 = arith.constant 5 : i32
    %scan3A_32 = arith.addi %scan3A_30, %scan3A_31 : i32
    %scan3A_33 = arith.constant 1 : i32
    scf.for %scan3A_86 = %scan3A_30 to %scan3A_32 step %scan3A_33  : i32 {
      %mul3A_87 = arith.constant 16 : i32
      %mul3A_88 = arith.muli %scan3A_86, %mul3A_87 : i32
      "tpu.region"() ({
        %run_scoped3A = tpu.sem_alloc : memref<!tpu.dma_semaphore, #tpu.memory_space<semaphore_mem>>
        %dma_start3A_129 = arith.constant 0 : i32
        %dma_start3A_130 = tpu.memref_slice %arg3[%arg1, %mul3A_88, %dma_start3A_129] : memref<16x80x128xi32, #tpu.memory_space<hbm>> -> memref<1x16x128xi32, #tpu.memory_space<hbm>>
        %dma_start3A_131 = tpu.memref_squeeze %dma_start3A_130 : memref<1x16x128xi32, #tpu.memory_space<hbm>> -> memref<16x128xi32, #tpu.memory_space<hbm>>
        %dma_start3A_132 = arith.constant 0 : i32
        %dma_start3A_133 = tpu.memref_slice %arg3[%arg1, %mul3A_88, %dma_start3A_132] : memref<16x80x128xi32, #tpu.memory_space<hbm>> -> memref<1x16x128xi32, #tpu.memory_space<hbm>>
        %dma_start3A_134 = tpu.memref_squeeze %dma_start3A_133 : memref<1x16x128xi32, #tpu.memory_space<hbm>> -> memref<16x128xi32, #tpu.memory_space<hbm>>
        tpu.enqueue_dma source(%dma_start3A_134 : memref<16x128xi32, #tpu.memory_space<hbm>>) target(%arg8 : memref<16x128xi32, #tpu.memory_space<vmem>>) target_semaphore(%run_scoped3A : memref<!tpu.dma_semaphore, #tpu.memory_space<semaphore_mem>>)
        %dma_wait3A_135 = arith.constant 0 : i32
        %dma_wait3A_136 = tpu.memref_slice %arg3[%arg1, %mul3A_88, %dma_wait3A_135] : memref<16x80x128xi32, #tpu.memory_space<hbm>> -> memref<1x16x128xi32, #tpu.memory_space<hbm>>
        %dma_wait3A_137 = tpu.memref_squeeze %dma_wait3A_136 : memref<1x16x128xi32, #tpu.memory_space<hbm>> -> memref<16x128xi32, #tpu.memory_space<hbm>>
        %dma_wait3A_138 = arith.constant 0 : i32
        %dma_wait3A_139 = tpu.memref_slice %arg3[%arg1, %mul3A_88, %dma_wait3A_138] : memref<16x80x128xi32, #tpu.memory_space<hbm>> -> memref<1x16x128xi32, #tpu.memory_space<hbm>>
        %dma_wait3A_140 = tpu.memref_squeeze %dma_wait3A_139 : memref<1x16x128xi32, #tpu.memory_space<hbm>> -> memref<16x128xi32, #tpu.memory_space<hbm>>
        tpu.wait_dma2 semaphore(%run_scoped3A : memref<!tpu.dma_semaphore, #tpu.memory_space<semaphore_mem>>) src(%dma_wait3A_140 : memref<16x128xi32, #tpu.memory_space<hbm>>) dst(%arg8 : memref<16x128xi32, #tpu.memory_space<vmem>>)
        tpu.yield
      }) : () -> ()
      %mul3A_89 = arith.constant 16 : i32
      %mul3A_90 = arith.muli %scan3A_86, %mul3A_89 : i32
      "tpu.region"() ({
        %run_scoped3A = tpu.sem_alloc : memref<!tpu.dma_semaphore, #tpu.memory_space<semaphore_mem>>
        %dma_start3A_129 = arith.constant 0 : i32
        %dma_start3A_130 = tpu.memref_slice %arg4[%arg1, %mul3A_90, %dma_start3A_129] : memref<16x80x128xi32, #tpu.memory_space<hbm>> -> memref<1x16x128xi32, #tpu.memory_space<hbm>>
        %dma_start3A_131 = tpu.memref_squeeze %dma_start3A_130 : memref<1x16x128xi32, #tpu.memory_space<hbm>> -> memref<16x128xi32, #tpu.memory_space<hbm>>
        %dma_start3A_132 = arith.constant 0 : i32
        %dma_start3A_133 = tpu.memref_slice %arg4[%arg1, %mul3A_90, %dma_start3A_132] : memref<16x80x128xi32, #tpu.memory_space<hbm>> -> memref<1x16x128xi32, #tpu.memory_space<hbm>>
        %dma_start3A_134 = tpu.memref_squeeze %dma_start3A_133 : memref<1x16x128xi32, #tpu.memory_space<hbm>> -> memref<16x128xi32, #tpu.memory_space<hbm>>
        tpu.enqueue_dma source(%dma_start3A_134 : memref<16x128xi32, #tpu.memory_space<hbm>>) target(%arg9 : memref<16x128xi32, #tpu.memory_space<vmem>>) target_semaphore(%run_scoped3A : memref<!tpu.dma_semaphore, #tpu.memory_space<semaphore_mem>>)
        %dma_wait3A_135 = arith.constant 0 : i32
        %dma_wait3A_136 = tpu.memref_slice %arg4[%arg1, %mul3A_90, %dma_wait3A_135] : memref<16x80x128xi32, #tpu.memory_space<hbm>> -> memref<1x16x128xi32, #tpu.memory_space<hbm>>
        %dma_wait3A_137 = tpu.memref_squeeze %dma_wait3A_136 : memref<1x16x128xi32, #tpu.memory_space<hbm>> -> memref<16x128xi32, #tpu.memory_space<hbm>>
        %dma_wait3A_138 = arith.constant 0 : i32
        %dma_wait3A_139 = tpu.memref_slice %arg4[%arg1, %mul3A_90, %dma_wait3A_138] : memref<16x80x128xi32, #tpu.memory_space<hbm>> -> memref<1x16x128xi32, #tpu.memory_space<hbm>>
        %dma_wait3A_140 = tpu.memref_squeeze %dma_wait3A_139 : memref<1x16x128xi32, #tpu.memory_space<hbm>> -> memref<16x128xi32, #tpu.memory_space<hbm>>
        tpu.wait_dma2 semaphore(%run_scoped3A : memref<!tpu.dma_semaphore, #tpu.memory_space<semaphore_mem>>) src(%dma_wait3A_140 : memref<16x128xi32, #tpu.memory_space<hbm>>) dst(%arg9 : memref<16x128xi32, #tpu.memory_space<vmem>>)
        tpu.yield
      }) : () -> ()
      %mul3A_91 = arith.constant 16 : i32
      %mul3A_92 = arith.muli %scan3A_86, %mul3A_91 : i32
      "tpu.region"() ({
        %run_scoped3A = tpu.sem_alloc : memref<!tpu.dma_semaphore, #tpu.memory_space<semaphore_mem>>
        %dma_start3A_129 = arith.constant 0 : i32
        %dma_start3A_130 = tpu.memref_slice %arg5[%arg1, %mul3A_92, %dma_start3A_129] : memref<16x80x128xf32, #tpu.memory_space<hbm>> -> memref<1x16x128xf32, #tpu.memory_space<hbm>>
        %dma_start3A_131 = tpu.memref_squeeze %dma_start3A_130 : memref<1x16x128xf32, #tpu.memory_space<hbm>> -> memref<16x128xf32, #tpu.memory_space<hbm>>
        %dma_start3A_132 = arith.constant 0 : i32
        %dma_start3A_133 = tpu.memref_slice %arg5[%arg1, %mul3A_92, %dma_start3A_132] : memref<16x80x128xf32, #tpu.memory_space<hbm>> -> memref<1x16x128xf32, #tpu.memory_space<hbm>>
        %dma_start3A_134 = tpu.memref_squeeze %dma_start3A_133 : memref<1x16x128xf32, #tpu.memory_space<hbm>> -> memref<16x128xf32, #tpu.memory_space<hbm>>
        tpu.enqueue_dma source(%dma_start3A_134 : memref<16x128xf32, #tpu.memory_space<hbm>>) target(%arg10 : memref<16x128xf32, #tpu.memory_space<vmem>>) target_semaphore(%run_scoped3A : memref<!tpu.dma_semaphore, #tpu.memory_space<semaphore_mem>>)
        %dma_wait3A_135 = arith.constant 0 : i32
        %dma_wait3A_136 = tpu.memref_slice %arg5[%arg1, %mul3A_92, %dma_wait3A_135] : memref<16x80x128xf32, #tpu.memory_space<hbm>> -> memref<1x16x128xf32, #tpu.memory_space<hbm>>
        %dma_wait3A_137 = tpu.memref_squeeze %dma_wait3A_136 : memref<1x16x128xf32, #tpu.memory_space<hbm>> -> memref<16x128xf32, #tpu.memory_space<hbm>>
        %dma_wait3A_138 = arith.constant 0 : i32
        %dma_wait3A_139 = tpu.memref_slice %arg5[%arg1, %mul3A_92, %dma_wait3A_138] : memref<16x80x128xf32, #tpu.memory_space<hbm>> -> memref<1x16x128xf32, #tpu.memory_space<hbm>>
        %dma_wait3A_140 = tpu.memref_squeeze %dma_wait3A_139 : memref<1x16x128xf32, #tpu.memory_space<hbm>> -> memref<16x128xf32, #tpu.memory_space<hbm>>
        tpu.wait_dma2 semaphore(%run_scoped3A : memref<!tpu.dma_semaphore, #tpu.memory_space<semaphore_mem>>) src(%dma_wait3A_140 : memref<16x128xf32, #tpu.memory_space<hbm>>) dst(%arg10 : memref<16x128xf32, #tpu.memory_space<vmem>>)
        tpu.yield
      }) : () -> ()
      %scan3A_93 = arith.constant 0 : i32
      %scan3A_94 = arith.constant 0 : i32
      %scan3A_95 = arith.constant 16 : i32
      %scan3A_96 = arith.addi %scan3A_94, %scan3A_95 : i32
      %scan3A_97 = arith.constant 1 : i32
      scf.for %scan3A_129 = %scan3A_94 to %scan3A_96 step %scan3A_97  : i32 {
        %get3A = arith.index_cast %scan3A_129 : i32 to index
        %get3A_130 = arith.constant 0 : index
        %get3A_131 = tpu.vector_load %arg8[%get3A, %get3A_130] {strides = array<i32>} : memref<16x128xi32, #tpu.memory_space<vmem>>, vector<1x16xi32>,
        %get3A_132 = vector.shape_cast %get3A_131 : vector<1x16xi32> to vector<16xi32>
        %add3A_133 = arith.addi %get3A_132, %broadcast_in_dim3A_28 : vector<16xi32>
        %swap3A = arith.index_cast %scan3A_129 : i32 to index
        %swap3A_134 = arith.constant 0 : index
        %swap3A_135 = tpu.vector_load %arg8[%swap3A, %swap3A_134] {strides = array<i32>} : memref<16x128xi32, #tpu.memory_space<vmem>>, vector<1x16xi32>,
        %swap3A_136 = vector.shape_cast %swap3A_135 : vector<1x16xi32> to vector<16xi32>
        %swap3A_137 = vector.shape_cast %add3A_133 : vector<16xi32> to vector<1x16xi32>
        tpu.vector_store %arg8[%swap3A, %swap3A_134], %swap3A_137 {strides = array<i32>} : memref<16x128xi32, #tpu.memory_space<vmem>>, vector<1x16xi32>,
        %get3A_138 = arith.index_cast %scan3A_129 : i32 to index
        %get3A_139 = arith.constant 16 : index
        %get3A_140 = tpu.vector_load %arg8[%get3A_138, %get3A_139] {strides = array<i32>} : memref<16x128xi32, #tpu.memory_space<vmem>>, vector<1x16xi32>,
        %get3A_141 = vector.shape_cast %get3A_140 : vector<1x16xi32> to vector<16xi32>
        %add3A_142 = arith.addi %get3A_141, %broadcast_in_dim3A_28 : vector<16xi32>
        %swap3A_143 = arith.index_cast %scan3A_129 : i32 to index
        %swap3A_144 = arith.constant 16 : index
        %swap3A_145 = tpu.vector_load %arg8[%swap3A_143, %swap3A_144] {strides = array<i32>} : memref<16x128xi32, #tpu.memory_space<vmem>>, vector<1x16xi32>,
        %swap3A_146 = vector.shape_cast %swap3A_145 : vector<1x16xi32> to vector<16xi32>
        %swap3A_147 = vector.shape_cast %add3A_142 : vector<16xi32> to vector<1x16xi32>
        tpu.vector_store %arg8[%swap3A_143, %swap3A_144], %swap3A_147 {strides = array<i32>} : memref<16x128xi32, #tpu.memory_space<vmem>>, vector<1x16xi32>,
        %get3A_148 = arith.index_cast %scan3A_129 : i32 to index
        %get3A_149 = arith.constant 32 : index
        %get3A_150 = tpu.vector_load %arg8[%get3A_148, %get3A_149] {strides = array<i32>} : memref<16x128xi32, #tpu.memory_space<vmem>>, vector<1x16xi32>,
        %get3A_151 = vector.shape_cast %get3A_150 : vector<1x16xi32> to vector<16xi32>
        %add3A_152 = arith.addi %get3A_151, %broadcast_in_dim3A_28 : vector<16xi32>
        %swap3A_153 = arith.index_cast %scan3A_129 : i32 to index
        %swap3A_154 = arith.constant 32 : index
        %swap3A_155 = tpu.vector_load %arg8[%swap3A_153, %swap3A_154] {strides = array<i32>} : memref<16x128xi32, #tpu.memory_space<vmem>>, vector<1x16xi32>,
        %swap3A_156 = vector.shape_cast %swap3A_155 : vector<1x16xi32> to vector<16xi32>
        %swap3A_157 = vector.shape_cast %add3A_152 : vector<16xi32> to vector<1x16xi32>
        tpu.vector_store %arg8[%swap3A_153, %swap3A_154], %swap3A_157 {strides = array<i32>} : memref<16x128xi32, #tpu.memory_space<vmem>>, vector<1x16xi32>,
        %get3A_158 = arith.index_cast %scan3A_129 : i32 to index
        %get3A_159 = arith.constant 48 : index
        %get3A_160 = tpu.vector_load %arg8[%get3A_158, %get3A_159] {strides = array<i32>} : memref<16x128xi32, #tpu.memory_space<vmem>>, vector<1x16xi32>,
        %get3A_161 = vector.shape_cast %get3A_160 : vector<1x16xi32> to vector<16xi32>
        %add3A_162 = arith.addi %get3A_161, %broadcast_in_dim3A_28 : vector<16xi32>
        %swap3A_163 = arith.index_cast %scan3A_129 : i32 to index
        %swap3A_164 = arith.constant 48 : index
        %swap3A_165 = tpu.vector_load %arg8[%swap3A_163, %swap3A_164] {strides = array<i32>} : memref<16x128xi32, #tpu.memory_space<vmem>>, vector<1x16xi32>,
        %swap3A_166 = vector.shape_cast %swap3A_165 : vector<1x16xi32> to vector<16xi32>
        %swap3A_167 = vector.shape_cast %add3A_162 : vector<16xi32> to vector<1x16xi32>
        tpu.vector_store %arg8[%swap3A_163, %swap3A_164], %swap3A_167 {strides = array<i32>} : memref<16x128xi32, #tpu.memory_space<vmem>>, vector<1x16xi32>,
        %get3A_168 = arith.index_cast %scan3A_129 : i32 to index
        %get3A_169 = arith.constant 64 : index
        %get3A_170 = tpu.vector_load %arg8[%get3A_168, %get3A_169] {strides = array<i32>} : memref<16x128xi32, #tpu.memory_space<vmem>>, vector<1x16xi32>,
        %get3A_171 = vector.shape_cast %get3A_170 : vector<1x16xi32> to vector<16xi32>
        %add3A_172 = arith.addi %get3A_171, %broadcast_in_dim3A_28 : vector<16xi32>
        %swap3A_173 = arith.index_cast %scan3A_129 : i32 to index
        %swap3A_174 = arith.constant 64 : index
        %swap3A_175 = tpu.vector_load %arg8[%swap3A_173, %swap3A_174] {strides = array<i32>} : memref<16x128xi32, #tpu.memory_space<vmem>>, vector<1x16xi32>,
        %swap3A_176 = vector.shape_cast %swap3A_175 : vector<1x16xi32> to vector<16xi32>
        %swap3A_177 = vector.shape_cast %add3A_172 : vector<16xi32> to vector<1x16xi32>
        tpu.vector_store %arg8[%swap3A_173, %swap3A_174], %swap3A_177 {strides = array<i32>} : memref<16x128xi32, #tpu.memory_space<vmem>>, vector<1x16xi32>,
        %get3A_178 = arith.index_cast %scan3A_129 : i32 to index
        %get3A_179 = arith.constant 80 : index
        %get3A_180 = tpu.vector_load %arg8[%get3A_178, %get3A_179] {strides = array<i32>} : memref<16x128xi32, #tpu.memory_space<vmem>>, vector<1x16xi32>,
        %get3A_181 = vector.shape_cast %get3A_180 : vector<1x16xi32> to vector<16xi32>
        %add3A_182 = arith.addi %get3A_181, %broadcast_in_dim3A_28 : vector<16xi32>
        %swap3A_183 = arith.index_cast %scan3A_129 : i32 to index
        %swap3A_184 = arith.constant 80 : index
        %swap3A_185 = tpu.vector_load %arg8[%swap3A_183, %swap3A_184] {strides = array<i32>} : memref<16x128xi32, #tpu.memory_space<vmem>>, vector<1x16xi32>,
        %swap3A_186 = vector.shape_cast %swap3A_185 : vector<1x16xi32> to vector<16xi32>
        %swap3A_187 = vector.shape_cast %add3A_182 : vector<16xi32> to vector<1x16xi32>
        tpu.vector_store %arg8[%swap3A_183, %swap3A_184], %swap3A_187 {strides = array<i32>} : memref<16x128xi32, #tpu.memory_space<vmem>>, vector<1x16xi32>,
        %get3A_188 = arith.index_cast %scan3A_129 : i32 to index
        %get3A_189 = arith.constant 96 : index
        %get3A_190 = tpu.vector_load %arg8[%get3A_188, %get3A_189] {strides = array<i32>} : memref<16x128xi32, #tpu.memory_space<vmem>>, vector<1x16xi32>,
        %get3A_191 = vector.shape_cast %get3A_190 : vector<1x16xi32> to vector<16xi32>
        %add3A_192 = arith.addi %get3A_191, %broadcast_in_dim3A_28 : vector<16xi32>
        %swap3A_193 = arith.index_cast %scan3A_129 : i32 to index
        %swap3A_194 = arith.constant 96 : index
        %swap3A_195 = tpu.vector_load %arg8[%swap3A_193, %swap3A_194] {strides = array<i32>} : memref<16x128xi32, #tpu.memory_space<vmem>>, vector<1x16xi32>,
        %swap3A_196 = vector.shape_cast %swap3A_195 : vector<1x16xi32> to vector<16xi32>
        %swap3A_197 = vector.shape_cast %add3A_192 : vector<16xi32> to vector<1x16xi32>
        tpu.vector_store %arg8[%swap3A_193, %swap3A_194], %swap3A_197 {strides = array<i32>} : memref<16x128xi32, #tpu.memory_space<vmem>>, vector<1x16xi32>,
        %get3A_198 = arith.index_cast %scan3A_129 : i32 to index
        %get3A_199 = arith.constant 112 : index
        %get3A_200 = tpu.vector_load %arg8[%get3A_198, %get3A_199] {strides = array<i32>} : memref<16x128xi32, #tpu.memory_space<vmem>>, vector<1x16xi32>,
        %get3A_201 = vector.shape_cast %get3A_200 : vector<1x16xi32> to vector<16xi32>
        %add3A_202 = arith.addi %get3A_201, %broadcast_in_dim3A_28 : vector<16xi32>
        %swap3A_203 = arith.index_cast %scan3A_129 : i32 to index
        %swap3A_204 = arith.constant 112 : index
        %swap3A_205 = tpu.vector_load %arg8[%swap3A_203, %swap3A_204] {strides = array<i32>} : memref<16x128xi32, #tpu.memory_space<vmem>>, vector<1x16xi32>,
        %swap3A_206 = vector.shape_cast %swap3A_205 : vector<1x16xi32> to vector<16xi32>
        %swap3A_207 = vector.shape_cast %add3A_202 : vector<16xi32> to vector<1x16xi32>
        tpu.vector_store %arg8[%swap3A_203, %swap3A_204], %swap3A_207 {strides = array<i32>} : memref<16x128xi32, #tpu.memory_space<vmem>>, vector<1x16xi32>,
      }
      %scan3A_98 = arith.constant 16 : i32
      %dma_start3A = arith.constant 0 : i32
      %dma_start3A_99 = arith.constant 0 : i32
      %dma_start3A_100 = tpu.memref_slice %arg8[%dma_start3A, %dma_start3A_99] : memref<16x128xi32, #tpu.memory_space<vmem>> -> memref<1x128xi32, #tpu.memory_space<vmem>>
      %dma_start3A_101 = tpu.memref_squeeze %dma_start3A_100 : memref<1x128xi32, #tpu.memory_space<vmem>> -> memref<128xi32, #tpu.memory_space<vmem>>
      %dma_start3A_102 = arith.constant 0 : i32
      %dma_start3A_103 = arith.constant 0 : i32
      %dma_start3A_104 = tpu.memref_slice %arg2[%dma_start3A_102, %dma_start3A_103] : memref<20000x128xf32, #tpu.memory_space<hbm>> -> memref<20000x128xf32, #tpu.memory_space<hbm>>
      tpu.enqueue_indirect_dma source(%dma_start3A_104 : memref<20000x128xf32, #tpu.memory_space<hbm>>) target(%arg11 : memref<128x128xf32, #tpu.memory_space<vmem>>) offsets(%dma_start3A_101 : memref<128xi32, #tpu.memory_space<vmem>>) semaphore(%arg13 : memref<!tpu.dma_semaphore, #tpu.memory_space<semaphore_mem>>)
      %dma_start3A_105 = arith.constant 1 : i32
      %dma_start3A_106 = arith.constant 0 : i32
      %dma_start3A_107 = tpu.memref_slice %arg8[%dma_start3A_105, %dma_start3A_106] : memref<16x128xi32, #tpu.memory_space<vmem>> -> memref<1x128xi32, #tpu.memory_space<vmem>>
      %dma_start3A_108 = tpu.memref_squeeze %dma_start3A_107 : memref<1x128xi32, #tpu.memory_space<vmem>> -> memref<128xi32, #tpu.memory_space<vmem>>
      %dma_start3A_109 = arith.constant 0 : i32
      %dma_start3A_110 = arith.constant 0 : i32
      %dma_start3A_111 = tpu.memref_slice %arg2[%dma_start3A_109, %dma_start3A_110] : memref<20000x128xf32, #tpu.memory_space<hbm>> -> memref<20000x128xf32, #tpu.memory_space<hbm>>
      tpu.enqueue_indirect_dma source(%dma_start3A_111 : memref<20000x128xf32, #tpu.memory_space<hbm>>) target(%arg12 : memref<128x128xf32, #tpu.memory_space<vmem>>) offsets(%dma_start3A_108 : memref<128xi32, #tpu.memory_space<vmem>>) semaphore(%arg14 : memref<!tpu.dma_semaphore, #tpu.memory_space<semaphore_mem>>)
      %scan3A_112 = arith.constant 0 : i32
      %scan3A_113 = arith.constant 0 : i32
      %scan3A_114 = arith.constant 8 : i32
      %scan3A_115 = arith.addi %scan3A_113, %scan3A_114 : i32
      %scan3A_116 = arith.constant 1 : i32
      scf.for %scan3A_129 = %scan3A_113 to %scan3A_115 step %scan3A_116  : i32 {
        %mul3A_130 = arith.constant 2 : i32
        %mul3A_131 = arith.muli %mul3A_130, %scan3A_129 : i32
        %dma_wait3A_132 = arith.constant 0 : i32
        %dma_wait3A_133 = arith.constant 0 : i32
        %dma_wait3A_134 = tpu.memref_slice %arg2[%dma_wait3A_132, %dma_wait3A_133] : memref<20000x128xf32, #tpu.memory_space<hbm>> -> memref<128x128xf32, #tpu.memory_space<hbm>>
        %dma_wait3A_135 = arith.constant 0 : i32
        %dma_wait3A_136 = arith.constant 0 : i32
        %dma_wait3A_137 = tpu.memref_slice %arg2[%dma_wait3A_135, %dma_wait3A_136] : memref<20000x128xf32, #tpu.memory_space<hbm>> -> memref<128x128xf32, #tpu.memory_space<hbm>>
        tpu.wait_dma2 semaphore(%arg13 : memref<!tpu.dma_semaphore, #tpu.memory_space<semaphore_mem>>) src(%dma_wait3A_137 : memref<128x128xf32, #tpu.memory_space<hbm>>) dst(%arg11 : memref<128x128xf32, #tpu.memory_space<vmem>>)
        %scan3A_138 = arith.constant 0 : i32
        %scan3A_139 = arith.constant 0 : i32
        %scan3A_140 = arith.constant 8 : i32
        %scan3A_141 = arith.addi %scan3A_139, %scan3A_140 : i32
        %scan3A_142 = arith.constant 1 : i32
        scf.for %scan3A_203 = %scan3A_139 to %scan3A_141 step %scan3A_142  : i32 {
          %mul3A_204 = arith.constant 16 : i32
          %mul3A_205 = arith.muli %scan3A_203, %mul3A_204 : i32
          %get3A = arith.index_cast %mul3A_131 : i32 to index
          %get3A_206 = arith.index_cast %mul3A_205 : i32 to index
          %get3A_207 = tpu.vector_load %arg10[%get3A, %get3A_206] {strides = array<i32>} : memref<16x128xf32, #tpu.memory_space<vmem>>, vector<1x16xf32>,
          %get3A_208 = vector.shape_cast %get3A_207 : vector<1x16xf32> to vector<16xf32>
          %scan3A_209 = arith.constant 0 : i32
          %scan3A_210 = arith.constant 16 : i32
          %scan3A_211 = arith.addi %scan3A_209, %scan3A_210 : i32
          %scan3A_212 = arith.constant 1 : i32
          scf.for %scan3A_214 = %scan3A_209 to %scan3A_211 step %scan3A_212  : i32 {
            %broadcast_in_dim3A_215 = vector.broadcast %scan3A_214 : i32 to vector<16xi32>
            %lt3A = arith.constant 0 : i32
            %lt3A_216 = vector.broadcast %lt3A : i32 to vector<16xi32>
            %lt3A_217 = arith.cmpi slt, %broadcast_in_dim3A_215, %lt3A_216 : vector<16xi32>
            %add3A_218 = arith.constant 16 : i32
            %add3A_219 = vector.broadcast %add3A_218 : i32 to vector<16xi32>
            %add3A_220 = arith.addi %broadcast_in_dim3A_215, %add3A_219 : vector<16xi32>
            %select_n3A = arith.select %lt3A_217, %add3A_220, %broadcast_in_dim3A_215 : vector<16xi1>, vector<16xi32>
            %broadcast_in_dim3A_221 = vector.shape_cast %select_n3A : vector<16xi32> to vector<16x1xi32>
            %gather3A = vector.shape_cast %broadcast_in_dim3A_221 : vector<16x1xi32> to vector<16xi32>
            %gather3A_222 = tpu.dynamic_gather %get3A_208[%gather3A] in [0] : vector<16xf32>, vector<16xi32> -> vector<16xf32>
            %mul3A_223 = arith.constant 16 : i32
            %mul3A_224 = arith.muli %scan3A_203, %mul3A_223 : i32
            %add3A_225 = arith.addi %mul3A_224, %scan3A_214 : i32
            %get3A_226 = arith.index_cast %add3A_225 : i32 to index
            %get3A_227 = arith.constant 0 : index
            %get3A_228 = tpu.vector_load %arg11[%get3A_226, %get3A_227] {strides = array<i32>} : memref<128x128xf32, #tpu.memory_space<vmem>>, vector<1x16xf32>,
            %get3A_229 = vector.shape_cast %get3A_228 : vector<1x16xf32> to vector<16xf32>
            %mul3A_230 = arith.mulf %get3A_229, %gather3A_222 : vector<16xf32>
            %swap3A = arith.index_cast %add3A_225 : i32 to index
            %swap3A_231 = arith.constant 0 : index
            %swap3A_232 = tpu.vector_load %arg11[%swap3A, %swap3A_231] {strides = array<i32>} : memref<128x128xf32, #tpu.memory_space<vmem>>, vector<1x16xf32>,
            %swap3A_233 = vector.shape_cast %swap3A_232 : vector<1x16xf32> to vector<16xf32>
            %swap3A_234 = vector.shape_cast %mul3A_230 : vector<16xf32> to vector<1x16xf32>
            tpu.vector_store %arg11[%swap3A, %swap3A_231], %swap3A_234 {strides = array<i32>} : memref<128x128xf32, #tpu.memory_space<vmem>>, vector<1x16xf32>,
            %get3A_235 = arith.index_cast %add3A_225 : i32 to index
            %get3A_236 = arith.constant 16 : index
            %get3A_237 = tpu.vector_load %arg11[%get3A_235, %get3A_236] {strides = array<i32>} : memref<128x128xf32, #tpu.memory_space<vmem>>, vector<1x16xf32>,
            %get3A_238 = vector.shape_cast %get3A_237 : vector<1x16xf32> to vector<16xf32>
            %mul3A_239 = arith.mulf %get3A_238, %gather3A_222 : vector<16xf32>
            %swap3A_240 = arith.index_cast %add3A_225 : i32 to index
            %swap3A_241 = arith.constant 16 : index
            %swap3A_242 = tpu.vector_load %arg11[%swap3A_240, %swap3A_241] {strides = array<i32>} : memref<128x128xf32, #tpu.memory_space<vmem>>, vector<1x16xf32>,
            %swap3A_243 = vector.shape_cast %swap3A_242 : vector<1x16xf32> to vector<16xf32>
            %swap3A_244 = vector.shape_cast %mul3A_239 : vector<16xf32> to vector<1x16xf32>
            tpu.vector_store %arg11[%swap3A_240, %swap3A_241], %swap3A_244 {strides = array<i32>} : memref<128x128xf32, #tpu.memory_space<vmem>>, vector<1x16xf32>,
            %get3A_245 = arith.index_cast %add3A_225 : i32 to index
            %get3A_246 = arith.constant 32 : index
            %get3A_247 = tpu.vector_load %arg11[%get3A_245, %get3A_246] {strides = array<i32>} : memref<128x128xf32, #tpu.memory_space<vmem>>, vector<1x16xf32>,
            %get3A_248 = vector.shape_cast %get3A_247 : vector<1x16xf32> to vector<16xf32>
            %mul3A_249 = arith.mulf %get3A_248, %gather3A_222 : vector<16xf32>
            %swap3A_250 = arith.index_cast %add3A_225 : i32 to index
            %swap3A_251 = arith.constant 32 : index
            %swap3A_252 = tpu.vector_load %arg11[%swap3A_250, %swap3A_251] {strides = array<i32>} : memref<128x128xf32, #tpu.memory_space<vmem>>, vector<1x16xf32>,
            %swap3A_253 = vector.shape_cast %swap3A_252 : vector<1x16xf32> to vector<16xf32>
            %swap3A_254 = vector.shape_cast %mul3A_249 : vector<16xf32> to vector<1x16xf32>
            tpu.vector_store %arg11[%swap3A_250, %swap3A_251], %swap3A_254 {strides = array<i32>} : memref<128x128xf32, #tpu.memory_space<vmem>>, vector<1x16xf32>,
            %get3A_255 = arith.index_cast %add3A_225 : i32 to index
            %get3A_256 = arith.constant 48 : index
            %get3A_257 = tpu.vector_load %arg11[%get3A_255, %get3A_256] {strides = array<i32>} : memref<128x128xf32, #tpu.memory_space<vmem>>, vector<1x16xf32>,
            %get3A_258 = vector.shape_cast %get3A_257 : vector<1x16xf32> to vector<16xf32>
            %mul3A_259 = arith.mulf %get3A_258, %gather3A_222 : vector<16xf32>
            %swap3A_260 = arith.index_cast %add3A_225 : i32 to index
            %swap3A_261 = arith.constant 48 : index
            %swap3A_262 = tpu.vector_load %arg11[%swap3A_260, %swap3A_261] {strides = array<i32>} : memref<128x128xf32, #tpu.memory_space<vmem>>, vector<1x16xf32>,
            %swap3A_263 = vector.shape_cast %swap3A_262 : vector<1x16xf32> to vector<16xf32>
            %swap3A_264 = vector.shape_cast %mul3A_259 : vector<16xf32> to vector<1x16xf32>
            tpu.vector_store %arg11[%swap3A_260, %swap3A_261], %swap3A_264 {strides = array<i32>} : memref<128x128xf32, #tpu.memory_space<vmem>>, vector<1x16xf32>,
            %get3A_265 = arith.index_cast %add3A_225 : i32 to index
            %get3A_266 = arith.constant 64 : index
            %get3A_267 = tpu.vector_load %arg11[%get3A_265, %get3A_266] {strides = array<i32>} : memref<128x128xf32, #tpu.memory_space<vmem>>, vector<1x16xf32>,
            %get3A_268 = vector.shape_cast %get3A_267 : vector<1x16xf32> to vector<16xf32>
            %mul3A_269 = arith.mulf %get3A_268, %gather3A_222 : vector<16xf32>
            %swap3A_270 = arith.index_cast %add3A_225 : i32 to index
            %swap3A_271 = arith.constant 64 : index
            %swap3A_272 = tpu.vector_load %arg11[%swap3A_270, %swap3A_271] {strides = array<i32>} : memref<128x128xf32, #tpu.memory_space<vmem>>, vector<1x16xf32>,
            %swap3A_273 = vector.shape_cast %swap3A_272 : vector<1x16xf32> to vector<16xf32>
            %swap3A_274 = vector.shape_cast %mul3A_269 : vector<16xf32> to vector<1x16xf32>
            tpu.vector_store %arg11[%swap3A_270, %swap3A_271], %swap3A_274 {strides = array<i32>} : memref<128x128xf32, #tpu.memory_space<vmem>>, vector<1x16xf32>,
            %get3A_275 = arith.index_cast %add3A_225 : i32 to index
            %get3A_276 = arith.constant 80 : index
            %get3A_277 = tpu.vector_load %arg11[%get3A_275, %get3A_276] {strides = array<i32>} : memref<128x128xf32, #tpu.memory_space<vmem>>, vector<1x16xf32>,
            %get3A_278 = vector.shape_cast %get3A_277 : vector<1x16xf32> to vector<16xf32>
            %mul3A_279 = arith.mulf %get3A_278, %gather3A_222 : vector<16xf32>
            %swap3A_280 = arith.index_cast %add3A_225 : i32 to index
            %swap3A_281 = arith.constant 80 : index
            %swap3A_282 = tpu.vector_load %arg11[%swap3A_280, %swap3A_281] {strides = array<i32>} : memref<128x128xf32, #tpu.memory_space<vmem>>, vector<1x16xf32>,
            %swap3A_283 = vector.shape_cast %swap3A_282 : vector<1x16xf32> to vector<16xf32>
            %swap3A_284 = vector.shape_cast %mul3A_279 : vector<16xf32> to vector<1x16xf32>
            tpu.vector_store %arg11[%swap3A_280, %swap3A_281], %swap3A_284 {strides = array<i32>} : memref<128x128xf32, #tpu.memory_space<vmem>>, vector<1x16xf32>,
            %get3A_285 = arith.index_cast %add3A_225 : i32 to index
            %get3A_286 = arith.constant 96 : index
            %get3A_287 = tpu.vector_load %arg11[%get3A_285, %get3A_286] {strides = array<i32>} : memref<128x128xf32, #tpu.memory_space<vmem>>, vector<1x16xf32>,
            %get3A_288 = vector.shape_cast %get3A_287 : vector<1x16xf32> to vector<16xf32>
            %mul3A_289 = arith.mulf %get3A_288, %gather3A_222 : vector<16xf32>
            %swap3A_290 = arith.index_cast %add3A_225 : i32 to index
            %swap3A_291 = arith.constant 96 : index
            %swap3A_292 = tpu.vector_load %arg11[%swap3A_290, %swap3A_291] {strides = array<i32>} : memref<128x128xf32, #tpu.memory_space<vmem>>, vector<1x16xf32>,
            %swap3A_293 = vector.shape_cast %swap3A_292 : vector<1x16xf32> to vector<16xf32>
            %swap3A_294 = vector.shape_cast %mul3A_289 : vector<16xf32> to vector<1x16xf32>
            tpu.vector_store %arg11[%swap3A_290, %swap3A_291], %swap3A_294 {strides = array<i32>} : memref<128x128xf32, #tpu.memory_space<vmem>>, vector<1x16xf32>,
            %get3A_295 = arith.index_cast %add3A_225 : i32 to index
            %get3A_296 = arith.constant 112 : index
            %get3A_297 = tpu.vector_load %arg11[%get3A_295, %get3A_296] {strides = array<i32>} : memref<128x128xf32, #tpu.memory_space<vmem>>, vector<1x16xf32>,
            %get3A_298 = vector.shape_cast %get3A_297 : vector<1x16xf32> to vector<16xf32>
            %mul3A_299 = arith.mulf %get3A_298, %gather3A_222 : vector<16xf32>
            %swap3A_300 = arith.index_cast %add3A_225 : i32 to index
            %swap3A_301 = arith.constant 112 : index
            %swap3A_302 = tpu.vector_load %arg11[%swap3A_300, %swap3A_301] {strides = array<i32>} : memref<128x128xf32, #tpu.memory_space<vmem>>, vector<1x16xf32>,
            %swap3A_303 = vector.shape_cast %swap3A_302 : vector<1x16xf32> to vector<16xf32>
            %swap3A_304 = vector.shape_cast %mul3A_299 : vector<16xf32> to vector<1x16xf32>
            tpu.vector_store %arg11[%swap3A_300, %swap3A_301], %swap3A_304 {strides = array<i32>} : memref<128x128xf32, #tpu.memory_space<vmem>>, vector<1x16xf32>,
          }
          %scan3A_213 = arith.constant 16 : i32
        }
        %scan3A_143 = arith.constant 8 : i32
        %dma_start3A_144 = arith.constant 0 : i32
        %dma_start3A_145 = tpu.memref_slice %arg9[%mul3A_131, %dma_start3A_144] : memref<16x128xi32, #tpu.memory_space<vmem>> -> memref<1x128xi32, #tpu.memory_space<vmem>>
        %dma_start3A_146 = tpu.memref_squeeze %dma_start3A_145 : memref<1x128xi32, #tpu.memory_space<vmem>> -> memref<128xi32, #tpu.memory_space<vmem>>
        %dma_start3A_147 = arith.constant 0 : i32
        %dma_start3A_148 = arith.constant 0 : i32
        %dma_start3A_149 = tpu.memref_slice %arg7[%dma_start3A_147, %dma_start3A_148] : memref<10000x128xf32, #tpu.memory_space<vmem_shared>> -> memref<10000x128xf32, #tpu.memory_space<vmem_shared>>
        tpu.enqueue_indirect_dma source(%arg11 : memref<128x128xf32, #tpu.memory_space<vmem>>) target(%dma_start3A_149 : memref<10000x128xf32, #tpu.memory_space<vmem_shared>>) offsets(%dma_start3A_146 : memref<128xi32, #tpu.memory_space<vmem>>) semaphore(%arg15 : memref<!tpu.dma_semaphore, #tpu.memory_space<semaphore_mem>>) {add = true}
        %dma_wait3A_150 = arith.constant 0 : i32
        %dma_wait3A_151 = arith.constant 0 : i32
        %dma_wait3A_152 = tpu.memref_slice %arg2[%dma_wait3A_150, %dma_wait3A_151] : memref<20000x128xf32, #tpu.memory_space<hbm>> -> memref<128x128xf32, #tpu.memory_space<hbm>>
        %dma_wait3A_153 = arith.constant 0 : i32
        %dma_wait3A_154 = arith.constant 0 : i32
        %dma_wait3A_155 = tpu.memref_slice %arg2[%dma_wait3A_153, %dma_wait3A_154] : memref<20000x128xf32, #tpu.memory_space<hbm>> -> memref<128x128xf32, #tpu.memory_space<hbm>>
        tpu.wait_dma2 semaphore(%arg14 : memref<!tpu.dma_semaphore, #tpu.memory_space<semaphore_mem>>) src(%dma_wait3A_155 : memref<128x128xf32, #tpu.memory_space<hbm>>) dst(%arg12 : memref<128x128xf32, #tpu.memory_space<vmem>>)
        %add3A_156 = arith.constant 1 : i32
        %add3A_157 = arith.addi %mul3A_131, %add3A_156 : i32
        %scan3A_158 = arith.constant 0 : i32
        %scan3A_159 = arith.constant 0 : i32
        %scan3A_160 = arith.constant 8 : i32
        %scan3A_161 = arith.addi %scan3A_159, %scan3A_160 : i32
        %scan3A_162 = arith.constant 1 : i32
        scf.for %scan3A_203 = %scan3A_159 to %scan3A_161 step %scan3A_162  : i32 {
          %mul3A_204 = arith.constant 16 : i32
          %mul3A_205 = arith.muli %scan3A_203, %mul3A_204 : i32
          %get3A = arith.index_cast %add3A_157 : i32 to index
          %get3A_206 = arith.index_cast %mul3A_205 : i32 to index
          %get3A_207 = tpu.vector_load %arg10[%get3A, %get3A_206] {strides = array<i32>} : memref<16x128xf32, #tpu.memory_space<vmem>>, vector<1x16xf32>,
          %get3A_208 = vector.shape_cast %get3A_207 : vector<1x16xf32> to vector<16xf32>
          %scan3A_209 = arith.constant 0 : i32
          %scan3A_210 = arith.constant 16 : i32
          %scan3A_211 = arith.addi %scan3A_209, %scan3A_210 : i32
          %scan3A_212 = arith.constant 1 : i32
          scf.for %scan3A_214 = %scan3A_209 to %scan3A_211 step %scan3A_212  : i32 {
            %broadcast_in_dim3A_215 = vector.broadcast %scan3A_214 : i32 to vector<16xi32>
            %lt3A = arith.constant 0 : i32
            %lt3A_216 = vector.broadcast %lt3A : i32 to vector<16xi32>
            %lt3A_217 = arith.cmpi slt, %broadcast_in_dim3A_215, %lt3A_216 : vector<16xi32>
            %add3A_218 = arith.constant 16 : i32
            %add3A_219 = vector.broadcast %add3A_218 : i32 to vector<16xi32>
            %add3A_220 = arith.addi %broadcast_in_dim3A_215, %add3A_219 : vector<16xi32>
            %select_n3A = arith.select %lt3A_217, %add3A_220, %broadcast_in_dim3A_215 : vector<16xi1>, vector<16xi32>
            %broadcast_in_dim3A_221 = vector.shape_cast %select_n3A : vector<16xi32> to vector<16x1xi32>
            %gather3A = vector.shape_cast %broadcast_in_dim3A_221 : vector<16x1xi32> to vector<16xi32>
            %gather3A_222 = tpu.dynamic_gather %get3A_208[%gather3A] in [0] : vector<16xf32>, vector<16xi32> -> vector<16xf32>
            %mul3A_223 = arith.constant 16 : i32
            %mul3A_224 = arith.muli %scan3A_203, %mul3A_223 : i32
            %add3A_225 = arith.addi %mul3A_224, %scan3A_214 : i32
            %get3A_226 = arith.index_cast %add3A_225 : i32 to index
            %get3A_227 = arith.constant 0 : index
            %get3A_228 = tpu.vector_load %arg12[%get3A_226, %get3A_227] {strides = array<i32>} : memref<128x128xf32, #tpu.memory_space<vmem>>, vector<1x16xf32>,
            %get3A_229 = vector.shape_cast %get3A_228 : vector<1x16xf32> to vector<16xf32>
            %mul3A_230 = arith.mulf %get3A_229, %gather3A_222 : vector<16xf32>
            %swap3A = arith.index_cast %add3A_225 : i32 to index
            %swap3A_231 = arith.constant 0 : index
            %swap3A_232 = tpu.vector_load %arg12[%swap3A, %swap3A_231] {strides = array<i32>} : memref<128x128xf32, #tpu.memory_space<vmem>>, vector<1x16xf32>,
            %swap3A_233 = vector.shape_cast %swap3A_232 : vector<1x16xf32> to vector<16xf32>
            %swap3A_234 = vector.shape_cast %mul3A_230 : vector<16xf32> to vector<1x16xf32>
            tpu.vector_store %arg12[%swap3A, %swap3A_231], %swap3A_234 {strides = array<i32>} : memref<128x128xf32, #tpu.memory_space<vmem>>, vector<1x16xf32>,
            %get3A_235 = arith.index_cast %add3A_225 : i32 to index
            %get3A_236 = arith.constant 16 : index
            %get3A_237 = tpu.vector_load %arg12[%get3A_235, %get3A_236] {strides = array<i32>} : memref<128x128xf32, #tpu.memory_space<vmem>>, vector<1x16xf32>,
            %get3A_238 = vector.shape_cast %get3A_237 : vector<1x16xf32> to vector<16xf32>
            %mul3A_239 = arith.mulf %get3A_238, %gather3A_222 : vector<16xf32>
            %swap3A_240 = arith.index_cast %add3A_225 : i32 to index
            %swap3A_241 = arith.constant 16 : index
            %swap3A_242 = tpu.vector_load %arg12[%swap3A_240, %swap3A_241] {strides = array<i32>} : memref<128x128xf32, #tpu.memory_space<vmem>>, vector<1x16xf32>,
            %swap3A_243 = vector.shape_cast %swap3A_242 : vector<1x16xf32> to vector<16xf32>
            %swap3A_244 = vector.shape_cast %mul3A_239 : vector<16xf32> to vector<1x16xf32>
            tpu.vector_store %arg12[%swap3A_240, %swap3A_241], %swap3A_244 {strides = array<i32>} : memref<128x128xf32, #tpu.memory_space<vmem>>, vector<1x16xf32>,
            %get3A_245 = arith.index_cast %add3A_225 : i32 to index
            %get3A_246 = arith.constant 32 : index
            %get3A_247 = tpu.vector_load %arg12[%get3A_245, %get3A_246] {strides = array<i32>} : memref<128x128xf32, #tpu.memory_space<vmem>>, vector<1x16xf32>,
            %get3A_248 = vector.shape_cast %get3A_247 : vector<1x16xf32> to vector<16xf32>
            %mul3A_249 = arith.mulf %get3A_248, %gather3A_222 : vector<16xf32>
            %swap3A_250 = arith.index_cast %add3A_225 : i32 to index
            %swap3A_251 = arith.constant 32 : index
            %swap3A_252 = tpu.vector_load %arg12[%swap3A_250, %swap3A_251] {strides = array<i32>} : memref<128x128xf32, #tpu.memory_space<vmem>>, vector<1x16xf32>,
            %swap3A_253 = vector.shape_cast %swap3A_252 : vector<1x16xf32> to vector<16xf32>
            %swap3A_254 = vector.shape_cast %mul3A_249 : vector<16xf32> to vector<1x16xf32>
            tpu.vector_store %arg12[%swap3A_250, %swap3A_251], %swap3A_254 {strides = array<i32>} : memref<128x128xf32, #tpu.memory_space<vmem>>, vector<1x16xf32>,
            %get3A_255 = arith.index_cast %add3A_225 : i32 to index
            %get3A_256 = arith.constant 48 : index
            %get3A_257 = tpu.vector_load %arg12[%get3A_255, %get3A_256] {strides = array<i32>} : memref<128x128xf32, #tpu.memory_space<vmem>>, vector<1x16xf32>,
            %get3A_258 = vector.shape_cast %get3A_257 : vector<1x16xf32> to vector<16xf32>
            %mul3A_259 = arith.mulf %get3A_258, %gather3A_222 : vector<16xf32>
            %swap3A_260 = arith.index_cast %add3A_225 : i32 to index
            %swap3A_261 = arith.constant 48 : index
            %swap3A_262 = tpu.vector_load %arg12[%swap3A_260, %swap3A_261] {strides = array<i32>} : memref<128x128xf32, #tpu.memory_space<vmem>>, vector<1x16xf32>,
            %swap3A_263 = vector.shape_cast %swap3A_262 : vector<1x16xf32> to vector<16xf32>
            %swap3A_264 = vector.shape_cast %mul3A_259 : vector<16xf32> to vector<1x16xf32>
            tpu.vector_store %arg12[%swap3A_260, %swap3A_261], %swap3A_264 {strides = array<i32>} : memref<128x128xf32, #tpu.memory_space<vmem>>, vector<1x16xf32>,
            %get3A_265 = arith.index_cast %add3A_225 : i32 to index
            %get3A_266 = arith.constant 64 : index
            %get3A_267 = tpu.vector_load %arg12[%get3A_265, %get3A_266] {strides = array<i32>} : memref<128x128xf32, #tpu.memory_space<vmem>>, vector<1x16xf32>,
            %get3A_268 = vector.shape_cast %get3A_267 : vector<1x16xf32> to vector<16xf32>
            %mul3A_269 = arith.mulf %get3A_268, %gather3A_222 : vector<16xf32>
            %swap3A_270 = arith.index_cast %add3A_225 : i32 to index
            %swap3A_271 = arith.constant 64 : index
            %swap3A_272 = tpu.vector_load %arg12[%swap3A_270, %swap3A_271] {strides = array<i32>} : memref<128x128xf32, #tpu.memory_space<vmem>>, vector<1x16xf32>,
            %swap3A_273 = vector.shape_cast %swap3A_272 : vector<1x16xf32> to vector<16xf32>
            %swap3A_274 = vector.shape_cast %mul3A_269 : vector<16xf32> to vector<1x16xf32>
            tpu.vector_store %arg12[%swap3A_270, %swap3A_271], %swap3A_274 {strides = array<i32>} : memref<128x128xf32, #tpu.memory_space<vmem>>, vector<1x16xf32>,
            %get3A_275 = arith.index_cast %add3A_225 : i32 to index
            %get3A_276 = arith.constant 80 : index
            %get3A_277 = tpu.vector_load %arg12[%get3A_275, %get3A_276] {strides = array<i32>} : memref<128x128xf32, #tpu.memory_space<vmem>>, vector<1x16xf32>,
            %get3A_278 = vector.shape_cast %get3A_277 : vector<1x16xf32> to vector<16xf32>
            %mul3A_279 = arith.mulf %get3A_278, %gather3A_222 : vector<16xf32>
            %swap3A_280 = arith.index_cast %add3A_225 : i32 to index
            %swap3A_281 = arith.constant 80 : index
            %swap3A_282 = tpu.vector_load %arg12[%swap3A_280, %swap3A_281] {strides = array<i32>} : memref<128x128xf32, #tpu.memory_space<vmem>>, vector<1x16xf32>,
            %swap3A_283 = vector.shape_cast %swap3A_282 : vector<1x16xf32> to vector<16xf32>
            %swap3A_284 = vector.shape_cast %mul3A_279 : vector<16xf32> to vector<1x16xf32>
            tpu.vector_store %arg12[%swap3A_280, %swap3A_281], %swap3A_284 {strides = array<i32>} : memref<128x128xf32, #tpu.memory_space<vmem>>, vector<1x16xf32>,
            %get3A_285 = arith.index_cast %add3A_225 : i32 to index
            %get3A_286 = arith.constant 96 : index
            %get3A_287 = tpu.vector_load %arg12[%get3A_285, %get3A_286] {strides = array<i32>} : memref<128x128xf32, #tpu.memory_space<vmem>>, vector<1x16xf32>,
            %get3A_288 = vector.shape_cast %get3A_287 : vector<1x16xf32> to vector<16xf32>
            %mul3A_289 = arith.mulf %get3A_288, %gather3A_222 : vector<16xf32>
            %swap3A_290 = arith.index_cast %add3A_225 : i32 to index
            %swap3A_291 = arith.constant 96 : index
            %swap3A_292 = tpu.vector_load %arg12[%swap3A_290, %swap3A_291] {strides = array<i32>} : memref<128x128xf32, #tpu.memory_space<vmem>>, vector<1x16xf32>,
            %swap3A_293 = vector.shape_cast %swap3A_292 : vector<1x16xf32> to vector<16xf32>
            %swap3A_294 = vector.shape_cast %mul3A_289 : vector<16xf32> to vector<1x16xf32>
            tpu.vector_store %arg12[%swap3A_290, %swap3A_291], %swap3A_294 {strides = array<i32>} : memref<128x128xf32, #tpu.memory_space<vmem>>, vector<1x16xf32>,
            %get3A_295 = arith.index_cast %add3A_225 : i32 to index
            %get3A_296 = arith.constant 112 : index
            %get3A_297 = tpu.vector_load %arg12[%get3A_295, %get3A_296] {strides = array<i32>} : memref<128x128xf32, #tpu.memory_space<vmem>>, vector<1x16xf32>,
            %get3A_298 = vector.shape_cast %get3A_297 : vector<1x16xf32> to vector<16xf32>
            %mul3A_299 = arith.mulf %get3A_298, %gather3A_222 : vector<16xf32>
            %swap3A_300 = arith.index_cast %add3A_225 : i32 to index
            %swap3A_301 = arith.constant 112 : index
            %swap3A_302 = tpu.vector_load %arg12[%swap3A_300, %swap3A_301] {strides = array<i32>} : memref<128x128xf32, #tpu.memory_space<vmem>>, vector<1x16xf32>,
            %swap3A_303 = vector.shape_cast %swap3A_302 : vector<1x16xf32> to vector<16xf32>
            %swap3A_304 = vector.shape_cast %mul3A_299 : vector<16xf32> to vector<1x16xf32>
            tpu.vector_store %arg12[%swap3A_300, %swap3A_301], %swap3A_304 {strides = array<i32>} : memref<128x128xf32, #tpu.memory_space<vmem>>, vector<1x16xf32>,
          }
          %scan3A_213 = arith.constant 16 : i32
        }
        %scan3A_163 = arith.constant 8 : i32
        %add3A_164 = arith.constant 1 : i32
        %add3A_165 = arith.addi %mul3A_131, %add3A_164 : i32
        %dma_start3A_166 = arith.constant 0 : i32
        %dma_start3A_167 = tpu.memref_slice %arg9[%add3A_165, %dma_start3A_166] : memref<16x128xi32, #tpu.memory_space<vmem>> -> memref<1x128xi32, #tpu.memory_space<vmem>>
        %dma_start3A_168 = tpu.memref_squeeze %dma_start3A_167 : memref<1x128xi32, #tpu.memory_space<vmem>> -> memref<128xi32, #tpu.memory_space<vmem>>
        %dma_start3A_169 = arith.constant 0 : i32
        %dma_start3A_170 = arith.constant 0 : i32
        %dma_start3A_171 = tpu.memref_slice %arg7[%dma_start3A_169, %dma_start3A_170] : memref<10000x128xf32, #tpu.memory_space<vmem_shared>> -> memref<10000x128xf32, #tpu.memory_space<vmem_shared>>
        tpu.enqueue_indirect_dma source(%arg12 : memref<128x128xf32, #tpu.memory_space<vmem>>) target(%dma_start3A_171 : memref<10000x128xf32, #tpu.memory_space<vmem_shared>>) offsets(%dma_start3A_168 : memref<128xi32, #tpu.memory_space<vmem>>) semaphore(%arg16 : memref<!tpu.dma_semaphore, #tpu.memory_space<semaphore_mem>>) {add = true}
        %dma_wait3A_172 = arith.constant 0 : i32
        %dma_wait3A_173 = arith.constant 0 : i32
        %dma_wait3A_174 = tpu.memref_slice %arg7[%dma_wait3A_172, %dma_wait3A_173] : memref<10000x128xf32, #tpu.memory_space<vmem_shared>> -> memref<128x128xf32, #tpu.memory_space<vmem_shared>>
        %dma_wait3A_175 = arith.constant 0 : i32
        %dma_wait3A_176 = arith.constant 0 : i32
        %dma_wait3A_177 = tpu.memref_slice %arg7[%dma_wait3A_175, %dma_wait3A_176] : memref<10000x128xf32, #tpu.memory_space<vmem_shared>> -> memref<128x128xf32, #tpu.memory_space<vmem_shared>>
        tpu.wait_dma2 semaphore(%arg15 : memref<!tpu.dma_semaphore, #tpu.memory_space<semaphore_mem>>) src(%arg11 : memref<128x128xf32, #tpu.memory_space<vmem>>) dst(%dma_wait3A_177 : memref<128x128xf32, #tpu.memory_space<vmem_shared>>)
        %add3A_178 = arith.constant 2 : i32
        %add3A_179 = arith.addi %mul3A_131, %add3A_178 : i32
        %min3A = arith.constant 15 : i32
        %min3A_180 = arith.minsi %add3A_179, %min3A : i32
        %dma_start3A_181 = arith.constant 0 : i32
        %dma_start3A_182 = tpu.memref_slice %arg8[%min3A_180, %dma_start3A_181] : memref<16x128xi32, #tpu.memory_space<vmem>> -> memref<1x128xi32, #tpu.memory_space<vmem>>
        %dma_start3A_183 = tpu.memref_squeeze %dma_start3A_182 : memref<1x128xi32, #tpu.memory_space<vmem>> -> memref<128xi32, #tpu.memory_space<vmem>>
        %dma_start3A_184 = arith.constant 0 : i32
        %dma_start3A_185 = arith.constant 0 : i32
        %dma_start3A_186 = tpu.memref_slice %arg2[%dma_start3A_184, %dma_start3A_185] : memref<20000x128xf32, #tpu.memory_space<hbm>> -> memref<20000x128xf32, #tpu.memory_space<hbm>>
        tpu.enqueue_indirect_dma source(%dma_start3A_186 : memref<20000x128xf32, #tpu.memory_space<hbm>>) target(%arg11 : memref<128x128xf32, #tpu.memory_space<vmem>>) offsets(%dma_start3A_183 : memref<128xi32, #tpu.memory_space<vmem>>) semaphore(%arg13 : memref<!tpu.dma_semaphore, #tpu.memory_space<semaphore_mem>>)
        %dma_wait3A_187 = arith.constant 0 : i32
        %dma_wait3A_188 = arith.constant 0 : i32
        %dma_wait3A_189 = tpu.memref_slice %arg7[%dma_wait3A_187, %dma_wait3A_188] : memref<10000x128xf32, #tpu.memory_space<vmem_shared>> -> memref<128x128xf32, #tpu.memory_space<vmem_shared>>
        %dma_wait3A_190 = arith.constant 0 : i32
        %dma_wait3A_191 = arith.constant 0 : i32
        %dma_wait3A_192 = tpu.memref_slice %arg7[%dma_wait3A_190, %dma_wait3A_191] : memref<10000x128xf32, #tpu.memory_space<vmem_shared>> -> memref<128x128xf32, #tpu.memory_space<vmem_shared>>
        tpu.wait_dma2 semaphore(%arg16 : memref<!tpu.dma_semaphore, #tpu.memory_space<semaphore_mem>>) src(%arg12 : memref<128x128xf32, #tpu.memory_space<vmem>>) dst(%dma_wait3A_192 : memref<128x128xf32, #tpu.memory_space<vmem_shared>>)
        %add3A_193 = arith.constant 3 : i32
        %add3A_194 = arith.addi %mul3A_131, %add3A_193 : i32
        %min3A_195 = arith.constant 15 : i32
        %min3A_196 = arith.minsi %add3A_194, %min3A_195 : i32
        %dma_start3A_197 = arith.constant 0 : i32
        %dma_start3A_198 = tpu.memref_slice %arg8[%min3A_196, %dma_start3A_197] : memref<16x128xi32, #tpu.memory_space<vmem>> -> memref<1x128xi32, #tpu.memory_space<vmem>>
        %dma_start3A_199 = tpu.memref_squeeze %dma_start3A_198 : memref<1x128xi32, #tpu.memory_space<vmem>> -> memref<128xi32, #tpu.memory_space<vmem>>
        %dma_start3A_200 = arith.constant 0 : i32
        %dma_start3A_201 = arith.constant 0 : i32
        %dma_start3A_202 = tpu.memref_slice %arg2[%dma_start3A_200, %dma_start3A_201] : memref<20000x128xf32, #tpu.memory_space<hbm>> -> memref<20000x128xf32, #tpu.memory_space<hbm>>
        tpu.enqueue_indirect_dma source(%dma_start3A_202 : memref<20000x128xf32, #tpu.memory_space<hbm>>) target(%arg12 : memref<128x128xf32, #tpu.memory_space<vmem>>) offsets(%dma_start3A_199 : memref<128xi32, #tpu.memory_space<vmem>>) semaphore(%arg14 : memref<!tpu.dma_semaphore, #tpu.memory_space<semaphore_mem>>)
      }
      %scan3A_117 = arith.constant 8 : i32
      %dma_wait3A = arith.constant 0 : i32
      %dma_wait3A_118 = arith.constant 0 : i32
      %dma_wait3A_119 = tpu.memref_slice %arg2[%dma_wait3A, %dma_wait3A_118] : memref<20000x128xf32, #tpu.memory_space<hbm>> -> memref<128x128xf32, #tpu.memory_space<hbm>>
      %dma_wait3A_120 = arith.constant 0 : i32
      %dma_wait3A_121 = arith.constant 0 : i32
      %dma_wait3A_122 = tpu.memref_slice %arg2[%dma_wait3A_120, %dma_wait3A_121] : memref<20000x128xf32, #tpu.memory_space<hbm>> -> memref<128x128xf32, #tpu.memory_space<hbm>>
      tpu.wait_dma2 semaphore(%arg13 : memref<!tpu.dma_semaphore, #tpu.memory_space<semaphore_mem>>) src(%dma_wait3A_122 : memref<128x128xf32, #tpu.memory_space<hbm>>) dst(%arg11 : memref<128x128xf32, #tpu.memory_space<vmem>>)
      %dma_wait3A_123 = arith.constant 0 : i32
      %dma_wait3A_124 = arith.constant 0 : i32
      %dma_wait3A_125 = tpu.memref_slice %arg2[%dma_wait3A_123, %dma_wait3A_124] : memref<20000x128xf32, #tpu.memory_space<hbm>> -> memref<128x128xf32, #tpu.memory_space<hbm>>
      %dma_wait3A_126 = arith.constant 0 : i32
      %dma_wait3A_127 = arith.constant 0 : i32
      %dma_wait3A_128 = tpu.memref_slice %arg2[%dma_wait3A_126, %dma_wait3A_127] : memref<20000x128xf32, #tpu.memory_space<hbm>> -> memref<128x128xf32, #tpu.memory_space<hbm>>
      tpu.wait_dma2 semaphore(%arg14 : memref<!tpu.dma_semaphore, #tpu.memory_space<semaphore_mem>>) src(%dma_wait3A_128 : memref<128x128xf32, #tpu.memory_space<hbm>>) dst(%arg12 : memref<128x128xf32, #tpu.memory_space<vmem>>)
    }
    %scan3A_34 = arith.constant 5 : i32
    %barrier3A_35 = arith.constant 0 : index
    tpu.barrier barrier_id(%barrier3A_35)
    %mul3A_36 = arith.constant 624 : i32
    %mul3A_37 = arith.muli %arg1, %mul3A_36 : i32
    %add3A_38 = arith.constant 0 : i32
    %add3A_39 = arith.addi %mul3A_37, %add3A_38 : i32
    %mul3A_40 = arith.constant 624 : i32
    %mul3A_41 = arith.muli %arg1, %mul3A_40 : i32
    %add3A_42 = arith.addi %mul3A_0, %mul3A_41 : i32
    %add3A_43 = arith.constant 0 : i32
    %add3A_44 = arith.addi %add3A_42, %add3A_43 : i32
    "tpu.region"() ({
      %run_scoped3A = tpu.sem_alloc : memref<!tpu.dma_semaphore, #tpu.memory_space<semaphore_mem>>
      %dma_start3A = arith.constant 0 : i32
      %dma_start3A_86 = tpu.memref_slice %arg6[%add3A_44, %dma_start3A] : memref<20000x128xf32, #tpu.memory_space<hbm>> -> memref<128x128xf32, #tpu.memory_space<hbm>>
      %dma_start3A_87 = arith.constant 0 : i32
      %dma_start3A_88 = tpu.memref_slice %arg7[%add3A_39, %dma_start3A_87] : memref<10000x128xf32, #tpu.memory_space<vmem_shared>> -> memref<128x128xf32, #tpu.memory_space<vmem_shared>>
      tpu.enqueue_dma source(%dma_start3A_88 : memref<128x128xf32, #tpu.memory_space<vmem_shared>>) target(%dma_start3A_86 : memref<128x128xf32, #tpu.memory_space<hbm>>) target_semaphore(%run_scoped3A : memref<!tpu.dma_semaphore, #tpu.memory_space<semaphore_mem>>)
      %dma_wait3A = arith.constant 0 : i32
      %dma_wait3A_89 = tpu.memref_slice %arg6[%add3A_44, %dma_wait3A] : memref<20000x128xf32, #tpu.memory_space<hbm>> -> memref<128x128xf32, #tpu.memory_space<hbm>>
      %dma_wait3A_90 = arith.constant 0 : i32
      %dma_wait3A_91 = tpu.memref_slice %arg7[%add3A_39, %dma_wait3A_90] : memref<10000x128xf32, #tpu.memory_space<vmem_shared>> -> memref<128x128xf32, #tpu.memory_space<vmem_shared>>
      tpu.wait_dma2 semaphore(%run_scoped3A : memref<!tpu.dma_semaphore, #tpu.memory_space<semaphore_mem>>) src(%dma_wait3A_91 : memref<128x128xf32, #tpu.memory_space<vmem_shared>>) dst(%dma_wait3A_89 : memref<128x128xf32, #tpu.memory_space<hbm>>)
      tpu.yield
    }) : () -> ()
    %mul3A_45 = arith.constant 624 : i32
    %mul3A_46 = arith.muli %arg1, %mul3A_45 : i32
    %add3A_47 = arith.constant 128 : i32
    %add3A_48 = arith.addi %mul3A_46, %add3A_47 : i32
    %mul3A_49 = arith.constant 624 : i32
    %mul3A_50 = arith.muli %arg1, %mul3A_49 : i32
    %add3A_51 = arith.addi %mul3A_0, %mul3A_50 : i32
    %add3A_52 = arith.constant 128 : i32
    %add3A_53 = arith.addi %add3A_51, %add3A_52 : i32
    "tpu.region"() ({
      %run_scoped3A = tpu.sem_alloc : memref<!tpu.dma_semaphore, #tpu.memory_space<semaphore_mem>>
      %dma_start3A = arith.constant 0 : i32
      %dma_start3A_86 = tpu.memref_slice %arg6[%add3A_53, %dma_start3A] : memref<20000x128xf32, #tpu.memory_space<hbm>> -> memref<128x128xf32, #tpu.memory_space<hbm>>
      %dma_start3A_87 = arith.constant 0 : i32
      %dma_start3A_88 = tpu.memref_slice %arg7[%add3A_48, %dma_start3A_87] : memref<10000x128xf32, #tpu.memory_space<vmem_shared>> -> memref<128x128xf32, #tpu.memory_space<vmem_shared>>
      tpu.enqueue_dma source(%dma_start3A_88 : memref<128x128xf32, #tpu.memory_space<vmem_shared>>) target(%dma_start3A_86 : memref<128x128xf32, #tpu.memory_space<hbm>>) target_semaphore(%run_scoped3A : memref<!tpu.dma_semaphore, #tpu.memory_space<semaphore_mem>>)
      %dma_wait3A = arith.constant 0 : i32
      %dma_wait3A_89 = tpu.memref_slice %arg6[%add3A_53, %dma_wait3A] : memref<20000x128xf32, #tpu.memory_space<hbm>> -> memref<128x128xf32, #tpu.memory_space<hbm>>
      %dma_wait3A_90 = arith.constant 0 : i32
      %dma_wait3A_91 = tpu.memref_slice %arg7[%add3A_48, %dma_wait3A_90] : memref<10000x128xf32, #tpu.memory_space<vmem_shared>> -> memref<128x128xf32, #tpu.memory_space<vmem_shared>>
      tpu.wait_dma2 semaphore(%run_scoped3A : memref<!tpu.dma_semaphore, #tpu.memory_space<semaphore_mem>>) src(%dma_wait3A_91 : memref<128x128xf32, #tpu.memory_space<vmem_shared>>) dst(%dma_wait3A_89 : memref<128x128xf32, #tpu.memory_space<hbm>>)
      tpu.yield
    }) : () -> ()
    %mul3A_54 = arith.constant 624 : i32
    %mul3A_55 = arith.muli %arg1, %mul3A_54 : i32
    %add3A_56 = arith.constant 256 : i32
    %add3A_57 = arith.addi %mul3A_55, %add3A_56 : i32
    %mul3A_58 = arith.constant 624 : i32
    %mul3A_59 = arith.muli %arg1, %mul3A_58 : i32
    %add3A_60 = arith.addi %mul3A_0, %mul3A_59 : i32
    %add3A_61 = arith.constant 256 : i32
    %add3A_62 = arith.addi %add3A_60, %add3A_61 : i32
    "tpu.region"() ({
      %run_scoped3A = tpu.sem_alloc : memref<!tpu.dma_semaphore, #tpu.memory_space<semaphore_mem>>
      %dma_start3A = arith.constant 0 : i32
      %dma_start3A_86 = tpu.memref_slice %arg6[%add3A_62, %dma_start3A] : memref<20000x128xf32, #tpu.memory_space<hbm>> -> memref<128x128xf32, #tpu.memory_space<hbm>>
      %dma_start3A_87 = arith.constant 0 : i32
      %dma_start3A_88 = tpu.memref_slice %arg7[%add3A_57, %dma_start3A_87] : memref<10000x128xf32, #tpu.memory_space<vmem_shared>> -> memref<128x128xf32, #tpu.memory_space<vmem_shared>>
      tpu.enqueue_dma source(%dma_start3A_88 : memref<128x128xf32, #tpu.memory_space<vmem_shared>>) target(%dma_start3A_86 : memref<128x128xf32, #tpu.memory_space<hbm>>) target_semaphore(%run_scoped3A : memref<!tpu.dma_semaphore, #tpu.memory_space<semaphore_mem>>)
      %dma_wait3A = arith.constant 0 : i32
      %dma_wait3A_89 = tpu.memref_slice %arg6[%add3A_62, %dma_wait3A] : memref<20000x128xf32, #tpu.memory_space<hbm>> -> memref<128x128xf32, #tpu.memory_space<hbm>>
      %dma_wait3A_90 = arith.constant 0 : i32
      %dma_wait3A_91 = tpu.memref_slice %arg7[%add3A_57, %dma_wait3A_90] : memref<10000x128xf32, #tpu.memory_space<vmem_shared>> -> memref<128x128xf32, #tpu.memory_space<vmem_shared>>
      tpu.wait_dma2 semaphore(%run_scoped3A : memref<!tpu.dma_semaphore, #tpu.memory_space<semaphore_mem>>) src(%dma_wait3A_91 : memref<128x128xf32, #tpu.memory_space<vmem_shared>>) dst(%dma_wait3A_89 : memref<128x128xf32, #tpu.memory_space<hbm>>)
      tpu.yield
    }) : () -> ()
    %mul3A_63 = arith.constant 624 : i32
    %mul3A_64 = arith.muli %arg1, %mul3A_63 : i32
    %add3A_65 = arith.constant 384 : i32
    %add3A_66 = arith.addi %mul3A_64, %add3A_65 : i32
    %mul3A_67 = arith.constant 624 : i32
    %mul3A_68 = arith.muli %arg1, %mul3A_67 : i32
    %add3A_69 = arith.addi %mul3A_0, %mul3A_68 : i32
    %add3A_70 = arith.constant 384 : i32
    %add3A_71 = arith.addi %add3A_69, %add3A_70 : i32
    "tpu.region"() ({
      %run_scoped3A = tpu.sem_alloc : memref<!tpu.dma_semaphore, #tpu.memory_space<semaphore_mem>>
      %dma_start3A = arith.constant 0 : i32
      %dma_start3A_86 = tpu.memref_slice %arg6[%add3A_71, %dma_start3A] : memref<20000x128xf32, #tpu.memory_space<hbm>> -> memref<128x128xf32, #tpu.memory_space<hbm>>
      %dma_start3A_87 = arith.constant 0 : i32
      %dma_start3A_88 = tpu.memref_slice %arg7[%add3A_66, %dma_start3A_87] : memref<10000x128xf32, #tpu.memory_space<vmem_shared>> -> memref<128x128xf32, #tpu.memory_space<vmem_shared>>
      tpu.enqueue_dma source(%dma_start3A_88 : memref<128x128xf32, #tpu.memory_space<vmem_shared>>) target(%dma_start3A_86 : memref<128x128xf32, #tpu.memory_space<hbm>>) target_semaphore(%run_scoped3A : memref<!tpu.dma_semaphore, #tpu.memory_space<semaphore_mem>>)
      %dma_wait3A = arith.constant 0 : i32
      %dma_wait3A_89 = tpu.memref_slice %arg6[%add3A_71, %dma_wait3A] : memref<20000x128xf32, #tpu.memory_space<hbm>> -> memref<128x128xf32, #tpu.memory_space<hbm>>
      %dma_wait3A_90 = arith.constant 0 : i32
      %dma_wait3A_91 = tpu.memref_slice %arg7[%add3A_66, %dma_wait3A_90] : memref<10000x128xf32, #tpu.memory_space<vmem_shared>> -> memref<128x128xf32, #tpu.memory_space<vmem_shared>>
      tpu.wait_dma2 semaphore(%run_scoped3A : memref<!tpu.dma_semaphore, #tpu.memory_space<semaphore_mem>>) src(%dma_wait3A_91 : memref<128x128xf32, #tpu.memory_space<vmem_shared>>) dst(%dma_wait3A_89 : memref<128x128xf32, #tpu.memory_space<hbm>>)
      tpu.yield
    }) : () -> ()
    %mul3A_72 = arith.constant 624 : i32
    %mul3A_73 = arith.muli %arg1, %mul3A_72 : i32
    %add3A_74 = arith.constant 512 : i32
    %add3A_75 = arith.addi %mul3A_73, %add3A_74 : i32
    %mul3A_76 = arith.constant 624 : i32
    %mul3A_77 = arith.muli %arg1, %mul3A_76 : i32
    %add3A_78 = arith.addi %mul3A_0, %mul3A_77 : i32
    %add3A_79 = arith.constant 512 : i32
    %add3A_80 = arith.addi %add3A_78, %add3A_79 : i32
    "tpu.region"() ({
      %run_scoped3A = tpu.sem_alloc : memref<!tpu.dma_semaphore, #tpu.memory_space<semaphore_mem>>
      %dma_start3A = arith.constant 0 : i32
      %dma_start3A_86 = tpu.memref_slice %arg6[%add3A_80, %dma_start3A] : memref<20000x128xf32, #tpu.memory_space<hbm>> -> memref<112x128xf32, #tpu.memory_space<hbm>>
      %dma_start3A_87 = arith.constant 0 : i32
      %dma_start3A_88 = tpu.memref_slice %arg7[%add3A_75, %dma_start3A_87] : memref<10000x128xf32, #tpu.memory_space<vmem_shared>> -> memref<112x128xf32, #tpu.memory_space<vmem_shared>>
      tpu.enqueue_dma source(%dma_start3A_88 : memref<112x128xf32, #tpu.memory_space<vmem_shared>>) target(%dma_start3A_86 : memref<112x128xf32, #tpu.memory_space<hbm>>) target_semaphore(%run_scoped3A : memref<!tpu.dma_semaphore, #tpu.memory_space<semaphore_mem>>)
      %dma_wait3A = arith.constant 0 : i32
      %dma_wait3A_89 = tpu.memref_slice %arg6[%add3A_80, %dma_wait3A] : memref<20000x128xf32, #tpu.memory_space<hbm>> -> memref<112x128xf32, #tpu.memory_space<hbm>>
      %dma_wait3A_90 = arith.constant 0 : i32
      %dma_wait3A_91 = tpu.memref_slice %arg7[%add3A_75, %dma_wait3A_90] : memref<10000x128xf32, #tpu.memory_space<vmem_shared>> -> memref<112x128xf32, #tpu.memory_space<vmem_shared>>
      tpu.wait_dma2 semaphore(%run_scoped3A : memref<!tpu.dma_semaphore, #tpu.memory_space<semaphore_mem>>) src(%dma_wait3A_91 : memref<112x128xf32, #tpu.memory_space<vmem_shared>>) dst(%dma_wait3A_89 : memref<112x128xf32, #tpu.memory_space<hbm>>)
      tpu.yield
    }) : () -> ()
    %eq3A_81 = arith.constant 0 : i32
    %eq3A_82 = arith.cmpi eq, %arg1, %eq3A_81 : i32
    %convert_element_type3A_83 = arith.extui %eq3A_82 : i1 to i32
    %cond3A_84 = arith.constant 0 : i32
    %cond3A_85 = arith.cmpi ne, %convert_element_type3A_83, %cond3A_84 : i32
    scf.if %cond3A_85 {
      %add3A_86 = arith.constant 9984 : i32
      %add3A_87 = arith.addi %mul3A_0, %add3A_86 : i32
      "tpu.region"() ({
        %run_scoped3A = tpu.sem_alloc : memref<!tpu.dma_semaphore, #tpu.memory_space<semaphore_mem>>
        %dma_start3A = arith.constant 0 : i32
        %dma_start3A_88 = tpu.memref_slice %arg6[%add3A_87, %dma_start3A] : memref<20000x128xf32, #tpu.memory_space<hbm>> -> memref<16x128xf32, #tpu.memory_space<hbm>>
        %dma_start3A_89 = arith.constant 9984 : i32
        %dma_start3A_90 = arith.constant 0 : i32
        %dma_start3A_91 = tpu.memref_slice %arg7[%dma_start3A_89, %dma_start3A_90] : memref<10000x128xf32, #tpu.memory_space<vmem_shared>> -> memref<16x128xf32, #tpu.memory_space<vmem_shared>>
        tpu.enqueue_dma source(%dma_start3A_91 : memref<16x128xf32, #tpu.memory_space<vmem_shared>>) target(%dma_start3A_88 : memref<16x128xf32, #tpu.memory_space<hbm>>) target_semaphore(%run_scoped3A : memref<!tpu.dma_semaphore, #tpu.memory_space<semaphore_mem>>)
        %dma_wait3A = arith.constant 0 : i32
        %dma_wait3A_92 = tpu.memref_slice %arg6[%add3A_87, %dma_wait3A] : memref<20000x128xf32, #tpu.memory_space<hbm>> -> memref<16x128xf32, #tpu.memory_space<hbm>>
        %dma_wait3A_93 = arith.constant 9984 : i32
        %dma_wait3A_94 = arith.constant 0 : i32
        %dma_wait3A_95 = tpu.memref_slice %arg7[%dma_wait3A_93, %dma_wait3A_94] : memref<10000x128xf32, #tpu.memory_space<vmem_shared>> -> memref<16x128xf32, #tpu.memory_space<vmem_shared>>
        tpu.wait_dma2 semaphore(%run_scoped3A : memref<!tpu.dma_semaphore, #tpu.memory_space<semaphore_mem>>) src(%dma_wait3A_95 : memref<16x128xf32, #tpu.memory_space<vmem_shared>>) dst(%dma_wait3A_92 : memref<16x128xf32, #tpu.memory_space<hbm>>)
        tpu.yield
      }) : () -> ()
    } else {
    }
    return
  }
}

module attributes {stable_mosaic.version = 14 : i64} {
  func.func @_mm_first_body(%arg0: i32, %arg1: i32, %arg2: memref<2000x256xf32, #tpu.memory_space<vmem>>, %arg3: memref<256x128xf32, #tpu.memory_space<vmem>>, %arg4: memref<1x128xf32, #tpu.memory_space<vmem>>, %arg5: memref<2000x128xf32, #tpu.memory_space<vmem>>) attributes {dimension_semantics = [#tpu.dimension_semantics<arbitrary>, #tpu.dimension_semantics<arbitrary>], iteration_bounds = array<i64: 5, 2>, scalar_prefetch = 0 : i64, scratch_operands = 0 : i64, tpu.core_type = #tpu.core_type<tc>, window_params = [{transform_indices = @transform_0, window_bounds = array<i64: 2000, 256>}, {transform_indices = @transform_1, window_bounds = array<i64: 256, 128>}, {transform_indices = @transform_2, window_bounds = array<i64: 1, 128>}, {transform_indices = @transform_3, window_bounds = array<i64: 2000, 128>}]} {
    %get3A = arith.constant 0 : index
    %get3A_0 = arith.constant 0 : index
    %get3A_1 = vector.load %arg2[%get3A, %get3A_0] : memref<2000x256xf32, #tpu.memory_space<vmem>>, vector<2000x256xf32>
    %get3A_2 = arith.constant 0 : index
    %get3A_3 = arith.constant 0 : index
    %get3A_4 = vector.load %arg3[%get3A_2, %get3A_3] : memref<256x128xf32, #tpu.memory_space<vmem>>, vector<256x128xf32>
    %dot_general3A = arith.constant dense<0.000000e+00> : vector<2000x128xf32>
    %dot_general3A_5 = tpu.matmul %get3A_1, %get3A_4, %dot_general3A {dimension_numbers = #tpu.dot_dimension_numbers<[1], [0], [0], [1], [0, 0, 1, 1], [], []>, transpose_lhs_hint = false} : vector<2000x256xf32>, vector<256x128xf32>, vector<2000x128xf32> -> vector<2000x128xf32>
    %get3A_6 = arith.constant 0 : index
    %get3A_7 = arith.constant 0 : index
    %get3A_8 = vector.load %arg4[%get3A_6, %get3A_7] : memref<1x128xf32, #tpu.memory_space<vmem>>, vector<1x128xf32>
    %add3A = vector.broadcast %get3A_8 : vector<1x128xf32> to vector<2000x128xf32>
    %add3A_9 = arith.addf %dot_general3A_5, %add3A : vector<2000x128xf32>
    %swap3A = arith.constant 0 : index
    %swap3A_10 = arith.constant 0 : index
    %swap3A_11 = vector.load %arg5[%swap3A, %swap3A_10] : memref<2000x128xf32, #tpu.memory_space<vmem>>, vector<2000x128xf32>
    tpu.vector_store %arg5[%swap3A, %swap3A_10], %add3A_9 {strides = array<i32>} : memref<2000x128xf32, #tpu.memory_space<vmem>>, vector<2000x128xf32>,
    return
  }
  func.func @transform_0(%arg0: i32, %arg1: i32) -> (i32, i32) {
    %c0_i32 = arith.constant 0 : i32
    %c0_i32_0 = arith.constant 0 : i32
    return %arg0, %c0_i32 : i32, i32
  }
  func.func @transform_1(%arg0: i32, %arg1: i32) -> (i32, i32) {
    %c0_i32 = arith.constant 0 : i32
    %c0_i32_0 = arith.constant 0 : i32
    return %c0_i32, %arg1 : i32, i32
  }
  func.func @transform_2(%arg0: i32, %arg1: i32) -> (i32, i32) {
    %c0_i32 = arith.constant 0 : i32
    %c0_i32_0 = arith.constant 0 : i32
    return %c0_i32, %arg1 : i32, i32
  }
  func.func @transform_3(%arg0: i32, %arg1: i32) -> (i32, i32) {
    %mul3A = arith.constant 5 : i32
    %mul3A_0 = arith.muli %arg1, %mul3A : i32
    %add3A = arith.addi %mul3A_0, %arg0 : i32
    %c0_i32 = arith.constant 0 : i32
    %c0_i32_1 = arith.constant 0 : i32
    return %add3A, %c0_i32 : i32, i32
  }
}

module attributes {stable_mosaic.version = 14 : i64} {
  func.func @_mm_mid_body(%arg0: i32, %arg1: i32, %arg2: memref<2000x128xf32, #tpu.memory_space<vmem>>, %arg3: memref<2000x128xf32, #tpu.memory_space<vmem>>, %arg4: memref<256x128xf32, #tpu.memory_space<vmem>>, %arg5: memref<1x128xf32, #tpu.memory_space<vmem>>, %arg6: memref<2000x128xf32, #tpu.memory_space<vmem>>) attributes {dimension_semantics = [#tpu.dimension_semantics<arbitrary>, #tpu.dimension_semantics<arbitrary>], iteration_bounds = array<i64: 5, 2>, scalar_prefetch = 0 : i64, scratch_operands = 0 : i64, tpu.core_type = #tpu.core_type<tc>, window_params = [{transform_indices = @transform_0, window_bounds = array<i64: 2000, 128>}, {transform_indices = @transform_1, window_bounds = array<i64: 2000, 128>}, {transform_indices = @transform_2, window_bounds = array<i64: 256, 128>}, {transform_indices = @transform_3, window_bounds = array<i64: 1, 128>}, {transform_indices = @transform_4, window_bounds = array<i64: 2000, 128>}]} {
    %get3A = arith.constant 0 : index
    %get3A_0 = arith.constant 0 : index
    %get3A_1 = vector.load %arg2[%get3A, %get3A_0] : memref<2000x128xf32, #tpu.memory_space<vmem>>, vector<2000x128xf32>
    %get3A_2 = arith.constant 0 : index
    %get3A_3 = arith.constant 0 : index
    %get3A_4 = vector.load %arg3[%get3A_2, %get3A_3] : memref<2000x128xf32, #tpu.memory_space<vmem>>, vector<2000x128xf32>
    %concatenate3A = tpu.concatenate %get3A_1, %get3A_4 in 1 : vector<2000x128xf32>, vector<2000x128xf32> -> vector<2000x256xf32>
    %max3A = arith.constant 0.000000e+00 : f32
    %max3A_5 = vector.broadcast %max3A : f32 to vector<2000x256xf32>
    %max3A_6 = arith.maximumf %concatenate3A, %max3A_5 : vector<2000x256xf32>
    %get3A_7 = arith.constant 0 : index
    %get3A_8 = arith.constant 0 : index
    %get3A_9 = vector.load %arg4[%get3A_7, %get3A_8] : memref<256x128xf32, #tpu.memory_space<vmem>>, vector<256x128xf32>
    %dot_general3A = arith.constant dense<0.000000e+00> : vector<2000x128xf32>
    %dot_general3A_10 = tpu.matmul %max3A_6, %get3A_9, %dot_general3A {dimension_numbers = #tpu.dot_dimension_numbers<[1], [0], [0], [1], [0, 0, 1, 1], [], []>, transpose_lhs_hint = false} : vector<2000x256xf32>, vector<256x128xf32>, vector<2000x128xf32> -> vector<2000x128xf32>
    %get3A_11 = arith.constant 0 : index
    %get3A_12 = arith.constant 0 : index
    %get3A_13 = vector.load %arg5[%get3A_11, %get3A_12] : memref<1x128xf32, #tpu.memory_space<vmem>>, vector<1x128xf32>
    %add3A = vector.broadcast %get3A_13 : vector<1x128xf32> to vector<2000x128xf32>
    %add3A_14 = arith.addf %dot_general3A_10, %add3A : vector<2000x128xf32>
    %swap3A = arith.constant 0 : index
    %swap3A_15 = arith.constant 0 : index
    %swap3A_16 = vector.load %arg6[%swap3A, %swap3A_15] : memref<2000x128xf32, #tpu.memory_space<vmem>>, vector<2000x128xf32>
    tpu.vector_store %arg6[%swap3A, %swap3A_15], %add3A_14 {strides = array<i32>} : memref<2000x128xf32, #tpu.memory_space<vmem>>, vector<2000x128xf32>,
    return
  }
  func.func @transform_0(%arg0: i32, %arg1: i32) -> (i32, i32) {
    %c0_i32 = arith.constant 0 : i32
    %c0_i32_0 = arith.constant 0 : i32
    return %arg0, %c0_i32 : i32, i32
  }
  func.func @transform_1(%arg0: i32, %arg1: i32) -> (i32, i32) {
    %add3A = arith.constant 5 : i32
    %add3A_0 = arith.addi %add3A, %arg0 : i32
    %c0_i32 = arith.constant 0 : i32
    %c0_i32_1 = arith.constant 0 : i32
    return %add3A_0, %c0_i32 : i32, i32
  }
  func.func @transform_2(%arg0: i32, %arg1: i32) -> (i32, i32) {
    %c0_i32 = arith.constant 0 : i32
    %c0_i32_0 = arith.constant 0 : i32
    return %c0_i32, %arg1 : i32, i32
  }
  func.func @transform_3(%arg0: i32, %arg1: i32) -> (i32, i32) {
    %c0_i32 = arith.constant 0 : i32
    %c0_i32_0 = arith.constant 0 : i32
    return %c0_i32, %arg1 : i32, i32
  }
  func.func @transform_4(%arg0: i32, %arg1: i32) -> (i32, i32) {
    %mul3A = arith.constant 5 : i32
    %mul3A_0 = arith.muli %arg1, %mul3A : i32
    %add3A = arith.addi %mul3A_0, %arg0 : i32
    %c0_i32 = arith.constant 0 : i32
    %c0_i32_1 = arith.constant 0 : i32
    return %add3A, %c0_i32 : i32, i32
  }
}

module attributes {stable_mosaic.version = 14 : i64} {
  func.func @_proj_body(%arg0: i32, %arg1: memref<2000x128xf32, #tpu.memory_space<vmem>>, %arg2: memref<2000x128xf32, #tpu.memory_space<vmem>>, %arg3: memref<256x256xf32, #tpu.memory_space<vmem>>, %arg4: memref<1x256xf32, #tpu.memory_space<vmem>>, %arg5: memref<256x256xf32, #tpu.memory_space<vmem>>, %arg6: memref<1x256xf32, #tpu.memory_space<vmem>>, %arg7: memref<2000x256xf32, #tpu.memory_space<vmem>>, %arg8: memref<2000x256xf32, #tpu.memory_space<vmem>>) attributes {dimension_semantics = [#tpu.dimension_semantics<arbitrary>], iteration_bounds = array<i64: 5>, scalar_prefetch = 0 : i64, scratch_operands = 0 : i64, tpu.core_type = #tpu.core_type<tc>, window_params = [{transform_indices = @transform_0, window_bounds = array<i64: 2000, 128>}, {transform_indices = @transform_1, window_bounds = array<i64: 2000, 128>}, {pipeline_mode = #tpu.pipeline_mode<synchronous>, transform_indices = @transform_2, window_bounds = array<i64: 256, 256>}, {pipeline_mode = #tpu.pipeline_mode<synchronous>, transform_indices = @transform_3, window_bounds = array<i64: 1, 256>}, {pipeline_mode = #tpu.pipeline_mode<synchronous>, transform_indices = @transform_4, window_bounds = array<i64: 256, 256>}, {pipeline_mode = #tpu.pipeline_mode<synchronous>, transform_indices = @transform_5, window_bounds = array<i64: 1, 256>}, {transform_indices = @transform_6, window_bounds = array<i64: 2000, 256>}, {transform_indices = @transform_7, window_bounds = array<i64: 2000, 256>}]} {
    %get3A = arith.constant 0 : index
    %get3A_0 = arith.constant 0 : index
    %get3A_1 = vector.load %arg1[%get3A, %get3A_0] : memref<2000x128xf32, #tpu.memory_space<vmem>>, vector<2000x128xf32>
    %get3A_2 = arith.constant 0 : index
    %get3A_3 = arith.constant 0 : index
    %get3A_4 = vector.load %arg2[%get3A_2, %get3A_3] : memref<2000x128xf32, #tpu.memory_space<vmem>>, vector<2000x128xf32>
    %concatenate3A = tpu.concatenate %get3A_1, %get3A_4 in 1 : vector<2000x128xf32>, vector<2000x128xf32> -> vector<2000x256xf32>
    %swap3A = arith.constant 0 : index
    %swap3A_5 = arith.constant 0 : index
    %swap3A_6 = vector.load %arg8[%swap3A, %swap3A_5] : memref<2000x256xf32, #tpu.memory_space<vmem>>, vector<2000x256xf32>
    tpu.vector_store %arg8[%swap3A, %swap3A_5], %concatenate3A {strides = array<i32>} : memref<2000x256xf32, #tpu.memory_space<vmem>>, vector<2000x256xf32>,
    %get3A_7 = arith.constant 0 : index
    %get3A_8 = arith.constant 0 : index
    %get3A_9 = vector.load %arg3[%get3A_7, %get3A_8] : memref<256x256xf32, #tpu.memory_space<vmem>>, vector<256x256xf32>
    %dot_general3A = arith.constant dense<0.000000e+00> : vector<2000x256xf32>
    %dot_general3A_10 = tpu.matmul %concatenate3A, %get3A_9, %dot_general3A {dimension_numbers = #tpu.dot_dimension_numbers<[1], [0], [0], [1], [0, 0, 1, 1], [], []>, transpose_lhs_hint = false} : vector<2000x256xf32>, vector<256x256xf32>, vector<2000x256xf32> -> vector<2000x256xf32>
    %get3A_11 = arith.constant 0 : index
    %get3A_12 = arith.constant 0 : index
    %get3A_13 = vector.load %arg4[%get3A_11, %get3A_12] : memref<1x256xf32, #tpu.memory_space<vmem>>, vector<1x256xf32>
    %add3A = vector.broadcast %get3A_13 : vector<1x256xf32> to vector<2000x256xf32>
    %add3A_14 = arith.addf %dot_general3A_10, %add3A : vector<2000x256xf32>
    %max3A = arith.constant 0.000000e+00 : f32
    %max3A_15 = vector.broadcast %max3A : f32 to vector<2000x256xf32>
    %max3A_16 = arith.maximumf %add3A_14, %max3A_15 : vector<2000x256xf32>
    %get3A_17 = arith.constant 0 : index
    %get3A_18 = arith.constant 0 : index
    %get3A_19 = vector.load %arg5[%get3A_17, %get3A_18] : memref<256x256xf32, #tpu.memory_space<vmem>>, vector<256x256xf32>
    %dot_general3A_20 = arith.constant dense<0.000000e+00> : vector<2000x256xf32>
    %dot_general3A_21 = tpu.matmul %max3A_16, %get3A_19, %dot_general3A_20 {dimension_numbers = #tpu.dot_dimension_numbers<[1], [0], [0], [1], [0, 0, 1, 1], [], []>, transpose_lhs_hint = false} : vector<2000x256xf32>, vector<256x256xf32>, vector<2000x256xf32> -> vector<2000x256xf32>
    %get3A_22 = arith.constant 0 : index
    %get3A_23 = arith.constant 0 : index
    %get3A_24 = vector.load %arg6[%get3A_22, %get3A_23] : memref<1x256xf32, #tpu.memory_space<vmem>>, vector<1x256xf32>
    %add3A_25 = vector.broadcast %get3A_24 : vector<1x256xf32> to vector<2000x256xf32>
    %add3A_26 = arith.addf %dot_general3A_21, %add3A_25 : vector<2000x256xf32>
    %swap3A_27 = arith.constant 0 : index
    %swap3A_28 = arith.constant 0 : index
    %swap3A_29 = vector.load %arg7[%swap3A_27, %swap3A_28] : memref<2000x256xf32, #tpu.memory_space<vmem>>, vector<2000x256xf32>
    tpu.vector_store %arg7[%swap3A_27, %swap3A_28], %add3A_26 {strides = array<i32>} : memref<2000x256xf32, #tpu.memory_space<vmem>>, vector<2000x256xf32>,
    return
  }
  func.func @transform_0(%arg0: i32) -> (i32, i32) {
    %c0_i32 = arith.constant 0 : i32
    %c0_i32_0 = arith.constant 0 : i32
    return %arg0, %c0_i32 : i32, i32
  }
  func.func @transform_1(%arg0: i32) -> (i32, i32) {
    %add3A = arith.constant 5 : i32
    %add3A_0 = arith.addi %add3A, %arg0 : i32
    %c0_i32 = arith.constant 0 : i32
    %c0_i32_1 = arith.constant 0 : i32
    return %add3A_0, %c0_i32 : i32, i32
  }
  func.func @transform_2(%arg0: i32) -> (i32, i32) {
    %c0_i32 = arith.constant 0 : i32
    %c0_i32_0 = arith.constant 0 : i32
    %c0_i32_1 = arith.constant 0 : i32
    return %c0_i32, %c0_i32_0 : i32, i32
  }
  func.func @transform_3(%arg0: i32) -> (i32, i32) {
    %c0_i32 = arith.constant 0 : i32
    %c0_i32_0 = arith.constant 0 : i32
    %c0_i32_1 = arith.constant 0 : i32
    return %c0_i32, %c0_i32_0 : i32, i32
  }
  func.func @transform_4(%arg0: i32) -> (i32, i32) {
    %c0_i32 = arith.constant 0 : i32
    %c0_i32_0 = arith.constant 0 : i32
    %c0_i32_1 = arith.constant 0 : i32
    return %c0_i32, %c0_i32_0 : i32, i32
  }
  func.func @transform_5(%arg0: i32) -> (i32, i32) {
    %c0_i32 = arith.constant 0 : i32
    %c0_i32_0 = arith.constant 0 : i32
    %c0_i32_1 = arith.constant 0 : i32
    return %c0_i32, %c0_i32_0 : i32, i32
  }
  func.func @transform_6(%arg0: i32) -> (i32, i32) {
    %c0_i32 = arith.constant 0 : i32
    %c0_i32_0 = arith.constant 0 : i32
    return %arg0, %c0_i32 : i32, i32
  }
  func.func @transform_7(%arg0: i32) -> (i32, i32) {
    %c0_i32 = arith.constant 0 : i32
    %c0_i32_0 = arith.constant 0 : i32
    return %arg0, %c0_i32 : i32, i32
  }
}

</mosaic_0001>

<sc_bundles>
// kernel: kernel.12.cloned.1.call-start
scs
__scs_entry_jumppad:
0x0: {  	(pc) =	sbr.rel $0x88, $3  }
0x1: {  	(tag) =	ssettag $0x0;
	lr =	simm.s32 $0x1  }
0x2: {  	[smem:$0x3F94] =	sst lr;
	_ =	strace $0xD0000000  }
0x3: {  	_ = 	snop  }
0x4: {  	_ = 	snop  }
0x5: {  	_ = 	snop  }
0x6: {  	_ = 	snop  }
0x7: {  	_ = 	snop  }
__scs_overlays_trampoline_lowered:
0x8: {  	[smem:$0x3FA3] =	sst s0  }
0x9: {  	[smem:$0x3FA4] =	sst s1  }
0xa: {  	[smem:$0x3FA5] =	sst s2  }
0xb: {  	[smem:$0x3FA6] =	sst s3  }
0xc: {  	[smem:$0x3FA7] =	sst s4  }
0xd: {  	[smem:$0x3FA8] =	sst s5  }
0xe: {  	[smem:$0x3FA9] =	sst s6  }
0xf: {  	[smem:$0x3FAA] =	sst s7  }
0x10: {  	[smem:$0x3FAB] =	sst s8  }
0x11: {  	[smem:$0x3FAC] =	sst s9;
	s0 =	simm.s32 @!p0 $0x0  }
0x12: {  	s1 =	sld [smem:$0x3F92];
	s0 =	simm.s32 @p0 $0x1  }
0x13: {  	[smem:$0x3FAD] =	sst s0;
	s0 =	simm.s32 @!p1 $0x0  }
0x14: {  	s2 =	sld [smem:$0x3F91];
	s0 =	simm.s32 @p1 $0x1  }
0x15: {  	[smem:$0x3FAE] =	sst s0;
	s0 =	simm.s32 @!p2 $0x0  }
0x16: {  	s3 =	sld [smem:$0x3FDB];
	s0 =	simm.s32 @p2 $0x1  }
0x17: {  	s4 =	simm.s32 $0x1BF5;
	[smem:$0x3FB0] =	sst s0  }
0x18: {  	s0 =	sld [smem:$0x3F93];
	_ =	swait.ge [sflag:s4], $0x0  }
0x19: {  	s7 =	sld [smem:$0x3F94]  }
0x1a: {  	s8 =	sadd.s32 $0xFFFFE003, lr  }
0x1b: {  	s9 =	sadd.s32 $0xFFFFFEF7, lr;
	s5 =	simm.s32 $0xFFFFFFFF;
	p2 =	slt.u32 s8, $0xFFFFF086  }
0x1c: {  	p1 =	slt.u32 s9, $0xF7A;
	s5 =	simm.s32 @!p2 $0x0  }
0x1d: {  	s5 =	simm.s32 @p1 $0x1;
	p0 =	seq.s32 s7, s2  }
0x1e: {  	s7 =	smul.u32 @!p0 $0xF7A, s2;
	p2 =	seq.s32 @!p0 s5, $0x0  }
0x1f: {  	s9 =	smul.u32 $0xF7A, s1;
	s8 =	simm.s32 @!p0 $0x1BF5;
	p2 =	por !p2, p0  }
0x20: {  	[sflag:s8] =	ssyncset.s32 @!p0 $0xFFFFF086;
	s6 =	sadd.s32 @!p0 s3, s7;
	s7 =	simm.s32 @!p0 $0x108  }
0x21: {  	s3 =	sadd.s32 s3, s9;
	s6 =	sadd.s32 @!p0 $0x88, s6;
	s7 =	simm.s32 @p2 $0x1082  }
0x22: {  	[simem:s7], [sflag:s8] =	dma.local @!p0 [hbm:s6], $0xF7A  }
0x23: {  	s9 =	sor.u32 $0xD0000000, s2;
	s6 =	simm.s32 $0x108;
	_ =	swait.ge @!p0 [sflag:s8], $0x0  }
0x24: {  	s3 =	sadd.s32 $0x88, s3;
	s6 =	simm.s32 @!p1 $0x1082;
	[sflag:s4] =	ssyncset.s32 $0xFFFFF086  }
0x25: {  	[simem:s6], [sflag:s4] =	dma.local [hbm:s3], $0xF7A  }
0x26: {  	[smem:$0x3F94] =	sst s1;
	(tag) =	ssettag s2;
	_ =	strace s9  }
0x27: {  	s1 =	sld [smem:$0x3FA4]  }
0x28: {  	s2 =	sld [smem:$0x3FA5]  }
0x29: {  	s4 =	sld [smem:$0x3FA7]  }
0x2a: {  	p0 =	seq.s32 s5, $0x0;
	s5 =	sld [smem:$0x3FA8]  }
0x2b: {  	s6 =	sld [smem:$0x3FA9]  }
0x2c: {  	s7 =	sld [smem:$0x3FAA]  }
0x2d: {  	s3 =	simm.s32 $0x108;
	s8 =	sld [smem:$0x3FAB]  }
0x2e: {  	s3 =	simm.s32 @!p0 $0x1082;
	s9 =	sld [smem:$0x3FAC]  }
0x2f: {  	lr =	sadd.s32 s0, s3;
	s0 =	sld [smem:$0x3FA3]  }
0x30: {  	s3 =	sld [smem:$0x3FA6]  }
0x31: {  	[smem:$0x3FAF] =	sst s10  }
0x32: {  	s10 =	sld [smem:$0x3FAD];
	_ =	sdelay $0x3  }
0x33: {  	p0 =	seq.s32 s10, $0x1;
	s10 =	sld [smem:$0x3FAF];
	_ =	sdelay $0x3  }
0x34: {  	[smem:$0x3FAF] =	sst s10  }
0x35: {  	s10 =	sld [smem:$0x3FAE];
	_ =	sdelay $0x3  }
0x36: {  	p1 =	seq.s32 s10, $0x1;
	s10 =	sld [smem:$0x3FAF];
	_ =	sdelay $0x3  }
0x37: {  	[smem:$0x3FAF] =	sst s10  }
0x38: {  	s10 =	sld [smem:$0x3FB0]  }
0x39: {  	_ = 	snop;
	(pc) =	sbr.ind lr, $3  }
0x3a: {  	_ = 	snop  }
0x3b: {  	_ = 	snop  }
0x3c: {  	p2 =	seq.s32 s10, $0x1;
	s10 =	sld [smem:$0x3FAF]  }
0x3d: {  	_ =	shalt  }
0x3e: {  	_ =	shalt  }
0x3f: {  	_ =	shalt  }
0x40: {  	_ =	shalt  }
0x41: {  	_ =	shalt  }
0x42: {  	_ =	shalt  }
0x43: {  	_ =	shalt  }
0x44: {  	_ =	shalt  }
0x45: {  	_ =	shalt  }
0x46: {  	_ =	shalt  }
0x47: {  	_ =	shalt  }
0x48: {  	_ =	shalt  }
0x49: {  	_ =	shalt  }
0x4a: {  	_ =	shalt  }
0x4b: {  	_ =	shalt  }
0x4c: {  	_ =	shalt  }
0x4d: {  	_ =	shalt  }
0x4e: {  	_ =	shalt  }
0x4f: {  	_ =	shalt  }
0x50: {  	_ =	shalt  }
0x51: {  	_ =	shalt  }
0x52: {  	_ =	shalt  }
0x53: {  	_ =	shalt  }
0x54: {  	_ =	shalt  }
0x55: {  	_ =	shalt  }
0x56: {  	_ =	shalt  }
0x57: {  	_ =	shalt  }
0x58: {  	_ =	shalt  }
0x59: {  	_ =	shalt  }
0x5a: {  	_ =	shalt  }
0x5b: {  	_ =	shalt  }
0x5c: {  	_ =	shalt  }
0x5d: {  	_ =	shalt  }
0x5e: {  	_ =	shalt  }
0x5f: {  	_ =	shalt  }
0x60: {  	_ =	shalt  }
0x61: {  	_ =	shalt  }
0x62: {  	_ =	shalt  }
0x63: {  	_ =	shalt  }
0x64: {  	_ =	shalt  }
0x65: {  	_ =	shalt  }
0x66: {  	_ =	shalt  }
0x67: {  	_ =	shalt  }
0x68: {  	_ =	shalt  }
0x69: {  	_ =	shalt  }
0x6a: {  	_ =	shalt  }
0x6b: {  	_ =	shalt  }
0x6c: {  	_ =	shalt  }
0x6d: {  	_ =	shalt  }
0x6e: {  	_ =	shalt  }
0x6f: {  	_ =	shalt  }
0x70: {  	_ =	shalt  }
0x71: {  	_ =	shalt  }
0x72: {  	_ =	shalt  }
0x73: {  	_ =	shalt  }
0x74: {  	_ =	shalt  }
0x75: {  	_ =	shalt  }
0x76: {  	_ =	shalt  }
0x77: {  	_ =	shalt  }
0x78: {  	_ =	shalt  }
0x79: {  	_ =	shalt  }
0x7a: {  	_ =	shalt  }
0x7b: {  	_ =	shalt  }
0x7c: {  	_ =	shalt  }
0x7d: {  	_ =	shalt  }
0x7e: {  	_ =	shalt  }
0x7f: {  	_ =	shalt  }
0x80: {  	_ =	shalt  }
0x81: {  	_ =	shalt  }
0x82: {  	_ =	shalt  }
0x83: {  	_ =	shalt  }
0x84: {  	_ =	shalt  }
0x85: {  	_ =	shalt  }
0x86: {  	_ =	shalt  }
0x87: {  	_ =	shalt  }
.Lfunc_end0:
.L_simem_size_0:
called_computation.1_lowered:
.L_overlay_start_0:
0x88: {  	s2 =	sld [smem:$0x3FD9]  }
0x89: {  	s3 =	sld [smem:$0x3FFE];
	_ =	sdelay $0x1  }
0x8a: {  	s1 =	srdreg.scid  }
0x8b: {  	s0 =	sand.u32 $0x1, s1  }
0x8c: {  	s14 =	sshll.u32 s0, $0xA;
	s2 =	sadd.s32 s3, s2  }
0x8d: {  	s2 =	sadd.s32 s2, s14  }
0x8e: {  	[smem:$0x3FBB] =	sst s2  }
0x8f: {  	_ = 	snop  }
0x90: {  	s2 =	sld [smem:$0x3FD0];
	_ =	sdelay $0x2  }
0x91: {  	s15 =	simm.s32 $0xA;
	s4 =	simm.s32 $0x10  }
0x92: {  	[smem:s4], [sflag:s15] =	dma.local [hbm:s2], $0x1  }
0x93: {  	_ =	swait.eq [sflag:s15], $0x1  }
0x94: {  	[sflag:s15] =	ssyncset.done $0x0  }
0x95: {  	s16 =	sld [smem:$0x10];
	[sflag:s15] =	ssyncadd.s32 $0xFFFFFFFF  }
0x96: {  	s17 =	sld [smem:$0x11];
	(tm) =	ssettm $0x1  }
0x97: {  	s18 =	sld [smem:$0x3FFB];
	_ =	sdelay $0x3  }
0x98: {  	_ =	strace s18  }
0x99: {  	s4 =	sld [smem:$0x3FFC];
	_ =	sdelay $0x3  }
0x9a: {  	_ =	strace s4  }
0x9b: {  	s4 =	sld [smem:$0x3FFD];
	_ =	sdelay $0x3  }
0x9c: {  	_ =	strace s4  }
0x9d: {  	_ =	strace $0x8FFFFFFF  }
0x9e: {  	s19 =	sld [smem:$0x3FDB];
	_ =	sdelay $0x1  }
0x9f: {  	s5 =	simm.s32 $_scs_section_size  }
0xa0: {  	s6 =	simm.s32 $_size__tile_overlayer_lowered;
	s7 =	simm.s32 $_tile_overlayer_lowered  }
0xa1: {  	s22 =	simm.s32 $0x1BFF;
	s21 =	sshll.u32 s7, $0x1;
	s4 =	sadd.s32 s5, s19  }
0xa2: {  	s8 =	simm.s32 $0x0;
	s20 =	sshll.u32 s6, $0x1;
	s6 =	sadd.s32 s21, s4  }
0xa3: {  	[timem:s8], [sflag:s22] =	dma.local [hbm:s6], s20  }
0xa4: {  	_ =	swait.ge [sflag:s22], s20  }
0xa5: {  	s5 =	ssub.s32 $0x0, s20;
	[sflag:s22] =	ssyncset.done $0x0  }
0xa6: {  	[sflag:s22] =	ssyncadd.s32 s5;
	_ =	sdelay $0x1  }
0xa7: {  	s23 =	simm.s32 $0x1B8B  }
0xa8: {  	_ =	swait.ge [sflag:s23], $0x1  }
0xa9: {  	[sflag:s23] =	ssyncset.done $0x0  }
0xaa: {  	s25 =	simm.s32 $0x1B8E;
	s24 =	sld [smem:$0x3FFE];
	[sflag:s23] =	ssyncadd.s32 $0xFFFFFFFF  }
0xab: {  	s26 =	simm.s32 $execute0_lowered;
	[smem:$0x3FD2] =	sst s25  }
0xac: {  	s6 =	sshll.u32 s26, $0x1;
	_ =	strace $0x80000049;
	[dreg:$0x1] =	wrdreg $0xFFFFFFFF  }
0xad: {  	s28 =	simm.s32 $_size_execute0_lowered;
	s4 =	sadd.s32 s4, s6;
	[dreg:$0x0] =	wrdreg $0x0  }
0xae: {  	s6 =	sshll.u32 s28, $0x1;
	[dreg:$0x2] =	wrdreg s4  }
0xaf: {  	[dreg:$0x3] =	wrdreg s6  }
0xb0: {  	[dreg:$0x4] =	wrdreg $0xC0  }
0xb1: {  	_ =	task [dreg:s8], $0x5FFFF  }
0xb2: {  	[dreg:$0x1] =	wrdreg $0xFFFFFFFF  }
0xb3: {  	[dreg:$0x0] =	wrdreg $0x60  }
0xb4: {  	[dreg:$0x2] =	wrdreg s17  }
0xb5: {  	[dreg:$0x3] =	wrdreg s24  }
0xb6: {  	[dreg:$0x4] =	wrdreg s16  }
0xb7: {  	[dreg:$0x5] =	wrdreg $0x0  }
0xb8: {  	[dreg:$0x6] =	wrdreg $0x9  }
0xb9: {  	_ =	task.clear_ibuf [dreg:s8], $0x7FFFF;
	_ =	strace $0x90000049  }
0xba: {  	s29 =	simm.s32 $0x9;
	_ =	strace $0x8000004B  }
0xbb: {  	_ =	swait.ge [sflag:s29], $0x1  }
0xbc: {  	[sflag:s29] =	ssyncadd.s32 $0xFFFFFFFF  }
0xbd: {  	_ =	strace $0x9000004B  }
0xbe: {  	_ =	sfence  }
0xbf: {  	s30 =	sld [smem:$0x0];
	_ =	sdelay $0x2  }
0xc0: {  	s31 =	sshll.u32 s1, $0xD;
	s1 =	sshrl.u32 s1, $0x2  }
0xc1: {  	s3 =	sand.u32 $0x4000, s31;
	s1 =	sadd.s32 s1, s30  }
0xc2: {  	s0 =	sor.u32 s3, s0;
	s1 =	sshll.u32 s1, $0x11  }
0xc3: {  	s0 =	sor.u32 s1, s0  }
0xc4: {  	s0 =	sadd.s32 $0x8F2B, s0  }
0xc5: {  	[sflag:s0] =	ssyncadd.remote.s32 $0x1  }
0xc6: {  	_ =	sfence.sel $0xFFFF  }
0xc7: {  	[dreg:$0x0] =	wrdreg $0xFFFFFFFF;
	(pc) =	sbr.abs _section_cstart, $3  }
0xc8: {  	[dreg:$0x1] =	wrdreg $0xFFFFFFFF  }
0xc9: {  	_ =	task.clear_ibuf [dreg:s8], $0x2FFFF;
	_ =	strace $0x9FFFFFFF  }
0xca: {  	(tm) =	ssettm $0x7FFFFFFF  }
0xcb: {  	_ =	shalt  }
tec
execute0_lowered:
.L_overlay_start_1:
0x0: {  	(tag) =	ssettag $0x1  }
0x1: {  	s1 =	rddreg [dreg:$0x0]  }
0x2: {  	s0 =	rddreg [dreg:$0x1]  }
0x3: {  	s4 =	rddreg [dreg:$0x2]  }
0x4: {  	s2 =	rddreg [dreg:$0x3]  }
0x5: {  	s3 =	simm.s32 $0x0;
	s15 =	stileid.u32;
	s7 =	srdreg.scid  }
0x6: {  	s28 =	simm.s32 $0x80;
	s29 =	simm.s32 $0x13900;
	s30 =	simm.s32 $0x19080  }
0x7: {  	s31 =	simm.s32 $0x1;
	s16 =	simm.s32 $0x4;
	[smem:$0x7FF] =	sst s3  }
0x8: {  	s8 =	smul.u32 $0x4E000, s15;
	s5 =	sadd.s32 $0x7600, s0;
	s9 =	sand.u32 $0x1, s7  }
0x9: {  	s6 =	sadd.s32 $0x2600, s0;
	s13 =	smul.u32 $0x270, s15;
	s10 =	ssub.s32 $0x2, s9  }
0xa: {  	s20 =	sadd.s32 $0x138000, s2;
	_ =	strace $0x8000004A;
	s12 =	sshrl.u32 s10, $0x1  }
0xb: {  	[dreg:$0x9] =	wrdreg s20;
	s21 =	sshrl.u32 s8, $0x2;
	s22 =	ssub.s32 s10, s12  }
0xc: {  	s8 =	sadd.s32 $0xC600, s0;
	s17 =	sadd.s32 s21, s2;
	s0 =	smax.u32 s22, $0x1  }
0xd: {  	s11 =	smul.u32 $0x2710, s9;
	s12 =	sadd.s32 $0x4000, s17;
	[dreg:$0x10] =	wrdreg s0  }
0xe: {  	s14 =	smul.u32 $0x2800, s15;
	s18 =	sadd.s32 $0x8000, s17;
	[dreg:$0x5] =	wrdreg s12  }
0xf: {  	s23 =	sadd.s32 s13, s11;
	s19 =	sadd.s32 $0xC000, s17;
	[dreg:$0x6] =	wrdreg s18  }
0x10: {  	s13 =	sadd.s32 $0x10000, s17;
	s10 =	sshll.u32 s23, $0x4;
	[dreg:$0x7] =	wrdreg s19  }
0x11: {  	s9 =	smul.u32 $0x138800, s9;
	s24 =	sadd.s32 s4, s10;
	[dreg:$0x8] =	wrdreg s13  }
0x12: {  	p0 =	sne.s32 s15, $0x0;
	s10 =	sadd.s32 $0x800, s24;
	[dreg:$0xa] =	wrdreg s24  }
0x13: {  	s9 =	sshrl.u32 s9, $0x3;
	s25 =	sadd.s32 $0x1000, s24;
	[dreg:$0xb] =	wrdreg s10  }
0x14: {  	s22 =	simm.s32 $0x15080;
	s26 =	sadd.s32 $0x1800, s24;
	[dreg:$0xc] =	wrdreg s25  }
0x15: {  	s4 =	sadd.s32 s4, s9;
	s7 =	sadd.s32 $0x2000, s24;
	[dreg:$0xd] =	wrdreg s26  }
0x16: {  	s23 =	simm.s32 $0x5;
	s4 =	sadd.s32 $0x27000, s4;
	[dreg:$0xe] =	wrdreg s7  }
0x17: {  	s0 =	simm.s32 $0x2;
	s24 =	simm.s32 $0x13880;
	[dreg:$0xf] =	wrdreg s4  }
0x18: {  	v1 =	vimm.f32 $0.0e+00;
	v0 =	vmov s11;
	s25 =	simm.s32 $0x14080;
	s26 =	simm.s32 $0x14880;
	s4 =	simm.s32 $0x3  }
.LBB2_1:
0x19: {  	s9 =	simm.s32 $0x0;
	s10 =	simm.s32 $0x200  }
.LBB2_2:
0x1a: {  	p1 =	sne.s32 s10, $0xFE00;
	[tilespmem:s9+$0x150F0] =	vst v1  }
0x1b: {  	[tilespmem:s9+$0x15080] =	vst v1  }
0x1c: {  	[tilespmem:s9+$0x15090] =	vst v1  }
.Ltmp0:
0x1d: {  	[tilespmem:s9+$0x150A0] =	vst v1;
	(pc) =	sbr.rel @p1 .LBB2_2-.Ltmp0, $4  }
0x1e: {  	[tilespmem:s9+$0x150B0] =	vst v1  }
0x1f: {  	[tilespmem:s9+$0x150C0] =	vst v1  }
0x20: {  	[tilespmem:s9+$0x150D0] =	vst v1  }
0x21: {  	[tilespmem:s9+$0x150E0] =	vst v1;
	s9 =	sshra.s32 s10, $0x2;
	s10 =	sadd.s32 $0x200, s10  }
0x22: {  	[tilespmem:s9+$0x150F0] =	vst v1  }
0x23: {  	[tilespmem:s9+$0x15080] =	vst v1  }
0x24: {  	[tilespmem:s9+$0x15090] =	vst v1  }
0x25: {  	[tilespmem:s9+$0x150A0] =	vst v1  }
0x26: {  	[tilespmem:s9+$0x150B0] =	vst v1  }
0x27: {  	[tilespmem:s9+$0x150C0] =	vst v1  }
0x28: {  	[tilespmem:s9+$0x150D0] =	vst v1  }
0x29: {  	[tilespmem:s9+$0x150E0] =	vst v1  }
0x2a: {  	[spmem:s17] =	stream.linear.scatter [tilespmem:s22], [sflag:$0x5], $0x4000, $0x38;
	[tilespmem:$0x1D080] =	vst v63  }
0x2b: {  	_ =	swait.ge [sflag:s23], $0x4000  }
0x2c: {  	[sflag:s23] =	ssyncset.done $0x0  }
0x2d: {  	[sflag:s23] =	ssyncadd.s32 $0xFFFFC000  }
0x2e: {  	[spmem:s12] =	stream.linear.scatter [tilespmem:s22], [sflag:$0x5], $0x4000, $0x38;
	[tilespmem:$0x1D080] =	vst v63  }
0x2f: {  	_ =	swait.ge [sflag:s23], $0x4000  }
0x30: {  	[sflag:s23] =	ssyncset.done $0x0  }
0x31: {  	[sflag:s23] =	ssyncadd.s32 $0xFFFFC000  }
0x32: {  	[spmem:s18] =	stream.linear.scatter [tilespmem:s22], [sflag:$0x5], $0x4000, $0x38;
	[tilespmem:$0x1D080] =	vst v63  }
0x33: {  	_ =	swait.ge [sflag:s23], $0x4000  }
0x34: {  	[sflag:s23] =	ssyncset.done $0x0  }
0x35: {  	[sflag:s23] =	ssyncadd.s32 $0xFFFFC000  }
0x36: {  	[spmem:s19] =	stream.linear.scatter [tilespmem:s22], [sflag:$0x5], $0x4000, $0x38;
	[tilespmem:$0x1D080] =	vst v63  }
0x37: {  	_ =	swait.ge [sflag:s23], $0x4000  }
0x38: {  	[sflag:s23] =	ssyncset.done $0x0  }
0x39: {  	[sflag:s23] =	ssyncadd.s32 $0xFFFFC000  }
0x3a: {  	[spmem:s13] =	stream.linear.scatter [tilespmem:s22], [sflag:$0x5], $0x3800, $0x38;
	[tilespmem:$0x1D080] =	vst v63  }
0x3b: {  	_ =	swait.ge [sflag:s23], $0x3800  }
0x3c: {  	[sflag:s23] =	ssyncset.done $0x0  }
0x3d: {  	s9 =	simm.s32 @!p0 $0x15080;
	[sflag:s23] =	ssyncadd.s32 $0xFFFFC800  }
0x3e: {  	[spmem:s20] =	stream.linear.scatter @!p0 [tilespmem:s9], [sflag:$0x5], $0x800, $0x38;
	[tilespmem:$0x1D080] =	vst v63  }
0x3f: {  	s9 =	simm.s32 @!p0 $0x5  }
0x40: {  	_ =	swait.ge @!p0 [sflag:s9], $0x800  }
0x41: {  	[sflag:s9] =	ssyncset.done @!p0 $0x0  }
0x42: {  	s7 =	smov.u32 s17;
	[sflag:s9] =	ssyncadd.s32 @!p0 $0xFFFFF800  }
0x43: {  	s17 =	simm.s32 $0x0;
	s18 =	simm.s32 $0x0;
	[bflag:$0x0] =	sbarrier.arrive $0xFFFF  }
.LBB2_4:
0x44: {  	s9 =	sshll.u32 s18, $0xB  }
0x45: {  	s9 =	sadd.s32 s14, s9  }
0x46: {  	s9 =	sshrl.u32 s9, $0x3  }
0x47: {  	s10 =	sadd.s32 s5, s9  }
0x48: {  	[tilespmem:s24], [sflag:$0x5] =	stream.linear.gather [hbm4b:s10+s17], $0x800, $0x38;
	[tilespmem:$0x1D080] =	vst v63  }
0x49: {  	_ =	swait.ge [sflag:s23], $0x800  }
0x4a: {  	[sflag:s23] =	ssyncset.done $0x0  }
0x4b: {  	s21 =	sadd.s32 s6, s9;
	[sflag:s23] =	ssyncadd.s32 $0xFFFFF800  }
0x4c: {  	[tilespmem:s25], [sflag:$0x5] =	stream.linear.gather [hbm4b:s21+s17], $0x800, $0x38;
	[tilespmem:$0x1D080] =	vst v63  }
0x4d: {  	_ =	swait.ge [sflag:s23], $0x800  }
0x4e: {  	[sflag:s23] =	ssyncset.done $0x0  }
0x4f: {  	s9 =	sadd.s32 s8, s9;
	[sflag:s23] =	ssyncadd.s32 $0xFFFFF800  }
0x50: {  	[tilespmem:s26], [sflag:$0x5] =	stream.linear.gather [hbm4b:s9+s17], $0x800, $0x38;
	[tilespmem:$0x1D080] =	vst v63  }
0x51: {  	_ =	swait.ge [sflag:s23], $0x800  }
0x52: {  	[sflag:s23] =	ssyncset.done $0x0  }
0x53: {  	s9 =	simm.s32 $0x0;
	[sflag:s23] =	ssyncadd.s32 $0xFFFFF800  }
0x54: {  	v4 =	vld [tilespmem:s9+$0x13880]  }
0x55: {  	v6 =	vld [tilespmem:s9+$0x13890]  }
0x56: {  	v5 =	vld [tilespmem:s9+$0x138A0]  }
0x57: {  	v3 =	vld [tilespmem:s9+$0x138B0]  }
0x58: {  	v2 =	vld [tilespmem:s9+$0x138C0]  }
0x59: {  	v7 =	vadd.s32 v0, v4;
	v4 =	vld [tilespmem:s9+$0x138D0]  }
0x5a: {  	s10 =	simm.s32 $0x200;
	[tilespmem:s9+$0x13880] =	vst v7;
	v7 =	vadd.s32 v0, v6;
	v6 =	vld [tilespmem:s9+$0x138E0]  }
.LBB2_5:
0x5b: {  	s11 =	sshra.s32 s10, $0x2;
	p1 =	sne.s32 s10, $0x1E00;
	[tilespmem:s9+$0x13890] =	vst v7;
	v5 =	vadd.s32 v0, v5;
	v7 =	vld [tilespmem:s9+$0x138F0]  }
0x5c: {  	v8 =	vld [tilespmem:s11+$0x13880];
	[tilespmem:s9+$0x138A0] =	vst v5;
	v3 =	vadd.s32 v0, v3  }
0x5d: {  	v9 =	vld [tilespmem:s11+$0x13890];
	[tilespmem:s9+$0x138B0] =	vst v3;
	v2 =	vadd.s32 v0, v2  }
.Ltmp1:
0x5e: {  	v5 =	vld [tilespmem:s11+$0x138A0];
	[tilespmem:s9+$0x138C0] =	vst v2;
	v2 =	vadd.s32 v0, v4;
	(pc) =	sbr.rel @p1 .LBB2_5-.Ltmp1, $4  }
0x5f: {  	v3 =	vld [tilespmem:s11+$0x138B0];
	[tilespmem:s9+$0x138D0] =	vst v2;
	v4 =	vadd.s32 v0, v6  }
0x60: {  	v2 =	vld [tilespmem:s11+$0x138C0];
	[tilespmem:s9+$0x138E0] =	vst v4;
	v6 =	vadd.s32 v0, v7  }
0x61: {  	v7 =	vadd.s32 v0, v8;
	v4 =	vld [tilespmem:s11+$0x138D0];
	[tilespmem:s9+$0x138F0] =	vst v6;
	s9 =	smov.u32 s11  }
0x62: {  	s10 =	sadd.s32 $0x200, s10;
	[tilespmem:s9+$0x13880] =	vst v7;
	v7 =	vadd.s32 v0, v9;
	v6 =	vld [tilespmem:s9+$0x138E0]  }
0x63: {  	[tilespmem:s9+$0x13890] =	vst v7;
	v5 =	vadd.s32 v0, v5;
	v63 =	vld [tilespmem:s9+$0x138F0]  }
0x64: {  	[tilespmem:s9+$0x138A0] =	vst v5;
	v3 =	vadd.s32 v0, v3  }
0x65: {  	[tilespmem:s9+$0x138B0] =	vst v3;
	v2 =	vadd.s32 v0, v2  }
0x66: {  	[tilespmem:s9+$0x138C0] =	vst v2;
	v2 =	vadd.s32 v0, v4  }
0x67: {  	[tilespmem:s9+$0x138D0] =	vst v2;
	v2 =	vadd.s32 v0, v6  }
0x68: {  	[tilespmem:s9+$0x138E0] =	vst v2;
	v2 =	vadd.s32 v0, v63  }
0x69: {  	[tilespmem:s9+$0x138F0] =	vst v2  }
0x6a: {  	[tilespmem:s22], [sflag:$0x1] =	stream.indirect.gather [hbm4b:s1+s28], $0x80, s24, s28, $0xb8;
	[tilespmem:$0x1D080] =	vst v63  }
0x6b: {  	s19 =	simm.s32 $0x0  }
0x6c: {  	[tilespmem:s30], [sflag:$0x2] =	stream.indirect.gather [hbm4b:s1+s28], $0x80, s29, s28, $0xb8;
	[tilespmem:$0x1D080] =	vst v63  }
.LBB2_7:
0x6d: {  	s20 =	sshll.u32 s19, $0xA  }
0x6e: {  	_ =	swait.ge [sflag:s31], $0x4000;
	s21 =	sshrl.u32 s20, $0x2  }
0x6f: {  	[sflag:s31] =	ssyncset.done $0x0;
	s9 =	sadd.s32 $0x14880, s21  }
0x70: {  	s15 =	simm.s32 $0x150C0;
	[sflag:s31] =	ssyncadd.s32 $0xFFFFC000;
	v2 =	vmov s9;
	s9 =	simm.s32 $0x0  }
.LBB2_8:
0x71: {  	_ =	sdelay $0x2  }
0x72: {  	s10 =	sshll.u32 s9, $0x4  }
0x73: {  	v3 =	vld.idx.msk [tilespmem:v2+s10+$0x0 ss:$0x1], $0xffff;
	_ =	sdelay $0x1  }
0x74: {  	v8 =	vld [tilespmem:s15+$0xFFFFFFC0]  }
0x75: {  	v10 =	vld [tilespmem:s15+$0xFFFFFFD0];
	s13 =	simm.s32 $0x0  }
0x76: {  	v9 =	vld [tilespmem:s15+$0xFFFFFFE0];
	v4 =	vmov s13  }
0x77: {  	v6 =	vld [tilespmem:s15+$0x0];
	v4 =	vperm.xlane v3, v4  }
0x78: {  	v7 =	vld [tilespmem:s15+$0x10]  }
0x79: {  	v5 =	vld [tilespmem:s15+$0x20];
	v11 =	vmul.f32 v8, v4  }
0x7a: {  	s11 =	simm.s32 $0x1;
	s12 =	smov.u32 s15;
	s10 =	smov.u32 s15;
	v10 =	vmul.f32 v10, v4;
	v8 =	vld [tilespmem:s15+$0x30]  }
.LBB2_9:
0x7b: {  	p1 =	sne.s32 s11, $0xF;
	[tilespmem:s10+$0xFFFFFFC0] =	vst v11;
	v9 =	vmul.f32 v9, v4;
	v11 =	vld [tilespmem:s10+$0xFFFFFFF0];
	s12 =	sadd.s32 $0x80, s12  }
0x7c: {  	v12 =	vld [tilespmem:s12+$0xFFFFFFC0];
	[tilespmem:s10+$0xFFFFFFD0] =	vst v10;
	v6 =	vmul.f32 v6, v4  }
0x7d: {  	v10 =	vld [tilespmem:s12+$0xFFFFFFD0];
	[tilespmem:s10+$0xFFFFFFE0] =	vst v9;
	v7 =	vmul.f32 v7, v4  }
.Ltmp2:
0x7e: {  	v13 =	vmov s11;
	v9 =	vld [tilespmem:s12+$0xFFFFFFE0];
	[tilespmem:s10+$0x0] =	vst v6;
	v5 =	vmul.f32 v5, v4;
	(pc) =	sbr.rel @p1 .LBB2_9-.Ltmp2, $4  }
0x7f: {  	v13 =	vperm.xlane v3, v13;
	v6 =	vld [tilespmem:s12+$0x0];
	[tilespmem:s10+$0x10] =	vst v7;
	v8 =	vmul.f32 v8, v4  }
0x80: {  	v7 =	vld [tilespmem:s12+$0x10];
	v14 =	vmul.f32 v11, v4;
	[tilespmem:s10+$0x20] =	vst v5  }
0x81: {  	v4 =	vmov v13;
	v11 =	vmul.f32 v12, v13;
	v5 =	vld [tilespmem:s12+$0x20];
	[tilespmem:s10+$0x30] =	vst v8  }
0x82: {  	s11 =	sadd.s32 $0x1, s11;
	v10 =	vmul.f32 v10, v4;
	v8 =	vld [tilespmem:s12+$0x30];
	[tilespmem:s10+$0xFFFFFFF0] =	vst v14;
	s10 =	smov.u32 s12  }
0x83: {  	[tilespmem:s10+$0xFFFFFFC0] =	vst v11;
	v3 =	vmul.f32 v9, v4;
	v62 =	vld [tilespmem:s10+$0xFFFFFFF0]  }
0x84: {  	s9 =	sadd.s32 $0x1, s9;
	[tilespmem:s10+$0xFFFFFFD0] =	vst v10;
	v6 =	vmul.f32 v6, v4  }
0x85: {  	p1 =	sne.s32 s9, $0x8;
	[tilespmem:s10+$0xFFFFFFE0] =	vst v3;
	v3 =	vmul.f32 v7, v4  }
.Ltmp3:
0x86: {  	[tilespmem:s10+$0x0] =	vst v6;
	v5 =	vmul.f32 v5, v4;
	(pc) =	sbr.rel @p1 .LBB2_8-.Ltmp3, $4  }
0x87: {  	[tilespmem:s10+$0x10] =	vst v3;
	v3 =	vmul.f32 v8, v4  }
0x88: {  	v63 =	vmul.f32 v62, v4;
	[tilespmem:s10+$0x20] =	vst v5  }
0x89: {  	[tilespmem:s10+$0x30] =	vst v3  }
0x8a: {  	s15 =	sadd.s32 $0x800, s15;
	[tilespmem:s10+$0xFFFFFFF0] =	vst v63  }
0x8b: {  	s9 =	sadd.s32 $0x14080, s21;
	s21 =	sor.u32 $0x200, s20  }
0x8c: {  	[spmem:s2] =	stream.indirect.scatter.add.f32 [tilespmem:s22], [sflag:$0x3], $0x80, s9, s28, $0xb8;
	[tilespmem:$0x1D080] =	vst v63  }
0x8d: {  	s20 =	sshll.u32 s19, $0x1;
	s21 =	sshrl.u32 s21, $0x2;
	_ =	swait.ge [sflag:s0], $0x4000  }
0x8e: {  	s15 =	simm.s32 $0x0;
	s9 =	sadd.s32 $0x14880, s21;
	[sflag:s0] =	ssyncset.done $0x0  }
0x8f: {  	s13 =	simm.s32 $0x190C0;
	s10 =	simm.s32 $0x0;
	v2 =	vmov s9;
	[sflag:s0] =	ssyncadd.s32 $0xFFFFC000  }
.LBB2_12:
0x90: {  	_ =	sdelay $0x2  }
0x91: {  	s9 =	sshll.u32 s10, $0x4  }
0x92: {  	v4 =	vld.idx.msk [tilespmem:v2+s9+$0x0 ss:$0x1], $0xffff;
	_ =	sdelay $0x1  }
0x93: {  	v8 =	vld [tilespmem:s13+$0xFFFFFFC0]  }
0x94: {  	v10 =	vld [tilespmem:s13+$0xFFFFFFD0]  }
0x95: {  	v9 =	vld [tilespmem:s13+$0xFFFFFFE0];
	v3 =	vmov s15  }
0x96: {  	v6 =	vld [tilespmem:s13+$0x0];
	v3 =	vperm.xlane v4, v3  }
0x97: {  	v7 =	vld [tilespmem:s13+$0x10]  }
0x98: {  	v5 =	vld [tilespmem:s13+$0x20];
	v11 =	vmul.f32 v8, v3  }
0x99: {  	s12 =	simm.s32 $0x1;
	s11 =	smov.u32 s13;
	s9 =	smov.u32 s13;
	v10 =	vmul.f32 v10, v3;
	v8 =	vld [tilespmem:s13+$0x30]  }
.LBB2_13:
0x9a: {  	p1 =	sne.s32 s12, $0xF;
	[tilespmem:s9+$0xFFFFFFC0] =	vst v11;
	v9 =	vmul.f32 v9, v3;
	v11 =	vld [tilespmem:s9+$0xFFFFFFF0];
	s11 =	sadd.s32 $0x80, s11  }
0x9b: {  	v12 =	vld [tilespmem:s11+$0xFFFFFFC0];
	[tilespmem:s9+$0xFFFFFFD0] =	vst v10;
	v6 =	vmul.f32 v6, v3  }
0x9c: {  	v10 =	vld [tilespmem:s11+$0xFFFFFFD0];
	[tilespmem:s9+$0xFFFFFFE0] =	vst v9;
	v7 =	vmul.f32 v7, v3  }
.Ltmp4:
0x9d: {  	v13 =	vmov s12;
	v9 =	vld [tilespmem:s11+$0xFFFFFFE0];
	[tilespmem:s9+$0x0] =	vst v6;
	v5 =	vmul.f32 v5, v3;
	(pc) =	sbr.rel @p1 .LBB2_13-.Ltmp4, $4  }
0x9e: {  	v13 =	vperm.xlane v4, v13;
	v6 =	vld [tilespmem:s11+$0x0];
	[tilespmem:s9+$0x10] =	vst v7;
	v8 =	vmul.f32 v8, v3  }
0x9f: {  	v7 =	vld [tilespmem:s11+$0x10];
	v14 =	vmul.f32 v11, v3;
	[tilespmem:s9+$0x20] =	vst v5  }
0xa0: {  	v3 =	vmov v13;
	v11 =	vmul.f32 v12, v13;
	v5 =	vld [tilespmem:s11+$0x20];
	[tilespmem:s9+$0x30] =	vst v8  }
0xa1: {  	s12 =	sadd.s32 $0x1, s12;
	v10 =	vmul.f32 v10, v3;
	v8 =	vld [tilespmem:s11+$0x30];
	[tilespmem:s9+$0xFFFFFFF0] =	vst v14;
	s9 =	smov.u32 s11  }
0xa2: {  	[tilespmem:s9+$0xFFFFFFC0] =	vst v11;
	v4 =	vmul.f32 v9, v3;
	v61 =	vld [tilespmem:s9+$0xFFFFFFF0]  }
0xa3: {  	s10 =	sadd.s32 $0x1, s10;
	[tilespmem:s9+$0xFFFFFFD0] =	vst v10;
	v6 =	vmul.f32 v6, v3  }
0xa4: {  	p1 =	sne.s32 s10, $0x8;
	[tilespmem:s9+$0xFFFFFFE0] =	vst v4;
	v62 =	vmul.f32 v7, v3  }
.Ltmp5:
0xa5: {  	[tilespmem:s9+$0x0] =	vst v6;
	v5 =	vmul.f32 v5, v3;
	(pc) =	sbr.rel @p1 .LBB2_12-.Ltmp5, $4  }
0xa6: {  	[tilespmem:s9+$0x10] =	vst v62;
	v63 =	vmul.f32 v8, v3  }
0xa7: {  	v3 =	vmul.f32 v61, v3;
	[tilespmem:s9+$0x20] =	vst v5  }
0xa8: {  	[tilespmem:s9+$0x30] =	vst v63  }
0xa9: {  	s13 =	sadd.s32 $0x800, s13;
	[tilespmem:s9+$0xFFFFFFF0] =	vst v3  }
0xaa: {  	s9 =	sadd.s32 $0x14080, s21  }
0xab: {  	[spmem:s2] =	stream.indirect.scatter.add.f32 [tilespmem:s30], [sflag:$0x4], $0x80, s9, s28, $0xb8;
	[tilespmem:$0x1D080] =	vst v63  }
0xac: {  	s15 =	smin.u32 s20, $0xD;
	_ =	swait.ge [sflag:s4], $0x4000  }
0xad: {  	s19 =	sadd.s32 $0x1, s19;
	s9 =	sshll.u32 s15, $0x7;
	[sflag:s4] =	ssyncset.done $0x0  }
0xae: {  	p1 =	sne.s32 s19, $0x8;
	s9 =	sadd.s32 $0x13980, s9;
	[sflag:s4] =	ssyncadd.s32 $0xFFFFC000  }
0xaf: {  	[tilespmem:s22], [sflag:$0x1] =	stream.indirect.gather [hbm4b:s1+s28], $0x80, s9, s28, $0xb8;
	[tilespmem:$0x1D080] =	vst v63  }
.Ltmp6:
0xb0: {  	_ = 	snop;
	(pc) =	sbr.rel @p1 .LBB2_7-.Ltmp6, $4  }
0xb1: {  	s21 =	smin.u32 s20, $0xC;
	_ =	swait.ge [sflag:s16], $0x4000  }
0xb2: {  	s9 =	sshll.u32 s21, $0x7;
	[sflag:s16] =	ssyncset.done $0x0  }
0xb3: {  	s9 =	sadd.s32 $0x13A00, s9;
	[sflag:s16] =	ssyncadd.s32 $0xFFFFC000  }
0xb4: {  	[tilespmem:s30], [sflag:$0x2] =	stream.indirect.gather [hbm4b:s1+s28], $0x80, s9, s28, $0xb8;
	[tilespmem:$0x1D080] =	vst v63  }
0xb5: {  	s18 =	sadd.s32 $0x1, s18  }
0xb6: {  	_ =	swait.ge [sflag:s31], $0x4000;
	p1 =	sne.s32 s18, $0x5  }
.Ltmp7:
0xb7: {  	[sflag:s31] =	ssyncset.done $0x0;
	(pc) =	sbr.rel @p1 .LBB2_4-.Ltmp7, $4  }
0xb8: {  	[sflag:s31] =	ssyncadd.s32 $0xFFFFC000  }
0xb9: {  	_ =	swait.ge [sflag:s0], $0x4000  }
0xba: {  	[sflag:s0] =	ssyncset.done $0x0  }
0xbb: {  	[sflag:s0] =	ssyncadd.s32 $0xFFFFC000  }
0xbc: {  	s9 =	stileid.u32  }
0xbd: {  	[bflag:$0x0] =	sbarrier.arrive $0xFFFF;
	s9 =	sshll.u32 s9, $0x6  }
0xbe: {  	s10 =	sshrl.u32 s7, $0x3;
	s15 =	rddreg [dreg:$0xa];
	s9 =	sor.u32 $0x1C05, s9  }
0xbf: {  	[hbm:s15], [sflag:s9] =	dma.local [spmem:s10], $0x800  }
0xc0: {  	_ =	swait.ge [sflag:s23], $0x800  }
0xc1: {  	[sflag:s23] =	ssyncset.done $0x0;
	s12 =	rddreg [dreg:$0x5]  }
0xc2: {  	s19 =	rddreg [dreg:$0xb];
	[sflag:s23] =	ssyncadd.s32 $0xFFFFF800;
	s18 =	sshrl.u32 s12, $0x3  }
0xc3: {  	[hbm:s19], [sflag:s9] =	dma.local [spmem:s18], $0x800  }
0xc4: {  	_ =	swait.ge [sflag:s23], $0x800  }
0xc5: {  	[sflag:s23] =	ssyncset.done $0x0;
	s18 =	rddreg [dreg:$0x6]  }
0xc6: {  	s21 =	rddreg [dreg:$0xc];
	[sflag:s23] =	ssyncadd.s32 $0xFFFFF800;
	s20 =	sshrl.u32 s18, $0x3  }
0xc7: {  	[hbm:s21], [sflag:s9] =	dma.local [spmem:s20], $0x800  }
0xc8: {  	_ =	swait.ge [sflag:s23], $0x800  }
0xc9: {  	[sflag:s23] =	ssyncset.done $0x0;
	s19 =	rddreg [dreg:$0x7]  }
0xca: {  	s13 =	rddreg [dreg:$0xd];
	[sflag:s23] =	ssyncadd.s32 $0xFFFFF800;
	s11 =	sshrl.u32 s19, $0x3  }
0xcb: {  	[hbm:s13], [sflag:s9] =	dma.local [spmem:s11], $0x800  }
0xcc: {  	_ =	swait.ge [sflag:s23], $0x800  }
0xcd: {  	[sflag:s23] =	ssyncset.done $0x0;
	s13 =	rddreg [dreg:$0x8]  }
0xce: {  	s20 =	rddreg [dreg:$0xe];
	[sflag:s23] =	ssyncadd.s32 $0xFFFFF800;
	s15 =	sshrl.u32 s13, $0x3  }
0xcf: {  	[hbm:s20], [sflag:s9] =	dma.local [spmem:s15], $0x700  }
0xd0: {  	_ =	swait.ge [sflag:s23], $0x700  }
0xd1: {  	s17 =	smov.u32 s7;
	[sflag:s23] =	ssyncset.done $0x0;
	s20 =	rddreg [dreg:$0x9]  }
0xd2: {  	s7 =	rddreg [dreg:$0xf];
	[sflag:s23] =	ssyncadd.s32 $0xFFFFF900;
	s10 =	sshrl.u32 @!p0 s20, $0x3  }
0xd3: {  	[hbm:s7], [sflag:s9] =	dma.local @!p0 [spmem:s10], $0x100  }
0xd4: {  	s9 =	simm.s32 @!p0 $0x5  }
0xd5: {  	_ =	swait.ge @!p0 [sflag:s9], $0x100  }
0xd6: {  	s3 =	sadd.s32 $0x1, s3;
	s21 =	rddreg [dreg:$0x10]  }
0xd7: {  	p1 =	sne.s32 s3, s21  }
.Ltmp8:
0xd8: {  	_ = 	snop;
	(pc) =	sbr.rel @p1 .LBB2_1-.Ltmp8, $3  }
0xd9: {  	_ =	sdelay $0x1  }
0xda: {  	[sflag:s9] =	ssyncset.done @!p0 $0x0  }
0xdb: {  	[sflag:s9] =	ssyncadd.s32 @!p0 $0xFFFFFF00  }
0xdc: {  	_ =	sfence.sel $0x180000  }
0xdd: {  	[bflag:$0x0] =	sbarrier.arrive $0xFFFF  }
0xde: {  	_ =	strace $0x9000004A  }
0xdf: {  	[bflag:$0x2] =	sbarrier.arrive $0xFFFF  }
0xe0: {  	s0 =	rddreg [dreg:$0x4]  }
0xe1: {  	s0 =	sadd.s32 @!p0 $0x100000, s0  }
0xe2: {  	[sflag:s0] =	ssyncadd.tile.s32 @!p0 $0x1;
	_ =	shalt  }
.Lfunc_end2:
_tile_overlayer_lowered:
.L_overlay_start_2:
0xe3: {  	(tag) =	ssettag $0x2  }
0xe4: {  	s0 =	rddreg [dreg:$0x0];
	s2 =	stileid.u32  }
0xe5: {  	s1 =	rddreg [dreg:$0x1];
	p0 =	sne.s32 s2, $0x0  }
0xe6: {  	s3 =	rddreg [dreg:$0x2];
	[bflag:$0x3] =	sbarrier.arrive $0xFFFF;
	s2 =	simm.s32 @!p0 $0x1C05  }
0xe7: {  	[timem:s3], [sflag:s2] =	dma.local @!p0 [hbm:s0], s1  }
0xe8: {  	s0 =	simm.s32 @!p0 $0x5  }
0xe9: {  	_ =	swait.ge @!p0 [sflag:s0], s1  }
0xea: {  	s1 =	ssub.s32 @!p0 $0x0, s1;
	[sflag:s0] =	ssyncset.done @!p0 $0x0  }
0xeb: {  	[sflag:s0] =	ssyncadd.s32 @!p0 s1  }
0xec: {  	[bflag:$0x3] =	sbarrier.arrive $0xFFFF  }
0xed: {  	_ =	shalt  }

// kernel: kernel.15.cloned.1.call-start
scs
__scs_entry_jumppad:
0x0: {  	(pc) =	sbr.rel $0x88, $3  }
0x1: {  	(tag) =	ssettag $0x0;
	lr =	simm.s32 $0x1  }
0x2: {  	[smem:$0x3F94] =	sst lr;
	_ =	strace $0xD0000000  }
0x3: {  	_ = 	snop  }
0x4: {  	_ = 	snop  }
0x5: {  	_ = 	snop  }
0x6: {  	_ = 	snop  }
0x7: {  	_ = 	snop  }
__scs_overlays_trampoline_lowered:
0x8: {  	[smem:$0x3FA3] =	sst s0  }
0x9: {  	[smem:$0x3FA4] =	sst s1  }
0xa: {  	[smem:$0x3FA5] =	sst s2  }
0xb: {  	[smem:$0x3FA6] =	sst s3  }
0xc: {  	[smem:$0x3FA7] =	sst s4  }
0xd: {  	[smem:$0x3FA8] =	sst s5  }
0xe: {  	[smem:$0x3FA9] =	sst s6  }
0xf: {  	[smem:$0x3FAA] =	sst s7  }
0x10: {  	[smem:$0x3FAB] =	sst s8  }
0x11: {  	[smem:$0x3FAC] =	sst s9;
	s0 =	simm.s32 @!p0 $0x0  }
0x12: {  	s1 =	sld [smem:$0x3F92];
	s0 =	simm.s32 @p0 $0x1  }
0x13: {  	[smem:$0x3FAD] =	sst s0;
	s0 =	simm.s32 @!p1 $0x0  }
0x14: {  	s2 =	sld [smem:$0x3F91];
	s0 =	simm.s32 @p1 $0x1  }
0x15: {  	[smem:$0x3FAE] =	sst s0;
	s0 =	simm.s32 @!p2 $0x0  }
0x16: {  	s3 =	sld [smem:$0x3FDB];
	s0 =	simm.s32 @p2 $0x1  }
0x17: {  	s4 =	simm.s32 $0x1BF5;
	[smem:$0x3FB0] =	sst s0  }
0x18: {  	s0 =	sld [smem:$0x3F93];
	_ =	swait.ge [sflag:s4], $0x0  }
0x19: {  	s7 =	sld [smem:$0x3F94]  }
0x1a: {  	s8 =	sadd.s32 $0xFFFFE003, lr  }
0x1b: {  	s9 =	sadd.s32 $0xFFFFFEF7, lr;
	s5 =	simm.s32 $0xFFFFFFFF;
	p2 =	slt.u32 s8, $0xFFFFF086  }
0x1c: {  	p1 =	slt.u32 s9, $0xF7A;
	s5 =	simm.s32 @!p2 $0x0  }
0x1d: {  	s5 =	simm.s32 @p1 $0x1;
	p0 =	seq.s32 s7, s2  }
0x1e: {  	s7 =	smul.u32 @!p0 $0xF7A, s2;
	p2 =	seq.s32 @!p0 s5, $0x0  }
0x1f: {  	s9 =	smul.u32 $0xF7A, s1;
	s8 =	simm.s32 @!p0 $0x1BF5;
	p2 =	por !p2, p0  }
0x20: {  	[sflag:s8] =	ssyncset.s32 @!p0 $0xFFFFF086;
	s6 =	sadd.s32 @!p0 s3, s7;
	s7 =	simm.s32 @!p0 $0x108  }
0x21: {  	s3 =	sadd.s32 s3, s9;
	s6 =	sadd.s32 @!p0 $0x88, s6;
	s7 =	simm.s32 @p2 $0x1082  }
0x22: {  	[simem:s7], [sflag:s8] =	dma.local @!p0 [hbm:s6], $0xF7A  }
0x23: {  	s9 =	sor.u32 $0xD0000000, s2;
	s6 =	simm.s32 $0x108;
	_ =	swait.ge @!p0 [sflag:s8], $0x0  }
0x24: {  	s3 =	sadd.s32 $0x88, s3;
	s6 =	simm.s32 @!p1 $0x1082;
	[sflag:s4] =	ssyncset.s32 $0xFFFFF086  }
0x25: {  	[simem:s6], [sflag:s4] =	dma.local [hbm:s3], $0xF7A  }
0x26: {  	[smem:$0x3F94] =	sst s1;
	(tag) =	ssettag s2;
	_ =	strace s9  }
0x27: {  	s1 =	sld [smem:$0x3FA4]  }
0x28: {  	s2 =	sld [smem:$0x3FA5]  }
0x29: {  	s4 =	sld [smem:$0x3FA7]  }
0x2a: {  	p0 =	seq.s32 s5, $0x0;
	s5 =	sld [smem:$0x3FA8]  }
0x2b: {  	s6 =	sld [smem:$0x3FA9]  }
0x2c: {  	s7 =	sld [smem:$0x3FAA]  }
0x2d: {  	s3 =	simm.s32 $0x108;
	s8 =	sld [smem:$0x3FAB]  }
0x2e: {  	s3 =	simm.s32 @!p0 $0x1082;
	s9 =	sld [smem:$0x3FAC]  }
0x2f: {  	lr =	sadd.s32 s0, s3;
	s0 =	sld [smem:$0x3FA3]  }
0x30: {  	s3 =	sld [smem:$0x3FA6]  }
0x31: {  	[smem:$0x3FAF] =	sst s10  }
0x32: {  	s10 =	sld [smem:$0x3FAD];
	_ =	sdelay $0x3  }
0x33: {  	p0 =	seq.s32 s10, $0x1;
	s10 =	sld [smem:$0x3FAF];
	_ =	sdelay $0x3  }
0x34: {  	[smem:$0x3FAF] =	sst s10  }
0x35: {  	s10 =	sld [smem:$0x3FAE];
	_ =	sdelay $0x3  }
0x36: {  	p1 =	seq.s32 s10, $0x1;
	s10 =	sld [smem:$0x3FAF];
	_ =	sdelay $0x3  }
0x37: {  	[smem:$0x3FAF] =	sst s10  }
0x38: {  	s10 =	sld [smem:$0x3FB0]  }
0x39: {  	_ = 	snop;
	(pc) =	sbr.ind lr, $3  }
0x3a: {  	_ = 	snop  }
0x3b: {  	_ = 	snop  }
0x3c: {  	p2 =	seq.s32 s10, $0x1;
	s10 =	sld [smem:$0x3FAF]  }
0x3d: {  	_ =	shalt  }
0x3e: {  	_ =	shalt  }
0x3f: {  	_ =	shalt  }
0x40: {  	_ =	shalt  }
0x41: {  	_ =	shalt  }
0x42: {  	_ =	shalt  }
0x43: {  	_ =	shalt  }
0x44: {  	_ =	shalt  }
0x45: {  	_ =	shalt  }
0x46: {  	_ =	shalt  }
0x47: {  	_ =	shalt  }
0x48: {  	_ =	shalt  }
0x49: {  	_ =	shalt  }
0x4a: {  	_ =	shalt  }
0x4b: {  	_ =	shalt  }
0x4c: {  	_ =	shalt  }
0x4d: {  	_ =	shalt  }
0x4e: {  	_ =	shalt  }
0x4f: {  	_ =	shalt  }
0x50: {  	_ =	shalt  }
0x51: {  	_ =	shalt  }
0x52: {  	_ =	shalt  }
0x53: {  	_ =	shalt  }
0x54: {  	_ =	shalt  }
0x55: {  	_ =	shalt  }
0x56: {  	_ =	shalt  }
0x57: {  	_ =	shalt  }
0x58: {  	_ =	shalt  }
0x59: {  	_ =	shalt  }
0x5a: {  	_ =	shalt  }
0x5b: {  	_ =	shalt  }
0x5c: {  	_ =	shalt  }
0x5d: {  	_ =	shalt  }
0x5e: {  	_ =	shalt  }
0x5f: {  	_ =	shalt  }
0x60: {  	_ =	shalt  }
0x61: {  	_ =	shalt  }
0x62: {  	_ =	shalt  }
0x63: {  	_ =	shalt  }
0x64: {  	_ =	shalt  }
0x65: {  	_ =	shalt  }
0x66: {  	_ =	shalt  }
0x67: {  	_ =	shalt  }
0x68: {  	_ =	shalt  }
0x69: {  	_ =	shalt  }
0x6a: {  	_ =	shalt  }
0x6b: {  	_ =	shalt  }
0x6c: {  	_ =	shalt  }
0x6d: {  	_ =	shalt  }
0x6e: {  	_ =	shalt  }
0x6f: {  	_ =	shalt  }
0x70: {  	_ =	shalt  }
0x71: {  	_ =	shalt  }
0x72: {  	_ =	shalt  }
0x73: {  	_ =	shalt  }
0x74: {  	_ =	shalt  }
0x75: {  	_ =	shalt  }
0x76: {  	_ =	shalt  }
0x77: {  	_ =	shalt  }
0x78: {  	_ =	shalt  }
0x79: {  	_ =	shalt  }
0x7a: {  	_ =	shalt  }
0x7b: {  	_ =	shalt  }
0x7c: {  	_ =	shalt  }
0x7d: {  	_ =	shalt  }
0x7e: {  	_ =	shalt  }
0x7f: {  	_ =	shalt  }
0x80: {  	_ =	shalt  }
0x81: {  	_ =	shalt  }
0x82: {  	_ =	shalt  }
0x83: {  	_ =	shalt  }
0x84: {  	_ =	shalt  }
0x85: {  	_ =	shalt  }
0x86: {  	_ =	shalt  }
0x87: {  	_ =	shalt  }
.Lfunc_end0:
.L_simem_size_0:
called_computation.2_lowered:
.L_overlay_start_0:
0x88: {  	s2 =	sld [smem:$0x3FD9]  }
0x89: {  	s3 =	sld [smem:$0x3FFE];
	_ =	sdelay $0x1  }
0x8a: {  	s1 =	srdreg.scid  }
0x8b: {  	s0 =	sand.u32 $0x1, s1  }
0x8c: {  	s14 =	sshll.u32 s0, $0xA;
	s2 =	sadd.s32 s3, s2  }
0x8d: {  	s2 =	sadd.s32 s2, s14  }
0x8e: {  	[smem:$0x3FBB] =	sst s2  }
0x8f: {  	_ = 	snop  }
0x90: {  	s2 =	sld [smem:$0x3FD0];
	_ =	sdelay $0x2  }
0x91: {  	s15 =	simm.s32 $0xA;
	s4 =	simm.s32 $0x10  }
0x92: {  	[smem:s4], [sflag:s15] =	dma.local [hbm:s2], $0x1  }
0x93: {  	_ =	swait.eq [sflag:s15], $0x1  }
0x94: {  	[sflag:s15] =	ssyncset.done $0x0  }
0x95: {  	s16 =	sld [smem:$0x10];
	[sflag:s15] =	ssyncadd.s32 $0xFFFFFFFF  }
0x96: {  	s17 =	sld [smem:$0x11];
	(tm) =	ssettm $0x1  }
0x97: {  	s18 =	sld [smem:$0x3FFB];
	_ =	sdelay $0x3  }
0x98: {  	_ =	strace s18  }
0x99: {  	s4 =	sld [smem:$0x3FFC];
	_ =	sdelay $0x3  }
0x9a: {  	_ =	strace s4  }
0x9b: {  	s4 =	sld [smem:$0x3FFD];
	_ =	sdelay $0x3  }
0x9c: {  	_ =	strace s4  }
0x9d: {  	_ =	strace $0x8FFFFFFF  }
0x9e: {  	s19 =	sld [smem:$0x3FDB];
	_ =	sdelay $0x1  }
0x9f: {  	s5 =	simm.s32 $_scs_section_size  }
0xa0: {  	s6 =	simm.s32 $_size__tile_overlayer_lowered;
	s7 =	simm.s32 $_tile_overlayer_lowered  }
0xa1: {  	s22 =	simm.s32 $0x1BFF;
	s21 =	sshll.u32 s7, $0x1;
	s4 =	sadd.s32 s5, s19  }
0xa2: {  	s8 =	simm.s32 $0x0;
	s20 =	sshll.u32 s6, $0x1;
	s6 =	sadd.s32 s21, s4  }
0xa3: {  	[timem:s8], [sflag:s22] =	dma.local [hbm:s6], s20  }
0xa4: {  	_ =	swait.ge [sflag:s22], s20  }
0xa5: {  	s5 =	ssub.s32 $0x0, s20;
	[sflag:s22] =	ssyncset.done $0x0  }
0xa6: {  	[sflag:s22] =	ssyncadd.s32 s5;
	_ =	sdelay $0x1  }
0xa7: {  	s23 =	simm.s32 $0x1B8B  }
0xa8: {  	_ =	swait.ge [sflag:s23], $0x1  }
0xa9: {  	[sflag:s23] =	ssyncset.done $0x0  }
0xaa: {  	s25 =	simm.s32 $0x1B8E;
	s24 =	sld [smem:$0x3FFE];
	[sflag:s23] =	ssyncadd.s32 $0xFFFFFFFF  }
0xab: {  	s26 =	simm.s32 $execute0_lowered;
	[smem:$0x3FD2] =	sst s25  }
0xac: {  	s6 =	sshll.u32 s26, $0x1;
	_ =	strace $0x8000004C;
	[dreg:$0x1] =	wrdreg $0xFFFFFFFF  }
0xad: {  	s28 =	simm.s32 $_size_execute0_lowered;
	s4 =	sadd.s32 s4, s6;
	[dreg:$0x0] =	wrdreg $0x0  }
0xae: {  	s6 =	sshll.u32 s28, $0x1;
	[dreg:$0x2] =	wrdreg s4  }
0xaf: {  	[dreg:$0x3] =	wrdreg s6  }
0xb0: {  	[dreg:$0x4] =	wrdreg $0xC0  }
0xb1: {  	_ =	task [dreg:s8], $0x5FFFF  }
0xb2: {  	[dreg:$0x1] =	wrdreg $0xFFFFFFFF  }
0xb3: {  	[dreg:$0x0] =	wrdreg $0x60  }
0xb4: {  	[dreg:$0x2] =	wrdreg s17  }
0xb5: {  	[dreg:$0x3] =	wrdreg s24  }
0xb6: {  	[dreg:$0x4] =	wrdreg s16  }
0xb7: {  	[dreg:$0x5] =	wrdreg $0x0  }
0xb8: {  	[dreg:$0x6] =	wrdreg $0x9  }
0xb9: {  	_ =	task.clear_ibuf [dreg:s8], $0x7FFFF;
	_ =	strace $0x9000004C  }
0xba: {  	s29 =	simm.s32 $0x9;
	_ =	strace $0x8000004E  }
0xbb: {  	_ =	swait.ge [sflag:s29], $0x1  }
0xbc: {  	[sflag:s29] =	ssyncadd.s32 $0xFFFFFFFF  }
0xbd: {  	_ =	strace $0x9000004E  }
0xbe: {  	_ =	sfence  }
0xbf: {  	s30 =	sld [smem:$0x0];
	_ =	sdelay $0x2  }
0xc0: {  	s31 =	sshll.u32 s1, $0xD;
	s1 =	sshrl.u32 s1, $0x2  }
0xc1: {  	s3 =	sand.u32 $0x4000, s31;
	s1 =	sadd.s32 s1, s30  }
0xc2: {  	s0 =	sor.u32 s3, s0;
	s1 =	sshll.u32 s1, $0x11  }
0xc3: {  	s0 =	sor.u32 s1, s0  }
0xc4: {  	s0 =	sadd.s32 $0x8F2B, s0  }
0xc5: {  	[sflag:s0] =	ssyncadd.remote.s32 $0x1  }
0xc6: {  	_ =	sfence.sel $0xFFFF  }
0xc7: {  	[dreg:$0x0] =	wrdreg $0xFFFFFFFF;
	(pc) =	sbr.abs _section_cstart, $3  }
0xc8: {  	[dreg:$0x1] =	wrdreg $0xFFFFFFFF  }
0xc9: {  	_ =	task.clear_ibuf [dreg:s8], $0x2FFFF;
	_ =	strace $0x9FFFFFFF  }
0xca: {  	(tm) =	ssettm $0x7FFFFFFF  }
0xcb: {  	_ =	shalt  }
tec
execute0_lowered:
.L_overlay_start_1:
0x0: {  	(tag) =	ssettag $0x1  }
0x1: {  	s1 =	rddreg [dreg:$0x0]  }
0x2: {  	s0 =	rddreg [dreg:$0x1]  }
0x3: {  	s4 =	rddreg [dreg:$0x2]  }
0x4: {  	s2 =	rddreg [dreg:$0x3]  }
0x5: {  	s3 =	simm.s32 $0x0;
	s15 =	stileid.u32;
	s7 =	srdreg.scid  }
0x6: {  	s28 =	simm.s32 $0x80;
	s29 =	simm.s32 $0x13900;
	s30 =	simm.s32 $0x19080  }
0x7: {  	s31 =	simm.s32 $0x1;
	s16 =	simm.s32 $0x4;
	[smem:$0x7FF] =	sst s3  }
0x8: {  	s8 =	smul.u32 $0x4E000, s15;
	s5 =	sadd.s32 $0x7600, s0;
	s9 =	sand.u32 $0x1, s7  }
0x9: {  	s6 =	sadd.s32 $0x2600, s0;
	s13 =	smul.u32 $0x270, s15;
	s10 =	ssub.s32 $0x2, s9  }
0xa: {  	s20 =	sadd.s32 $0x138000, s2;
	_ =	strace $0x8000004D;
	s12 =	sshrl.u32 s10, $0x1  }
0xb: {  	[dreg:$0x9] =	wrdreg s20;
	s21 =	sshrl.u32 s8, $0x2;
	s22 =	ssub.s32 s10, s12  }
0xc: {  	s8 =	sadd.s32 $0xC600, s0;
	s17 =	sadd.s32 s21, s2;
	s0 =	smax.u32 s22, $0x1  }
0xd: {  	s11 =	smul.u32 $0x2710, s9;
	s12 =	sadd.s32 $0x4000, s17;
	[dreg:$0x10] =	wrdreg s0  }
0xe: {  	s14 =	smul.u32 $0x2800, s15;
	s18 =	sadd.s32 $0x8000, s17;
	[dreg:$0x5] =	wrdreg s12  }
0xf: {  	s23 =	sadd.s32 s13, s11;
	s19 =	sadd.s32 $0xC000, s17;
	[dreg:$0x6] =	wrdreg s18  }
0x10: {  	s13 =	sadd.s32 $0x10000, s17;
	s10 =	sshll.u32 s23, $0x4;
	[dreg:$0x7] =	wrdreg s19  }
0x11: {  	s9 =	smul.u32 $0x138800, s9;
	s24 =	sadd.s32 s4, s10;
	[dreg:$0x8] =	wrdreg s13  }
0x12: {  	p0 =	sne.s32 s15, $0x0;
	s10 =	sadd.s32 $0x800, s24;
	[dreg:$0xa] =	wrdreg s24  }
0x13: {  	s9 =	sshrl.u32 s9, $0x3;
	s25 =	sadd.s32 $0x1000, s24;
	[dreg:$0xb] =	wrdreg s10  }
0x14: {  	s22 =	simm.s32 $0x15080;
	s26 =	sadd.s32 $0x1800, s24;
	[dreg:$0xc] =	wrdreg s25  }
0x15: {  	s4 =	sadd.s32 s4, s9;
	s7 =	sadd.s32 $0x2000, s24;
	[dreg:$0xd] =	wrdreg s26  }
0x16: {  	s23 =	simm.s32 $0x5;
	s4 =	sadd.s32 $0x27000, s4;
	[dreg:$0xe] =	wrdreg s7  }
0x17: {  	s0 =	simm.s32 $0x2;
	s24 =	simm.s32 $0x13880;
	[dreg:$0xf] =	wrdreg s4  }
0x18: {  	v1 =	vimm.f32 $0.0e+00;
	v0 =	vmov s11;
	s25 =	simm.s32 $0x14080;
	s26 =	simm.s32 $0x14880;
	s4 =	simm.s32 $0x3  }
.LBB2_1:
0x19: {  	s9 =	simm.s32 $0x0;
	s10 =	simm.s32 $0x200  }
.LBB2_2:
0x1a: {  	p1 =	sne.s32 s10, $0xFE00;
	[tilespmem:s9+$0x150F0] =	vst v1  }
0x1b: {  	[tilespmem:s9+$0x15080] =	vst v1  }
0x1c: {  	[tilespmem:s9+$0x15090] =	vst v1  }
.Ltmp0:
0x1d: {  	[tilespmem:s9+$0x150A0] =	vst v1;
	(pc) =	sbr.rel @p1 .LBB2_2-.Ltmp0, $4  }
0x1e: {  	[tilespmem:s9+$0x150B0] =	vst v1  }
0x1f: {  	[tilespmem:s9+$0x150C0] =	vst v1  }
0x20: {  	[tilespmem:s9+$0x150D0] =	vst v1  }
0x21: {  	[tilespmem:s9+$0x150E0] =	vst v1;
	s9 =	sshra.s32 s10, $0x2;
	s10 =	sadd.s32 $0x200, s10  }
0x22: {  	[tilespmem:s9+$0x150F0] =	vst v1  }
0x23: {  	[tilespmem:s9+$0x15080] =	vst v1  }
0x24: {  	[tilespmem:s9+$0x15090] =	vst v1  }
0x25: {  	[tilespmem:s9+$0x150A0] =	vst v1  }
0x26: {  	[tilespmem:s9+$0x150B0] =	vst v1  }
0x27: {  	[tilespmem:s9+$0x150C0] =	vst v1  }
0x28: {  	[tilespmem:s9+$0x150D0] =	vst v1  }
0x29: {  	[tilespmem:s9+$0x150E0] =	vst v1  }
0x2a: {  	[spmem:s17] =	stream.linear.scatter [tilespmem:s22], [sflag:$0x5], $0x4000, $0x38;
	[tilespmem:$0x1D080] =	vst v63  }
0x2b: {  	_ =	swait.ge [sflag:s23], $0x4000  }
0x2c: {  	[sflag:s23] =	ssyncset.done $0x0  }
0x2d: {  	[sflag:s23] =	ssyncadd.s32 $0xFFFFC000  }
0x2e: {  	[spmem:s12] =	stream.linear.scatter [tilespmem:s22], [sflag:$0x5], $0x4000, $0x38;
	[tilespmem:$0x1D080] =	vst v63  }
0x2f: {  	_ =	swait.ge [sflag:s23], $0x4000  }
0x30: {  	[sflag:s23] =	ssyncset.done $0x0  }
0x31: {  	[sflag:s23] =	ssyncadd.s32 $0xFFFFC000  }
0x32: {  	[spmem:s18] =	stream.linear.scatter [tilespmem:s22], [sflag:$0x5], $0x4000, $0x38;
	[tilespmem:$0x1D080] =	vst v63  }
0x33: {  	_ =	swait.ge [sflag:s23], $0x4000  }
0x34: {  	[sflag:s23] =	ssyncset.done $0x0  }
0x35: {  	[sflag:s23] =	ssyncadd.s32 $0xFFFFC000  }
0x36: {  	[spmem:s19] =	stream.linear.scatter [tilespmem:s22], [sflag:$0x5], $0x4000, $0x38;
	[tilespmem:$0x1D080] =	vst v63  }
0x37: {  	_ =	swait.ge [sflag:s23], $0x4000  }
0x38: {  	[sflag:s23] =	ssyncset.done $0x0  }
0x39: {  	[sflag:s23] =	ssyncadd.s32 $0xFFFFC000  }
0x3a: {  	[spmem:s13] =	stream.linear.scatter [tilespmem:s22], [sflag:$0x5], $0x3800, $0x38;
	[tilespmem:$0x1D080] =	vst v63  }
0x3b: {  	_ =	swait.ge [sflag:s23], $0x3800  }
0x3c: {  	[sflag:s23] =	ssyncset.done $0x0  }
0x3d: {  	s9 =	simm.s32 @!p0 $0x15080;
	[sflag:s23] =	ssyncadd.s32 $0xFFFFC800  }
0x3e: {  	[spmem:s20] =	stream.linear.scatter @!p0 [tilespmem:s9], [sflag:$0x5], $0x800, $0x38;
	[tilespmem:$0x1D080] =	vst v63  }
0x3f: {  	s9 =	simm.s32 @!p0 $0x5  }
0x40: {  	_ =	swait.ge @!p0 [sflag:s9], $0x800  }
0x41: {  	[sflag:s9] =	ssyncset.done @!p0 $0x0  }
0x42: {  	s7 =	smov.u32 s17;
	[sflag:s9] =	ssyncadd.s32 @!p0 $0xFFFFF800  }
0x43: {  	s17 =	simm.s32 $0x0;
	s18 =	simm.s32 $0x0;
	[bflag:$0x0] =	sbarrier.arrive $0xFFFF  }
.LBB2_4:
0x44: {  	s9 =	sshll.u32 s18, $0xB  }
0x45: {  	s9 =	sadd.s32 s14, s9  }
0x46: {  	s9 =	sshrl.u32 s9, $0x3  }
0x47: {  	s10 =	sadd.s32 s5, s9  }
0x48: {  	[tilespmem:s24], [sflag:$0x5] =	stream.linear.gather [hbm4b:s10+s17], $0x800, $0x38;
	[tilespmem:$0x1D080] =	vst v63  }
0x49: {  	_ =	swait.ge [sflag:s23], $0x800  }
0x4a: {  	[sflag:s23] =	ssyncset.done $0x0  }
0x4b: {  	s21 =	sadd.s32 s6, s9;
	[sflag:s23] =	ssyncadd.s32 $0xFFFFF800  }
0x4c: {  	[tilespmem:s25], [sflag:$0x5] =	stream.linear.gather [hbm4b:s21+s17], $0x800, $0x38;
	[tilespmem:$0x1D080] =	vst v63  }
0x4d: {  	_ =	swait.ge [sflag:s23], $0x800  }
0x4e: {  	[sflag:s23] =	ssyncset.done $0x0  }
0x4f: {  	s9 =	sadd.s32 s8, s9;
	[sflag:s23] =	ssyncadd.s32 $0xFFFFF800  }
0x50: {  	[tilespmem:s26], [sflag:$0x5] =	stream.linear.gather [hbm4b:s9+s17], $0x800, $0x38;
	[tilespmem:$0x1D080] =	vst v63  }
0x51: {  	_ =	swait.ge [sflag:s23], $0x800  }
0x52: {  	[sflag:s23] =	ssyncset.done $0x0  }
0x53: {  	s9 =	simm.s32 $0x0;
	[sflag:s23] =	ssyncadd.s32 $0xFFFFF800  }
0x54: {  	v4 =	vld [tilespmem:s9+$0x13880]  }
0x55: {  	v6 =	vld [tilespmem:s9+$0x13890]  }
0x56: {  	v5 =	vld [tilespmem:s9+$0x138A0]  }
0x57: {  	v3 =	vld [tilespmem:s9+$0x138B0]  }
0x58: {  	v2 =	vld [tilespmem:s9+$0x138C0]  }
0x59: {  	v7 =	vadd.s32 v0, v4;
	v4 =	vld [tilespmem:s9+$0x138D0]  }
0x5a: {  	s10 =	simm.s32 $0x200;
	[tilespmem:s9+$0x13880] =	vst v7;
	v7 =	vadd.s32 v0, v6;
	v6 =	vld [tilespmem:s9+$0x138E0]  }
.LBB2_5:
0x5b: {  	s11 =	sshra.s32 s10, $0x2;
	p1 =	sne.s32 s10, $0x1E00;
	[tilespmem:s9+$0x13890] =	vst v7;
	v5 =	vadd.s32 v0, v5;
	v7 =	vld [tilespmem:s9+$0x138F0]  }
0x5c: {  	v8 =	vld [tilespmem:s11+$0x13880];
	[tilespmem:s9+$0x138A0] =	vst v5;
	v3 =	vadd.s32 v0, v3  }
0x5d: {  	v9 =	vld [tilespmem:s11+$0x13890];
	[tilespmem:s9+$0x138B0] =	vst v3;
	v2 =	vadd.s32 v0, v2  }
.Ltmp1:
0x5e: {  	v5 =	vld [tilespmem:s11+$0x138A0];
	[tilespmem:s9+$0x138C0] =	vst v2;
	v2 =	vadd.s32 v0, v4;
	(pc) =	sbr.rel @p1 .LBB2_5-.Ltmp1, $4  }
0x5f: {  	v3 =	vld [tilespmem:s11+$0x138B0];
	[tilespmem:s9+$0x138D0] =	vst v2;
	v4 =	vadd.s32 v0, v6  }
0x60: {  	v2 =	vld [tilespmem:s11+$0x138C0];
	[tilespmem:s9+$0x138E0] =	vst v4;
	v6 =	vadd.s32 v0, v7  }
0x61: {  	v7 =	vadd.s32 v0, v8;
	v4 =	vld [tilespmem:s11+$0x138D0];
	[tilespmem:s9+$0x138F0] =	vst v6;
	s9 =	smov.u32 s11  }
0x62: {  	s10 =	sadd.s32 $0x200, s10;
	[tilespmem:s9+$0x13880] =	vst v7;
	v7 =	vadd.s32 v0, v9;
	v6 =	vld [tilespmem:s9+$0x138E0]  }
0x63: {  	[tilespmem:s9+$0x13890] =	vst v7;
	v5 =	vadd.s32 v0, v5;
	v63 =	vld [tilespmem:s9+$0x138F0]  }
0x64: {  	[tilespmem:s9+$0x138A0] =	vst v5;
	v3 =	vadd.s32 v0, v3  }
0x65: {  	[tilespmem:s9+$0x138B0] =	vst v3;
	v2 =	vadd.s32 v0, v2  }
0x66: {  	[tilespmem:s9+$0x138C0] =	vst v2;
	v2 =	vadd.s32 v0, v4  }
0x67: {  	[tilespmem:s9+$0x138D0] =	vst v2;
	v2 =	vadd.s32 v0, v6  }
0x68: {  	[tilespmem:s9+$0x138E0] =	vst v2;
	v2 =	vadd.s32 v0, v63  }
0x69: {  	[tilespmem:s9+$0x138F0] =	vst v2  }
0x6a: {  	[tilespmem:s22], [sflag:$0x1] =	stream.indirect.gather [hbm4b:s1+s28], $0x80, s24, s28, $0xb8;
	[tilespmem:$0x1D080] =	vst v63  }
0x6b: {  	s19 =	simm.s32 $0x0  }
0x6c: {  	[tilespmem:s30], [sflag:$0x2] =	stream.indirect.gather [hbm4b:s1+s28], $0x80, s29, s28, $0xb8;
	[tilespmem:$0x1D080] =	vst v63  }
.LBB2_7:
0x6d: {  	s20 =	sshll.u32 s19, $0xA  }
0x6e: {  	_ =	swait.ge [sflag:s31], $0x4000;
	s21 =	sshrl.u32 s20, $0x2  }
0x6f: {  	[sflag:s31] =	ssyncset.done $0x0;
	s9 =	sadd.s32 $0x14880, s21  }
0x70: {  	s15 =	simm.s32 $0x150C0;
	[sflag:s31] =	ssyncadd.s32 $0xFFFFC000;
	v2 =	vmov s9;
	s9 =	simm.s32 $0x0  }
.LBB2_8:
0x71: {  	_ =	sdelay $0x2  }
0x72: {  	s10 =	sshll.u32 s9, $0x4  }
0x73: {  	v3 =	vld.idx.msk [tilespmem:v2+s10+$0x0 ss:$0x1], $0xffff;
	_ =	sdelay $0x1  }
0x74: {  	v8 =	vld [tilespmem:s15+$0xFFFFFFC0]  }
0x75: {  	v10 =	vld [tilespmem:s15+$0xFFFFFFD0];
	s13 =	simm.s32 $0x0  }
0x76: {  	v9 =	vld [tilespmem:s15+$0xFFFFFFE0];
	v4 =	vmov s13  }
0x77: {  	v6 =	vld [tilespmem:s15+$0x0];
	v4 =	vperm.xlane v3, v4  }
0x78: {  	v7 =	vld [tilespmem:s15+$0x10]  }
0x79: {  	v5 =	vld [tilespmem:s15+$0x20];
	v11 =	vmul.f32 v8, v4  }
0x7a: {  	s11 =	simm.s32 $0x1;
	s12 =	smov.u32 s15;
	s10 =	smov.u32 s15;
	v10 =	vmul.f32 v10, v4;
	v8 =	vld [tilespmem:s15+$0x30]  }
.LBB2_9:
0x7b: {  	p1 =	sne.s32 s11, $0xF;
	[tilespmem:s10+$0xFFFFFFC0] =	vst v11;
	v9 =	vmul.f32 v9, v4;
	v11 =	vld [tilespmem:s10+$0xFFFFFFF0];
	s12 =	sadd.s32 $0x80, s12  }
0x7c: {  	v12 =	vld [tilespmem:s12+$0xFFFFFFC0];
	[tilespmem:s10+$0xFFFFFFD0] =	vst v10;
	v6 =	vmul.f32 v6, v4  }
0x7d: {  	v10 =	vld [tilespmem:s12+$0xFFFFFFD0];
	[tilespmem:s10+$0xFFFFFFE0] =	vst v9;
	v7 =	vmul.f32 v7, v4  }
.Ltmp2:
0x7e: {  	v13 =	vmov s11;
	v9 =	vld [tilespmem:s12+$0xFFFFFFE0];
	[tilespmem:s10+$0x0] =	vst v6;
	v5 =	vmul.f32 v5, v4;
	(pc) =	sbr.rel @p1 .LBB2_9-.Ltmp2, $4  }
0x7f: {  	v13 =	vperm.xlane v3, v13;
	v6 =	vld [tilespmem:s12+$0x0];
	[tilespmem:s10+$0x10] =	vst v7;
	v8 =	vmul.f32 v8, v4  }
0x80: {  	v7 =	vld [tilespmem:s12+$0x10];
	v14 =	vmul.f32 v11, v4;
	[tilespmem:s10+$0x20] =	vst v5  }
0x81: {  	v4 =	vmov v13;
	v11 =	vmul.f32 v12, v13;
	v5 =	vld [tilespmem:s12+$0x20];
	[tilespmem:s10+$0x30] =	vst v8  }
0x82: {  	s11 =	sadd.s32 $0x1, s11;
	v10 =	vmul.f32 v10, v4;
	v8 =	vld [tilespmem:s12+$0x30];
	[tilespmem:s10+$0xFFFFFFF0] =	vst v14;
	s10 =	smov.u32 s12  }
0x83: {  	[tilespmem:s10+$0xFFFFFFC0] =	vst v11;
	v3 =	vmul.f32 v9, v4;
	v62 =	vld [tilespmem:s10+$0xFFFFFFF0]  }
0x84: {  	s9 =	sadd.s32 $0x1, s9;
	[tilespmem:s10+$0xFFFFFFD0] =	vst v10;
	v6 =	vmul.f32 v6, v4  }
0x85: {  	p1 =	sne.s32 s9, $0x8;
	[tilespmem:s10+$0xFFFFFFE0] =	vst v3;
	v3 =	vmul.f32 v7, v4  }
.Ltmp3:
0x86: {  	[tilespmem:s10+$0x0] =	vst v6;
	v5 =	vmul.f32 v5, v4;
	(pc) =	sbr.rel @p1 .LBB2_8-.Ltmp3, $4  }
0x87: {  	[tilespmem:s10+$0x10] =	vst v3;
	v3 =	vmul.f32 v8, v4  }
0x88: {  	v63 =	vmul.f32 v62, v4;
	[tilespmem:s10+$0x20] =	vst v5  }
0x89: {  	[tilespmem:s10+$0x30] =	vst v3  }
0x8a: {  	s15 =	sadd.s32 $0x800, s15;
	[tilespmem:s10+$0xFFFFFFF0] =	vst v63  }
0x8b: {  	s9 =	sadd.s32 $0x14080, s21;
	s21 =	sor.u32 $0x200, s20  }
0x8c: {  	[spmem:s2] =	stream.indirect.scatter.add.f32 [tilespmem:s22], [sflag:$0x3], $0x80, s9, s28, $0xb8;
	[tilespmem:$0x1D080] =	vst v63  }
0x8d: {  	s20 =	sshll.u32 s19, $0x1;
	s21 =	sshrl.u32 s21, $0x2;
	_ =	swait.ge [sflag:s0], $0x4000  }
0x8e: {  	s15 =	simm.s32 $0x0;
	s9 =	sadd.s32 $0x14880, s21;
	[sflag:s0] =	ssyncset.done $0x0  }
0x8f: {  	s13 =	simm.s32 $0x190C0;
	s10 =	simm.s32 $0x0;
	v2 =	vmov s9;
	[sflag:s0] =	ssyncadd.s32 $0xFFFFC000  }
.LBB2_12:
0x90: {  	_ =	sdelay $0x2  }
0x91: {  	s9 =	sshll.u32 s10, $0x4  }
0x92: {  	v4 =	vld.idx.msk [tilespmem:v2+s9+$0x0 ss:$0x1], $0xffff;
	_ =	sdelay $0x1  }
0x93: {  	v8 =	vld [tilespmem:s13+$0xFFFFFFC0]  }
0x94: {  	v10 =	vld [tilespmem:s13+$0xFFFFFFD0]  }
0x95: {  	v9 =	vld [tilespmem:s13+$0xFFFFFFE0];
	v3 =	vmov s15  }
0x96: {  	v6 =	vld [tilespmem:s13+$0x0];
	v3 =	vperm.xlane v4, v3  }
0x97: {  	v7 =	vld [tilespmem:s13+$0x10]  }
0x98: {  	v5 =	vld [tilespmem:s13+$0x20];
	v11 =	vmul.f32 v8, v3  }
0x99: {  	s12 =	simm.s32 $0x1;
	s11 =	smov.u32 s13;
	s9 =	smov.u32 s13;
	v10 =	vmul.f32 v10, v3;
	v8 =	vld [tilespmem:s13+$0x30]  }
.LBB2_13:
0x9a: {  	p1 =	sne.s32 s12, $0xF;
	[tilespmem:s9+$0xFFFFFFC0] =	vst v11;
	v9 =	vmul.f32 v9, v3;
	v11 =	vld [tilespmem:s9+$0xFFFFFFF0];
	s11 =	sadd.s32 $0x80, s11  }
0x9b: {  	v12 =	vld [tilespmem:s11+$0xFFFFFFC0];
	[tilespmem:s9+$0xFFFFFFD0] =	vst v10;
	v6 =	vmul.f32 v6, v3  }
0x9c: {  	v10 =	vld [tilespmem:s11+$0xFFFFFFD0];
	[tilespmem:s9+$0xFFFFFFE0] =	vst v9;
	v7 =	vmul.f32 v7, v3  }
.Ltmp4:
0x9d: {  	v13 =	vmov s12;
	v9 =	vld [tilespmem:s11+$0xFFFFFFE0];
	[tilespmem:s9+$0x0] =	vst v6;
	v5 =	vmul.f32 v5, v3;
	(pc) =	sbr.rel @p1 .LBB2_13-.Ltmp4, $4  }
0x9e: {  	v13 =	vperm.xlane v4, v13;
	v6 =	vld [tilespmem:s11+$0x0];
	[tilespmem:s9+$0x10] =	vst v7;
	v8 =	vmul.f32 v8, v3  }
0x9f: {  	v7 =	vld [tilespmem:s11+$0x10];
	v14 =	vmul.f32 v11, v3;
	[tilespmem:s9+$0x20] =	vst v5  }
0xa0: {  	v3 =	vmov v13;
	v11 =	vmul.f32 v12, v13;
	v5 =	vld [tilespmem:s11+$0x20];
	[tilespmem:s9+$0x30] =	vst v8  }
0xa1: {  	s12 =	sadd.s32 $0x1, s12;
	v10 =	vmul.f32 v10, v3;
	v8 =	vld [tilespmem:s11+$0x30];
	[tilespmem:s9+$0xFFFFFFF0] =	vst v14;
	s9 =	smov.u32 s11  }
0xa2: {  	[tilespmem:s9+$0xFFFFFFC0] =	vst v11;
	v4 =	vmul.f32 v9, v3;
	v61 =	vld [tilespmem:s9+$0xFFFFFFF0]  }
0xa3: {  	s10 =	sadd.s32 $0x1, s10;
	[tilespmem:s9+$0xFFFFFFD0] =	vst v10;
	v6 =	vmul.f32 v6, v3  }
0xa4: {  	p1 =	sne.s32 s10, $0x8;
	[tilespmem:s9+$0xFFFFFFE0] =	vst v4;
	v62 =	vmul.f32 v7, v3  }
.Ltmp5:
0xa5: {  	[tilespmem:s9+$0x0] =	vst v6;
	v5 =	vmul.f32 v5, v3;
	(pc) =	sbr.rel @p1 .LBB2_12-.Ltmp5, $4  }
0xa6: {  	[tilespmem:s9+$0x10] =	vst v62;
	v63 =	vmul.f32 v8, v3  }
0xa7: {  	v3 =	vmul.f32 v61, v3;
	[tilespmem:s9+$0x20] =	vst v5  }
0xa8: {  	[tilespmem:s9+$0x30] =	vst v63  }
0xa9: {  	s13 =	sadd.s32 $0x800, s13;
	[tilespmem:s9+$0xFFFFFFF0] =	vst v3  }
0xaa: {  	s9 =	sadd.s32 $0x14080, s21  }
0xab: {  	[spmem:s2] =	stream.indirect.scatter.add.f32 [tilespmem:s30], [sflag:$0x4], $0x80, s9, s28, $0xb8;
	[tilespmem:$0x1D080] =	vst v63  }
0xac: {  	s15 =	smin.u32 s20, $0xD;
	_ =	swait.ge [sflag:s4], $0x4000  }
0xad: {  	s19 =	sadd.s32 $0x1, s19;
	s9 =	sshll.u32 s15, $0x7;
	[sflag:s4] =	ssyncset.done $0x0  }
0xae: {  	p1 =	sne.s32 s19, $0x8;
	s9 =	sadd.s32 $0x13980, s9;
	[sflag:s4] =	ssyncadd.s32 $0xFFFFC000  }
0xaf: {  	[tilespmem:s22], [sflag:$0x1] =	stream.indirect.gather [hbm4b:s1+s28], $0x80, s9, s28, $0xb8;
	[tilespmem:$0x1D080] =	vst v63  }
.Ltmp6:
0xb0: {  	_ = 	snop;
	(pc) =	sbr.rel @p1 .LBB2_7-.Ltmp6, $4  }
0xb1: {  	s21 =	smin.u32 s20, $0xC;
	_ =	swait.ge [sflag:s16], $0x4000  }
0xb2: {  	s9 =	sshll.u32 s21, $0x7;
	[sflag:s16] =	ssyncset.done $0x0  }
0xb3: {  	s9 =	sadd.s32 $0x13A00, s9;
	[sflag:s16] =	ssyncadd.s32 $0xFFFFC000  }
0xb4: {  	[tilespmem:s30], [sflag:$0x2] =	stream.indirect.gather [hbm4b:s1+s28], $0x80, s9, s28, $0xb8;
	[tilespmem:$0x1D080] =	vst v63  }
0xb5: {  	s18 =	sadd.s32 $0x1, s18  }
0xb6: {  	_ =	swait.ge [sflag:s31], $0x4000;
	p1 =	sne.s32 s18, $0x5  }
.Ltmp7:
0xb7: {  	[sflag:s31] =	ssyncset.done $0x0;
	(pc) =	sbr.rel @p1 .LBB2_4-.Ltmp7, $4  }
0xb8: {  	[sflag:s31] =	ssyncadd.s32 $0xFFFFC000  }
0xb9: {  	_ =	swait.ge [sflag:s0], $0x4000  }
0xba: {  	[sflag:s0] =	ssyncset.done $0x0  }
0xbb: {  	[sflag:s0] =	ssyncadd.s32 $0xFFFFC000  }
0xbc: {  	s9 =	stileid.u32  }
0xbd: {  	[bflag:$0x0] =	sbarrier.arrive $0xFFFF;
	s9 =	sshll.u32 s9, $0x6  }
0xbe: {  	s10 =	sshrl.u32 s7, $0x3;
	s15 =	rddreg [dreg:$0xa];
	s9 =	sor.u32 $0x1C05, s9  }
0xbf: {  	[hbm:s15], [sflag:s9] =	dma.local [spmem:s10], $0x800  }
0xc0: {  	_ =	swait.ge [sflag:s23], $0x800  }
0xc1: {  	[sflag:s23] =	ssyncset.done $0x0;
	s12 =	rddreg [dreg:$0x5]  }
0xc2: {  	s19 =	rddreg [dreg:$0xb];
	[sflag:s23] =	ssyncadd.s32 $0xFFFFF800;
	s18 =	sshrl.u32 s12, $0x3  }
0xc3: {  	[hbm:s19], [sflag:s9] =	dma.local [spmem:s18], $0x800  }
0xc4: {  	_ =	swait.ge [sflag:s23], $0x800  }
0xc5: {  	[sflag:s23] =	ssyncset.done $0x0;
	s18 =	rddreg [dreg:$0x6]  }
0xc6: {  	s21 =	rddreg [dreg:$0xc];
	[sflag:s23] =	ssyncadd.s32 $0xFFFFF800;
	s20 =	sshrl.u32 s18, $0x3  }
0xc7: {  	[hbm:s21], [sflag:s9] =	dma.local [spmem:s20], $0x800  }
0xc8: {  	_ =	swait.ge [sflag:s23], $0x800  }
0xc9: {  	[sflag:s23] =	ssyncset.done $0x0;
	s19 =	rddreg [dreg:$0x7]  }
0xca: {  	s13 =	rddreg [dreg:$0xd];
	[sflag:s23] =	ssyncadd.s32 $0xFFFFF800;
	s11 =	sshrl.u32 s19, $0x3  }
0xcb: {  	[hbm:s13], [sflag:s9] =	dma.local [spmem:s11], $0x800  }
0xcc: {  	_ =	swait.ge [sflag:s23], $0x800  }
0xcd: {  	[sflag:s23] =	ssyncset.done $0x0;
	s13 =	rddreg [dreg:$0x8]  }
0xce: {  	s20 =	rddreg [dreg:$0xe];
	[sflag:s23] =	ssyncadd.s32 $0xFFFFF800;
	s15 =	sshrl.u32 s13, $0x3  }
0xcf: {  	[hbm:s20], [sflag:s9] =	dma.local [spmem:s15], $0x700  }
0xd0: {  	_ =	swait.ge [sflag:s23], $0x700  }
0xd1: {  	s17 =	smov.u32 s7;
	[sflag:s23] =	ssyncset.done $0x0;
	s20 =	rddreg [dreg:$0x9]  }
0xd2: {  	s7 =	rddreg [dreg:$0xf];
	[sflag:s23] =	ssyncadd.s32 $0xFFFFF900;
	s10 =	sshrl.u32 @!p0 s20, $0x3  }
0xd3: {  	[hbm:s7], [sflag:s9] =	dma.local @!p0 [spmem:s10], $0x100  }
0xd4: {  	s9 =	simm.s32 @!p0 $0x5  }
0xd5: {  	_ =	swait.ge @!p0 [sflag:s9], $0x100  }
0xd6: {  	s3 =	sadd.s32 $0x1, s3;
	s21 =	rddreg [dreg:$0x10]  }
0xd7: {  	p1 =	sne.s32 s3, s21  }
.Ltmp8:
0xd8: {  	_ = 	snop;
	(pc) =	sbr.rel @p1 .LBB2_1-.Ltmp8, $3  }
0xd9: {  	_ =	sdelay $0x1  }
0xda: {  	[sflag:s9] =	ssyncset.done @!p0 $0x0  }
0xdb: {  	[sflag:s9] =	ssyncadd.s32 @!p0 $0xFFFFFF00  }
0xdc: {  	_ =	sfence.sel $0x180000  }
0xdd: {  	[bflag:$0x0] =	sbarrier.arrive $0xFFFF  }
0xde: {  	_ =	strace $0x9000004D  }
0xdf: {  	[bflag:$0x2] =	sbarrier.arrive $0xFFFF  }
0xe0: {  	s0 =	rddreg [dreg:$0x4]  }
0xe1: {  	s0 =	sadd.s32 @!p0 $0x100000, s0  }
0xe2: {  	[sflag:s0] =	ssyncadd.tile.s32 @!p0 $0x1;
	_ =	shalt  }
.Lfunc_end2:
_tile_overlayer_lowered:
.L_overlay_start_2:
0xe3: {  	(tag) =	ssettag $0x2  }
0xe4: {  	s0 =	rddreg [dreg:$0x0];
	s2 =	stileid.u32  }
0xe5: {  	s1 =	rddreg [dreg:$0x1];
	p0 =	sne.s32 s2, $0x0  }
0xe6: {  	s3 =	rddreg [dreg:$0x2];
	[bflag:$0x3] =	sbarrier.arrive $0xFFFF;
	s2 =	simm.s32 @!p0 $0x1C05  }
0xe7: {  	[timem:s3], [sflag:s2] =	dma.local @!p0 [hbm:s0], s1  }
0xe8: {  	s0 =	simm.s32 @!p0 $0x5  }
0xe9: {  	_ =	swait.ge @!p0 [sflag:s0], s1  }
0xea: {  	s1 =	ssub.s32 @!p0 $0x0, s1;
	[sflag:s0] =	ssyncset.done @!p0 $0x0  }
0xeb: {  	[sflag:s0] =	ssyncadd.s32 @!p0 s1  }
0xec: {  	[bflag:$0x3] =	sbarrier.arrive $0xFFFF  }
0xed: {  	_ =	shalt  }

// kernel: kernel.9.cloned.1.call-start
scs
__scs_entry_jumppad:
0x0: {  	(pc) =	sbr.rel $0x88, $3  }
0x1: {  	(tag) =	ssettag $0x0;
	lr =	simm.s32 $0x1  }
0x2: {  	[smem:$0x3F94] =	sst lr;
	_ =	strace $0xD0000000  }
0x3: {  	_ = 	snop  }
0x4: {  	_ = 	snop  }
0x5: {  	_ = 	snop  }
0x6: {  	_ = 	snop  }
0x7: {  	_ = 	snop  }
__scs_overlays_trampoline_lowered:
0x8: {  	[smem:$0x3FA3] =	sst s0  }
0x9: {  	[smem:$0x3FA4] =	sst s1  }
0xa: {  	[smem:$0x3FA5] =	sst s2  }
0xb: {  	[smem:$0x3FA6] =	sst s3  }
0xc: {  	[smem:$0x3FA7] =	sst s4  }
0xd: {  	[smem:$0x3FA8] =	sst s5  }
0xe: {  	[smem:$0x3FA9] =	sst s6  }
0xf: {  	[smem:$0x3FAA] =	sst s7  }
0x10: {  	[smem:$0x3FAB] =	sst s8  }
0x11: {  	[smem:$0x3FAC] =	sst s9;
	s0 =	simm.s32 @!p0 $0x0  }
0x12: {  	s1 =	sld [smem:$0x3F92];
	s0 =	simm.s32 @p0 $0x1  }
0x13: {  	[smem:$0x3FAD] =	sst s0;
	s0 =	simm.s32 @!p1 $0x0  }
0x14: {  	s2 =	sld [smem:$0x3F91];
	s0 =	simm.s32 @p1 $0x1  }
0x15: {  	[smem:$0x3FAE] =	sst s0;
	s0 =	simm.s32 @!p2 $0x0  }
0x16: {  	s3 =	sld [smem:$0x3FDB];
	s0 =	simm.s32 @p2 $0x1  }
0x17: {  	s4 =	simm.s32 $0x1BF5;
	[smem:$0x3FB0] =	sst s0  }
0x18: {  	s0 =	sld [smem:$0x3F93];
	_ =	swait.ge [sflag:s4], $0x0  }
0x19: {  	s7 =	sld [smem:$0x3F94]  }
0x1a: {  	s8 =	sadd.s32 $0xFFFFE003, lr  }
0x1b: {  	s9 =	sadd.s32 $0xFFFFFEF7, lr;
	s5 =	simm.s32 $0xFFFFFFFF;
	p2 =	slt.u32 s8, $0xFFFFF086  }
0x1c: {  	p1 =	slt.u32 s9, $0xF7A;
	s5 =	simm.s32 @!p2 $0x0  }
0x1d: {  	s5 =	simm.s32 @p1 $0x1;
	p0 =	seq.s32 s7, s2  }
0x1e: {  	s7 =	smul.u32 @!p0 $0xF7A, s2;
	p2 =	seq.s32 @!p0 s5, $0x0  }
0x1f: {  	s9 =	smul.u32 $0xF7A, s1;
	s8 =	simm.s32 @!p0 $0x1BF5;
	p2 =	por !p2, p0  }
0x20: {  	[sflag:s8] =	ssyncset.s32 @!p0 $0xFFFFF086;
	s6 =	sadd.s32 @!p0 s3, s7;
	s7 =	simm.s32 @!p0 $0x108  }
0x21: {  	s3 =	sadd.s32 s3, s9;
	s6 =	sadd.s32 @!p0 $0x88, s6;
	s7 =	simm.s32 @p2 $0x1082  }
0x22: {  	[simem:s7], [sflag:s8] =	dma.local @!p0 [hbm:s6], $0xF7A  }
0x23: {  	s9 =	sor.u32 $0xD0000000, s2;
	s6 =	simm.s32 $0x108;
	_ =	swait.ge @!p0 [sflag:s8], $0x0  }
0x24: {  	s3 =	sadd.s32 $0x88, s3;
	s6 =	simm.s32 @!p1 $0x1082;
	[sflag:s4] =	ssyncset.s32 $0xFFFFF086  }
0x25: {  	[simem:s6], [sflag:s4] =	dma.local [hbm:s3], $0xF7A  }
0x26: {  	[smem:$0x3F94] =	sst s1;
	(tag) =	ssettag s2;
	_ =	strace s9  }
0x27: {  	s1 =	sld [smem:$0x3FA4]  }
0x28: {  	s2 =	sld [smem:$0x3FA5]  }
0x29: {  	s4 =	sld [smem:$0x3FA7]  }
0x2a: {  	p0 =	seq.s32 s5, $0x0;
	s5 =	sld [smem:$0x3FA8]  }
0x2b: {  	s6 =	sld [smem:$0x3FA9]  }
0x2c: {  	s7 =	sld [smem:$0x3FAA]  }
0x2d: {  	s3 =	simm.s32 $0x108;
	s8 =	sld [smem:$0x3FAB]  }
0x2e: {  	s3 =	simm.s32 @!p0 $0x1082;
	s9 =	sld [smem:$0x3FAC]  }
0x2f: {  	lr =	sadd.s32 s0, s3;
	s0 =	sld [smem:$0x3FA3]  }
0x30: {  	s3 =	sld [smem:$0x3FA6]  }
0x31: {  	[smem:$0x3FAF] =	sst s10  }
0x32: {  	s10 =	sld [smem:$0x3FAD];
	_ =	sdelay $0x3  }
0x33: {  	p0 =	seq.s32 s10, $0x1;
	s10 =	sld [smem:$0x3FAF];
	_ =	sdelay $0x3  }
0x34: {  	[smem:$0x3FAF] =	sst s10  }
0x35: {  	s10 =	sld [smem:$0x3FAE];
	_ =	sdelay $0x3  }
0x36: {  	p1 =	seq.s32 s10, $0x1;
	s10 =	sld [smem:$0x3FAF];
	_ =	sdelay $0x3  }
0x37: {  	[smem:$0x3FAF] =	sst s10  }
0x38: {  	s10 =	sld [smem:$0x3FB0]  }
0x39: {  	_ = 	snop;
	(pc) =	sbr.ind lr, $3  }
0x3a: {  	_ = 	snop  }
0x3b: {  	_ = 	snop  }
0x3c: {  	p2 =	seq.s32 s10, $0x1;
	s10 =	sld [smem:$0x3FAF]  }
0x3d: {  	_ =	shalt  }
0x3e: {  	_ =	shalt  }
0x3f: {  	_ =	shalt  }
0x40: {  	_ =	shalt  }
0x41: {  	_ =	shalt  }
0x42: {  	_ =	shalt  }
0x43: {  	_ =	shalt  }
0x44: {  	_ =	shalt  }
0x45: {  	_ =	shalt  }
0x46: {  	_ =	shalt  }
0x47: {  	_ =	shalt  }
0x48: {  	_ =	shalt  }
0x49: {  	_ =	shalt  }
0x4a: {  	_ =	shalt  }
0x4b: {  	_ =	shalt  }
0x4c: {  	_ =	shalt  }
0x4d: {  	_ =	shalt  }
0x4e: {  	_ =	shalt  }
0x4f: {  	_ =	shalt  }
0x50: {  	_ =	shalt  }
0x51: {  	_ =	shalt  }
0x52: {  	_ =	shalt  }
0x53: {  	_ =	shalt  }
0x54: {  	_ =	shalt  }
0x55: {  	_ =	shalt  }
0x56: {  	_ =	shalt  }
0x57: {  	_ =	shalt  }
0x58: {  	_ =	shalt  }
0x59: {  	_ =	shalt  }
0x5a: {  	_ =	shalt  }
0x5b: {  	_ =	shalt  }
0x5c: {  	_ =	shalt  }
0x5d: {  	_ =	shalt  }
0x5e: {  	_ =	shalt  }
0x5f: {  	_ =	shalt  }
0x60: {  	_ =	shalt  }
0x61: {  	_ =	shalt  }
0x62: {  	_ =	shalt  }
0x63: {  	_ =	shalt  }
0x64: {  	_ =	shalt  }
0x65: {  	_ =	shalt  }
0x66: {  	_ =	shalt  }
0x67: {  	_ =	shalt  }
0x68: {  	_ =	shalt  }
0x69: {  	_ =	shalt  }
0x6a: {  	_ =	shalt  }
0x6b: {  	_ =	shalt  }
0x6c: {  	_ =	shalt  }
0x6d: {  	_ =	shalt  }
0x6e: {  	_ =	shalt  }
0x6f: {  	_ =	shalt  }
0x70: {  	_ =	shalt  }
0x71: {  	_ =	shalt  }
0x72: {  	_ =	shalt  }
0x73: {  	_ =	shalt  }
0x74: {  	_ =	shalt  }
0x75: {  	_ =	shalt  }
0x76: {  	_ =	shalt  }
0x77: {  	_ =	shalt  }
0x78: {  	_ =	shalt  }
0x79: {  	_ =	shalt  }
0x7a: {  	_ =	shalt  }
0x7b: {  	_ =	shalt  }
0x7c: {  	_ =	shalt  }
0x7d: {  	_ =	shalt  }
0x7e: {  	_ =	shalt  }
0x7f: {  	_ =	shalt  }
0x80: {  	_ =	shalt  }
0x81: {  	_ =	shalt  }
0x82: {  	_ =	shalt  }
0x83: {  	_ =	shalt  }
0x84: {  	_ =	shalt  }
0x85: {  	_ =	shalt  }
0x86: {  	_ =	shalt  }
0x87: {  	_ =	shalt  }
.Lfunc_end0:
.L_simem_size_0:
called_computation_lowered:
.L_overlay_start_0:
0x88: {  	s2 =	sld [smem:$0x3FD9]  }
0x89: {  	s3 =	sld [smem:$0x3FFE];
	_ =	sdelay $0x1  }
0x8a: {  	s1 =	srdreg.scid  }
0x8b: {  	s0 =	sand.u32 $0x1, s1  }
0x8c: {  	s14 =	sshll.u32 s0, $0xA;
	s2 =	sadd.s32 s3, s2  }
0x8d: {  	s2 =	sadd.s32 s2, s14  }
0x8e: {  	[smem:$0x3FBB] =	sst s2  }
0x8f: {  	_ = 	snop  }
0x90: {  	s2 =	sld [smem:$0x3FD0];
	_ =	sdelay $0x2  }
0x91: {  	s15 =	simm.s32 $0xA;
	s4 =	simm.s32 $0x10  }
0x92: {  	[smem:s4], [sflag:s15] =	dma.local [hbm:s2], $0x1  }
0x93: {  	_ =	swait.eq [sflag:s15], $0x1  }
0x94: {  	[sflag:s15] =	ssyncset.done $0x0  }
0x95: {  	s16 =	sld [smem:$0x10];
	[sflag:s15] =	ssyncadd.s32 $0xFFFFFFFF  }
0x96: {  	s17 =	sld [smem:$0x11];
	(tm) =	ssettm $0x1  }
0x97: {  	s18 =	sld [smem:$0x3FFB];
	_ =	sdelay $0x3  }
0x98: {  	_ =	strace s18  }
0x99: {  	s4 =	sld [smem:$0x3FFC];
	_ =	sdelay $0x3  }
0x9a: {  	_ =	strace s4  }
0x9b: {  	s4 =	sld [smem:$0x3FFD];
	_ =	sdelay $0x3  }
0x9c: {  	_ =	strace s4  }
0x9d: {  	_ =	strace $0x8FFFFFFF  }
0x9e: {  	s19 =	sld [smem:$0x3FDB];
	_ =	sdelay $0x1  }
0x9f: {  	s5 =	simm.s32 $_scs_section_size  }
0xa0: {  	s6 =	simm.s32 $_size__tile_overlayer_lowered;
	s7 =	simm.s32 $_tile_overlayer_lowered  }
0xa1: {  	s22 =	simm.s32 $0x1BFF;
	s21 =	sshll.u32 s7, $0x1;
	s4 =	sadd.s32 s5, s19  }
0xa2: {  	s8 =	simm.s32 $0x0;
	s20 =	sshll.u32 s6, $0x1;
	s6 =	sadd.s32 s21, s4  }
0xa3: {  	[timem:s8], [sflag:s22] =	dma.local [hbm:s6], s20  }
0xa4: {  	_ =	swait.ge [sflag:s22], s20  }
0xa5: {  	s5 =	ssub.s32 $0x0, s20;
	[sflag:s22] =	ssyncset.done $0x0  }
0xa6: {  	[sflag:s22] =	ssyncadd.s32 s5;
	_ =	sdelay $0x1  }
0xa7: {  	s23 =	simm.s32 $0x1B8B  }
0xa8: {  	_ =	swait.ge [sflag:s23], $0x1  }
0xa9: {  	[sflag:s23] =	ssyncset.done $0x0  }
0xaa: {  	s25 =	simm.s32 $0x1B8E;
	s24 =	sld [smem:$0x3FFE];
	[sflag:s23] =	ssyncadd.s32 $0xFFFFFFFF  }
0xab: {  	s26 =	simm.s32 $execute0_lowered;
	[smem:$0x3FD2] =	sst s25  }
0xac: {  	s6 =	sshll.u32 s26, $0x1;
	_ =	strace $0x80000046;
	[dreg:$0x1] =	wrdreg $0xFFFFFFFF  }
0xad: {  	s28 =	simm.s32 $_size_execute0_lowered;
	s4 =	sadd.s32 s4, s6;
	[dreg:$0x0] =	wrdreg $0x0  }
0xae: {  	s6 =	sshll.u32 s28, $0x1;
	[dreg:$0x2] =	wrdreg s4  }
0xaf: {  	[dreg:$0x3] =	wrdreg s6  }
0xb0: {  	[dreg:$0x4] =	wrdreg $0xC0  }
0xb1: {  	_ =	task [dreg:s8], $0x5FFFF  }
0xb2: {  	[dreg:$0x1] =	wrdreg $0xFFFFFFFF  }
0xb3: {  	[dreg:$0x0] =	wrdreg $0x60  }
0xb4: {  	[dreg:$0x2] =	wrdreg s17  }
0xb5: {  	[dreg:$0x3] =	wrdreg s24  }
0xb6: {  	[dreg:$0x4] =	wrdreg s16  }
0xb7: {  	[dreg:$0x5] =	wrdreg $0x0  }
0xb8: {  	[dreg:$0x6] =	wrdreg $0x9  }
0xb9: {  	_ =	task.clear_ibuf [dreg:s8], $0x7FFFF;
	_ =	strace $0x90000046  }
0xba: {  	s29 =	simm.s32 $0x9;
	_ =	strace $0x80000048  }
0xbb: {  	_ =	swait.ge [sflag:s29], $0x1  }
0xbc: {  	[sflag:s29] =	ssyncadd.s32 $0xFFFFFFFF  }
0xbd: {  	_ =	strace $0x90000048  }
0xbe: {  	_ =	sfence  }
0xbf: {  	s30 =	sld [smem:$0x0];
	_ =	sdelay $0x2  }
0xc0: {  	s31 =	sshll.u32 s1, $0xD;
	s1 =	sshrl.u32 s1, $0x2  }
0xc1: {  	s3 =	sand.u32 $0x4000, s31;
	s1 =	sadd.s32 s1, s30  }
0xc2: {  	s0 =	sor.u32 s3, s0;
	s1 =	sshll.u32 s1, $0x11  }
0xc3: {  	s0 =	sor.u32 s1, s0  }
0xc4: {  	s0 =	sadd.s32 $0x8F2B, s0  }
0xc5: {  	[sflag:s0] =	ssyncadd.remote.s32 $0x1  }
0xc6: {  	_ =	sfence.sel $0xFFFF  }
0xc7: {  	[dreg:$0x0] =	wrdreg $0xFFFFFFFF;
	(pc) =	sbr.abs _section_cstart, $3  }
0xc8: {  	[dreg:$0x1] =	wrdreg $0xFFFFFFFF  }
0xc9: {  	_ =	task.clear_ibuf [dreg:s8], $0x2FFFF;
	_ =	strace $0x9FFFFFFF  }
0xca: {  	(tm) =	ssettm $0x7FFFFFFF  }
0xcb: {  	_ =	shalt  }
tec
execute0_lowered:
.L_overlay_start_1:
0x0: {  	(tag) =	ssettag $0x1  }
0x1: {  	s1 =	rddreg [dreg:$0x0]  }
0x2: {  	s0 =	rddreg [dreg:$0x1]  }
0x3: {  	s4 =	rddreg [dreg:$0x2]  }
0x4: {  	s2 =	rddreg [dreg:$0x3]  }
0x5: {  	s3 =	simm.s32 $0x0;
	s15 =	stileid.u32;
	s7 =	srdreg.scid  }
0x6: {  	s28 =	simm.s32 $0x80;
	s29 =	simm.s32 $0x13900;
	s30 =	simm.s32 $0x19080  }
0x7: {  	s31 =	simm.s32 $0x1;
	s16 =	simm.s32 $0x4;
	[smem:$0x7FF] =	sst s3  }
0x8: {  	s8 =	smul.u32 $0x4E000, s15;
	s5 =	sadd.s32 $0x7600, s0;
	s9 =	sand.u32 $0x1, s7  }
0x9: {  	s6 =	sadd.s32 $0x2600, s0;
	s13 =	smul.u32 $0x270, s15;
	s10 =	ssub.s32 $0x2, s9  }
0xa: {  	s20 =	sadd.s32 $0x138000, s2;
	_ =	strace $0x80000047;
	s12 =	sshrl.u32 s10, $0x1  }
0xb: {  	[dreg:$0x9] =	wrdreg s20;
	s21 =	sshrl.u32 s8, $0x2;
	s22 =	ssub.s32 s10, s12  }
0xc: {  	s8 =	sadd.s32 $0xC600, s0;
	s17 =	sadd.s32 s21, s2;
	s0 =	smax.u32 s22, $0x1  }
0xd: {  	s11 =	smul.u32 $0x2710, s9;
	s12 =	sadd.s32 $0x4000, s17;
	[dreg:$0x10] =	wrdreg s0  }
0xe: {  	s14 =	smul.u32 $0x2800, s15;
	s18 =	sadd.s32 $0x8000, s17;
	[dreg:$0x5] =	wrdreg s12  }
0xf: {  	s23 =	sadd.s32 s13, s11;
	s19 =	sadd.s32 $0xC000, s17;
	[dreg:$0x6] =	wrdreg s18  }
0x10: {  	s13 =	sadd.s32 $0x10000, s17;
	s10 =	sshll.u32 s23, $0x4;
	[dreg:$0x7] =	wrdreg s19  }
0x11: {  	s9 =	smul.u32 $0x138800, s9;
	s24 =	sadd.s32 s4, s10;
	[dreg:$0x8] =	wrdreg s13  }
0x12: {  	p0 =	sne.s32 s15, $0x0;
	s10 =	sadd.s32 $0x800, s24;
	[dreg:$0xa] =	wrdreg s24  }
0x13: {  	s9 =	sshrl.u32 s9, $0x3;
	s25 =	sadd.s32 $0x1000, s24;
	[dreg:$0xb] =	wrdreg s10  }
0x14: {  	s22 =	simm.s32 $0x15080;
	s26 =	sadd.s32 $0x1800, s24;
	[dreg:$0xc] =	wrdreg s25  }
0x15: {  	s4 =	sadd.s32 s4, s9;
	s7 =	sadd.s32 $0x2000, s24;
	[dreg:$0xd] =	wrdreg s26  }
0x16: {  	s23 =	simm.s32 $0x5;
	s4 =	sadd.s32 $0x27000, s4;
	[dreg:$0xe] =	wrdreg s7  }
0x17: {  	s0 =	simm.s32 $0x2;
	s24 =	simm.s32 $0x13880;
	[dreg:$0xf] =	wrdreg s4  }
0x18: {  	v1 =	vimm.f32 $0.0e+00;
	v0 =	vmov s11;
	s25 =	simm.s32 $0x14080;
	s26 =	simm.s32 $0x14880;
	s4 =	simm.s32 $0x3  }
.LBB2_1:
0x19: {  	s9 =	simm.s32 $0x0;
	s10 =	simm.s32 $0x200  }
.LBB2_2:
0x1a: {  	p1 =	sne.s32 s10, $0xFE00;
	[tilespmem:s9+$0x150F0] =	vst v1  }
0x1b: {  	[tilespmem:s9+$0x15080] =	vst v1  }
0x1c: {  	[tilespmem:s9+$0x15090] =	vst v1  }
.Ltmp0:
0x1d: {  	[tilespmem:s9+$0x150A0] =	vst v1;
	(pc) =	sbr.rel @p1 .LBB2_2-.Ltmp0, $4  }
0x1e: {  	[tilespmem:s9+$0x150B0] =	vst v1  }
0x1f: {  	[tilespmem:s9+$0x150C0] =	vst v1  }
0x20: {  	[tilespmem:s9+$0x150D0] =	vst v1  }
0x21: {  	[tilespmem:s9+$0x150E0] =	vst v1;
	s9 =	sshra.s32 s10, $0x2;
	s10 =	sadd.s32 $0x200, s10  }
0x22: {  	[tilespmem:s9+$0x150F0] =	vst v1  }
0x23: {  	[tilespmem:s9+$0x15080] =	vst v1  }
0x24: {  	[tilespmem:s9+$0x15090] =	vst v1  }
0x25: {  	[tilespmem:s9+$0x150A0] =	vst v1  }
0x26: {  	[tilespmem:s9+$0x150B0] =	vst v1  }
0x27: {  	[tilespmem:s9+$0x150C0] =	vst v1  }
0x28: {  	[tilespmem:s9+$0x150D0] =	vst v1  }
0x29: {  	[tilespmem:s9+$0x150E0] =	vst v1  }
0x2a: {  	[spmem:s17] =	stream.linear.scatter [tilespmem:s22], [sflag:$0x5], $0x4000, $0x38;
	[tilespmem:$0x1D080] =	vst v63  }
0x2b: {  	_ =	swait.ge [sflag:s23], $0x4000  }
0x2c: {  	[sflag:s23] =	ssyncset.done $0x0  }
0x2d: {  	[sflag:s23] =	ssyncadd.s32 $0xFFFFC000  }
0x2e: {  	[spmem:s12] =	stream.linear.scatter [tilespmem:s22], [sflag:$0x5], $0x4000, $0x38;
	[tilespmem:$0x1D080] =	vst v63  }
0x2f: {  	_ =	swait.ge [sflag:s23], $0x4000  }
0x30: {  	[sflag:s23] =	ssyncset.done $0x0  }
0x31: {  	[sflag:s23] =	ssyncadd.s32 $0xFFFFC000  }
0x32: {  	[spmem:s18] =	stream.linear.scatter [tilespmem:s22], [sflag:$0x5], $0x4000, $0x38;
	[tilespmem:$0x1D080] =	vst v63  }
0x33: {  	_ =	swait.ge [sflag:s23], $0x4000  }
0x34: {  	[sflag:s23] =	ssyncset.done $0x0  }
0x35: {  	[sflag:s23] =	ssyncadd.s32 $0xFFFFC000  }
0x36: {  	[spmem:s19] =	stream.linear.scatter [tilespmem:s22], [sflag:$0x5], $0x4000, $0x38;
	[tilespmem:$0x1D080] =	vst v63  }
0x37: {  	_ =	swait.ge [sflag:s23], $0x4000  }
0x38: {  	[sflag:s23] =	ssyncset.done $0x0  }
0x39: {  	[sflag:s23] =	ssyncadd.s32 $0xFFFFC000  }
0x3a: {  	[spmem:s13] =	stream.linear.scatter [tilespmem:s22], [sflag:$0x5], $0x3800, $0x38;
	[tilespmem:$0x1D080] =	vst v63  }
0x3b: {  	_ =	swait.ge [sflag:s23], $0x3800  }
0x3c: {  	[sflag:s23] =	ssyncset.done $0x0  }
0x3d: {  	s9 =	simm.s32 @!p0 $0x15080;
	[sflag:s23] =	ssyncadd.s32 $0xFFFFC800  }
0x3e: {  	[spmem:s20] =	stream.linear.scatter @!p0 [tilespmem:s9], [sflag:$0x5], $0x800, $0x38;
	[tilespmem:$0x1D080] =	vst v63  }
0x3f: {  	s9 =	simm.s32 @!p0 $0x5  }
0x40: {  	_ =	swait.ge @!p0 [sflag:s9], $0x800  }
0x41: {  	[sflag:s9] =	ssyncset.done @!p0 $0x0  }
0x42: {  	s7 =	smov.u32 s17;
	[sflag:s9] =	ssyncadd.s32 @!p0 $0xFFFFF800  }
0x43: {  	s17 =	simm.s32 $0x0;
	s18 =	simm.s32 $0x0;
	[bflag:$0x0] =	sbarrier.arrive $0xFFFF  }
.LBB2_4:
0x44: {  	s9 =	sshll.u32 s18, $0xB  }
0x45: {  	s9 =	sadd.s32 s14, s9  }
0x46: {  	s9 =	sshrl.u32 s9, $0x3  }
0x47: {  	s10 =	sadd.s32 s5, s9  }
0x48: {  	[tilespmem:s24], [sflag:$0x5] =	stream.linear.gather [hbm4b:s10+s17], $0x800, $0x38;
	[tilespmem:$0x1D080] =	vst v63  }
0x49: {  	_ =	swait.ge [sflag:s23], $0x800  }
0x4a: {  	[sflag:s23] =	ssyncset.done $0x0  }
0x4b: {  	s21 =	sadd.s32 s6, s9;
	[sflag:s23] =	ssyncadd.s32 $0xFFFFF800  }
0x4c: {  	[tilespmem:s25], [sflag:$0x5] =	stream.linear.gather [hbm4b:s21+s17], $0x800, $0x38;
	[tilespmem:$0x1D080] =	vst v63  }
0x4d: {  	_ =	swait.ge [sflag:s23], $0x800  }
0x4e: {  	[sflag:s23] =	ssyncset.done $0x0  }
0x4f: {  	s9 =	sadd.s32 s8, s9;
	[sflag:s23] =	ssyncadd.s32 $0xFFFFF800  }
0x50: {  	[tilespmem:s26], [sflag:$0x5] =	stream.linear.gather [hbm4b:s9+s17], $0x800, $0x38;
	[tilespmem:$0x1D080] =	vst v63  }
0x51: {  	_ =	swait.ge [sflag:s23], $0x800  }
0x52: {  	[sflag:s23] =	ssyncset.done $0x0  }
0x53: {  	s9 =	simm.s32 $0x0;
	[sflag:s23] =	ssyncadd.s32 $0xFFFFF800  }
0x54: {  	v4 =	vld [tilespmem:s9+$0x13880]  }
0x55: {  	v6 =	vld [tilespmem:s9+$0x13890]  }
0x56: {  	v5 =	vld [tilespmem:s9+$0x138A0]  }
0x57: {  	v3 =	vld [tilespmem:s9+$0x138B0]  }
0x58: {  	v2 =	vld [tilespmem:s9+$0x138C0]  }
0x59: {  	v7 =	vadd.s32 v0, v4;
	v4 =	vld [tilespmem:s9+$0x138D0]  }
0x5a: {  	s10 =	simm.s32 $0x200;
	[tilespmem:s9+$0x13880] =	vst v7;
	v7 =	vadd.s32 v0, v6;
	v6 =	vld [tilespmem:s9+$0x138E0]  }
.LBB2_5:
0x5b: {  	s11 =	sshra.s32 s10, $0x2;
	p1 =	sne.s32 s10, $0x1E00;
	[tilespmem:s9+$0x13890] =	vst v7;
	v5 =	vadd.s32 v0, v5;
	v7 =	vld [tilespmem:s9+$0x138F0]  }
0x5c: {  	v8 =	vld [tilespmem:s11+$0x13880];
	[tilespmem:s9+$0x138A0] =	vst v5;
	v3 =	vadd.s32 v0, v3  }
0x5d: {  	v9 =	vld [tilespmem:s11+$0x13890];
	[tilespmem:s9+$0x138B0] =	vst v3;
	v2 =	vadd.s32 v0, v2  }
.Ltmp1:
0x5e: {  	v5 =	vld [tilespmem:s11+$0x138A0];
	[tilespmem:s9+$0x138C0] =	vst v2;
	v2 =	vadd.s32 v0, v4;
	(pc) =	sbr.rel @p1 .LBB2_5-.Ltmp1, $4  }
0x5f: {  	v3 =	vld [tilespmem:s11+$0x138B0];
	[tilespmem:s9+$0x138D0] =	vst v2;
	v4 =	vadd.s32 v0, v6  }
0x60: {  	v2 =	vld [tilespmem:s11+$0x138C0];
	[tilespmem:s9+$0x138E0] =	vst v4;
	v6 =	vadd.s32 v0, v7  }
0x61: {  	v7 =	vadd.s32 v0, v8;
	v4 =	vld [tilespmem:s11+$0x138D0];
	[tilespmem:s9+$0x138F0] =	vst v6;
	s9 =	smov.u32 s11  }
0x62: {  	s10 =	sadd.s32 $0x200, s10;
	[tilespmem:s9+$0x13880] =	vst v7;
	v7 =	vadd.s32 v0, v9;
	v6 =	vld [tilespmem:s9+$0x138E0]  }
0x63: {  	[tilespmem:s9+$0x13890] =	vst v7;
	v5 =	vadd.s32 v0, v5;
	v63 =	vld [tilespmem:s9+$0x138F0]  }
0x64: {  	[tilespmem:s9+$0x138A0] =	vst v5;
	v3 =	vadd.s32 v0, v3  }
0x65: {  	[tilespmem:s9+$0x138B0] =	vst v3;
	v2 =	vadd.s32 v0, v2  }
0x66: {  	[tilespmem:s9+$0x138C0] =	vst v2;
	v2 =	vadd.s32 v0, v4  }
0x67: {  	[tilespmem:s9+$0x138D0] =	vst v2;
	v2 =	vadd.s32 v0, v6  }
0x68: {  	[tilespmem:s9+$0x138E0] =	vst v2;
	v2 =	vadd.s32 v0, v63  }
0x69: {  	[tilespmem:s9+$0x138F0] =	vst v2  }
0x6a: {  	[tilespmem:s22], [sflag:$0x1] =	stream.indirect.gather [hbm4b:s1+s28], $0x80, s24, s28, $0xb8;
	[tilespmem:$0x1D080] =	vst v63  }
0x6b: {  	s19 =	simm.s32 $0x0  }
0x6c: {  	[tilespmem:s30], [sflag:$0x2] =	stream.indirect.gather [hbm4b:s1+s28], $0x80, s29, s28, $0xb8;
	[tilespmem:$0x1D080] =	vst v63  }
.LBB2_7:
0x6d: {  	s20 =	sshll.u32 s19, $0xA  }
0x6e: {  	_ =	swait.ge [sflag:s31], $0x4000;
	s21 =	sshrl.u32 s20, $0x2  }
0x6f: {  	[sflag:s31] =	ssyncset.done $0x0;
	s9 =	sadd.s32 $0x14880, s21  }
0x70: {  	s15 =	simm.s32 $0x150C0;
	[sflag:s31] =	ssyncadd.s32 $0xFFFFC000;
	v2 =	vmov s9;
	s9 =	simm.s32 $0x0  }
.LBB2_8:
0x71: {  	_ =	sdelay $0x2  }
0x72: {  	s10 =	sshll.u32 s9, $0x4  }
0x73: {  	v3 =	vld.idx.msk [tilespmem:v2+s10+$0x0 ss:$0x1], $0xffff;
	_ =	sdelay $0x1  }
0x74: {  	v8 =	vld [tilespmem:s15+$0xFFFFFFC0]  }
0x75: {  	v10 =	vld [tilespmem:s15+$0xFFFFFFD0];
	s13 =	simm.s32 $0x0  }
0x76: {  	v9 =	vld [tilespmem:s15+$0xFFFFFFE0];
	v4 =	vmov s13  }
0x77: {  	v6 =	vld [tilespmem:s15+$0x0];
	v4 =	vperm.xlane v3, v4  }
0x78: {  	v7 =	vld [tilespmem:s15+$0x10]  }
0x79: {  	v5 =	vld [tilespmem:s15+$0x20];
	v11 =	vmul.f32 v8, v4  }
0x7a: {  	s11 =	simm.s32 $0x1;
	s12 =	smov.u32 s15;
	s10 =	smov.u32 s15;
	v10 =	vmul.f32 v10, v4;
	v8 =	vld [tilespmem:s15+$0x30]  }
.LBB2_9:
0x7b: {  	p1 =	sne.s32 s11, $0xF;
	[tilespmem:s10+$0xFFFFFFC0] =	vst v11;
	v9 =	vmul.f32 v9, v4;
	v11 =	vld [tilespmem:s10+$0xFFFFFFF0];
	s12 =	sadd.s32 $0x80, s12  }
0x7c: {  	v12 =	vld [tilespmem:s12+$0xFFFFFFC0];
	[tilespmem:s10+$0xFFFFFFD0] =	vst v10;
	v6 =	vmul.f32 v6, v4  }
0x7d: {  	v10 =	vld [tilespmem:s12+$0xFFFFFFD0];
	[tilespmem:s10+$0xFFFFFFE0] =	vst v9;
	v7 =	vmul.f32 v7, v4  }
.Ltmp2:
0x7e: {  	v13 =	vmov s11;
	v9 =	vld [tilespmem:s12+$0xFFFFFFE0];
	[tilespmem:s10+$0x0] =	vst v6;
	v5 =	vmul.f32 v5, v4;
	(pc) =	sbr.rel @p1 .LBB2_9-.Ltmp2, $4  }
0x7f: {  	v13 =	vperm.xlane v3, v13;
	v6 =	vld [tilespmem:s12+$0x0];
	[tilespmem:s10+$0x10] =	vst v7;
	v8 =	vmul.f32 v8, v4  }
0x80: {  	v7 =	vld [tilespmem:s12+$0x10];
	v14 =	vmul.f32 v11, v4;
	[tilespmem:s10+$0x20] =	vst v5  }
0x81: {  	v4 =	vmov v13;
	v11 =	vmul.f32 v12, v13;
	v5 =	vld [tilespmem:s12+$0x20];
	[tilespmem:s10+$0x30] =	vst v8  }
0x82: {  	s11 =	sadd.s32 $0x1, s11;
	v10 =	vmul.f32 v10, v4;
	v8 =	vld [tilespmem:s12+$0x30];
	[tilespmem:s10+$0xFFFFFFF0] =	vst v14;
	s10 =	smov.u32 s12  }
0x83: {  	[tilespmem:s10+$0xFFFFFFC0] =	vst v11;
	v3 =	vmul.f32 v9, v4;
	v62 =	vld [tilespmem:s10+$0xFFFFFFF0]  }
0x84: {  	s9 =	sadd.s32 $0x1, s9;
	[tilespmem:s10+$0xFFFFFFD0] =	vst v10;
	v6 =	vmul.f32 v6, v4  }
0x85: {  	p1 =	sne.s32 s9, $0x8;
	[tilespmem:s10+$0xFFFFFFE0] =	vst v3;
	v3 =	vmul.f32 v7, v4  }
.Ltmp3:
0x86: {  	[tilespmem:s10+$0x0] =	vst v6;
	v5 =	vmul.f32 v5, v4;
	(pc) =	sbr.rel @p1 .LBB2_8-.Ltmp3, $4  }
0x87: {  	[tilespmem:s10+$0x10] =	vst v3;
	v3 =	vmul.f32 v8, v4  }
0x88: {  	v63 =	vmul.f32 v62, v4;
	[tilespmem:s10+$0x20] =	vst v5  }
0x89: {  	[tilespmem:s10+$0x30] =	vst v3  }
0x8a: {  	s15 =	sadd.s32 $0x800, s15;
	[tilespmem:s10+$0xFFFFFFF0] =	vst v63  }
0x8b: {  	s9 =	sadd.s32 $0x14080, s21;
	s21 =	sor.u32 $0x200, s20  }
0x8c: {  	[spmem:s2] =	stream.indirect.scatter.add.f32 [tilespmem:s22], [sflag:$0x3], $0x80, s9, s28, $0xb8;
	[tilespmem:$0x1D080] =	vst v63  }
0x8d: {  	s20 =	sshll.u32 s19, $0x1;
	s21 =	sshrl.u32 s21, $0x2;
	_ =	swait.ge [sflag:s0], $0x4000  }
0x8e: {  	s15 =	simm.s32 $0x0;
	s9 =	sadd.s32 $0x14880, s21;
	[sflag:s0] =	ssyncset.done $0x0  }
0x8f: {  	s13 =	simm.s32 $0x190C0;
	s10 =	simm.s32 $0x0;
	v2 =	vmov s9;
	[sflag:s0] =	ssyncadd.s32 $0xFFFFC000  }
.LBB2_12:
0x90: {  	_ =	sdelay $0x2  }
0x91: {  	s9 =	sshll.u32 s10, $0x4  }
0x92: {  	v4 =	vld.idx.msk [tilespmem:v2+s9+$0x0 ss:$0x1], $0xffff;
	_ =	sdelay $0x1  }
0x93: {  	v8 =	vld [tilespmem:s13+$0xFFFFFFC0]  }
0x94: {  	v10 =	vld [tilespmem:s13+$0xFFFFFFD0]  }
0x95: {  	v9 =	vld [tilespmem:s13+$0xFFFFFFE0];
	v3 =	vmov s15  }
0x96: {  	v6 =	vld [tilespmem:s13+$0x0];
	v3 =	vperm.xlane v4, v3  }
0x97: {  	v7 =	vld [tilespmem:s13+$0x10]  }
0x98: {  	v5 =	vld [tilespmem:s13+$0x20];
	v11 =	vmul.f32 v8, v3  }
0x99: {  	s12 =	simm.s32 $0x1;
	s11 =	smov.u32 s13;
	s9 =	smov.u32 s13;
	v10 =	vmul.f32 v10, v3;
	v8 =	vld [tilespmem:s13+$0x30]  }
.LBB2_13:
0x9a: {  	p1 =	sne.s32 s12, $0xF;
	[tilespmem:s9+$0xFFFFFFC0] =	vst v11;
	v9 =	vmul.f32 v9, v3;
	v11 =	vld [tilespmem:s9+$0xFFFFFFF0];
	s11 =	sadd.s32 $0x80, s11  }
0x9b: {  	v12 =	vld [tilespmem:s11+$0xFFFFFFC0];
	[tilespmem:s9+$0xFFFFFFD0] =	vst v10;
	v6 =	vmul.f32 v6, v3  }
0x9c: {  	v10 =	vld [tilespmem:s11+$0xFFFFFFD0];
	[tilespmem:s9+$0xFFFFFFE0] =	vst v9;
	v7 =	vmul.f32 v7, v3  }
.Ltmp4:
0x9d: {  	v13 =	vmov s12;
	v9 =	vld [tilespmem:s11+$0xFFFFFFE0];
	[tilespmem:s9+$0x0] =	vst v6;
	v5 =	vmul.f32 v5, v3;
	(pc) =	sbr.rel @p1 .LBB2_13-.Ltmp4, $4  }
0x9e: {  	v13 =	vperm.xlane v4, v13;
	v6 =	vld [tilespmem:s11+$0x0];
	[tilespmem:s9+$0x10] =	vst v7;
	v8 =	vmul.f32 v8, v3  }
0x9f: {  	v7 =	vld [tilespmem:s11+$0x10];
	v14 =	vmul.f32 v11, v3;
	[tilespmem:s9+$0x20] =	vst v5  }
0xa0: {  	v3 =	vmov v13;
	v11 =	vmul.f32 v12, v13;
	v5 =	vld [tilespmem:s11+$0x20];
	[tilespmem:s9+$0x30] =	vst v8  }
0xa1: {  	s12 =	sadd.s32 $0x1, s12;
	v10 =	vmul.f32 v10, v3;
	v8 =	vld [tilespmem:s11+$0x30];
	[tilespmem:s9+$0xFFFFFFF0] =	vst v14;
	s9 =	smov.u32 s11  }
0xa2: {  	[tilespmem:s9+$0xFFFFFFC0] =	vst v11;
	v4 =	vmul.f32 v9, v3;
	v61 =	vld [tilespmem:s9+$0xFFFFFFF0]  }
0xa3: {  	s10 =	sadd.s32 $0x1, s10;
	[tilespmem:s9+$0xFFFFFFD0] =	vst v10;
	v6 =	vmul.f32 v6, v3  }
0xa4: {  	p1 =	sne.s32 s10, $0x8;
	[tilespmem:s9+$0xFFFFFFE0] =	vst v4;
	v62 =	vmul.f32 v7, v3  }
.Ltmp5:
0xa5: {  	[tilespmem:s9+$0x0] =	vst v6;
	v5 =	vmul.f32 v5, v3;
	(pc) =	sbr.rel @p1 .LBB2_12-.Ltmp5, $4  }
0xa6: {  	[tilespmem:s9+$0x10] =	vst v62;
	v63 =	vmul.f32 v8, v3  }
0xa7: {  	v3 =	vmul.f32 v61, v3;
	[tilespmem:s9+$0x20] =	vst v5  }
0xa8: {  	[tilespmem:s9+$0x30] =	vst v63  }
0xa9: {  	s13 =	sadd.s32 $0x800, s13;
	[tilespmem:s9+$0xFFFFFFF0] =	vst v3  }
0xaa: {  	s9 =	sadd.s32 $0x14080, s21  }
0xab: {  	[spmem:s2] =	stream.indirect.scatter.add.f32 [tilespmem:s30], [sflag:$0x4], $0x80, s9, s28, $0xb8;
	[tilespmem:$0x1D080] =	vst v63  }
0xac: {  	s15 =	smin.u32 s20, $0xD;
	_ =	swait.ge [sflag:s4], $0x4000  }
0xad: {  	s19 =	sadd.s32 $0x1, s19;
	s9 =	sshll.u32 s15, $0x7;
	[sflag:s4] =	ssyncset.done $0x0  }
0xae: {  	p1 =	sne.s32 s19, $0x8;
	s9 =	sadd.s32 $0x13980, s9;
	[sflag:s4] =	ssyncadd.s32 $0xFFFFC000  }
0xaf: {  	[tilespmem:s22], [sflag:$0x1] =	stream.indirect.gather [hbm4b:s1+s28], $0x80, s9, s28, $0xb8;
	[tilespmem:$0x1D080] =	vst v63  }
.Ltmp6:
0xb0: {  	_ = 	snop;
	(pc) =	sbr.rel @p1 .LBB2_7-.Ltmp6, $4  }
0xb1: {  	s21 =	smin.u32 s20, $0xC;
	_ =	swait.ge [sflag:s16], $0x4000  }
0xb2: {  	s9 =	sshll.u32 s21, $0x7;
	[sflag:s16] =	ssyncset.done $0x0  }
0xb3: {  	s9 =	sadd.s32 $0x13A00, s9;
	[sflag:s16] =	ssyncadd.s32 $0xFFFFC000  }
0xb4: {  	[tilespmem:s30], [sflag:$0x2] =	stream.indirect.gather [hbm4b:s1+s28], $0x80, s9, s28, $0xb8;
	[tilespmem:$0x1D080] =	vst v63  }
0xb5: {  	s18 =	sadd.s32 $0x1, s18  }
0xb6: {  	_ =	swait.ge [sflag:s31], $0x4000;
	p1 =	sne.s32 s18, $0x5  }
.Ltmp7:
0xb7: {  	[sflag:s31] =	ssyncset.done $0x0;
	(pc) =	sbr.rel @p1 .LBB2_4-.Ltmp7, $4  }
0xb8: {  	[sflag:s31] =	ssyncadd.s32 $0xFFFFC000  }
0xb9: {  	_ =	swait.ge [sflag:s0], $0x4000  }
0xba: {  	[sflag:s0] =	ssyncset.done $0x0  }
0xbb: {  	[sflag:s0] =	ssyncadd.s32 $0xFFFFC000  }
0xbc: {  	s9 =	stileid.u32  }
0xbd: {  	[bflag:$0x0] =	sbarrier.arrive $0xFFFF;
	s9 =	sshll.u32 s9, $0x6  }
0xbe: {  	s10 =	sshrl.u32 s7, $0x3;
	s15 =	rddreg [dreg:$0xa];
	s9 =	sor.u32 $0x1C05, s9  }
0xbf: {  	[hbm:s15], [sflag:s9] =	dma.local [spmem:s10], $0x800  }
0xc0: {  	_ =	swait.ge [sflag:s23], $0x800  }
0xc1: {  	[sflag:s23] =	ssyncset.done $0x0;
	s12 =	rddreg [dreg:$0x5]  }
0xc2: {  	s19 =	rddreg [dreg:$0xb];
	[sflag:s23] =	ssyncadd.s32 $0xFFFFF800;
	s18 =	sshrl.u32 s12, $0x3  }
0xc3: {  	[hbm:s19], [sflag:s9] =	dma.local [spmem:s18], $0x800  }
0xc4: {  	_ =	swait.ge [sflag:s23], $0x800  }
0xc5: {  	[sflag:s23] =	ssyncset.done $0x0;
	s18 =	rddreg [dreg:$0x6]  }
0xc6: {  	s21 =	rddreg [dreg:$0xc];
	[sflag:s23] =	ssyncadd.s32 $0xFFFFF800;
	s20 =	sshrl.u32 s18, $0x3  }
0xc7: {  	[hbm:s21], [sflag:s9] =	dma.local [spmem:s20], $0x800  }
0xc8: {  	_ =	swait.ge [sflag:s23], $0x800  }
0xc9: {  	[sflag:s23] =	ssyncset.done $0x0;
	s19 =	rddreg [dreg:$0x7]  }
0xca: {  	s13 =	rddreg [dreg:$0xd];
	[sflag:s23] =	ssyncadd.s32 $0xFFFFF800;
	s11 =	sshrl.u32 s19, $0x3  }
0xcb: {  	[hbm:s13], [sflag:s9] =	dma.local [spmem:s11], $0x800  }
0xcc: {  	_ =	swait.ge [sflag:s23], $0x800  }
0xcd: {  	[sflag:s23] =	ssyncset.done $0x0;
	s13 =	rddreg [dreg:$0x8]  }
0xce: {  	s20 =	rddreg [dreg:$0xe];
	[sflag:s23] =	ssyncadd.s32 $0xFFFFF800;
	s15 =	sshrl.u32 s13, $0x3  }
0xcf: {  	[hbm:s20], [sflag:s9] =	dma.local [spmem:s15], $0x700  }
0xd0: {  	_ =	swait.ge [sflag:s23], $0x700  }
0xd1: {  	s17 =	smov.u32 s7;
	[sflag:s23] =	ssyncset.done $0x0;
	s20 =	rddreg [dreg:$0x9]  }
0xd2: {  	s7 =	rddreg [dreg:$0xf];
	[sflag:s23] =	ssyncadd.s32 $0xFFFFF900;
	s10 =	sshrl.u32 @!p0 s20, $0x3  }
0xd3: {  	[hbm:s7], [sflag:s9] =	dma.local @!p0 [spmem:s10], $0x100  }
0xd4: {  	s9 =	simm.s32 @!p0 $0x5  }
0xd5: {  	_ =	swait.ge @!p0 [sflag:s9], $0x100  }
0xd6: {  	s3 =	sadd.s32 $0x1, s3;
	s21 =	rddreg [dreg:$0x10]  }
0xd7: {  	p1 =	sne.s32 s3, s21  }
.Ltmp8:
0xd8: {  	_ = 	snop;
	(pc) =	sbr.rel @p1 .LBB2_1-.Ltmp8, $3  }
0xd9: {  	_ =	sdelay $0x1  }
0xda: {  	[sflag:s9] =	ssyncset.done @!p0 $0x0  }
0xdb: {  	[sflag:s9] =	ssyncadd.s32 @!p0 $0xFFFFFF00  }
0xdc: {  	_ =	sfence.sel $0x180000  }
0xdd: {  	[bflag:$0x0] =	sbarrier.arrive $0xFFFF  }
0xde: {  	_ =	strace $0x90000047  }
0xdf: {  	[bflag:$0x2] =	sbarrier.arrive $0xFFFF  }
0xe0: {  	s0 =	rddreg [dreg:$0x4]  }
0xe1: {  	s0 =	sadd.s32 @!p0 $0x100000, s0  }
0xe2: {  	[sflag:s0] =	ssyncadd.tile.s32 @!p0 $0x1;
	_ =	shalt  }
.Lfunc_end2:
_tile_overlayer_lowered:
.L_overlay_start_2:
0xe3: {  	(tag) =	ssettag $0x2  }
0xe4: {  	s0 =	rddreg [dreg:$0x0];
	s2 =	stileid.u32  }
0xe5: {  	s1 =	rddreg [dreg:$0x1];
	p0 =	sne.s32 s2, $0x0  }
0xe6: {  	s3 =	rddreg [dreg:$0x2];
	[bflag:$0x3] =	sbarrier.arrive $0xFFFF;
	s2 =	simm.s32 @!p0 $0x1C05  }
0xe7: {  	[timem:s3], [sflag:s2] =	dma.local @!p0 [hbm:s0], s1  }
0xe8: {  	s0 =	simm.s32 @!p0 $0x5  }
0xe9: {  	_ =	swait.ge @!p0 [sflag:s0], s1  }
0xea: {  	s1 =	ssub.s32 @!p0 $0x0, s1;
	[sflag:s0] =	ssyncset.done @!p0 $0x0  }
0xeb: {  	[sflag:s0] =	ssyncadd.s32 @!p0 s1  }
0xec: {  	[bflag:$0x3] =	sbarrier.arrive $0xFFFF  }
0xed: {  	_ =	shalt  }

</sc_bundles>
